<compile_context>
chip_gen: v7x
topology: tpu7x:2x2x1
jax: 0.10.2.dev20260603
libtpu: 0.0.44.dev20260713+nightly
codegen_flags: <defaults>
</compile_context>

<pallas_src>
import functools

import jax
import jax.numpy as jnp
from jax import lax
from jax.experimental import pallas as pl
from jax.experimental.pallas import tpu as pltpu
from jax.experimental.pallas import tpu_sc as plsc

N_NODES = 10000
IN_CH = 256
H1, C1 = 8, 8
D1 = H1 * C1
D2 = 128
W_ROW = 128

NC, NS, LANES = 2, 16, 16
NW = NC * NS
KCH = 64
NPAD = 10240
ROWS_PER_TILE = NPAD // NS
E_RAW = 160000
E_TOT = E_RAW + N_NODES
T_CHUNKS = -(-E_TOT // (NW * KCH))
EPAD = NW * KCH * T_CHUNKS
BLK = 256
N_BLOCKS = NPAD // BLK



def _dense1_body(x_ref, w_ref, asm_ref, adm_ref, st_ref, dt_ref):
    h = jnp.dot(x_ref[...], w_ref[...], preferred_element_type=jnp.float32)
    a_src = jnp.dot(h, asm_ref[...], preferred_element_type=jnp.float32)
    a_dst = jnp.dot(h, adm_ref[...], preferred_element_type=jnp.float32)
    st_ref[...] = jnp.concatenate([h, a_src], axis=1)
    dt_ref[...] = jnp.concatenate(
        [a_dst, jnp.zeros((BLK, W_ROW - D1), jnp.float32)], axis=1)


def _dense1(x_p, W1, AsrcExp, AdstExp):
    return pl.pallas_call(
        _dense1_body,
        grid=(N_BLOCKS,),
        in_specs=[
            pl.BlockSpec((BLK, IN_CH), lambda b: (b, 0)),
            pl.BlockSpec((IN_CH, D1), lambda b: (0, 0)),
            pl.BlockSpec((D1, D1), lambda b: (0, 0)),
            pl.BlockSpec((D1, D1), lambda b: (0, 0)),
        ],
        out_specs=[
            pl.BlockSpec((BLK, W_ROW), lambda b: (b, 0)),
            pl.BlockSpec((BLK, W_ROW), lambda b: (b, 0)),
        ],
        out_shape=[
            jax.ShapeDtypeStruct((NPAD, W_ROW), jnp.float32),
            jax.ShapeDtypeStruct((NPAD, W_ROW), jnp.float32),
        ],
    )(x_p, W1, AsrcExp, AdstExp)


def _dense2_body(acc_ref, b1_ref, w2_ref, as2_ref, ad2_ref,
                 h2_ref, asv_ref, adv_ref):
    blk = acc_ref[0] + acc_ref[1]
    num = blk[:, :D1]
    den = jnp.maximum(blk[:, D1:], 1e-30)
    g = jnp.maximum(num / den + b1_ref[...], 0.0)
    h2 = jnp.dot(g, w2_ref[...], preferred_element_type=jnp.float32)
    h2_ref[...] = h2
    asv_ref[...] = jnp.sum(h2 * as2_ref[...], axis=1)
    adv_ref[...] = jnp.sum(h2 * ad2_ref[...], axis=1)


def _dense2(acc1, b1, W2, att_src2, att_dst2):
    return pl.pallas_call(
        _dense2_body,
        grid=(N_BLOCKS,),
        in_specs=[
            pl.BlockSpec((NC, BLK, W_ROW), lambda b: (0, b, 0)),
            pl.BlockSpec((1, D1), lambda b: (0, 0)),
            pl.BlockSpec((D1, D2), lambda b: (0, 0)),
            pl.BlockSpec((1, D2), lambda b: (0, 0)),
            pl.BlockSpec((1, D2), lambda b: (0, 0)),
        ],
        out_specs=[
            pl.BlockSpec((BLK, D2), lambda b: (b, 0)),
            pl.BlockSpec((BLK,), lambda b: (b,)),
            pl.BlockSpec((BLK,), lambda b: (b,)),
        ],
        out_shape=[
            jax.ShapeDtypeStruct((NPAD, D2), jnp.float32),
            jax.ShapeDtypeStruct((NPAD,), jnp.float32),
            jax.ShapeDtypeStruct((NPAD,), jnp.float32),
        ],
    )(acc1, b1, W2, att_src2, att_dst2)


def _final_body(acc_ref, den_ref, b2_ref, out_ref):
    num = acc_ref[0] + acc_ref[1]
    den = jnp.maximum(jnp.sum(den_ref[...], axis=(0, 1)), 1e-30)
    o = num / den[:, None] + b2_ref[...]
    m = jnp.max(o, axis=1, keepdims=True)
    z = o - m
    out_ref[...] = z - jnp.log(jnp.sum(jnp.exp(z), axis=1, keepdims=True))


def _final(acc2, den2p, b2):
    return pl.pallas_call(
        _final_body,
        grid=(N_BLOCKS,),
        in_specs=[
            pl.BlockSpec((NC, BLK, D2), lambda b: (0, b, 0)),
            pl.BlockSpec((NC, NS, BLK), lambda b: (0, 0, b)),
            pl.BlockSpec((1, D2), lambda b: (0, 0)),
        ],
        out_specs=pl.BlockSpec((BLK, D2), lambda b: (b, 0)),
        out_shape=jax.ShapeDtypeStruct((NPAD, D2), jnp.float32),
    )(acc2, den2p, b2)



def _lrelu_exp(a):
    return jnp.exp(jnp.where(a >= 0.0, a, 0.2 * a))


@functools.partial(
    pl.kernel,
    out_type=jax.ShapeDtypeStruct((NC, NPAD, W_ROW), jnp.float32),
    mesh=plsc.VectorSubcoreMesh(core_axis_name="c", subcore_axis_name="s"),
    compiler_params=pltpu.CompilerParams(needs_layout_passes=False),
    scratch_types=[
        pltpu.VMEM((KCH,), jnp.int32),
        pltpu.VMEM((KCH,), jnp.int32),
        pltpu.VMEM((KCH,), jnp.int32),
        pltpu.VMEM((KCH,), jnp.int32),
        pltpu.VMEM((KCH, W_ROW), jnp.float32),
        pltpu.VMEM((KCH, W_ROW), jnp.float32),
        pltpu.VMEM((KCH, W_ROW), jnp.float32),
        pltpu.VMEM((KCH, W_ROW), jnp.float32),
        pltpu.SemaphoreType.DMA,
        pltpu.SemaphoreType.DMA,
        pltpu.VMEM_SHARED((NPAD, W_ROW), jnp.float32),
    ],
)
def _edge1(src_hbm, dst_hbm, st_hbm, dt_hbm, acc_out,
           srcv0, srcv1, dstv0, dstv1, gs0, gs1, gd0, gd1,
           sem0, sem1, acc_sh):
    cid = lax.axis_index("c")
    sid = lax.axis_index("s")
    wid = sid * NC + cid
    base0 = wid * (T_CHUNKS * KCH)
    zv = jnp.zeros((LANES,), jnp.float32)
    srcv = (srcv0, srcv1)
    dstv = (dstv0, dstv1)
    gs = (gs0, gs1)
    gd = (gd0, gd1)
    sem = (sem0, sem1)

    def zero_row(r, _):
        for j in range(W_ROW // LANES):
            gs0[r, pl.ds(LANES * j, LANES)] = zv
        return 0

    lax.fori_loop(0, KCH, zero_row, 0)
    for cnk in range(ROWS_PER_TILE // KCH):
        r0 = sid * ROWS_PER_TILE + cnk * KCH
        pltpu.sync_copy(gs0, acc_sh.at[pl.ds(r0, KCH), :])
    plsc.subcore_barrier()

    def issue(i, b):
        base = base0 + i * KCH
        pltpu.sync_copy(src_hbm.at[pl.ds(base, KCH)], srcv[b])
        pltpu.sync_copy(dst_hbm.at[pl.ds(base, KCH)], dstv[b])
        pltpu.async_copy(st_hbm.at[srcv[b]], gs[b], sem[b])
        pltpu.async_copy(dt_hbm.at[dstv[b]], gd[b], sem[b])

    def wait_gathers(b):
        pltpu.make_async_copy(st_hbm.at[srcv[b]], gs[b], sem[b]).wait()
        pltpu.make_async_copy(dt_hbm.at[dstv[b]], gd[b], sem[b]).wait()

    def compute(b):
        gsb, gdb = gs[b], gd[b]

        @plsc.parallel_loop(0, KCH, 1, unroll=8)
        def edge(k):
            for j in range(D1 // LANES):
                a = (gsb[k, pl.ds(D1 + LANES * j, LANES)]
                     + gdb[k, pl.ds(LANES * j, LANES)])
                e = _lrelu_exp(a)
                gsb[k, pl.ds(D1 + LANES * j, LANES)] = e
                gsb[k, pl.ds(LANES * j, LANES)] = (
                    gsb[k, pl.ds(LANES * j, LANES)] * e)

    issue(0, 0)

    def pair(q, _):
        i0 = 2 * q
        issue(i0 + 1, 1)
        wait_gathers(0)
        compute(0)
        pltpu.sync_copy(gs0, acc_sh.at[dstv0], add=True)

        @pl.when(i0 + 2 < T_CHUNKS)
        def _():
            issue(i0 + 2, 0)

        wait_gathers(1)
        compute(1)
        pltpu.sync_copy(gs1, acc_sh.at[dstv1], add=True)
        return 0

    lax.fori_loop(0, T_CHUNKS // 2, pair, 0)
    plsc.subcore_barrier()

    for cnk in range(ROWS_PER_TILE // KCH):
        r0 = sid * ROWS_PER_TILE + cnk * KCH
        pltpu.sync_copy(acc_sh.at[pl.ds(r0, KCH), :], gs0)
        pltpu.sync_copy(gs0, acc_out.at[cid, pl.ds(r0, KCH), :])



@functools.partial(
    pl.kernel,
    out_type=[
        jax.ShapeDtypeStruct((NC, NPAD, D2), jnp.float32),
        jax.ShapeDtypeStruct((NC, NS, NPAD), jnp.float32),
    ],
    mesh=plsc.VectorSubcoreMesh(core_axis_name="c", subcore_axis_name="s"),
    compiler_params=pltpu.CompilerParams(needs_layout_passes=False),
    scratch_types=[
        pltpu.VMEM((KCH,), jnp.int32),
        pltpu.VMEM((KCH,), jnp.int32),
        pltpu.VMEM((KCH,), jnp.int32),
        pltpu.VMEM((KCH,), jnp.int32),
        pltpu.VMEM((KCH, D2), jnp.float32),
        pltpu.VMEM((KCH, D2), jnp.float32),
        pltpu.VMEM((KCH,), jnp.float32),
        pltpu.VMEM((NPAD,), jnp.float32),
        pltpu.VMEM((NPAD,), jnp.float32),
        pltpu.VMEM((NPAD,), jnp.float32),
        pltpu.SemaphoreType.DMA,
        pltpu.SemaphoreType.DMA,
        pltpu.VMEM_SHARED((NPAD, D2), jnp.float32),
    ],
)
def _edge2(src_hbm, dst_hbm, h2_hbm, as2_hbm, ad2_hbm, acc_out, den_out,
           srcv0, srcv1, dstv0, dstv1, gs0, gs1, ebuf, as2v, ad2v, denv,
           sem0, sem1, acc_sh):
    cid = lax.axis_index("c")
    sid = lax.axis_index("s")
    wid = sid * NC + cid
    base0 = wid * (T_CHUNKS * KCH)
    zv = jnp.zeros((LANES,), jnp.float32)
    srcv = (srcv0, srcv1)
    dstv = (dstv0, dstv1)
    gs = (gs0, gs1)
    sem = (sem0, sem1)

    pltpu.sync_copy(as2_hbm, as2v)
    pltpu.sync_copy(ad2_hbm, ad2v)

    def zero_den(r, _):
        denv[pl.ds(r * LANES, LANES)] = zv
        return 0

    lax.fori_loop(0, NPAD // LANES, zero_den, 0)

    def zero_row(r, _):
        for j in range(D2 // LANES):
            gs0[r, pl.ds(LANES * j, LANES)] = zv
        return 0

    lax.fori_loop(0, KCH, zero_row, 0)
    for cnk in range(ROWS_PER_TILE // KCH):
        r0 = sid * ROWS_PER_TILE + cnk * KCH
        pltpu.sync_copy(gs0, acc_sh.at[pl.ds(r0, KCH), :])
    plsc.subcore_barrier()

    def issue(i, b):
        base = base0 + i * KCH
        pltpu.sync_copy(src_hbm.at[pl.ds(base, KCH)], srcv[b])
        pltpu.sync_copy(dst_hbm.at[pl.ds(base, KCH)], dstv[b])
        pltpu.async_copy(h2_hbm.at[srcv[b]], gs[b], sem[b])

    def compute(b):
        gsb, srcb, dstb = gs[b], srcv[b], dstv[b]

        def grp(t, _):
            sv = srcb[pl.ds(t * LANES, LANES)]
            dv = dstb[pl.ds(t * LANES, LANES)]
            e = _lrelu_exp(plsc.load_gather(as2v, [sv])
                           + plsc.load_gather(ad2v, [dv]))
            ebuf[pl.ds(t * LANES, LANES)] = e
            plsc.addupdate_scatter(denv, [dv], e)
            return 0

        lax.fori_loop(0, KCH // LANES, grp, 0)
        pltpu.make_async_copy(h2_hbm.at[srcb], gsb, sem[b]).wait()

        @plsc.parallel_loop(0, KCH, 1, unroll=4)
        def edge(k):
            ebc = plsc.load_gather(ebuf, [jnp.full((LANES,), k, jnp.int32)])
            for j in range(D2 // LANES):
                gsb[k, pl.ds(LANES * j, LANES)] = (
                    gsb[k, pl.ds(LANES * j, LANES)] * ebc)

    issue(0, 0)

    def pair(q, _):
        i0 = 2 * q
        issue(i0 + 1, 1)
        compute(0)
        pltpu.sync_copy(gs0, acc_sh.at[dstv0], add=True)

        @pl.when(i0 + 2 < T_CHUNKS)
        def _():
            issue(i0 + 2, 0)

        compute(1)
        pltpu.sync_copy(gs1, acc_sh.at[dstv1], add=True)
        return 0

    lax.fori_loop(0, T_CHUNKS // 2, pair, 0)
    pltpu.sync_copy(denv, den_out.at[cid, sid, :])
    plsc.subcore_barrier()

    for cnk in range(ROWS_PER_TILE // KCH):
        r0 = sid * ROWS_PER_TILE + cnk * KCH
        pltpu.sync_copy(acc_sh.at[pl.ds(r0, KCH), :], gs0)
        pltpu.sync_copy(gs0, acc_out.at[cid, pl.ds(r0, KCH), :])



def kernel(x, edge_index, W1, att_src1, att_dst1, b1, W2, att_src2, att_dst2, b2):
    N = N_NODES
    loop = jnp.arange(N, dtype=jnp.int32)
    src = jnp.concatenate([edge_index[0].astype(jnp.int32), loop])
    dst = jnp.concatenate([edge_index[1].astype(jnp.int32), loop])
    pad = jnp.full((EPAD - E_TOT,), N, jnp.int32)
    src = jnp.concatenate([src, pad])
    dst = jnp.concatenate([dst, pad])

    x_p = jnp.pad(x, ((0, NPAD - N), (0, 0)))

    ar = jnp.arange(D1)
    same_head = ((ar // C1)[:, None] == (ar // C1)[None, :]).astype(jnp.float32)
    AsrcExp = same_head * att_src1.reshape(-1)[:, None]
    AdstExp = same_head * att_dst1.reshape(-1)[:, None]

    st1, dt1 = _dense1(x_p, W1, AsrcExp, AdstExp)
    acc1 = _edge1(src, dst, st1, dt1)
    h2, as2, ad2 = _dense2(acc1, b1.reshape(1, D1), W2,
                           att_src2.reshape(1, D2), att_dst2.reshape(1, D2))
    acc2, den2p = _edge2(src, dst, h2, as2, ad2)
    out = _final(acc2, den2p, b2.reshape(1, D2))
    return out[:N]

# --- scband reference (transcript-rebuilt; emitter-appended) ---
"""Pipeline reference for scband-gat-83940840833057 (READ-ONLY COPY).

The authoritative reference and input builder live on the scoring server;
editing this copy changes nothing except your own understanding.
"""

import jax, jax.numpy as jnp
import numpy as np

N_NODES = 10000
IN_CH = 256
OUT_CH = 128
H1, C1 = 8, 8


def setup_inputs(seed: int = 0) -> dict:
    key = jax.random.key(seed)
    ks = jax.random.split(key, 12)
    x = jax.random.normal(ks[0], (N_NODES, IN_CH), dtype=jnp.float32)
    edge_index = jax.random.randint(ks[1], (2, 160000), 0, N_NODES, dtype=jnp.int64)
    W1 = jax.random.normal(ks[2], (IN_CH, H1 * C1), dtype=jnp.float32) * 0.06
    att_src1 = jax.random.normal(ks[3], (1, H1, C1), dtype=jnp.float32) * 0.1
    att_dst1 = jax.random.normal(ks[4], (1, H1, C1), dtype=jnp.float32) * 0.1
    b1 = jnp.zeros((H1 * C1,), dtype=jnp.float32)
    W2 = jax.random.normal(ks[5], (H1 * C1, OUT_CH), dtype=jnp.float32) * 0.12
    att_src2 = jax.random.normal(ks[6], (1, 1, OUT_CH), dtype=jnp.float32) * 0.1
    att_dst2 = jax.random.normal(ks[7], (1, 1, OUT_CH), dtype=jnp.float32) * 0.1
    b2 = jnp.zeros((OUT_CH,), dtype=jnp.float32)
    return {"x": x, "edge_index": edge_index, "W1": W1, "att_src1": att_src1,
            "att_dst1": att_dst1, "b1": b1, "W2": W2, "att_src2": att_src2,
            "att_dst2": att_dst2, "b2": b2}


def _gat_conv(x, edge_index, W, att_src, att_dst, bias, heads, out_ch, concat):
    N = x.shape[0]
    loop = jnp.arange(N, dtype=edge_index.dtype)
    src = jnp.concatenate([edge_index[0], loop])
    dst = jnp.concatenate([edge_index[1], loop])
    h = (x @ W).reshape(N, heads, out_ch)
    a_src = (h * att_src).sum(-1)  # [N, H]
    a_dst = (h * att_dst).sum(-1)  # [N, H]
    alpha = a_src[src] + a_dst[dst]  # [E, H]
    alpha = jax.nn.leaky_relu(alpha, negative_slope=0.2)
    m = jax.ops.segment_max(alpha, dst, num_segments=N)
    m = jnp.where(jnp.isfinite(m), m, 0.0)
    e = jnp.exp(alpha - m[dst])
    denom = jax.ops.segment_sum(e, dst, num_segments=N)
    alpha = e / (denom[dst] + 1e-16)
    msg = h[src] * alpha[:, :, None]  # [E, H, C]
    out = jax.ops.segment_sum(msg, dst, num_segments=N)  # [N, H, C]
    if concat:
        out = out.reshape(N, heads * out_ch)
    else:
        out = out.mean(axis=1)
    return out + bias


def reference(x, edge_index, W1, att_src1, att_dst1, b1, W2, att_src2, att_dst2, b2):
    h = _gat_conv(x, edge_index, W1, att_src1, att_dst1, b1, H1, C1, True)
    h = jax.nn.relu(h)
    # dropout p=0.6 is identity in eval mode
    out = _gat_conv(h, edge_index, W2, att_src2, att_dst2, b2, 1, OUT_CH, False)
    return jax.nn.log_softmax(out, axis=1)

if __name__ == "__main__":
    import jax
    _d = setup_inputs()
    print(jax.jit(kernel)(*tuple(_d.values())))

</pallas_src>

<mosaic_0001>
#map = affine_map<(d0, d1) -> (0)>
#map1 = affine_map<(d0, d1) -> (0, 0)>
#map2 = affine_map<(d0, d1) -> (0, 0, 0)>
module attributes {stable_mosaic.version = 14 : i64} {
  func.func @_edge1(%arg0: i32, %arg1: i32, %arg2: memref<172032xi32, #tpu.memory_space<hbm>>, %arg3: memref<172032xi32, #tpu.memory_space<hbm>>, %arg4: memref<10240x128xf32, #tpu.memory_space<hbm>>, %arg5: memref<10240x128xf32, #tpu.memory_space<hbm>>, %arg6: memref<2x10240x128xf32, #tpu.memory_space<hbm>>, %arg7: memref<64xi32, #tpu.memory_space<vmem>>, %arg8: memref<64xi32, #tpu.memory_space<vmem>>, %arg9: memref<64xi32, #tpu.memory_space<vmem>>, %arg10: memref<64xi32, #tpu.memory_space<vmem>>, %arg11: memref<64x128xf32, #tpu.memory_space<vmem>>, %arg12: memref<64x128xf32, #tpu.memory_space<vmem>>, %arg13: memref<64x128xf32, #tpu.memory_space<vmem>>, %arg14: memref<64x128xf32, #tpu.memory_space<vmem>>, %arg15: memref<!tpu.dma_semaphore, #tpu.memory_space<semaphore_mem>>, %arg16: memref<!tpu.dma_semaphore, #tpu.memory_space<semaphore_mem>>, %arg17: memref<10240x128xf32, #tpu.memory_space<vmem_shared>>) attributes {dimension_semantics = [#tpu.dimension_semantics<core_parallel>, #tpu.dimension_semantics<subcore_parallel>], iteration_bounds = array<i64: 2, 16>, scalar_prefetch = 0 : i64, scratch_operands = 11 : i64, tpu.core_type = #tpu.core_type<sc_vector_subcore>, window_params = [{transform_indices = #map}, {transform_indices = #map}, {transform_indices = #map1}, {transform_indices = #map1}, {transform_indices = #map2}]} {
    %mul3A = arith.constant 2 : i32
    %mul3A_0 = arith.muli %arg1, %mul3A : i32
    %add3A = arith.addi %mul3A_0, %arg0 : i32
    %mul3A_1 = arith.constant 5376 : i32
    %mul3A_2 = arith.muli %add3A, %mul3A_1 : i32
    %broadcast_in_dim3A = arith.constant 0.000000e+00 : f32
    %broadcast_in_dim3A_3 = vector.broadcast %broadcast_in_dim3A : f32 to vector<16xf32>
    %scan3A = arith.constant 0 : i32
    %scan3A_4 = arith.constant 0 : i32
    %scan3A_5 = arith.constant 64 : i32
    %scan3A_6 = arith.addi %scan3A_4, %scan3A_5 : i32
    %scan3A_7 = arith.constant 1 : i32
    %scan3A_8 = scf.for %scan3A_105 = %scan3A_4 to %scan3A_6 step %scan3A_7 iter_args(%scan3A_106 = %scan3A) -> (i32)  : i32 {
      %swap3A = arith.index_cast %scan3A_105 : i32 to index
      %swap3A_107 = arith.constant 0 : index
      %swap3A_108 = tpu.vector_load %arg11[%swap3A, %swap3A_107] {strides = array<i32>} : memref<64x128xf32, #tpu.memory_space<vmem>>, vector<16xf32>,
      tpu.vector_store %arg11[%swap3A, %swap3A_107], %broadcast_in_dim3A_3 {strides = array<i32>} : memref<64x128xf32, #tpu.memory_space<vmem>>, vector<16xf32>,
      %swap3A_109 = arith.index_cast %scan3A_105 : i32 to index
      %swap3A_110 = arith.constant 16 : index
      %swap3A_111 = tpu.vector_load %arg11[%swap3A_109, %swap3A_110] {strides = array<i32>} : memref<64x128xf32, #tpu.memory_space<vmem>>, vector<16xf32>,
      tpu.vector_store %arg11[%swap3A_109, %swap3A_110], %broadcast_in_dim3A_3 {strides = array<i32>} : memref<64x128xf32, #tpu.memory_space<vmem>>, vector<16xf32>,
      %swap3A_112 = arith.index_cast %scan3A_105 : i32 to index
      %swap3A_113 = arith.constant 32 : index
      %swap3A_114 = tpu.vector_load %arg11[%swap3A_112, %swap3A_113] {strides = array<i32>} : memref<64x128xf32, #tpu.memory_space<vmem>>, vector<16xf32>,
      tpu.vector_store %arg11[%swap3A_112, %swap3A_113], %broadcast_in_dim3A_3 {strides = array<i32>} : memref<64x128xf32, #tpu.memory_space<vmem>>, vector<16xf32>,
      %swap3A_115 = arith.index_cast %scan3A_105 : i32 to index
      %swap3A_116 = arith.constant 48 : index
      %swap3A_117 = tpu.vector_load %arg11[%swap3A_115, %swap3A_116] {strides = array<i32>} : memref<64x128xf32, #tpu.memory_space<vmem>>, vector<16xf32>,
      tpu.vector_store %arg11[%swap3A_115, %swap3A_116], %broadcast_in_dim3A_3 {strides = array<i32>} : memref<64x128xf32, #tpu.memory_space<vmem>>, vector<16xf32>,
      %swap3A_118 = arith.index_cast %scan3A_105 : i32 to index
      %swap3A_119 = arith.constant 64 : index
      %swap3A_120 = tpu.vector_load %arg11[%swap3A_118, %swap3A_119] {strides = array<i32>} : memref<64x128xf32, #tpu.memory_space<vmem>>, vector<16xf32>,
      tpu.vector_store %arg11[%swap3A_118, %swap3A_119], %broadcast_in_dim3A_3 {strides = array<i32>} : memref<64x128xf32, #tpu.memory_space<vmem>>, vector<16xf32>,
      %swap3A_121 = arith.index_cast %scan3A_105 : i32 to index
      %swap3A_122 = arith.constant 80 : index
      %swap3A_123 = tpu.vector_load %arg11[%swap3A_121, %swap3A_122] {strides = array<i32>} : memref<64x128xf32, #tpu.memory_space<vmem>>, vector<16xf32>,
      tpu.vector_store %arg11[%swap3A_121, %swap3A_122], %broadcast_in_dim3A_3 {strides = array<i32>} : memref<64x128xf32, #tpu.memory_space<vmem>>, vector<16xf32>,
      %swap3A_124 = arith.index_cast %scan3A_105 : i32 to index
      %swap3A_125 = arith.constant 96 : index
      %swap3A_126 = tpu.vector_load %arg11[%swap3A_124, %swap3A_125] {strides = array<i32>} : memref<64x128xf32, #tpu.memory_space<vmem>>, vector<16xf32>,
      tpu.vector_store %arg11[%swap3A_124, %swap3A_125], %broadcast_in_dim3A_3 {strides = array<i32>} : memref<64x128xf32, #tpu.memory_space<vmem>>, vector<16xf32>,
      %swap3A_127 = arith.index_cast %scan3A_105 : i32 to index
      %swap3A_128 = arith.constant 112 : index
      %swap3A_129 = tpu.vector_load %arg11[%swap3A_127, %swap3A_128] {strides = array<i32>} : memref<64x128xf32, #tpu.memory_space<vmem>>, vector<16xf32>,
      tpu.vector_store %arg11[%swap3A_127, %swap3A_128], %broadcast_in_dim3A_3 {strides = array<i32>} : memref<64x128xf32, #tpu.memory_space<vmem>>, vector<16xf32>,
      %scan3A_130 = arith.constant 0 : i32
      scf.yield %scan3A_130 : i32
    }
    %scan3A_9 = arith.constant 64 : i32
    %mul3A_10 = arith.constant 640 : i32
    %mul3A_11 = arith.muli %arg1, %mul3A_10 : i32
    %add3A_12 = arith.constant 0 : i32
    %add3A_13 = arith.addi %mul3A_11, %add3A_12 : i32
    "tpu.region"() ({
      %run_scoped3A = tpu.sem_alloc : memref<!tpu.dma_semaphore, #tpu.memory_space<semaphore_mem>>
      %dma_start3A_105 = arith.constant 0 : i32
      %dma_start3A_106 = tpu.memref_slice %arg17[%add3A_13, %dma_start3A_105] : memref<10240x128xf32, #tpu.memory_space<vmem_shared>> -> memref<64x128xf32, #tpu.memory_space<vmem_shared>>
      %dma_start3A_107 = arith.constant 0 : i32
      %dma_start3A_108 = tpu.memref_slice %arg17[%add3A_13, %dma_start3A_107] : memref<10240x128xf32, #tpu.memory_space<vmem_shared>> -> memref<64x128xf32, #tpu.memory_space<vmem_shared>>
      tpu.enqueue_dma source(%arg11 : memref<64x128xf32, #tpu.memory_space<vmem>>) target(%dma_start3A_108 : memref<64x128xf32, #tpu.memory_space<vmem_shared>>) target_semaphore(%run_scoped3A : memref<!tpu.dma_semaphore, #tpu.memory_space<semaphore_mem>>)
      %dma_wait3A = arith.constant 0 : i32
      %dma_wait3A_109 = tpu.memref_slice %arg17[%add3A_13, %dma_wait3A] : memref<10240x128xf32, #tpu.memory_space<vmem_shared>> -> memref<64x128xf32, #tpu.memory_space<vmem_shared>>
      %dma_wait3A_110 = arith.constant 0 : i32
      %dma_wait3A_111 = tpu.memref_slice %arg17[%add3A_13, %dma_wait3A_110] : memref<10240x128xf32, #tpu.memory_space<vmem_shared>> -> memref<64x128xf32, #tpu.memory_space<vmem_shared>>
      tpu.wait_dma2 semaphore(%run_scoped3A : memref<!tpu.dma_semaphore, #tpu.memory_space<semaphore_mem>>) src(%arg11 : memref<64x128xf32, #tpu.memory_space<vmem>>) dst(%dma_wait3A_111 : memref<64x128xf32, #tpu.memory_space<vmem_shared>>)
      tpu.yield
    }) : () -> ()
    %mul3A_14 = arith.constant 640 : i32
    %mul3A_15 = arith.muli %arg1, %mul3A_14 : i32
    %add3A_16 = arith.constant 64 : i32
    %add3A_17 = arith.addi %mul3A_15, %add3A_16 : i32
    "tpu.region"() ({
      %run_scoped3A = tpu.sem_alloc : memref<!tpu.dma_semaphore, #tpu.memory_space<semaphore_mem>>
      %dma_start3A_105 = arith.constant 0 : i32
      %dma_start3A_106 = tpu.memref_slice %arg17[%add3A_17, %dma_start3A_105] : memref<10240x128xf32, #tpu.memory_space<vmem_shared>> -> memref<64x128xf32, #tpu.memory_space<vmem_shared>>
      %dma_start3A_107 = arith.constant 0 : i32
      %dma_start3A_108 = tpu.memref_slice %arg17[%add3A_17, %dma_start3A_107] : memref<10240x128xf32, #tpu.memory_space<vmem_shared>> -> memref<64x128xf32, #tpu.memory_space<vmem_shared>>
      tpu.enqueue_dma source(%arg11 : memref<64x128xf32, #tpu.memory_space<vmem>>) target(%dma_start3A_108 : memref<64x128xf32, #tpu.memory_space<vmem_shared>>) target_semaphore(%run_scoped3A : memref<!tpu.dma_semaphore, #tpu.memory_space<semaphore_mem>>)
      %dma_wait3A = arith.constant 0 : i32
      %dma_wait3A_109 = tpu.memref_slice %arg17[%add3A_17, %dma_wait3A] : memref<10240x128xf32, #tpu.memory_space<vmem_shared>> -> memref<64x128xf32, #tpu.memory_space<vmem_shared>>
      %dma_wait3A_110 = arith.constant 0 : i32
      %dma_wait3A_111 = tpu.memref_slice %arg17[%add3A_17, %dma_wait3A_110] : memref<10240x128xf32, #tpu.memory_space<vmem_shared>> -> memref<64x128xf32, #tpu.memory_space<vmem_shared>>
      tpu.wait_dma2 semaphore(%run_scoped3A : memref<!tpu.dma_semaphore, #tpu.memory_space<semaphore_mem>>) src(%arg11 : memref<64x128xf32, #tpu.memory_space<vmem>>) dst(%dma_wait3A_111 : memref<64x128xf32, #tpu.memory_space<vmem_shared>>)
      tpu.yield
    }) : () -> ()
    %mul3A_18 = arith.constant 640 : i32
    %mul3A_19 = arith.muli %arg1, %mul3A_18 : i32
    %add3A_20 = arith.constant 128 : i32
    %add3A_21 = arith.addi %mul3A_19, %add3A_20 : i32
    "tpu.region"() ({
      %run_scoped3A = tpu.sem_alloc : memref<!tpu.dma_semaphore, #tpu.memory_space<semaphore_mem>>
      %dma_start3A_105 = arith.constant 0 : i32
      %dma_start3A_106 = tpu.memref_slice %arg17[%add3A_21, %dma_start3A_105] : memref<10240x128xf32, #tpu.memory_space<vmem_shared>> -> memref<64x128xf32, #tpu.memory_space<vmem_shared>>
      %dma_start3A_107 = arith.constant 0 : i32
      %dma_start3A_108 = tpu.memref_slice %arg17[%add3A_21, %dma_start3A_107] : memref<10240x128xf32, #tpu.memory_space<vmem_shared>> -> memref<64x128xf32, #tpu.memory_space<vmem_shared>>
      tpu.enqueue_dma source(%arg11 : memref<64x128xf32, #tpu.memory_space<vmem>>) target(%dma_start3A_108 : memref<64x128xf32, #tpu.memory_space<vmem_shared>>) target_semaphore(%run_scoped3A : memref<!tpu.dma_semaphore, #tpu.memory_space<semaphore_mem>>)
      %dma_wait3A = arith.constant 0 : i32
      %dma_wait3A_109 = tpu.memref_slice %arg17[%add3A_21, %dma_wait3A] : memref<10240x128xf32, #tpu.memory_space<vmem_shared>> -> memref<64x128xf32, #tpu.memory_space<vmem_shared>>
      %dma_wait3A_110 = arith.constant 0 : i32
      %dma_wait3A_111 = tpu.memref_slice %arg17[%add3A_21, %dma_wait3A_110] : memref<10240x128xf32, #tpu.memory_space<vmem_shared>> -> memref<64x128xf32, #tpu.memory_space<vmem_shared>>
      tpu.wait_dma2 semaphore(%run_scoped3A : memref<!tpu.dma_semaphore, #tpu.memory_space<semaphore_mem>>) src(%arg11 : memref<64x128xf32, #tpu.memory_space<vmem>>) dst(%dma_wait3A_111 : memref<64x128xf32, #tpu.memory_space<vmem_shared>>)
      tpu.yield
    }) : () -> ()
    %mul3A_22 = arith.constant 640 : i32
    %mul3A_23 = arith.muli %arg1, %mul3A_22 : i32
    %add3A_24 = arith.constant 192 : i32
    %add3A_25 = arith.addi %mul3A_23, %add3A_24 : i32
    "tpu.region"() ({
      %run_scoped3A = tpu.sem_alloc : memref<!tpu.dma_semaphore, #tpu.memory_space<semaphore_mem>>
      %dma_start3A_105 = arith.constant 0 : i32
      %dma_start3A_106 = tpu.memref_slice %arg17[%add3A_25, %dma_start3A_105] : memref<10240x128xf32, #tpu.memory_space<vmem_shared>> -> memref<64x128xf32, #tpu.memory_space<vmem_shared>>
      %dma_start3A_107 = arith.constant 0 : i32
      %dma_start3A_108 = tpu.memref_slice %arg17[%add3A_25, %dma_start3A_107] : memref<10240x128xf32, #tpu.memory_space<vmem_shared>> -> memref<64x128xf32, #tpu.memory_space<vmem_shared>>
      tpu.enqueue_dma source(%arg11 : memref<64x128xf32, #tpu.memory_space<vmem>>) target(%dma_start3A_108 : memref<64x128xf32, #tpu.memory_space<vmem_shared>>) target_semaphore(%run_scoped3A : memref<!tpu.dma_semaphore, #tpu.memory_space<semaphore_mem>>)
      %dma_wait3A = arith.constant 0 : i32
      %dma_wait3A_109 = tpu.memref_slice %arg17[%add3A_25, %dma_wait3A] : memref<10240x128xf32, #tpu.memory_space<vmem_shared>> -> memref<64x128xf32, #tpu.memory_space<vmem_shared>>
      %dma_wait3A_110 = arith.constant 0 : i32
      %dma_wait3A_111 = tpu.memref_slice %arg17[%add3A_25, %dma_wait3A_110] : memref<10240x128xf32, #tpu.memory_space<vmem_shared>> -> memref<64x128xf32, #tpu.memory_space<vmem_shared>>
      tpu.wait_dma2 semaphore(%run_scoped3A : memref<!tpu.dma_semaphore, #tpu.memory_space<semaphore_mem>>) src(%arg11 : memref<64x128xf32, #tpu.memory_space<vmem>>) dst(%dma_wait3A_111 : memref<64x128xf32, #tpu.memory_space<vmem_shared>>)
      tpu.yield
    }) : () -> ()
    %mul3A_26 = arith.constant 640 : i32
    %mul3A_27 = arith.muli %arg1, %mul3A_26 : i32
    %add3A_28 = arith.constant 256 : i32
    %add3A_29 = arith.addi %mul3A_27, %add3A_28 : i32
    "tpu.region"() ({
      %run_scoped3A = tpu.sem_alloc : memref<!tpu.dma_semaphore, #tpu.memory_space<semaphore_mem>>
      %dma_start3A_105 = arith.constant 0 : i32
      %dma_start3A_106 = tpu.memref_slice %arg17[%add3A_29, %dma_start3A_105] : memref<10240x128xf32, #tpu.memory_space<vmem_shared>> -> memref<64x128xf32, #tpu.memory_space<vmem_shared>>
      %dma_start3A_107 = arith.constant 0 : i32
      %dma_start3A_108 = tpu.memref_slice %arg17[%add3A_29, %dma_start3A_107] : memref<10240x128xf32, #tpu.memory_space<vmem_shared>> -> memref<64x128xf32, #tpu.memory_space<vmem_shared>>
      tpu.enqueue_dma source(%arg11 : memref<64x128xf32, #tpu.memory_space<vmem>>) target(%dma_start3A_108 : memref<64x128xf32, #tpu.memory_space<vmem_shared>>) target_semaphore(%run_scoped3A : memref<!tpu.dma_semaphore, #tpu.memory_space<semaphore_mem>>)
      %dma_wait3A = arith.constant 0 : i32
      %dma_wait3A_109 = tpu.memref_slice %arg17[%add3A_29, %dma_wait3A] : memref<10240x128xf32, #tpu.memory_space<vmem_shared>> -> memref<64x128xf32, #tpu.memory_space<vmem_shared>>
      %dma_wait3A_110 = arith.constant 0 : i32
      %dma_wait3A_111 = tpu.memref_slice %arg17[%add3A_29, %dma_wait3A_110] : memref<10240x128xf32, #tpu.memory_space<vmem_shared>> -> memref<64x128xf32, #tpu.memory_space<vmem_shared>>
      tpu.wait_dma2 semaphore(%run_scoped3A : memref<!tpu.dma_semaphore, #tpu.memory_space<semaphore_mem>>) src(%arg11 : memref<64x128xf32, #tpu.memory_space<vmem>>) dst(%dma_wait3A_111 : memref<64x128xf32, #tpu.memory_space<vmem_shared>>)
      tpu.yield
    }) : () -> ()
    %mul3A_30 = arith.constant 640 : i32
    %mul3A_31 = arith.muli %arg1, %mul3A_30 : i32
    %add3A_32 = arith.constant 320 : i32
    %add3A_33 = arith.addi %mul3A_31, %add3A_32 : i32
    "tpu.region"() ({
      %run_scoped3A = tpu.sem_alloc : memref<!tpu.dma_semaphore, #tpu.memory_space<semaphore_mem>>
      %dma_start3A_105 = arith.constant 0 : i32
      %dma_start3A_106 = tpu.memref_slice %arg17[%add3A_33, %dma_start3A_105] : memref<10240x128xf32, #tpu.memory_space<vmem_shared>> -> memref<64x128xf32, #tpu.memory_space<vmem_shared>>
      %dma_start3A_107 = arith.constant 0 : i32
      %dma_start3A_108 = tpu.memref_slice %arg17[%add3A_33, %dma_start3A_107] : memref<10240x128xf32, #tpu.memory_space<vmem_shared>> -> memref<64x128xf32, #tpu.memory_space<vmem_shared>>
      tpu.enqueue_dma source(%arg11 : memref<64x128xf32, #tpu.memory_space<vmem>>) target(%dma_start3A_108 : memref<64x128xf32, #tpu.memory_space<vmem_shared>>) target_semaphore(%run_scoped3A : memref<!tpu.dma_semaphore, #tpu.memory_space<semaphore_mem>>)
      %dma_wait3A = arith.constant 0 : i32
      %dma_wait3A_109 = tpu.memref_slice %arg17[%add3A_33, %dma_wait3A] : memref<10240x128xf32, #tpu.memory_space<vmem_shared>> -> memref<64x128xf32, #tpu.memory_space<vmem_shared>>
      %dma_wait3A_110 = arith.constant 0 : i32
      %dma_wait3A_111 = tpu.memref_slice %arg17[%add3A_33, %dma_wait3A_110] : memref<10240x128xf32, #tpu.memory_space<vmem_shared>> -> memref<64x128xf32, #tpu.memory_space<vmem_shared>>
      tpu.wait_dma2 semaphore(%run_scoped3A : memref<!tpu.dma_semaphore, #tpu.memory_space<semaphore_mem>>) src(%arg11 : memref<64x128xf32, #tpu.memory_space<vmem>>) dst(%dma_wait3A_111 : memref<64x128xf32, #tpu.memory_space<vmem_shared>>)
      tpu.yield
    }) : () -> ()
    %mul3A_34 = arith.constant 640 : i32
    %mul3A_35 = arith.muli %arg1, %mul3A_34 : i32
    %add3A_36 = arith.constant 384 : i32
    %add3A_37 = arith.addi %mul3A_35, %add3A_36 : i32
    "tpu.region"() ({
      %run_scoped3A = tpu.sem_alloc : memref<!tpu.dma_semaphore, #tpu.memory_space<semaphore_mem>>
      %dma_start3A_105 = arith.constant 0 : i32
      %dma_start3A_106 = tpu.memref_slice %arg17[%add3A_37, %dma_start3A_105] : memref<10240x128xf32, #tpu.memory_space<vmem_shared>> -> memref<64x128xf32, #tpu.memory_space<vmem_shared>>
      %dma_start3A_107 = arith.constant 0 : i32
      %dma_start3A_108 = tpu.memref_slice %arg17[%add3A_37, %dma_start3A_107] : memref<10240x128xf32, #tpu.memory_space<vmem_shared>> -> memref<64x128xf32, #tpu.memory_space<vmem_shared>>
      tpu.enqueue_dma source(%arg11 : memref<64x128xf32, #tpu.memory_space<vmem>>) target(%dma_start3A_108 : memref<64x128xf32, #tpu.memory_space<vmem_shared>>) target_semaphore(%run_scoped3A : memref<!tpu.dma_semaphore, #tpu.memory_space<semaphore_mem>>)
      %dma_wait3A = arith.constant 0 : i32
      %dma_wait3A_109 = tpu.memref_slice %arg17[%add3A_37, %dma_wait3A] : memref<10240x128xf32, #tpu.memory_space<vmem_shared>> -> memref<64x128xf32, #tpu.memory_space<vmem_shared>>
      %dma_wait3A_110 = arith.constant 0 : i32
      %dma_wait3A_111 = tpu.memref_slice %arg17[%add3A_37, %dma_wait3A_110] : memref<10240x128xf32, #tpu.memory_space<vmem_shared>> -> memref<64x128xf32, #tpu.memory_space<vmem_shared>>
      tpu.wait_dma2 semaphore(%run_scoped3A : memref<!tpu.dma_semaphore, #tpu.memory_space<semaphore_mem>>) src(%arg11 : memref<64x128xf32, #tpu.memory_space<vmem>>) dst(%dma_wait3A_111 : memref<64x128xf32, #tpu.memory_space<vmem_shared>>)
      tpu.yield
    }) : () -> ()
    %mul3A_38 = arith.constant 640 : i32
    %mul3A_39 = arith.muli %arg1, %mul3A_38 : i32
    %add3A_40 = arith.constant 448 : i32
    %add3A_41 = arith.addi %mul3A_39, %add3A_40 : i32
    "tpu.region"() ({
      %run_scoped3A = tpu.sem_alloc : memref<!tpu.dma_semaphore, #tpu.memory_space<semaphore_mem>>
      %dma_start3A_105 = arith.constant 0 : i32
      %dma_start3A_106 = tpu.memref_slice %arg17[%add3A_41, %dma_start3A_105] : memref<10240x128xf32, #tpu.memory_space<vmem_shared>> -> memref<64x128xf32, #tpu.memory_space<vmem_shared>>
      %dma_start3A_107 = arith.constant 0 : i32
      %dma_start3A_108 = tpu.memref_slice %arg17[%add3A_41, %dma_start3A_107] : memref<10240x128xf32, #tpu.memory_space<vmem_shared>> -> memref<64x128xf32, #tpu.memory_space<vmem_shared>>
      tpu.enqueue_dma source(%arg11 : memref<64x128xf32, #tpu.memory_space<vmem>>) target(%dma_start3A_108 : memref<64x128xf32, #tpu.memory_space<vmem_shared>>) target_semaphore(%run_scoped3A : memref<!tpu.dma_semaphore, #tpu.memory_space<semaphore_mem>>)
      %dma_wait3A = arith.constant 0 : i32
      %dma_wait3A_109 = tpu.memref_slice %arg17[%add3A_41, %dma_wait3A] : memref<10240x128xf32, #tpu.memory_space<vmem_shared>> -> memref<64x128xf32, #tpu.memory_space<vmem_shared>>
      %dma_wait3A_110 = arith.constant 0 : i32
      %dma_wait3A_111 = tpu.memref_slice %arg17[%add3A_41, %dma_wait3A_110] : memref<10240x128xf32, #tpu.memory_space<vmem_shared>> -> memref<64x128xf32, #tpu.memory_space<vmem_shared>>
      tpu.wait_dma2 semaphore(%run_scoped3A : memref<!tpu.dma_semaphore, #tpu.memory_space<semaphore_mem>>) src(%arg11 : memref<64x128xf32, #tpu.memory_space<vmem>>) dst(%dma_wait3A_111 : memref<64x128xf32, #tpu.memory_space<vmem_shared>>)
      tpu.yield
    }) : () -> ()
    %mul3A_42 = arith.constant 640 : i32
    %mul3A_43 = arith.muli %arg1, %mul3A_42 : i32
    %add3A_44 = arith.constant 512 : i32
    %add3A_45 = arith.addi %mul3A_43, %add3A_44 : i32
    "tpu.region"() ({
      %run_scoped3A = tpu.sem_alloc : memref<!tpu.dma_semaphore, #tpu.memory_space<semaphore_mem>>
      %dma_start3A_105 = arith.constant 0 : i32
      %dma_start3A_106 = tpu.memref_slice %arg17[%add3A_45, %dma_start3A_105] : memref<10240x128xf32, #tpu.memory_space<vmem_shared>> -> memref<64x128xf32, #tpu.memory_space<vmem_shared>>
      %dma_start3A_107 = arith.constant 0 : i32
      %dma_start3A_108 = tpu.memref_slice %arg17[%add3A_45, %dma_start3A_107] : memref<10240x128xf32, #tpu.memory_space<vmem_shared>> -> memref<64x128xf32, #tpu.memory_space<vmem_shared>>
      tpu.enqueue_dma source(%arg11 : memref<64x128xf32, #tpu.memory_space<vmem>>) target(%dma_start3A_108 : memref<64x128xf32, #tpu.memory_space<vmem_shared>>) target_semaphore(%run_scoped3A : memref<!tpu.dma_semaphore, #tpu.memory_space<semaphore_mem>>)
      %dma_wait3A = arith.constant 0 : i32
      %dma_wait3A_109 = tpu.memref_slice %arg17[%add3A_45, %dma_wait3A] : memref<10240x128xf32, #tpu.memory_space<vmem_shared>> -> memref<64x128xf32, #tpu.memory_space<vmem_shared>>
      %dma_wait3A_110 = arith.constant 0 : i32
      %dma_wait3A_111 = tpu.memref_slice %arg17[%add3A_45, %dma_wait3A_110] : memref<10240x128xf32, #tpu.memory_space<vmem_shared>> -> memref<64x128xf32, #tpu.memory_space<vmem_shared>>
      tpu.wait_dma2 semaphore(%run_scoped3A : memref<!tpu.dma_semaphore, #tpu.memory_space<semaphore_mem>>) src(%arg11 : memref<64x128xf32, #tpu.memory_space<vmem>>) dst(%dma_wait3A_111 : memref<64x128xf32, #tpu.memory_space<vmem_shared>>)
      tpu.yield
    }) : () -> ()
    %mul3A_46 = arith.constant 640 : i32
    %mul3A_47 = arith.muli %arg1, %mul3A_46 : i32
    %add3A_48 = arith.constant 576 : i32
    %add3A_49 = arith.addi %mul3A_47, %add3A_48 : i32
    "tpu.region"() ({
      %run_scoped3A = tpu.sem_alloc : memref<!tpu.dma_semaphore, #tpu.memory_space<semaphore_mem>>
      %dma_start3A_105 = arith.constant 0 : i32
      %dma_start3A_106 = tpu.memref_slice %arg17[%add3A_49, %dma_start3A_105] : memref<10240x128xf32, #tpu.memory_space<vmem_shared>> -> memref<64x128xf32, #tpu.memory_space<vmem_shared>>
      %dma_start3A_107 = arith.constant 0 : i32
      %dma_start3A_108 = tpu.memref_slice %arg17[%add3A_49, %dma_start3A_107] : memref<10240x128xf32, #tpu.memory_space<vmem_shared>> -> memref<64x128xf32, #tpu.memory_space<vmem_shared>>
      tpu.enqueue_dma source(%arg11 : memref<64x128xf32, #tpu.memory_space<vmem>>) target(%dma_start3A_108 : memref<64x128xf32, #tpu.memory_space<vmem_shared>>) target_semaphore(%run_scoped3A : memref<!tpu.dma_semaphore, #tpu.memory_space<semaphore_mem>>)
      %dma_wait3A = arith.constant 0 : i32
      %dma_wait3A_109 = tpu.memref_slice %arg17[%add3A_49, %dma_wait3A] : memref<10240x128xf32, #tpu.memory_space<vmem_shared>> -> memref<64x128xf32, #tpu.memory_space<vmem_shared>>
      %dma_wait3A_110 = arith.constant 0 : i32
      %dma_wait3A_111 = tpu.memref_slice %arg17[%add3A_49, %dma_wait3A_110] : memref<10240x128xf32, #tpu.memory_space<vmem_shared>> -> memref<64x128xf32, #tpu.memory_space<vmem_shared>>
      tpu.wait_dma2 semaphore(%run_scoped3A : memref<!tpu.dma_semaphore, #tpu.memory_space<semaphore_mem>>) src(%arg11 : memref<64x128xf32, #tpu.memory_space<vmem>>) dst(%dma_wait3A_111 : memref<64x128xf32, #tpu.memory_space<vmem_shared>>)
      tpu.yield
    }) : () -> ()
    %barrier3A = arith.constant 0 : index
    tpu.barrier barrier_id(%barrier3A)
    %add3A_50 = arith.constant 0 : i32
    %add3A_51 = arith.addi %mul3A_2, %add3A_50 : i32
    "tpu.region"() ({
      %run_scoped3A = tpu.sem_alloc : memref<!tpu.dma_semaphore, #tpu.memory_space<semaphore_mem>>
      %dma_start3A_105 = tpu.memref_slice %arg2[%add3A_51] : memref<172032xi32, #tpu.memory_space<hbm>> -> memref<64xi32, #tpu.memory_space<hbm>>
      %dma_start3A_106 = tpu.memref_slice %arg2[%add3A_51] : memref<172032xi32, #tpu.memory_space<hbm>> -> memref<64xi32, #tpu.memory_space<hbm>>
      tpu.enqueue_dma source(%dma_start3A_106 : memref<64xi32, #tpu.memory_space<hbm>>) target(%arg7 : memref<64xi32, #tpu.memory_space<vmem>>) target_semaphore(%run_scoped3A : memref<!tpu.dma_semaphore, #tpu.memory_space<semaphore_mem>>)
      %dma_wait3A = tpu.memref_slice %arg2[%add3A_51] : memref<172032xi32, #tpu.memory_space<hbm>> -> memref<64xi32, #tpu.memory_space<hbm>>
      %dma_wait3A_107 = tpu.memref_slice %arg2[%add3A_51] : memref<172032xi32, #tpu.memory_space<hbm>> -> memref<64xi32, #tpu.memory_space<hbm>>
      tpu.wait_dma2 semaphore(%run_scoped3A : memref<!tpu.dma_semaphore, #tpu.memory_space<semaphore_mem>>) src(%dma_wait3A_107 : memref<64xi32, #tpu.memory_space<hbm>>) dst(%arg7 : memref<64xi32, #tpu.memory_space<vmem>>)
      tpu.yield
    }) : () -> ()
    "tpu.region"() ({
      %run_scoped3A = tpu.sem_alloc : memref<!tpu.dma_semaphore, #tpu.memory_space<semaphore_mem>>
      %dma_start3A_105 = tpu.memref_slice %arg3[%add3A_51] : memref<172032xi32, #tpu.memory_space<hbm>> -> memref<64xi32, #tpu.memory_space<hbm>>
      %dma_start3A_106 = tpu.memref_slice %arg3[%add3A_51] : memref<172032xi32, #tpu.memory_space<hbm>> -> memref<64xi32, #tpu.memory_space<hbm>>
      tpu.enqueue_dma source(%dma_start3A_106 : memref<64xi32, #tpu.memory_space<hbm>>) target(%arg9 : memref<64xi32, #tpu.memory_space<vmem>>) target_semaphore(%run_scoped3A : memref<!tpu.dma_semaphore, #tpu.memory_space<semaphore_mem>>)
      %dma_wait3A = tpu.memref_slice %arg3[%add3A_51] : memref<172032xi32, #tpu.memory_space<hbm>> -> memref<64xi32, #tpu.memory_space<hbm>>
      %dma_wait3A_107 = tpu.memref_slice %arg3[%add3A_51] : memref<172032xi32, #tpu.memory_space<hbm>> -> memref<64xi32, #tpu.memory_space<hbm>>
      tpu.wait_dma2 semaphore(%run_scoped3A : memref<!tpu.dma_semaphore, #tpu.memory_space<semaphore_mem>>) src(%dma_wait3A_107 : memref<64xi32, #tpu.memory_space<hbm>>) dst(%arg9 : memref<64xi32, #tpu.memory_space<vmem>>)
      tpu.yield
    }) : () -> ()
    %dma_start3A = arith.constant 0 : i32
    %dma_start3A_52 = arith.constant 0 : i32
    %dma_start3A_53 = tpu.memref_slice %arg4[%dma_start3A, %dma_start3A_52] : memref<10240x128xf32, #tpu.memory_space<hbm>> -> memref<10240x128xf32, #tpu.memory_space<hbm>>
    tpu.enqueue_indirect_dma source(%dma_start3A_53 : memref<10240x128xf32, #tpu.memory_space<hbm>>) target(%arg11 : memref<64x128xf32, #tpu.memory_space<vmem>>) offsets(%arg7 : memref<64xi32, #tpu.memory_space<vmem>>) semaphore(%arg15 : memref<!tpu.dma_semaphore, #tpu.memory_space<semaphore_mem>>)
    %dma_start3A_54 = arith.constant 0 : i32
    %dma_start3A_55 = arith.constant 0 : i32
    %dma_start3A_56 = tpu.memref_slice %arg5[%dma_start3A_54, %dma_start3A_55] : memref<10240x128xf32, #tpu.memory_space<hbm>> -> memref<10240x128xf32, #tpu.memory_space<hbm>>
    tpu.enqueue_indirect_dma source(%dma_start3A_56 : memref<10240x128xf32, #tpu.memory_space<hbm>>) target(%arg13 : memref<64x128xf32, #tpu.memory_space<vmem>>) offsets(%arg9 : memref<64xi32, #tpu.memory_space<vmem>>) semaphore(%arg15 : memref<!tpu.dma_semaphore, #tpu.memory_space<semaphore_mem>>)
    %scan3A_57 = arith.constant 0 : i32
    %scan3A_58 = arith.constant 0 : i32
    %scan3A_59 = arith.constant 42 : i32
    %scan3A_60 = arith.addi %scan3A_58, %scan3A_59 : i32
    %scan3A_61 = arith.constant 1 : i32
    %scan3A_62 = scf.for %scan3A_105 = %scan3A_58 to %scan3A_60 step %scan3A_61 iter_args(%scan3A_106 = %scan3A_57) -> (i32)  : i32 {
      %mul3A_107 = arith.constant 2 : i32
      %mul3A_108 = arith.muli %mul3A_107, %scan3A_105 : i32
      %add3A_109 = arith.constant 1 : i32
      %add3A_110 = arith.addi %mul3A_108, %add3A_109 : i32
      %mul3A_111 = arith.constant 64 : i32
      %mul3A_112 = arith.muli %add3A_110, %mul3A_111 : i32
      %add3A_113 = arith.addi %mul3A_2, %mul3A_112 : i32
      "tpu.region"() ({
        %run_scoped3A = tpu.sem_alloc : memref<!tpu.dma_semaphore, #tpu.memory_space<semaphore_mem>>
        %dma_start3A_141 = tpu.memref_slice %arg2[%add3A_113] : memref<172032xi32, #tpu.memory_space<hbm>> -> memref<64xi32, #tpu.memory_space<hbm>>
        %dma_start3A_142 = tpu.memref_slice %arg2[%add3A_113] : memref<172032xi32, #tpu.memory_space<hbm>> -> memref<64xi32, #tpu.memory_space<hbm>>
        tpu.enqueue_dma source(%dma_start3A_142 : memref<64xi32, #tpu.memory_space<hbm>>) target(%arg8 : memref<64xi32, #tpu.memory_space<vmem>>) target_semaphore(%run_scoped3A : memref<!tpu.dma_semaphore, #tpu.memory_space<semaphore_mem>>)
        %dma_wait3A_143 = tpu.memref_slice %arg2[%add3A_113] : memref<172032xi32, #tpu.memory_space<hbm>> -> memref<64xi32, #tpu.memory_space<hbm>>
        %dma_wait3A_144 = tpu.memref_slice %arg2[%add3A_113] : memref<172032xi32, #tpu.memory_space<hbm>> -> memref<64xi32, #tpu.memory_space<hbm>>
        tpu.wait_dma2 semaphore(%run_scoped3A : memref<!tpu.dma_semaphore, #tpu.memory_space<semaphore_mem>>) src(%dma_wait3A_144 : memref<64xi32, #tpu.memory_space<hbm>>) dst(%arg8 : memref<64xi32, #tpu.memory_space<vmem>>)
        tpu.yield
      }) : () -> ()
      "tpu.region"() ({
        %run_scoped3A = tpu.sem_alloc : memref<!tpu.dma_semaphore, #tpu.memory_space<semaphore_mem>>
        %dma_start3A_141 = tpu.memref_slice %arg3[%add3A_113] : memref<172032xi32, #tpu.memory_space<hbm>> -> memref<64xi32, #tpu.memory_space<hbm>>
        %dma_start3A_142 = tpu.memref_slice %arg3[%add3A_113] : memref<172032xi32, #tpu.memory_space<hbm>> -> memref<64xi32, #tpu.memory_space<hbm>>
        tpu.enqueue_dma source(%dma_start3A_142 : memref<64xi32, #tpu.memory_space<hbm>>) target(%arg10 : memref<64xi32, #tpu.memory_space<vmem>>) target_semaphore(%run_scoped3A : memref<!tpu.dma_semaphore, #tpu.memory_space<semaphore_mem>>)
        %dma_wait3A_143 = tpu.memref_slice %arg3[%add3A_113] : memref<172032xi32, #tpu.memory_space<hbm>> -> memref<64xi32, #tpu.memory_space<hbm>>
        %dma_wait3A_144 = tpu.memref_slice %arg3[%add3A_113] : memref<172032xi32, #tpu.memory_space<hbm>> -> memref<64xi32, #tpu.memory_space<hbm>>
        tpu.wait_dma2 semaphore(%run_scoped3A : memref<!tpu.dma_semaphore, #tpu.memory_space<semaphore_mem>>) src(%dma_wait3A_144 : memref<64xi32, #tpu.memory_space<hbm>>) dst(%arg10 : memref<64xi32, #tpu.memory_space<vmem>>)
        tpu.yield
      }) : () -> ()
      %dma_start3A_114 = arith.constant 0 : i32
      %dma_start3A_115 = arith.constant 0 : i32
      %dma_start3A_116 = tpu.memref_slice %arg4[%dma_start3A_114, %dma_start3A_115] : memref<10240x128xf32, #tpu.memory_space<hbm>> -> memref<10240x128xf32, #tpu.memory_space<hbm>>
      tpu.enqueue_indirect_dma source(%dma_start3A_116 : memref<10240x128xf32, #tpu.memory_space<hbm>>) target(%arg12 : memref<64x128xf32, #tpu.memory_space<vmem>>) offsets(%arg8 : memref<64xi32, #tpu.memory_space<vmem>>) semaphore(%arg16 : memref<!tpu.dma_semaphore, #tpu.memory_space<semaphore_mem>>)
      %dma_start3A_117 = arith.constant 0 : i32
      %dma_start3A_118 = arith.constant 0 : i32
      %dma_start3A_119 = tpu.memref_slice %arg5[%dma_start3A_117, %dma_start3A_118] : memref<10240x128xf32, #tpu.memory_space<hbm>> -> memref<10240x128xf32, #tpu.memory_space<hbm>>
      tpu.enqueue_indirect_dma source(%dma_start3A_119 : memref<10240x128xf32, #tpu.memory_space<hbm>>) target(%arg14 : memref<64x128xf32, #tpu.memory_space<vmem>>) offsets(%arg10 : memref<64xi32, #tpu.memory_space<vmem>>) semaphore(%arg16 : memref<!tpu.dma_semaphore, #tpu.memory_space<semaphore_mem>>)
      %dma_wait3A = arith.constant 0 : i32
      %dma_wait3A_120 = arith.constant 0 : i32
      %dma_wait3A_121 = tpu.memref_slice %arg4[%dma_wait3A, %dma_wait3A_120] : memref<10240x128xf32, #tpu.memory_space<hbm>> -> memref<10240x128xf32, #tpu.memory_space<hbm>>
      tpu.wait_indirect_dma semaphore(%arg15 : memref<!tpu.dma_semaphore, #tpu.memory_space<semaphore_mem>>) src(%dma_wait3A_121 : memref<10240x128xf32, #tpu.memory_space<hbm>>) dst(%arg11 : memref<64x128xf32, #tpu.memory_space<vmem>>)
      %dma_wait3A_122 = arith.constant 0 : i32
      %dma_wait3A_123 = arith.constant 0 : i32
      %dma_wait3A_124 = tpu.memref_slice %arg5[%dma_wait3A_122, %dma_wait3A_123] : memref<10240x128xf32, #tpu.memory_space<hbm>> -> memref<10240x128xf32, #tpu.memory_space<hbm>>
      tpu.wait_indirect_dma semaphore(%arg15 : memref<!tpu.dma_semaphore, #tpu.memory_space<semaphore_mem>>) src(%dma_wait3A_124 : memref<10240x128xf32, #tpu.memory_space<hbm>>) dst(%arg13 : memref<64x128xf32, #tpu.memory_space<vmem>>)
      %parallel_loop3A = arith.constant 0 : i32
      %parallel_loop3A_125 = arith.constant 64 : i32
      %parallel_loop3A_126 = arith.constant 1 : i32
      scf.for %parallel_loop3A_141 = %parallel_loop3A to %parallel_loop3A_125 step %parallel_loop3A_126  : i32 {
        %parallel_loop3A_142 = arith.index_cast %parallel_loop3A_141 : i32 to index
        %parallel_loop3A_143 = arith.constant 64 : index
        %parallel_loop3A_144 = tpu.vector_load %arg11[%parallel_loop3A_142, %parallel_loop3A_143] {strides = array<i32>} : memref<64x128xf32, #tpu.memory_space<vmem>>, vector<16xf32>,
        %parallel_loop3A_145 = arith.index_cast %parallel_loop3A_141 : i32 to index
        %parallel_loop3A_146 = arith.constant 0 : index
        %parallel_loop3A_147 = tpu.vector_load %arg13[%parallel_loop3A_145, %parallel_loop3A_146] {strides = array<i32>} : memref<64x128xf32, #tpu.memory_space<vmem>>, vector<16xf32>,
        %parallel_loop3A_148 = arith.addf %parallel_loop3A_144, %parallel_loop3A_147 : vector<16xf32>
        %parallel_loop3A_149 = arith.constant 0.000000e+00 : f32
        %parallel_loop3A_150 = vector.broadcast %parallel_loop3A_149 : f32 to vector<16xf32>
        %parallel_loop3A_151 = arith.cmpf oge, %parallel_loop3A_148, %parallel_loop3A_150 : vector<16xf32>
        %parallel_loop3A_152 = arith.constant 2.000000e-01 : f32
        %parallel_loop3A_153 = vector.broadcast %parallel_loop3A_152 : f32 to vector<16xf32>
        %parallel_loop3A_154 = arith.mulf %parallel_loop3A_153, %parallel_loop3A_148 : vector<16xf32>
        %parallel_loop3A_155 = arith.select %parallel_loop3A_151, %parallel_loop3A_148, %parallel_loop3A_154 : vector<16xi1>, vector<16xf32>
        %parallel_loop3A_156 = math.exp %parallel_loop3A_155 : vector<16xf32>
        %parallel_loop3A_157 = arith.index_cast %parallel_loop3A_141 : i32 to index
        %parallel_loop3A_158 = arith.constant 64 : index
        %parallel_loop3A_159 = tpu.vector_load %arg11[%parallel_loop3A_157, %parallel_loop3A_158] {strides = array<i32>} : memref<64x128xf32, #tpu.memory_space<vmem>>, vector<16xf32>,
        tpu.vector_store %arg11[%parallel_loop3A_157, %parallel_loop3A_158], %parallel_loop3A_156 {strides = array<i32>} : memref<64x128xf32, #tpu.memory_space<vmem>>, vector<16xf32>,
        %parallel_loop3A_160 = arith.index_cast %parallel_loop3A_141 : i32 to index
        %parallel_loop3A_161 = arith.constant 0 : index
        %parallel_loop3A_162 = tpu.vector_load %arg11[%parallel_loop3A_160, %parallel_loop3A_161] {strides = array<i32>} : memref<64x128xf32, #tpu.memory_space<vmem>>, vector<16xf32>,
        %parallel_loop3A_163 = arith.mulf %parallel_loop3A_162, %parallel_loop3A_156 : vector<16xf32>
        %parallel_loop3A_164 = arith.index_cast %parallel_loop3A_141 : i32 to index
        %parallel_loop3A_165 = arith.constant 0 : index
        %parallel_loop3A_166 = tpu.vector_load %arg11[%parallel_loop3A_164, %parallel_loop3A_165] {strides = array<i32>} : memref<64x128xf32, #tpu.memory_space<vmem>>, vector<16xf32>,
        tpu.vector_store %arg11[%parallel_loop3A_164, %parallel_loop3A_165], %parallel_loop3A_163 {strides = array<i32>} : memref<64x128xf32, #tpu.memory_space<vmem>>, vector<16xf32>,
        %parallel_loop3A_167 = arith.index_cast %parallel_loop3A_141 : i32 to index
        %parallel_loop3A_168 = arith.constant 80 : index
        %parallel_loop3A_169 = tpu.vector_load %arg11[%parallel_loop3A_167, %parallel_loop3A_168] {strides = array<i32>} : memref<64x128xf32, #tpu.memory_space<vmem>>, vector<16xf32>,
        %parallel_loop3A_170 = arith.index_cast %parallel_loop3A_141 : i32 to index
        %parallel_loop3A_171 = arith.constant 16 : index
        %parallel_loop3A_172 = tpu.vector_load %arg13[%parallel_loop3A_170, %parallel_loop3A_171] {strides = array<i32>} : memref<64x128xf32, #tpu.memory_space<vmem>>, vector<16xf32>,
        %parallel_loop3A_173 = arith.addf %parallel_loop3A_169, %parallel_loop3A_172 : vector<16xf32>
        %parallel_loop3A_174 = arith.constant 0.000000e+00 : f32
        %parallel_loop3A_175 = vector.broadcast %parallel_loop3A_174 : f32 to vector<16xf32>
        %parallel_loop3A_176 = arith.cmpf oge, %parallel_loop3A_173, %parallel_loop3A_175 : vector<16xf32>
        %parallel_loop3A_177 = arith.constant 2.000000e-01 : f32
        %parallel_loop3A_178 = vector.broadcast %parallel_loop3A_177 : f32 to vector<16xf32>
        %parallel_loop3A_179 = arith.mulf %parallel_loop3A_178, %parallel_loop3A_173 : vector<16xf32>
        %parallel_loop3A_180 = arith.select %parallel_loop3A_176, %parallel_loop3A_173, %parallel_loop3A_179 : vector<16xi1>, vector<16xf32>
        %parallel_loop3A_181 = math.exp %parallel_loop3A_180 : vector<16xf32>
        %parallel_loop3A_182 = arith.index_cast %parallel_loop3A_141 : i32 to index
        %parallel_loop3A_183 = arith.constant 80 : index
        %parallel_loop3A_184 = tpu.vector_load %arg11[%parallel_loop3A_182, %parallel_loop3A_183] {strides = array<i32>} : memref<64x128xf32, #tpu.memory_space<vmem>>, vector<16xf32>,
        tpu.vector_store %arg11[%parallel_loop3A_182, %parallel_loop3A_183], %parallel_loop3A_181 {strides = array<i32>} : memref<64x128xf32, #tpu.memory_space<vmem>>, vector<16xf32>,
        %parallel_loop3A_185 = arith.index_cast %parallel_loop3A_141 : i32 to index
        %parallel_loop3A_186 = arith.constant 16 : index
        %parallel_loop3A_187 = tpu.vector_load %arg11[%parallel_loop3A_185, %parallel_loop3A_186] {strides = array<i32>} : memref<64x128xf32, #tpu.memory_space<vmem>>, vector<16xf32>,
        %parallel_loop3A_188 = arith.mulf %parallel_loop3A_187, %parallel_loop3A_181 : vector<16xf32>
        %parallel_loop3A_189 = arith.index_cast %parallel_loop3A_141 : i32 to index
        %parallel_loop3A_190 = arith.constant 16 : index
        %parallel_loop3A_191 = tpu.vector_load %arg11[%parallel_loop3A_189, %parallel_loop3A_190] {strides = array<i32>} : memref<64x128xf32, #tpu.memory_space<vmem>>, vector<16xf32>,
        tpu.vector_store %arg11[%parallel_loop3A_189, %parallel_loop3A_190], %parallel_loop3A_188 {strides = array<i32>} : memref<64x128xf32, #tpu.memory_space<vmem>>, vector<16xf32>,
        %parallel_loop3A_192 = arith.index_cast %parallel_loop3A_141 : i32 to index
        %parallel_loop3A_193 = arith.constant 96 : index
        %parallel_loop3A_194 = tpu.vector_load %arg11[%parallel_loop3A_192, %parallel_loop3A_193] {strides = array<i32>} : memref<64x128xf32, #tpu.memory_space<vmem>>, vector<16xf32>,
        %parallel_loop3A_195 = arith.index_cast %parallel_loop3A_141 : i32 to index
        %parallel_loop3A_196 = arith.constant 32 : index
        %parallel_loop3A_197 = tpu.vector_load %arg13[%parallel_loop3A_195, %parallel_loop3A_196] {strides = array<i32>} : memref<64x128xf32, #tpu.memory_space<vmem>>, vector<16xf32>,
        %parallel_loop3A_198 = arith.addf %parallel_loop3A_194, %parallel_loop3A_197 : vector<16xf32>
        %parallel_loop3A_199 = arith.constant 0.000000e+00 : f32
        %parallel_loop3A_200 = vector.broadcast %parallel_loop3A_199 : f32 to vector<16xf32>
        %parallel_loop3A_201 = arith.cmpf oge, %parallel_loop3A_198, %parallel_loop3A_200 : vector<16xf32>
        %parallel_loop3A_202 = arith.constant 2.000000e-01 : f32
        %parallel_loop3A_203 = vector.broadcast %parallel_loop3A_202 : f32 to vector<16xf32>
        %parallel_loop3A_204 = arith.mulf %parallel_loop3A_203, %parallel_loop3A_198 : vector<16xf32>
        %parallel_loop3A_205 = arith.select %parallel_loop3A_201, %parallel_loop3A_198, %parallel_loop3A_204 : vector<16xi1>, vector<16xf32>
        %parallel_loop3A_206 = math.exp %parallel_loop3A_205 : vector<16xf32>
        %parallel_loop3A_207 = arith.index_cast %parallel_loop3A_141 : i32 to index
        %parallel_loop3A_208 = arith.constant 96 : index
        %parallel_loop3A_209 = tpu.vector_load %arg11[%parallel_loop3A_207, %parallel_loop3A_208] {strides = array<i32>} : memref<64x128xf32, #tpu.memory_space<vmem>>, vector<16xf32>,
        tpu.vector_store %arg11[%parallel_loop3A_207, %parallel_loop3A_208], %parallel_loop3A_206 {strides = array<i32>} : memref<64x128xf32, #tpu.memory_space<vmem>>, vector<16xf32>,
        %parallel_loop3A_210 = arith.index_cast %parallel_loop3A_141 : i32 to index
        %parallel_loop3A_211 = arith.constant 32 : index
        %parallel_loop3A_212 = tpu.vector_load %arg11[%parallel_loop3A_210, %parallel_loop3A_211] {strides = array<i32>} : memref<64x128xf32, #tpu.memory_space<vmem>>, vector<16xf32>,
        %parallel_loop3A_213 = arith.mulf %parallel_loop3A_212, %parallel_loop3A_206 : vector<16xf32>
        %parallel_loop3A_214 = arith.index_cast %parallel_loop3A_141 : i32 to index
        %parallel_loop3A_215 = arith.constant 32 : index
        %parallel_loop3A_216 = tpu.vector_load %arg11[%parallel_loop3A_214, %parallel_loop3A_215] {strides = array<i32>} : memref<64x128xf32, #tpu.memory_space<vmem>>, vector<16xf32>,
        tpu.vector_store %arg11[%parallel_loop3A_214, %parallel_loop3A_215], %parallel_loop3A_213 {strides = array<i32>} : memref<64x128xf32, #tpu.memory_space<vmem>>, vector<16xf32>,
        %parallel_loop3A_217 = arith.index_cast %parallel_loop3A_141 : i32 to index
        %parallel_loop3A_218 = arith.constant 112 : index
        %parallel_loop3A_219 = tpu.vector_load %arg11[%parallel_loop3A_217, %parallel_loop3A_218] {strides = array<i32>} : memref<64x128xf32, #tpu.memory_space<vmem>>, vector<16xf32>,
        %parallel_loop3A_220 = arith.index_cast %parallel_loop3A_141 : i32 to index
        %parallel_loop3A_221 = arith.constant 48 : index
        %parallel_loop3A_222 = tpu.vector_load %arg13[%parallel_loop3A_220, %parallel_loop3A_221] {strides = array<i32>} : memref<64x128xf32, #tpu.memory_space<vmem>>, vector<16xf32>,
        %parallel_loop3A_223 = arith.addf %parallel_loop3A_219, %parallel_loop3A_222 : vector<16xf32>
        %parallel_loop3A_224 = arith.constant 0.000000e+00 : f32
        %parallel_loop3A_225 = vector.broadcast %parallel_loop3A_224 : f32 to vector<16xf32>
        %parallel_loop3A_226 = arith.cmpf oge, %parallel_loop3A_223, %parallel_loop3A_225 : vector<16xf32>
        %parallel_loop3A_227 = arith.constant 2.000000e-01 : f32
        %parallel_loop3A_228 = vector.broadcast %parallel_loop3A_227 : f32 to vector<16xf32>
        %parallel_loop3A_229 = arith.mulf %parallel_loop3A_228, %parallel_loop3A_223 : vector<16xf32>
        %parallel_loop3A_230 = arith.select %parallel_loop3A_226, %parallel_loop3A_223, %parallel_loop3A_229 : vector<16xi1>, vector<16xf32>
        %parallel_loop3A_231 = math.exp %parallel_loop3A_230 : vector<16xf32>
        %parallel_loop3A_232 = arith.index_cast %parallel_loop3A_141 : i32 to index
        %parallel_loop3A_233 = arith.constant 112 : index
        %parallel_loop3A_234 = tpu.vector_load %arg11[%parallel_loop3A_232, %parallel_loop3A_233] {strides = array<i32>} : memref<64x128xf32, #tpu.memory_space<vmem>>, vector<16xf32>,
        tpu.vector_store %arg11[%parallel_loop3A_232, %parallel_loop3A_233], %parallel_loop3A_231 {strides = array<i32>} : memref<64x128xf32, #tpu.memory_space<vmem>>, vector<16xf32>,
        %parallel_loop3A_235 = arith.index_cast %parallel_loop3A_141 : i32 to index
        %parallel_loop3A_236 = arith.constant 48 : index
        %parallel_loop3A_237 = tpu.vector_load %arg11[%parallel_loop3A_235, %parallel_loop3A_236] {strides = array<i32>} : memref<64x128xf32, #tpu.memory_space<vmem>>, vector<16xf32>,
        %parallel_loop3A_238 = arith.mulf %parallel_loop3A_237, %parallel_loop3A_231 : vector<16xf32>
        %parallel_loop3A_239 = arith.index_cast %parallel_loop3A_141 : i32 to index
        %parallel_loop3A_240 = arith.constant 48 : index
        %parallel_loop3A_241 = tpu.vector_load %arg11[%parallel_loop3A_239, %parallel_loop3A_240] {strides = array<i32>} : memref<64x128xf32, #tpu.memory_space<vmem>>, vector<16xf32>,
        tpu.vector_store %arg11[%parallel_loop3A_239, %parallel_loop3A_240], %parallel_loop3A_238 {strides = array<i32>} : memref<64x128xf32, #tpu.memory_space<vmem>>, vector<16xf32>,
      } {sc.loop_unroll_factor = 8 : i64, sc.parallel_access}
      "tpu.region"() ({
        %run_scoped3A = tpu.sem_alloc : memref<!tpu.dma_semaphore, #tpu.memory_space<semaphore_mem>>
        %dma_start3A_141 = arith.constant 0 : i32
        %dma_start3A_142 = arith.constant 0 : i32
        %dma_start3A_143 = tpu.memref_slice %arg17[%dma_start3A_141, %dma_start3A_142] : memref<10240x128xf32, #tpu.memory_space<vmem_shared>> -> memref<10240x128xf32, #tpu.memory_space<vmem_shared>>
        tpu.enqueue_indirect_dma source(%arg11 : memref<64x128xf32, #tpu.memory_space<vmem>>) target(%dma_start3A_143 : memref<10240x128xf32, #tpu.memory_space<vmem_shared>>) offsets(%arg9 : memref<64xi32, #tpu.memory_space<vmem>>) semaphore(%run_scoped3A : memref<!tpu.dma_semaphore, #tpu.memory_space<semaphore_mem>>) {add = true}
        %dma_wait3A_144 = arith.constant 0 : i32
        %dma_wait3A_145 = arith.constant 0 : i32
        %dma_wait3A_146 = tpu.memref_slice %arg17[%dma_wait3A_144, %dma_wait3A_145] : memref<10240x128xf32, #tpu.memory_space<vmem_shared>> -> memref<10240x128xf32, #tpu.memory_space<vmem_shared>>
        tpu.wait_indirect_dma semaphore(%run_scoped3A : memref<!tpu.dma_semaphore, #tpu.memory_space<semaphore_mem>>) src(%arg11 : memref<64x128xf32, #tpu.memory_space<vmem>>) dst(%dma_wait3A_146 : memref<10240x128xf32, #tpu.memory_space<vmem_shared>>)
        tpu.yield
      }) : () -> ()
      %add3A_127 = arith.constant 2 : i32
      %add3A_128 = arith.addi %mul3A_108, %add3A_127 : i32
      %lt3A = arith.constant 84 : i32
      %lt3A_129 = arith.cmpi slt, %add3A_128, %lt3A : i32
      %convert_element_type3A = arith.extui %lt3A_129 : i1 to i32
      %cond3A = arith.constant 0 : i32
      %cond3A_130 = arith.cmpi ne, %convert_element_type3A, %cond3A : i32
      scf.if %cond3A_130 {
        %add3A_141 = arith.constant 2 : i32
        %add3A_142 = arith.addi %mul3A_108, %add3A_141 : i32
        %mul3A_143 = arith.constant 64 : i32
        %mul3A_144 = arith.muli %add3A_142, %mul3A_143 : i32
        %add3A_145 = arith.addi %mul3A_2, %mul3A_144 : i32
        "tpu.region"() ({
          %run_scoped3A = tpu.sem_alloc : memref<!tpu.dma_semaphore, #tpu.memory_space<semaphore_mem>>
          %dma_start3A_152 = tpu.memref_slice %arg2[%add3A_145] : memref<172032xi32, #tpu.memory_space<hbm>> -> memref<64xi32, #tpu.memory_space<hbm>>
          %dma_start3A_153 = tpu.memref_slice %arg2[%add3A_145] : memref<172032xi32, #tpu.memory_space<hbm>> -> memref<64xi32, #tpu.memory_space<hbm>>
          tpu.enqueue_dma source(%dma_start3A_153 : memref<64xi32, #tpu.memory_space<hbm>>) target(%arg7 : memref<64xi32, #tpu.memory_space<vmem>>) target_semaphore(%run_scoped3A : memref<!tpu.dma_semaphore, #tpu.memory_space<semaphore_mem>>)
          %dma_wait3A_154 = tpu.memref_slice %arg2[%add3A_145] : memref<172032xi32, #tpu.memory_space<hbm>> -> memref<64xi32, #tpu.memory_space<hbm>>
          %dma_wait3A_155 = tpu.memref_slice %arg2[%add3A_145] : memref<172032xi32, #tpu.memory_space<hbm>> -> memref<64xi32, #tpu.memory_space<hbm>>
          tpu.wait_dma2 semaphore(%run_scoped3A : memref<!tpu.dma_semaphore, #tpu.memory_space<semaphore_mem>>) src(%dma_wait3A_155 : memref<64xi32, #tpu.memory_space<hbm>>) dst(%arg7 : memref<64xi32, #tpu.memory_space<vmem>>)
          tpu.yield
        }) : () -> ()
        "tpu.region"() ({
          %run_scoped3A = tpu.sem_alloc : memref<!tpu.dma_semaphore, #tpu.memory_space<semaphore_mem>>
          %dma_start3A_152 = tpu.memref_slice %arg3[%add3A_145] : memref<172032xi32, #tpu.memory_space<hbm>> -> memref<64xi32, #tpu.memory_space<hbm>>
          %dma_start3A_153 = tpu.memref_slice %arg3[%add3A_145] : memref<172032xi32, #tpu.memory_space<hbm>> -> memref<64xi32, #tpu.memory_space<hbm>>
          tpu.enqueue_dma source(%dma_start3A_153 : memref<64xi32, #tpu.memory_space<hbm>>) target(%arg9 : memref<64xi32, #tpu.memory_space<vmem>>) target_semaphore(%run_scoped3A : memref<!tpu.dma_semaphore, #tpu.memory_space<semaphore_mem>>)
          %dma_wait3A_154 = tpu.memref_slice %arg3[%add3A_145] : memref<172032xi32, #tpu.memory_space<hbm>> -> memref<64xi32, #tpu.memory_space<hbm>>
          %dma_wait3A_155 = tpu.memref_slice %arg3[%add3A_145] : memref<172032xi32, #tpu.memory_space<hbm>> -> memref<64xi32, #tpu.memory_space<hbm>>
          tpu.wait_dma2 semaphore(%run_scoped3A : memref<!tpu.dma_semaphore, #tpu.memory_space<semaphore_mem>>) src(%dma_wait3A_155 : memref<64xi32, #tpu.memory_space<hbm>>) dst(%arg9 : memref<64xi32, #tpu.memory_space<vmem>>)
          tpu.yield
        }) : () -> ()
        %dma_start3A_146 = arith.constant 0 : i32
        %dma_start3A_147 = arith.constant 0 : i32
        %dma_start3A_148 = tpu.memref_slice %arg4[%dma_start3A_146, %dma_start3A_147] : memref<10240x128xf32, #tpu.memory_space<hbm>> -> memref<10240x128xf32, #tpu.memory_space<hbm>>
        tpu.enqueue_indirect_dma source(%dma_start3A_148 : memref<10240x128xf32, #tpu.memory_space<hbm>>) target(%arg11 : memref<64x128xf32, #tpu.memory_space<vmem>>) offsets(%arg7 : memref<64xi32, #tpu.memory_space<vmem>>) semaphore(%arg15 : memref<!tpu.dma_semaphore, #tpu.memory_space<semaphore_mem>>)
        %dma_start3A_149 = arith.constant 0 : i32
        %dma_start3A_150 = arith.constant 0 : i32
        %dma_start3A_151 = tpu.memref_slice %arg5[%dma_start3A_149, %dma_start3A_150] : memref<10240x128xf32, #tpu.memory_space<hbm>> -> memref<10240x128xf32, #tpu.memory_space<hbm>>
        tpu.enqueue_indirect_dma source(%dma_start3A_151 : memref<10240x128xf32, #tpu.memory_space<hbm>>) target(%arg13 : memref<64x128xf32, #tpu.memory_space<vmem>>) offsets(%arg9 : memref<64xi32, #tpu.memory_space<vmem>>) semaphore(%arg15 : memref<!tpu.dma_semaphore, #tpu.memory_space<semaphore_mem>>)
      } else {
      }
      %dma_wait3A_131 = arith.constant 0 : i32
      %dma_wait3A_132 = arith.constant 0 : i32
      %dma_wait3A_133 = tpu.memref_slice %arg4[%dma_wait3A_131, %dma_wait3A_132] : memref<10240x128xf32, #tpu.memory_space<hbm>> -> memref<10240x128xf32, #tpu.memory_space<hbm>>
      tpu.wait_indirect_dma semaphore(%arg16 : memref<!tpu.dma_semaphore, #tpu.memory_space<semaphore_mem>>) src(%dma_wait3A_133 : memref<10240x128xf32, #tpu.memory_space<hbm>>) dst(%arg12 : memref<64x128xf32, #tpu.memory_space<vmem>>)
      %dma_wait3A_134 = arith.constant 0 : i32
      %dma_wait3A_135 = arith.constant 0 : i32
      %dma_wait3A_136 = tpu.memref_slice %arg5[%dma_wait3A_134, %dma_wait3A_135] : memref<10240x128xf32, #tpu.memory_space<hbm>> -> memref<10240x128xf32, #tpu.memory_space<hbm>>
      tpu.wait_indirect_dma semaphore(%arg16 : memref<!tpu.dma_semaphore, #tpu.memory_space<semaphore_mem>>) src(%dma_wait3A_136 : memref<10240x128xf32, #tpu.memory_space<hbm>>) dst(%arg14 : memref<64x128xf32, #tpu.memory_space<vmem>>)
      %parallel_loop3A_137 = arith.constant 0 : i32
      %parallel_loop3A_138 = arith.constant 64 : i32
      %parallel_loop3A_139 = arith.constant 1 : i32
      scf.for %parallel_loop3A_141 = %parallel_loop3A_137 to %parallel_loop3A_138 step %parallel_loop3A_139  : i32 {
        %parallel_loop3A_142 = arith.index_cast %parallel_loop3A_141 : i32 to index
        %parallel_loop3A_143 = arith.constant 64 : index
        %parallel_loop3A_144 = tpu.vector_load %arg12[%parallel_loop3A_142, %parallel_loop3A_143] {strides = array<i32>} : memref<64x128xf32, #tpu.memory_space<vmem>>, vector<16xf32>,
        %parallel_loop3A_145 = arith.index_cast %parallel_loop3A_141 : i32 to index
        %parallel_loop3A_146 = arith.constant 0 : index
        %parallel_loop3A_147 = tpu.vector_load %arg14[%parallel_loop3A_145, %parallel_loop3A_146] {strides = array<i32>} : memref<64x128xf32, #tpu.memory_space<vmem>>, vector<16xf32>,
        %parallel_loop3A_148 = arith.addf %parallel_loop3A_144, %parallel_loop3A_147 : vector<16xf32>
        %parallel_loop3A_149 = arith.constant 0.000000e+00 : f32
        %parallel_loop3A_150 = vector.broadcast %parallel_loop3A_149 : f32 to vector<16xf32>
        %parallel_loop3A_151 = arith.cmpf oge, %parallel_loop3A_148, %parallel_loop3A_150 : vector<16xf32>
        %parallel_loop3A_152 = arith.constant 2.000000e-01 : f32
        %parallel_loop3A_153 = vector.broadcast %parallel_loop3A_152 : f32 to vector<16xf32>
        %parallel_loop3A_154 = arith.mulf %parallel_loop3A_153, %parallel_loop3A_148 : vector<16xf32>
        %parallel_loop3A_155 = arith.select %parallel_loop3A_151, %parallel_loop3A_148, %parallel_loop3A_154 : vector<16xi1>, vector<16xf32>
        %parallel_loop3A_156 = math.exp %parallel_loop3A_155 : vector<16xf32>
        %parallel_loop3A_157 = arith.index_cast %parallel_loop3A_141 : i32 to index
        %parallel_loop3A_158 = arith.constant 64 : index
        %parallel_loop3A_159 = tpu.vector_load %arg12[%parallel_loop3A_157, %parallel_loop3A_158] {strides = array<i32>} : memref<64x128xf32, #tpu.memory_space<vmem>>, vector<16xf32>,
        tpu.vector_store %arg12[%parallel_loop3A_157, %parallel_loop3A_158], %parallel_loop3A_156 {strides = array<i32>} : memref<64x128xf32, #tpu.memory_space<vmem>>, vector<16xf32>,
        %parallel_loop3A_160 = arith.index_cast %parallel_loop3A_141 : i32 to index
        %parallel_loop3A_161 = arith.constant 0 : index
        %parallel_loop3A_162 = tpu.vector_load %arg12[%parallel_loop3A_160, %parallel_loop3A_161] {strides = array<i32>} : memref<64x128xf32, #tpu.memory_space<vmem>>, vector<16xf32>,
        %parallel_loop3A_163 = arith.mulf %parallel_loop3A_162, %parallel_loop3A_156 : vector<16xf32>
        %parallel_loop3A_164 = arith.index_cast %parallel_loop3A_141 : i32 to index
        %parallel_loop3A_165 = arith.constant 0 : index
        %parallel_loop3A_166 = tpu.vector_load %arg12[%parallel_loop3A_164, %parallel_loop3A_165] {strides = array<i32>} : memref<64x128xf32, #tpu.memory_space<vmem>>, vector<16xf32>,
        tpu.vector_store %arg12[%parallel_loop3A_164, %parallel_loop3A_165], %parallel_loop3A_163 {strides = array<i32>} : memref<64x128xf32, #tpu.memory_space<vmem>>, vector<16xf32>,
        %parallel_loop3A_167 = arith.index_cast %parallel_loop3A_141 : i32 to index
        %parallel_loop3A_168 = arith.constant 80 : index
        %parallel_loop3A_169 = tpu.vector_load %arg12[%parallel_loop3A_167, %parallel_loop3A_168] {strides = array<i32>} : memref<64x128xf32, #tpu.memory_space<vmem>>, vector<16xf32>,
        %parallel_loop3A_170 = arith.index_cast %parallel_loop3A_141 : i32 to index
        %parallel_loop3A_171 = arith.constant 16 : index
        %parallel_loop3A_172 = tpu.vector_load %arg14[%parallel_loop3A_170, %parallel_loop3A_171] {strides = array<i32>} : memref<64x128xf32, #tpu.memory_space<vmem>>, vector<16xf32>,
        %parallel_loop3A_173 = arith.addf %parallel_loop3A_169, %parallel_loop3A_172 : vector<16xf32>
        %parallel_loop3A_174 = arith.constant 0.000000e+00 : f32
        %parallel_loop3A_175 = vector.broadcast %parallel_loop3A_174 : f32 to vector<16xf32>
        %parallel_loop3A_176 = arith.cmpf oge, %parallel_loop3A_173, %parallel_loop3A_175 : vector<16xf32>
        %parallel_loop3A_177 = arith.constant 2.000000e-01 : f32
        %parallel_loop3A_178 = vector.broadcast %parallel_loop3A_177 : f32 to vector<16xf32>
        %parallel_loop3A_179 = arith.mulf %parallel_loop3A_178, %parallel_loop3A_173 : vector<16xf32>
        %parallel_loop3A_180 = arith.select %parallel_loop3A_176, %parallel_loop3A_173, %parallel_loop3A_179 : vector<16xi1>, vector<16xf32>
        %parallel_loop3A_181 = math.exp %parallel_loop3A_180 : vector<16xf32>
        %parallel_loop3A_182 = arith.index_cast %parallel_loop3A_141 : i32 to index
        %parallel_loop3A_183 = arith.constant 80 : index
        %parallel_loop3A_184 = tpu.vector_load %arg12[%parallel_loop3A_182, %parallel_loop3A_183] {strides = array<i32>} : memref<64x128xf32, #tpu.memory_space<vmem>>, vector<16xf32>,
        tpu.vector_store %arg12[%parallel_loop3A_182, %parallel_loop3A_183], %parallel_loop3A_181 {strides = array<i32>} : memref<64x128xf32, #tpu.memory_space<vmem>>, vector<16xf32>,
        %parallel_loop3A_185 = arith.index_cast %parallel_loop3A_141 : i32 to index
        %parallel_loop3A_186 = arith.constant 16 : index
        %parallel_loop3A_187 = tpu.vector_load %arg12[%parallel_loop3A_185, %parallel_loop3A_186] {strides = array<i32>} : memref<64x128xf32, #tpu.memory_space<vmem>>, vector<16xf32>,
        %parallel_loop3A_188 = arith.mulf %parallel_loop3A_187, %parallel_loop3A_181 : vector<16xf32>
        %parallel_loop3A_189 = arith.index_cast %parallel_loop3A_141 : i32 to index
        %parallel_loop3A_190 = arith.constant 16 : index
        %parallel_loop3A_191 = tpu.vector_load %arg12[%parallel_loop3A_189, %parallel_loop3A_190] {strides = array<i32>} : memref<64x128xf32, #tpu.memory_space<vmem>>, vector<16xf32>,
        tpu.vector_store %arg12[%parallel_loop3A_189, %parallel_loop3A_190], %parallel_loop3A_188 {strides = array<i32>} : memref<64x128xf32, #tpu.memory_space<vmem>>, vector<16xf32>,
        %parallel_loop3A_192 = arith.index_cast %parallel_loop3A_141 : i32 to index
        %parallel_loop3A_193 = arith.constant 96 : index
        %parallel_loop3A_194 = tpu.vector_load %arg12[%parallel_loop3A_192, %parallel_loop3A_193] {strides = array<i32>} : memref<64x128xf32, #tpu.memory_space<vmem>>, vector<16xf32>,
        %parallel_loop3A_195 = arith.index_cast %parallel_loop3A_141 : i32 to index
        %parallel_loop3A_196 = arith.constant 32 : index
        %parallel_loop3A_197 = tpu.vector_load %arg14[%parallel_loop3A_195, %parallel_loop3A_196] {strides = array<i32>} : memref<64x128xf32, #tpu.memory_space<vmem>>, vector<16xf32>,
        %parallel_loop3A_198 = arith.addf %parallel_loop3A_194, %parallel_loop3A_197 : vector<16xf32>
        %parallel_loop3A_199 = arith.constant 0.000000e+00 : f32
        %parallel_loop3A_200 = vector.broadcast %parallel_loop3A_199 : f32 to vector<16xf32>
        %parallel_loop3A_201 = arith.cmpf oge, %parallel_loop3A_198, %parallel_loop3A_200 : vector<16xf32>
        %parallel_loop3A_202 = arith.constant 2.000000e-01 : f32
        %parallel_loop3A_203 = vector.broadcast %parallel_loop3A_202 : f32 to vector<16xf32>
        %parallel_loop3A_204 = arith.mulf %parallel_loop3A_203, %parallel_loop3A_198 : vector<16xf32>
        %parallel_loop3A_205 = arith.select %parallel_loop3A_201, %parallel_loop3A_198, %parallel_loop3A_204 : vector<16xi1>, vector<16xf32>
        %parallel_loop3A_206 = math.exp %parallel_loop3A_205 : vector<16xf32>
        %parallel_loop3A_207 = arith.index_cast %parallel_loop3A_141 : i32 to index
        %parallel_loop3A_208 = arith.constant 96 : index
        %parallel_loop3A_209 = tpu.vector_load %arg12[%parallel_loop3A_207, %parallel_loop3A_208] {strides = array<i32>} : memref<64x128xf32, #tpu.memory_space<vmem>>, vector<16xf32>,
        tpu.vector_store %arg12[%parallel_loop3A_207, %parallel_loop3A_208], %parallel_loop3A_206 {strides = array<i32>} : memref<64x128xf32, #tpu.memory_space<vmem>>, vector<16xf32>,
        %parallel_loop3A_210 = arith.index_cast %parallel_loop3A_141 : i32 to index
        %parallel_loop3A_211 = arith.constant 32 : index
        %parallel_loop3A_212 = tpu.vector_load %arg12[%parallel_loop3A_210, %parallel_loop3A_211] {strides = array<i32>} : memref<64x128xf32, #tpu.memory_space<vmem>>, vector<16xf32>,
        %parallel_loop3A_213 = arith.mulf %parallel_loop3A_212, %parallel_loop3A_206 : vector<16xf32>
        %parallel_loop3A_214 = arith.index_cast %parallel_loop3A_141 : i32 to index
        %parallel_loop3A_215 = arith.constant 32 : index
        %parallel_loop3A_216 = tpu.vector_load %arg12[%parallel_loop3A_214, %parallel_loop3A_215] {strides = array<i32>} : memref<64x128xf32, #tpu.memory_space<vmem>>, vector<16xf32>,
        tpu.vector_store %arg12[%parallel_loop3A_214, %parallel_loop3A_215], %parallel_loop3A_213 {strides = array<i32>} : memref<64x128xf32, #tpu.memory_space<vmem>>, vector<16xf32>,
        %parallel_loop3A_217 = arith.index_cast %parallel_loop3A_141 : i32 to index
        %parallel_loop3A_218 = arith.constant 112 : index
        %parallel_loop3A_219 = tpu.vector_load %arg12[%parallel_loop3A_217, %parallel_loop3A_218] {strides = array<i32>} : memref<64x128xf32, #tpu.memory_space<vmem>>, vector<16xf32>,
        %parallel_loop3A_220 = arith.index_cast %parallel_loop3A_141 : i32 to index
        %parallel_loop3A_221 = arith.constant 48 : index
        %parallel_loop3A_222 = tpu.vector_load %arg14[%parallel_loop3A_220, %parallel_loop3A_221] {strides = array<i32>} : memref<64x128xf32, #tpu.memory_space<vmem>>, vector<16xf32>,
        %parallel_loop3A_223 = arith.addf %parallel_loop3A_219, %parallel_loop3A_222 : vector<16xf32>
        %parallel_loop3A_224 = arith.constant 0.000000e+00 : f32
        %parallel_loop3A_225 = vector.broadcast %parallel_loop3A_224 : f32 to vector<16xf32>
        %parallel_loop3A_226 = arith.cmpf oge, %parallel_loop3A_223, %parallel_loop3A_225 : vector<16xf32>
        %parallel_loop3A_227 = arith.constant 2.000000e-01 : f32
        %parallel_loop3A_228 = vector.broadcast %parallel_loop3A_227 : f32 to vector<16xf32>
        %parallel_loop3A_229 = arith.mulf %parallel_loop3A_228, %parallel_loop3A_223 : vector<16xf32>
        %parallel_loop3A_230 = arith.select %parallel_loop3A_226, %parallel_loop3A_223, %parallel_loop3A_229 : vector<16xi1>, vector<16xf32>
        %parallel_loop3A_231 = math.exp %parallel_loop3A_230 : vector<16xf32>
        %parallel_loop3A_232 = arith.index_cast %parallel_loop3A_141 : i32 to index
        %parallel_loop3A_233 = arith.constant 112 : index
        %parallel_loop3A_234 = tpu.vector_load %arg12[%parallel_loop3A_232, %parallel_loop3A_233] {strides = array<i32>} : memref<64x128xf32, #tpu.memory_space<vmem>>, vector<16xf32>,
        tpu.vector_store %arg12[%parallel_loop3A_232, %parallel_loop3A_233], %parallel_loop3A_231 {strides = array<i32>} : memref<64x128xf32, #tpu.memory_space<vmem>>, vector<16xf32>,
        %parallel_loop3A_235 = arith.index_cast %parallel_loop3A_141 : i32 to index
        %parallel_loop3A_236 = arith.constant 48 : index
        %parallel_loop3A_237 = tpu.vector_load %arg12[%parallel_loop3A_235, %parallel_loop3A_236] {strides = array<i32>} : memref<64x128xf32, #tpu.memory_space<vmem>>, vector<16xf32>,
        %parallel_loop3A_238 = arith.mulf %parallel_loop3A_237, %parallel_loop3A_231 : vector<16xf32>
        %parallel_loop3A_239 = arith.index_cast %parallel_loop3A_141 : i32 to index
        %parallel_loop3A_240 = arith.constant 48 : index
        %parallel_loop3A_241 = tpu.vector_load %arg12[%parallel_loop3A_239, %parallel_loop3A_240] {strides = array<i32>} : memref<64x128xf32, #tpu.memory_space<vmem>>, vector<16xf32>,
        tpu.vector_store %arg12[%parallel_loop3A_239, %parallel_loop3A_240], %parallel_loop3A_238 {strides = array<i32>} : memref<64x128xf32, #tpu.memory_space<vmem>>, vector<16xf32>,
      } {sc.loop_unroll_factor = 8 : i64, sc.parallel_access}
      "tpu.region"() ({
        %run_scoped3A = tpu.sem_alloc : memref<!tpu.dma_semaphore, #tpu.memory_space<semaphore_mem>>
        %dma_start3A_141 = arith.constant 0 : i32
        %dma_start3A_142 = arith.constant 0 : i32
        %dma_start3A_143 = tpu.memref_slice %arg17[%dma_start3A_141, %dma_start3A_142] : memref<10240x128xf32, #tpu.memory_space<vmem_shared>> -> memref<10240x128xf32, #tpu.memory_space<vmem_shared>>
        tpu.enqueue_indirect_dma source(%arg12 : memref<64x128xf32, #tpu.memory_space<vmem>>) target(%dma_start3A_143 : memref<10240x128xf32, #tpu.memory_space<vmem_shared>>) offsets(%arg10 : memref<64xi32, #tpu.memory_space<vmem>>) semaphore(%run_scoped3A : memref<!tpu.dma_semaphore, #tpu.memory_space<semaphore_mem>>) {add = true}
        %dma_wait3A_144 = arith.constant 0 : i32
        %dma_wait3A_145 = arith.constant 0 : i32
        %dma_wait3A_146 = tpu.memref_slice %arg17[%dma_wait3A_144, %dma_wait3A_145] : memref<10240x128xf32, #tpu.memory_space<vmem_shared>> -> memref<10240x128xf32, #tpu.memory_space<vmem_shared>>
        tpu.wait_indirect_dma semaphore(%run_scoped3A : memref<!tpu.dma_semaphore, #tpu.memory_space<semaphore_mem>>) src(%arg12 : memref<64x128xf32, #tpu.memory_space<vmem>>) dst(%dma_wait3A_146 : memref<10240x128xf32, #tpu.memory_space<vmem_shared>>)
        tpu.yield
      }) : () -> ()
      %scan3A_140 = arith.constant 0 : i32
      scf.yield %scan3A_140 : i32
    }
    %scan3A_63 = arith.constant 42 : i32
    %barrier3A_64 = arith.constant 0 : index
    tpu.barrier barrier_id(%barrier3A_64)
    %mul3A_65 = arith.constant 640 : i32
    %mul3A_66 = arith.muli %arg1, %mul3A_65 : i32
    %add3A_67 = arith.constant 0 : i32
    %add3A_68 = arith.addi %mul3A_66, %add3A_67 : i32
    "tpu.region"() ({
      %run_scoped3A = tpu.sem_alloc : memref<!tpu.dma_semaphore, #tpu.memory_space<semaphore_mem>>
      %dma_start3A_105 = arith.constant 0 : i32
      %dma_start3A_106 = tpu.memref_slice %arg17[%add3A_68, %dma_start3A_105] : memref<10240x128xf32, #tpu.memory_space<vmem_shared>> -> memref<64x128xf32, #tpu.memory_space<vmem_shared>>
      %dma_start3A_107 = arith.constant 0 : i32
      %dma_start3A_108 = tpu.memref_slice %arg17[%add3A_68, %dma_start3A_107] : memref<10240x128xf32, #tpu.memory_space<vmem_shared>> -> memref<64x128xf32, #tpu.memory_space<vmem_shared>>
      tpu.enqueue_dma source(%dma_start3A_108 : memref<64x128xf32, #tpu.memory_space<vmem_shared>>) target(%arg11 : memref<64x128xf32, #tpu.memory_space<vmem>>) target_semaphore(%run_scoped3A : memref<!tpu.dma_semaphore, #tpu.memory_space<semaphore_mem>>)
      %dma_wait3A = arith.constant 0 : i32
      %dma_wait3A_109 = tpu.memref_slice %arg17[%add3A_68, %dma_wait3A] : memref<10240x128xf32, #tpu.memory_space<vmem_shared>> -> memref<64x128xf32, #tpu.memory_space<vmem_shared>>
      %dma_wait3A_110 = arith.constant 0 : i32
      %dma_wait3A_111 = tpu.memref_slice %arg17[%add3A_68, %dma_wait3A_110] : memref<10240x128xf32, #tpu.memory_space<vmem_shared>> -> memref<64x128xf32, #tpu.memory_space<vmem_shared>>
      tpu.wait_dma2 semaphore(%run_scoped3A : memref<!tpu.dma_semaphore, #tpu.memory_space<semaphore_mem>>) src(%dma_wait3A_111 : memref<64x128xf32, #tpu.memory_space<vmem_shared>>) dst(%arg11 : memref<64x128xf32, #tpu.memory_space<vmem>>)
      tpu.yield
    }) : () -> ()
    "tpu.region"() ({
      %run_scoped3A = tpu.sem_alloc : memref<!tpu.dma_semaphore, #tpu.memory_space<semaphore_mem>>
      %dma_start3A_105 = arith.constant 0 : i32
      %dma_start3A_106 = tpu.memref_slice %arg6[%arg0, %add3A_68, %dma_start3A_105] : memref<2x10240x128xf32, #tpu.memory_space<hbm>> -> memref<1x64x128xf32, #tpu.memory_space<hbm>>
      %dma_start3A_107 = tpu.memref_squeeze %dma_start3A_106 : memref<1x64x128xf32, #tpu.memory_space<hbm>> -> memref<64x128xf32, #tpu.memory_space<hbm>>
      %dma_start3A_108 = arith.constant 0 : i32
      %dma_start3A_109 = tpu.memref_slice %arg6[%arg0, %add3A_68, %dma_start3A_108] : memref<2x10240x128xf32, #tpu.memory_space<hbm>> -> memref<1x64x128xf32, #tpu.memory_space<hbm>>
      %dma_start3A_110 = tpu.memref_squeeze %dma_start3A_109 : memref<1x64x128xf32, #tpu.memory_space<hbm>> -> memref<64x128xf32, #tpu.memory_space<hbm>>
      tpu.enqueue_dma source(%arg11 : memref<64x128xf32, #tpu.memory_space<vmem>>) target(%dma_start3A_110 : memref<64x128xf32, #tpu.memory_space<hbm>>) target_semaphore(%run_scoped3A : memref<!tpu.dma_semaphore, #tpu.memory_space<semaphore_mem>>)
      %dma_wait3A = arith.constant 0 : i32
      %dma_wait3A_111 = tpu.memref_slice %arg6[%arg0, %add3A_68, %dma_wait3A] : memref<2x10240x128xf32, #tpu.memory_space<hbm>> -> memref<1x64x128xf32, #tpu.memory_space<hbm>>
      %dma_wait3A_112 = tpu.memref_squeeze %dma_wait3A_111 : memref<1x64x128xf32, #tpu.memory_space<hbm>> -> memref<64x128xf32, #tpu.memory_space<hbm>>
      %dma_wait3A_113 = arith.constant 0 : i32
      %dma_wait3A_114 = tpu.memref_slice %arg6[%arg0, %add3A_68, %dma_wait3A_113] : memref<2x10240x128xf32, #tpu.memory_space<hbm>> -> memref<1x64x128xf32, #tpu.memory_space<hbm>>
      %dma_wait3A_115 = tpu.memref_squeeze %dma_wait3A_114 : memref<1x64x128xf32, #tpu.memory_space<hbm>> -> memref<64x128xf32, #tpu.memory_space<hbm>>
      tpu.wait_dma2 semaphore(%run_scoped3A : memref<!tpu.dma_semaphore, #tpu.memory_space<semaphore_mem>>) src(%arg11 : memref<64x128xf32, #tpu.memory_space<vmem>>) dst(%dma_wait3A_115 : memref<64x128xf32, #tpu.memory_space<hbm>>)
      tpu.yield
    }) : () -> ()
    %mul3A_69 = arith.constant 640 : i32
    %mul3A_70 = arith.muli %arg1, %mul3A_69 : i32
    %add3A_71 = arith.constant 64 : i32
    %add3A_72 = arith.addi %mul3A_70, %add3A_71 : i32
    "tpu.region"() ({
      %run_scoped3A = tpu.sem_alloc : memref<!tpu.dma_semaphore, #tpu.memory_space<semaphore_mem>>
      %dma_start3A_105 = arith.constant 0 : i32
      %dma_start3A_106 = tpu.memref_slice %arg17[%add3A_72, %dma_start3A_105] : memref<10240x128xf32, #tpu.memory_space<vmem_shared>> -> memref<64x128xf32, #tpu.memory_space<vmem_shared>>
      %dma_start3A_107 = arith.constant 0 : i32
      %dma_start3A_108 = tpu.memref_slice %arg17[%add3A_72, %dma_start3A_107] : memref<10240x128xf32, #tpu.memory_space<vmem_shared>> -> memref<64x128xf32, #tpu.memory_space<vmem_shared>>
      tpu.enqueue_dma source(%dma_start3A_108 : memref<64x128xf32, #tpu.memory_space<vmem_shared>>) target(%arg11 : memref<64x128xf32, #tpu.memory_space<vmem>>) target_semaphore(%run_scoped3A : memref<!tpu.dma_semaphore, #tpu.memory_space<semaphore_mem>>)
      %dma_wait3A = arith.constant 0 : i32
      %dma_wait3A_109 = tpu.memref_slice %arg17[%add3A_72, %dma_wait3A] : memref<10240x128xf32, #tpu.memory_space<vmem_shared>> -> memref<64x128xf32, #tpu.memory_space<vmem_shared>>
      %dma_wait3A_110 = arith.constant 0 : i32
      %dma_wait3A_111 = tpu.memref_slice %arg17[%add3A_72, %dma_wait3A_110] : memref<10240x128xf32, #tpu.memory_space<vmem_shared>> -> memref<64x128xf32, #tpu.memory_space<vmem_shared>>
      tpu.wait_dma2 semaphore(%run_scoped3A : memref<!tpu.dma_semaphore, #tpu.memory_space<semaphore_mem>>) src(%dma_wait3A_111 : memref<64x128xf32, #tpu.memory_space<vmem_shared>>) dst(%arg11 : memref<64x128xf32, #tpu.memory_space<vmem>>)
      tpu.yield
    }) : () -> ()
    "tpu.region"() ({
      %run_scoped3A = tpu.sem_alloc : memref<!tpu.dma_semaphore, #tpu.memory_space<semaphore_mem>>
      %dma_start3A_105 = arith.constant 0 : i32
      %dma_start3A_106 = tpu.memref_slice %arg6[%arg0, %add3A_72, %dma_start3A_105] : memref<2x10240x128xf32, #tpu.memory_space<hbm>> -> memref<1x64x128xf32, #tpu.memory_space<hbm>>
      %dma_start3A_107 = tpu.memref_squeeze %dma_start3A_106 : memref<1x64x128xf32, #tpu.memory_space<hbm>> -> memref<64x128xf32, #tpu.memory_space<hbm>>
      %dma_start3A_108 = arith.constant 0 : i32
      %dma_start3A_109 = tpu.memref_slice %arg6[%arg0, %add3A_72, %dma_start3A_108] : memref<2x10240x128xf32, #tpu.memory_space<hbm>> -> memref<1x64x128xf32, #tpu.memory_space<hbm>>
      %dma_start3A_110 = tpu.memref_squeeze %dma_start3A_109 : memref<1x64x128xf32, #tpu.memory_space<hbm>> -> memref<64x128xf32, #tpu.memory_space<hbm>>
      tpu.enqueue_dma source(%arg11 : memref<64x128xf32, #tpu.memory_space<vmem>>) target(%dma_start3A_110 : memref<64x128xf32, #tpu.memory_space<hbm>>) target_semaphore(%run_scoped3A : memref<!tpu.dma_semaphore, #tpu.memory_space<semaphore_mem>>)
      %dma_wait3A = arith.constant 0 : i32
      %dma_wait3A_111 = tpu.memref_slice %arg6[%arg0, %add3A_72, %dma_wait3A] : memref<2x10240x128xf32, #tpu.memory_space<hbm>> -> memref<1x64x128xf32, #tpu.memory_space<hbm>>
      %dma_wait3A_112 = tpu.memref_squeeze %dma_wait3A_111 : memref<1x64x128xf32, #tpu.memory_space<hbm>> -> memref<64x128xf32, #tpu.memory_space<hbm>>
      %dma_wait3A_113 = arith.constant 0 : i32
      %dma_wait3A_114 = tpu.memref_slice %arg6[%arg0, %add3A_72, %dma_wait3A_113] : memref<2x10240x128xf32, #tpu.memory_space<hbm>> -> memref<1x64x128xf32, #tpu.memory_space<hbm>>
      %dma_wait3A_115 = tpu.memref_squeeze %dma_wait3A_114 : memref<1x64x128xf32, #tpu.memory_space<hbm>> -> memref<64x128xf32, #tpu.memory_space<hbm>>
      tpu.wait_dma2 semaphore(%run_scoped3A : memref<!tpu.dma_semaphore, #tpu.memory_space<semaphore_mem>>) src(%arg11 : memref<64x128xf32, #tpu.memory_space<vmem>>) dst(%dma_wait3A_115 : memref<64x128xf32, #tpu.memory_space<hbm>>)
      tpu.yield
    }) : () -> ()
    %mul3A_73 = arith.constant 640 : i32
    %mul3A_74 = arith.muli %arg1, %mul3A_73 : i32
    %add3A_75 = arith.constant 128 : i32
    %add3A_76 = arith.addi %mul3A_74, %add3A_75 : i32
    "tpu.region"() ({
      %run_scoped3A = tpu.sem_alloc : memref<!tpu.dma_semaphore, #tpu.memory_space<semaphore_mem>>
      %dma_start3A_105 = arith.constant 0 : i32
      %dma_start3A_106 = tpu.memref_slice %arg17[%add3A_76, %dma_start3A_105] : memref<10240x128xf32, #tpu.memory_space<vmem_shared>> -> memref<64x128xf32, #tpu.memory_space<vmem_shared>>
      %dma_start3A_107 = arith.constant 0 : i32
      %dma_start3A_108 = tpu.memref_slice %arg17[%add3A_76, %dma_start3A_107] : memref<10240x128xf32, #tpu.memory_space<vmem_shared>> -> memref<64x128xf32, #tpu.memory_space<vmem_shared>>
      tpu.enqueue_dma source(%dma_start3A_108 : memref<64x128xf32, #tpu.memory_space<vmem_shared>>) target(%arg11 : memref<64x128xf32, #tpu.memory_space<vmem>>) target_semaphore(%run_scoped3A : memref<!tpu.dma_semaphore, #tpu.memory_space<semaphore_mem>>)
      %dma_wait3A = arith.constant 0 : i32
      %dma_wait3A_109 = tpu.memref_slice %arg17[%add3A_76, %dma_wait3A] : memref<10240x128xf32, #tpu.memory_space<vmem_shared>> -> memref<64x128xf32, #tpu.memory_space<vmem_shared>>
      %dma_wait3A_110 = arith.constant 0 : i32
      %dma_wait3A_111 = tpu.memref_slice %arg17[%add3A_76, %dma_wait3A_110] : memref<10240x128xf32, #tpu.memory_space<vmem_shared>> -> memref<64x128xf32, #tpu.memory_space<vmem_shared>>
      tpu.wait_dma2 semaphore(%run_scoped3A : memref<!tpu.dma_semaphore, #tpu.memory_space<semaphore_mem>>) src(%dma_wait3A_111 : memref<64x128xf32, #tpu.memory_space<vmem_shared>>) dst(%arg11 : memref<64x128xf32, #tpu.memory_space<vmem>>)
      tpu.yield
    }) : () -> ()
    "tpu.region"() ({
      %run_scoped3A = tpu.sem_alloc : memref<!tpu.dma_semaphore, #tpu.memory_space<semaphore_mem>>
      %dma_start3A_105 = arith.constant 0 : i32
      %dma_start3A_106 = tpu.memref_slice %arg6[%arg0, %add3A_76, %dma_start3A_105] : memref<2x10240x128xf32, #tpu.memory_space<hbm>> -> memref<1x64x128xf32, #tpu.memory_space<hbm>>
      %dma_start3A_107 = tpu.memref_squeeze %dma_start3A_106 : memref<1x64x128xf32, #tpu.memory_space<hbm>> -> memref<64x128xf32, #tpu.memory_space<hbm>>
      %dma_start3A_108 = arith.constant 0 : i32
      %dma_start3A_109 = tpu.memref_slice %arg6[%arg0, %add3A_76, %dma_start3A_108] : memref<2x10240x128xf32, #tpu.memory_space<hbm>> -> memref<1x64x128xf32, #tpu.memory_space<hbm>>
      %dma_start3A_110 = tpu.memref_squeeze %dma_start3A_109 : memref<1x64x128xf32, #tpu.memory_space<hbm>> -> memref<64x128xf32, #tpu.memory_space<hbm>>
      tpu.enqueue_dma source(%arg11 : memref<64x128xf32, #tpu.memory_space<vmem>>) target(%dma_start3A_110 : memref<64x128xf32, #tpu.memory_space<hbm>>) target_semaphore(%run_scoped3A : memref<!tpu.dma_semaphore, #tpu.memory_space<semaphore_mem>>)
      %dma_wait3A = arith.constant 0 : i32
      %dma_wait3A_111 = tpu.memref_slice %arg6[%arg0, %add3A_76, %dma_wait3A] : memref<2x10240x128xf32, #tpu.memory_space<hbm>> -> memref<1x64x128xf32, #tpu.memory_space<hbm>>
      %dma_wait3A_112 = tpu.memref_squeeze %dma_wait3A_111 : memref<1x64x128xf32, #tpu.memory_space<hbm>> -> memref<64x128xf32, #tpu.memory_space<hbm>>
      %dma_wait3A_113 = arith.constant 0 : i32
      %dma_wait3A_114 = tpu.memref_slice %arg6[%arg0, %add3A_76, %dma_wait3A_113] : memref<2x10240x128xf32, #tpu.memory_space<hbm>> -> memref<1x64x128xf32, #tpu.memory_space<hbm>>
      %dma_wait3A_115 = tpu.memref_squeeze %dma_wait3A_114 : memref<1x64x128xf32, #tpu.memory_space<hbm>> -> memref<64x128xf32, #tpu.memory_space<hbm>>
      tpu.wait_dma2 semaphore(%run_scoped3A : memref<!tpu.dma_semaphore, #tpu.memory_space<semaphore_mem>>) src(%arg11 : memref<64x128xf32, #tpu.memory_space<vmem>>) dst(%dma_wait3A_115 : memref<64x128xf32, #tpu.memory_space<hbm>>)
      tpu.yield
    }) : () -> ()
    %mul3A_77 = arith.constant 640 : i32
    %mul3A_78 = arith.muli %arg1, %mul3A_77 : i32
    %add3A_79 = arith.constant 192 : i32
    %add3A_80 = arith.addi %mul3A_78, %add3A_79 : i32
    "tpu.region"() ({
      %run_scoped3A = tpu.sem_alloc : memref<!tpu.dma_semaphore, #tpu.memory_space<semaphore_mem>>
      %dma_start3A_105 = arith.constant 0 : i32
      %dma_start3A_106 = tpu.memref_slice %arg17[%add3A_80, %dma_start3A_105] : memref<10240x128xf32, #tpu.memory_space<vmem_shared>> -> memref<64x128xf32, #tpu.memory_space<vmem_shared>>
      %dma_start3A_107 = arith.constant 0 : i32
      %dma_start3A_108 = tpu.memref_slice %arg17[%add3A_80, %dma_start3A_107] : memref<10240x128xf32, #tpu.memory_space<vmem_shared>> -> memref<64x128xf32, #tpu.memory_space<vmem_shared>>
      tpu.enqueue_dma source(%dma_start3A_108 : memref<64x128xf32, #tpu.memory_space<vmem_shared>>) target(%arg11 : memref<64x128xf32, #tpu.memory_space<vmem>>) target_semaphore(%run_scoped3A : memref<!tpu.dma_semaphore, #tpu.memory_space<semaphore_mem>>)
      %dma_wait3A = arith.constant 0 : i32
      %dma_wait3A_109 = tpu.memref_slice %arg17[%add3A_80, %dma_wait3A] : memref<10240x128xf32, #tpu.memory_space<vmem_shared>> -> memref<64x128xf32, #tpu.memory_space<vmem_shared>>
      %dma_wait3A_110 = arith.constant 0 : i32
      %dma_wait3A_111 = tpu.memref_slice %arg17[%add3A_80, %dma_wait3A_110] : memref<10240x128xf32, #tpu.memory_space<vmem_shared>> -> memref<64x128xf32, #tpu.memory_space<vmem_shared>>
      tpu.wait_dma2 semaphore(%run_scoped3A : memref<!tpu.dma_semaphore, #tpu.memory_space<semaphore_mem>>) src(%dma_wait3A_111 : memref<64x128xf32, #tpu.memory_space<vmem_shared>>) dst(%arg11 : memref<64x128xf32, #tpu.memory_space<vmem>>)
      tpu.yield
    }) : () -> ()
    "tpu.region"() ({
      %run_scoped3A = tpu.sem_alloc : memref<!tpu.dma_semaphore, #tpu.memory_space<semaphore_mem>>
      %dma_start3A_105 = arith.constant 0 : i32
      %dma_start3A_106 = tpu.memref_slice %arg6[%arg0, %add3A_80, %dma_start3A_105] : memref<2x10240x128xf32, #tpu.memory_space<hbm>> -> memref<1x64x128xf32, #tpu.memory_space<hbm>>
      %dma_start3A_107 = tpu.memref_squeeze %dma_start3A_106 : memref<1x64x128xf32, #tpu.memory_space<hbm>> -> memref<64x128xf32, #tpu.memory_space<hbm>>
      %dma_start3A_108 = arith.constant 0 : i32
      %dma_start3A_109 = tpu.memref_slice %arg6[%arg0, %add3A_80, %dma_start3A_108] : memref<2x10240x128xf32, #tpu.memory_space<hbm>> -> memref<1x64x128xf32, #tpu.memory_space<hbm>>
      %dma_start3A_110 = tpu.memref_squeeze %dma_start3A_109 : memref<1x64x128xf32, #tpu.memory_space<hbm>> -> memref<64x128xf32, #tpu.memory_space<hbm>>
      tpu.enqueue_dma source(%arg11 : memref<64x128xf32, #tpu.memory_space<vmem>>) target(%dma_start3A_110 : memref<64x128xf32, #tpu.memory_space<hbm>>) target_semaphore(%run_scoped3A : memref<!tpu.dma_semaphore, #tpu.memory_space<semaphore_mem>>)
      %dma_wait3A = arith.constant 0 : i32
      %dma_wait3A_111 = tpu.memref_slice %arg6[%arg0, %add3A_80, %dma_wait3A] : memref<2x10240x128xf32, #tpu.memory_space<hbm>> -> memref<1x64x128xf32, #tpu.memory_space<hbm>>
      %dma_wait3A_112 = tpu.memref_squeeze %dma_wait3A_111 : memref<1x64x128xf32, #tpu.memory_space<hbm>> -> memref<64x128xf32, #tpu.memory_space<hbm>>
      %dma_wait3A_113 = arith.constant 0 : i32
      %dma_wait3A_114 = tpu.memref_slice %arg6[%arg0, %add3A_80, %dma_wait3A_113] : memref<2x10240x128xf32, #tpu.memory_space<hbm>> -> memref<1x64x128xf32, #tpu.memory_space<hbm>>
      %dma_wait3A_115 = tpu.memref_squeeze %dma_wait3A_114 : memref<1x64x128xf32, #tpu.memory_space<hbm>> -> memref<64x128xf32, #tpu.memory_space<hbm>>
      tpu.wait_dma2 semaphore(%run_scoped3A : memref<!tpu.dma_semaphore, #tpu.memory_space<semaphore_mem>>) src(%arg11 : memref<64x128xf32, #tpu.memory_space<vmem>>) dst(%dma_wait3A_115 : memref<64x128xf32, #tpu.memory_space<hbm>>)
      tpu.yield
    }) : () -> ()
    %mul3A_81 = arith.constant 640 : i32
    %mul3A_82 = arith.muli %arg1, %mul3A_81 : i32
    %add3A_83 = arith.constant 256 : i32
    %add3A_84 = arith.addi %mul3A_82, %add3A_83 : i32
    "tpu.region"() ({
      %run_scoped3A = tpu.sem_alloc : memref<!tpu.dma_semaphore, #tpu.memory_space<semaphore_mem>>
      %dma_start3A_105 = arith.constant 0 : i32
      %dma_start3A_106 = tpu.memref_slice %arg17[%add3A_84, %dma_start3A_105] : memref<10240x128xf32, #tpu.memory_space<vmem_shared>> -> memref<64x128xf32, #tpu.memory_space<vmem_shared>>
      %dma_start3A_107 = arith.constant 0 : i32
      %dma_start3A_108 = tpu.memref_slice %arg17[%add3A_84, %dma_start3A_107] : memref<10240x128xf32, #tpu.memory_space<vmem_shared>> -> memref<64x128xf32, #tpu.memory_space<vmem_shared>>
      tpu.enqueue_dma source(%dma_start3A_108 : memref<64x128xf32, #tpu.memory_space<vmem_shared>>) target(%arg11 : memref<64x128xf32, #tpu.memory_space<vmem>>) target_semaphore(%run_scoped3A : memref<!tpu.dma_semaphore, #tpu.memory_space<semaphore_mem>>)
      %dma_wait3A = arith.constant 0 : i32
      %dma_wait3A_109 = tpu.memref_slice %arg17[%add3A_84, %dma_wait3A] : memref<10240x128xf32, #tpu.memory_space<vmem_shared>> -> memref<64x128xf32, #tpu.memory_space<vmem_shared>>
      %dma_wait3A_110 = arith.constant 0 : i32
      %dma_wait3A_111 = tpu.memref_slice %arg17[%add3A_84, %dma_wait3A_110] : memref<10240x128xf32, #tpu.memory_space<vmem_shared>> -> memref<64x128xf32, #tpu.memory_space<vmem_shared>>
      tpu.wait_dma2 semaphore(%run_scoped3A : memref<!tpu.dma_semaphore, #tpu.memory_space<semaphore_mem>>) src(%dma_wait3A_111 : memref<64x128xf32, #tpu.memory_space<vmem_shared>>) dst(%arg11 : memref<64x128xf32, #tpu.memory_space<vmem>>)
      tpu.yield
    }) : () -> ()
    "tpu.region"() ({
      %run_scoped3A = tpu.sem_alloc : memref<!tpu.dma_semaphore, #tpu.memory_space<semaphore_mem>>
      %dma_start3A_105 = arith.constant 0 : i32
      %dma_start3A_106 = tpu.memref_slice %arg6[%arg0, %add3A_84, %dma_start3A_105] : memref<2x10240x128xf32, #tpu.memory_space<hbm>> -> memref<1x64x128xf32, #tpu.memory_space<hbm>>
      %dma_start3A_107 = tpu.memref_squeeze %dma_start3A_106 : memref<1x64x128xf32, #tpu.memory_space<hbm>> -> memref<64x128xf32, #tpu.memory_space<hbm>>
      %dma_start3A_108 = arith.constant 0 : i32
      %dma_start3A_109 = tpu.memref_slice %arg6[%arg0, %add3A_84, %dma_start3A_108] : memref<2x10240x128xf32, #tpu.memory_space<hbm>> -> memref<1x64x128xf32, #tpu.memory_space<hbm>>
      %dma_start3A_110 = tpu.memref_squeeze %dma_start3A_109 : memref<1x64x128xf32, #tpu.memory_space<hbm>> -> memref<64x128xf32, #tpu.memory_space<hbm>>
      tpu.enqueue_dma source(%arg11 : memref<64x128xf32, #tpu.memory_space<vmem>>) target(%dma_start3A_110 : memref<64x128xf32, #tpu.memory_space<hbm>>) target_semaphore(%run_scoped3A : memref<!tpu.dma_semaphore, #tpu.memory_space<semaphore_mem>>)
      %dma_wait3A = arith.constant 0 : i32
      %dma_wait3A_111 = tpu.memref_slice %arg6[%arg0, %add3A_84, %dma_wait3A] : memref<2x10240x128xf32, #tpu.memory_space<hbm>> -> memref<1x64x128xf32, #tpu.memory_space<hbm>>
      %dma_wait3A_112 = tpu.memref_squeeze %dma_wait3A_111 : memref<1x64x128xf32, #tpu.memory_space<hbm>> -> memref<64x128xf32, #tpu.memory_space<hbm>>
      %dma_wait3A_113 = arith.constant 0 : i32
      %dma_wait3A_114 = tpu.memref_slice %arg6[%arg0, %add3A_84, %dma_wait3A_113] : memref<2x10240x128xf32, #tpu.memory_space<hbm>> -> memref<1x64x128xf32, #tpu.memory_space<hbm>>
      %dma_wait3A_115 = tpu.memref_squeeze %dma_wait3A_114 : memref<1x64x128xf32, #tpu.memory_space<hbm>> -> memref<64x128xf32, #tpu.memory_space<hbm>>
      tpu.wait_dma2 semaphore(%run_scoped3A : memref<!tpu.dma_semaphore, #tpu.memory_space<semaphore_mem>>) src(%arg11 : memref<64x128xf32, #tpu.memory_space<vmem>>) dst(%dma_wait3A_115 : memref<64x128xf32, #tpu.memory_space<hbm>>)
      tpu.yield
    }) : () -> ()
    %mul3A_85 = arith.constant 640 : i32
    %mul3A_86 = arith.muli %arg1, %mul3A_85 : i32
    %add3A_87 = arith.constant 320 : i32
    %add3A_88 = arith.addi %mul3A_86, %add3A_87 : i32
    "tpu.region"() ({
      %run_scoped3A = tpu.sem_alloc : memref<!tpu.dma_semaphore, #tpu.memory_space<semaphore_mem>>
      %dma_start3A_105 = arith.constant 0 : i32
      %dma_start3A_106 = tpu.memref_slice %arg17[%add3A_88, %dma_start3A_105] : memref<10240x128xf32, #tpu.memory_space<vmem_shared>> -> memref<64x128xf32, #tpu.memory_space<vmem_shared>>
      %dma_start3A_107 = arith.constant 0 : i32
      %dma_start3A_108 = tpu.memref_slice %arg17[%add3A_88, %dma_start3A_107] : memref<10240x128xf32, #tpu.memory_space<vmem_shared>> -> memref<64x128xf32, #tpu.memory_space<vmem_shared>>
      tpu.enqueue_dma source(%dma_start3A_108 : memref<64x128xf32, #tpu.memory_space<vmem_shared>>) target(%arg11 : memref<64x128xf32, #tpu.memory_space<vmem>>) target_semaphore(%run_scoped3A : memref<!tpu.dma_semaphore, #tpu.memory_space<semaphore_mem>>)
      %dma_wait3A = arith.constant 0 : i32
      %dma_wait3A_109 = tpu.memref_slice %arg17[%add3A_88, %dma_wait3A] : memref<10240x128xf32, #tpu.memory_space<vmem_shared>> -> memref<64x128xf32, #tpu.memory_space<vmem_shared>>
      %dma_wait3A_110 = arith.constant 0 : i32
      %dma_wait3A_111 = tpu.memref_slice %arg17[%add3A_88, %dma_wait3A_110] : memref<10240x128xf32, #tpu.memory_space<vmem_shared>> -> memref<64x128xf32, #tpu.memory_space<vmem_shared>>
      tpu.wait_dma2 semaphore(%run_scoped3A : memref<!tpu.dma_semaphore, #tpu.memory_space<semaphore_mem>>) src(%dma_wait3A_111 : memref<64x128xf32, #tpu.memory_space<vmem_shared>>) dst(%arg11 : memref<64x128xf32, #tpu.memory_space<vmem>>)
      tpu.yield
    }) : () -> ()
    "tpu.region"() ({
      %run_scoped3A = tpu.sem_alloc : memref<!tpu.dma_semaphore, #tpu.memory_space<semaphore_mem>>
      %dma_start3A_105 = arith.constant 0 : i32
      %dma_start3A_106 = tpu.memref_slice %arg6[%arg0, %add3A_88, %dma_start3A_105] : memref<2x10240x128xf32, #tpu.memory_space<hbm>> -> memref<1x64x128xf32, #tpu.memory_space<hbm>>
      %dma_start3A_107 = tpu.memref_squeeze %dma_start3A_106 : memref<1x64x128xf32, #tpu.memory_space<hbm>> -> memref<64x128xf32, #tpu.memory_space<hbm>>
      %dma_start3A_108 = arith.constant 0 : i32
      %dma_start3A_109 = tpu.memref_slice %arg6[%arg0, %add3A_88, %dma_start3A_108] : memref<2x10240x128xf32, #tpu.memory_space<hbm>> -> memref<1x64x128xf32, #tpu.memory_space<hbm>>
      %dma_start3A_110 = tpu.memref_squeeze %dma_start3A_109 : memref<1x64x128xf32, #tpu.memory_space<hbm>> -> memref<64x128xf32, #tpu.memory_space<hbm>>
      tpu.enqueue_dma source(%arg11 : memref<64x128xf32, #tpu.memory_space<vmem>>) target(%dma_start3A_110 : memref<64x128xf32, #tpu.memory_space<hbm>>) target_semaphore(%run_scoped3A : memref<!tpu.dma_semaphore, #tpu.memory_space<semaphore_mem>>)
      %dma_wait3A = arith.constant 0 : i32
      %dma_wait3A_111 = tpu.memref_slice %arg6[%arg0, %add3A_88, %dma_wait3A] : memref<2x10240x128xf32, #tpu.memory_space<hbm>> -> memref<1x64x128xf32, #tpu.memory_space<hbm>>
      %dma_wait3A_112 = tpu.memref_squeeze %dma_wait3A_111 : memref<1x64x128xf32, #tpu.memory_space<hbm>> -> memref<64x128xf32, #tpu.memory_space<hbm>>
      %dma_wait3A_113 = arith.constant 0 : i32
      %dma_wait3A_114 = tpu.memref_slice %arg6[%arg0, %add3A_88, %dma_wait3A_113] : memref<2x10240x128xf32, #tpu.memory_space<hbm>> -> memref<1x64x128xf32, #tpu.memory_space<hbm>>
      %dma_wait3A_115 = tpu.memref_squeeze %dma_wait3A_114 : memref<1x64x128xf32, #tpu.memory_space<hbm>> -> memref<64x128xf32, #tpu.memory_space<hbm>>
      tpu.wait_dma2 semaphore(%run_scoped3A : memref<!tpu.dma_semaphore, #tpu.memory_space<semaphore_mem>>) src(%arg11 : memref<64x128xf32, #tpu.memory_space<vmem>>) dst(%dma_wait3A_115 : memref<64x128xf32, #tpu.memory_space<hbm>>)
      tpu.yield
    }) : () -> ()
    %mul3A_89 = arith.constant 640 : i32
    %mul3A_90 = arith.muli %arg1, %mul3A_89 : i32
    %add3A_91 = arith.constant 384 : i32
    %add3A_92 = arith.addi %mul3A_90, %add3A_91 : i32
    "tpu.region"() ({
      %run_scoped3A = tpu.sem_alloc : memref<!tpu.dma_semaphore, #tpu.memory_space<semaphore_mem>>
      %dma_start3A_105 = arith.constant 0 : i32
      %dma_start3A_106 = tpu.memref_slice %arg17[%add3A_92, %dma_start3A_105] : memref<10240x128xf32, #tpu.memory_space<vmem_shared>> -> memref<64x128xf32, #tpu.memory_space<vmem_shared>>
      %dma_start3A_107 = arith.constant 0 : i32
      %dma_start3A_108 = tpu.memref_slice %arg17[%add3A_92, %dma_start3A_107] : memref<10240x128xf32, #tpu.memory_space<vmem_shared>> -> memref<64x128xf32, #tpu.memory_space<vmem_shared>>
      tpu.enqueue_dma source(%dma_start3A_108 : memref<64x128xf32, #tpu.memory_space<vmem_shared>>) target(%arg11 : memref<64x128xf32, #tpu.memory_space<vmem>>) target_semaphore(%run_scoped3A : memref<!tpu.dma_semaphore, #tpu.memory_space<semaphore_mem>>)
      %dma_wait3A = arith.constant 0 : i32
      %dma_wait3A_109 = tpu.memref_slice %arg17[%add3A_92, %dma_wait3A] : memref<10240x128xf32, #tpu.memory_space<vmem_shared>> -> memref<64x128xf32, #tpu.memory_space<vmem_shared>>
      %dma_wait3A_110 = arith.constant 0 : i32
      %dma_wait3A_111 = tpu.memref_slice %arg17[%add3A_92, %dma_wait3A_110] : memref<10240x128xf32, #tpu.memory_space<vmem_shared>> -> memref<64x128xf32, #tpu.memory_space<vmem_shared>>
      tpu.wait_dma2 semaphore(%run_scoped3A : memref<!tpu.dma_semaphore, #tpu.memory_space<semaphore_mem>>) src(%dma_wait3A_111 : memref<64x128xf32, #tpu.memory_space<vmem_shared>>) dst(%arg11 : memref<64x128xf32, #tpu.memory_space<vmem>>)
      tpu.yield
    }) : () -> ()
    "tpu.region"() ({
      %run_scoped3A = tpu.sem_alloc : memref<!tpu.dma_semaphore, #tpu.memory_space<semaphore_mem>>
      %dma_start3A_105 = arith.constant 0 : i32
      %dma_start3A_106 = tpu.memref_slice %arg6[%arg0, %add3A_92, %dma_start3A_105] : memref<2x10240x128xf32, #tpu.memory_space<hbm>> -> memref<1x64x128xf32, #tpu.memory_space<hbm>>
      %dma_start3A_107 = tpu.memref_squeeze %dma_start3A_106 : memref<1x64x128xf32, #tpu.memory_space<hbm>> -> memref<64x128xf32, #tpu.memory_space<hbm>>
      %dma_start3A_108 = arith.constant 0 : i32
      %dma_start3A_109 = tpu.memref_slice %arg6[%arg0, %add3A_92, %dma_start3A_108] : memref<2x10240x128xf32, #tpu.memory_space<hbm>> -> memref<1x64x128xf32, #tpu.memory_space<hbm>>
      %dma_start3A_110 = tpu.memref_squeeze %dma_start3A_109 : memref<1x64x128xf32, #tpu.memory_space<hbm>> -> memref<64x128xf32, #tpu.memory_space<hbm>>
      tpu.enqueue_dma source(%arg11 : memref<64x128xf32, #tpu.memory_space<vmem>>) target(%dma_start3A_110 : memref<64x128xf32, #tpu.memory_space<hbm>>) target_semaphore(%run_scoped3A : memref<!tpu.dma_semaphore, #tpu.memory_space<semaphore_mem>>)
      %dma_wait3A = arith.constant 0 : i32
      %dma_wait3A_111 = tpu.memref_slice %arg6[%arg0, %add3A_92, %dma_wait3A] : memref<2x10240x128xf32, #tpu.memory_space<hbm>> -> memref<1x64x128xf32, #tpu.memory_space<hbm>>
      %dma_wait3A_112 = tpu.memref_squeeze %dma_wait3A_111 : memref<1x64x128xf32, #tpu.memory_space<hbm>> -> memref<64x128xf32, #tpu.memory_space<hbm>>
      %dma_wait3A_113 = arith.constant 0 : i32
      %dma_wait3A_114 = tpu.memref_slice %arg6[%arg0, %add3A_92, %dma_wait3A_113] : memref<2x10240x128xf32, #tpu.memory_space<hbm>> -> memref<1x64x128xf32, #tpu.memory_space<hbm>>
      %dma_wait3A_115 = tpu.memref_squeeze %dma_wait3A_114 : memref<1x64x128xf32, #tpu.memory_space<hbm>> -> memref<64x128xf32, #tpu.memory_space<hbm>>
      tpu.wait_dma2 semaphore(%run_scoped3A : memref<!tpu.dma_semaphore, #tpu.memory_space<semaphore_mem>>) src(%arg11 : memref<64x128xf32, #tpu.memory_space<vmem>>) dst(%dma_wait3A_115 : memref<64x128xf32, #tpu.memory_space<hbm>>)
      tpu.yield
    }) : () -> ()
    %mul3A_93 = arith.constant 640 : i32
    %mul3A_94 = arith.muli %arg1, %mul3A_93 : i32
    %add3A_95 = arith.constant 448 : i32
    %add3A_96 = arith.addi %mul3A_94, %add3A_95 : i32
    "tpu.region"() ({
      %run_scoped3A = tpu.sem_alloc : memref<!tpu.dma_semaphore, #tpu.memory_space<semaphore_mem>>
      %dma_start3A_105 = arith.constant 0 : i32
      %dma_start3A_106 = tpu.memref_slice %arg17[%add3A_96, %dma_start3A_105] : memref<10240x128xf32, #tpu.memory_space<vmem_shared>> -> memref<64x128xf32, #tpu.memory_space<vmem_shared>>
      %dma_start3A_107 = arith.constant 0 : i32
      %dma_start3A_108 = tpu.memref_slice %arg17[%add3A_96, %dma_start3A_107] : memref<10240x128xf32, #tpu.memory_space<vmem_shared>> -> memref<64x128xf32, #tpu.memory_space<vmem_shared>>
      tpu.enqueue_dma source(%dma_start3A_108 : memref<64x128xf32, #tpu.memory_space<vmem_shared>>) target(%arg11 : memref<64x128xf32, #tpu.memory_space<vmem>>) target_semaphore(%run_scoped3A : memref<!tpu.dma_semaphore, #tpu.memory_space<semaphore_mem>>)
      %dma_wait3A = arith.constant 0 : i32
      %dma_wait3A_109 = tpu.memref_slice %arg17[%add3A_96, %dma_wait3A] : memref<10240x128xf32, #tpu.memory_space<vmem_shared>> -> memref<64x128xf32, #tpu.memory_space<vmem_shared>>
      %dma_wait3A_110 = arith.constant 0 : i32
      %dma_wait3A_111 = tpu.memref_slice %arg17[%add3A_96, %dma_wait3A_110] : memref<10240x128xf32, #tpu.memory_space<vmem_shared>> -> memref<64x128xf32, #tpu.memory_space<vmem_shared>>
      tpu.wait_dma2 semaphore(%run_scoped3A : memref<!tpu.dma_semaphore, #tpu.memory_space<semaphore_mem>>) src(%dma_wait3A_111 : memref<64x128xf32, #tpu.memory_space<vmem_shared>>) dst(%arg11 : memref<64x128xf32, #tpu.memory_space<vmem>>)
      tpu.yield
    }) : () -> ()
    "tpu.region"() ({
      %run_scoped3A = tpu.sem_alloc : memref<!tpu.dma_semaphore, #tpu.memory_space<semaphore_mem>>
      %dma_start3A_105 = arith.constant 0 : i32
      %dma_start3A_106 = tpu.memref_slice %arg6[%arg0, %add3A_96, %dma_start3A_105] : memref<2x10240x128xf32, #tpu.memory_space<hbm>> -> memref<1x64x128xf32, #tpu.memory_space<hbm>>
      %dma_start3A_107 = tpu.memref_squeeze %dma_start3A_106 : memref<1x64x128xf32, #tpu.memory_space<hbm>> -> memref<64x128xf32, #tpu.memory_space<hbm>>
      %dma_start3A_108 = arith.constant 0 : i32
      %dma_start3A_109 = tpu.memref_slice %arg6[%arg0, %add3A_96, %dma_start3A_108] : memref<2x10240x128xf32, #tpu.memory_space<hbm>> -> memref<1x64x128xf32, #tpu.memory_space<hbm>>
      %dma_start3A_110 = tpu.memref_squeeze %dma_start3A_109 : memref<1x64x128xf32, #tpu.memory_space<hbm>> -> memref<64x128xf32, #tpu.memory_space<hbm>>
      tpu.enqueue_dma source(%arg11 : memref<64x128xf32, #tpu.memory_space<vmem>>) target(%dma_start3A_110 : memref<64x128xf32, #tpu.memory_space<hbm>>) target_semaphore(%run_scoped3A : memref<!tpu.dma_semaphore, #tpu.memory_space<semaphore_mem>>)
      %dma_wait3A = arith.constant 0 : i32
      %dma_wait3A_111 = tpu.memref_slice %arg6[%arg0, %add3A_96, %dma_wait3A] : memref<2x10240x128xf32, #tpu.memory_space<hbm>> -> memref<1x64x128xf32, #tpu.memory_space<hbm>>
      %dma_wait3A_112 = tpu.memref_squeeze %dma_wait3A_111 : memref<1x64x128xf32, #tpu.memory_space<hbm>> -> memref<64x128xf32, #tpu.memory_space<hbm>>
      %dma_wait3A_113 = arith.constant 0 : i32
      %dma_wait3A_114 = tpu.memref_slice %arg6[%arg0, %add3A_96, %dma_wait3A_113] : memref<2x10240x128xf32, #tpu.memory_space<hbm>> -> memref<1x64x128xf32, #tpu.memory_space<hbm>>
      %dma_wait3A_115 = tpu.memref_squeeze %dma_wait3A_114 : memref<1x64x128xf32, #tpu.memory_space<hbm>> -> memref<64x128xf32, #tpu.memory_space<hbm>>
      tpu.wait_dma2 semaphore(%run_scoped3A : memref<!tpu.dma_semaphore, #tpu.memory_space<semaphore_mem>>) src(%arg11 : memref<64x128xf32, #tpu.memory_space<vmem>>) dst(%dma_wait3A_115 : memref<64x128xf32, #tpu.memory_space<hbm>>)
      tpu.yield
    }) : () -> ()
    %mul3A_97 = arith.constant 640 : i32
    %mul3A_98 = arith.muli %arg1, %mul3A_97 : i32
    %add3A_99 = arith.constant 512 : i32
    %add3A_100 = arith.addi %mul3A_98, %add3A_99 : i32
    "tpu.region"() ({
      %run_scoped3A = tpu.sem_alloc : memref<!tpu.dma_semaphore, #tpu.memory_space<semaphore_mem>>
      %dma_start3A_105 = arith.constant 0 : i32
      %dma_start3A_106 = tpu.memref_slice %arg17[%add3A_100, %dma_start3A_105] : memref<10240x128xf32, #tpu.memory_space<vmem_shared>> -> memref<64x128xf32, #tpu.memory_space<vmem_shared>>
      %dma_start3A_107 = arith.constant 0 : i32
      %dma_start3A_108 = tpu.memref_slice %arg17[%add3A_100, %dma_start3A_107] : memref<10240x128xf32, #tpu.memory_space<vmem_shared>> -> memref<64x128xf32, #tpu.memory_space<vmem_shared>>
      tpu.enqueue_dma source(%dma_start3A_108 : memref<64x128xf32, #tpu.memory_space<vmem_shared>>) target(%arg11 : memref<64x128xf32, #tpu.memory_space<vmem>>) target_semaphore(%run_scoped3A : memref<!tpu.dma_semaphore, #tpu.memory_space<semaphore_mem>>)
      %dma_wait3A = arith.constant 0 : i32
      %dma_wait3A_109 = tpu.memref_slice %arg17[%add3A_100, %dma_wait3A] : memref<10240x128xf32, #tpu.memory_space<vmem_shared>> -> memref<64x128xf32, #tpu.memory_space<vmem_shared>>
      %dma_wait3A_110 = arith.constant 0 : i32
      %dma_wait3A_111 = tpu.memref_slice %arg17[%add3A_100, %dma_wait3A_110] : memref<10240x128xf32, #tpu.memory_space<vmem_shared>> -> memref<64x128xf32, #tpu.memory_space<vmem_shared>>
      tpu.wait_dma2 semaphore(%run_scoped3A : memref<!tpu.dma_semaphore, #tpu.memory_space<semaphore_mem>>) src(%dma_wait3A_111 : memref<64x128xf32, #tpu.memory_space<vmem_shared>>) dst(%arg11 : memref<64x128xf32, #tpu.memory_space<vmem>>)
      tpu.yield
    }) : () -> ()
    "tpu.region"() ({
      %run_scoped3A = tpu.sem_alloc : memref<!tpu.dma_semaphore, #tpu.memory_space<semaphore_mem>>
      %dma_start3A_105 = arith.constant 0 : i32
      %dma_start3A_106 = tpu.memref_slice %arg6[%arg0, %add3A_100, %dma_start3A_105] : memref<2x10240x128xf32, #tpu.memory_space<hbm>> -> memref<1x64x128xf32, #tpu.memory_space<hbm>>
      %dma_start3A_107 = tpu.memref_squeeze %dma_start3A_106 : memref<1x64x128xf32, #tpu.memory_space<hbm>> -> memref<64x128xf32, #tpu.memory_space<hbm>>
      %dma_start3A_108 = arith.constant 0 : i32
      %dma_start3A_109 = tpu.memref_slice %arg6[%arg0, %add3A_100, %dma_start3A_108] : memref<2x10240x128xf32, #tpu.memory_space<hbm>> -> memref<1x64x128xf32, #tpu.memory_space<hbm>>
      %dma_start3A_110 = tpu.memref_squeeze %dma_start3A_109 : memref<1x64x128xf32, #tpu.memory_space<hbm>> -> memref<64x128xf32, #tpu.memory_space<hbm>>
      tpu.enqueue_dma source(%arg11 : memref<64x128xf32, #tpu.memory_space<vmem>>) target(%dma_start3A_110 : memref<64x128xf32, #tpu.memory_space<hbm>>) target_semaphore(%run_scoped3A : memref<!tpu.dma_semaphore, #tpu.memory_space<semaphore_mem>>)
      %dma_wait3A = arith.constant 0 : i32
      %dma_wait3A_111 = tpu.memref_slice %arg6[%arg0, %add3A_100, %dma_wait3A] : memref<2x10240x128xf32, #tpu.memory_space<hbm>> -> memref<1x64x128xf32, #tpu.memory_space<hbm>>
      %dma_wait3A_112 = tpu.memref_squeeze %dma_wait3A_111 : memref<1x64x128xf32, #tpu.memory_space<hbm>> -> memref<64x128xf32, #tpu.memory_space<hbm>>
      %dma_wait3A_113 = arith.constant 0 : i32
      %dma_wait3A_114 = tpu.memref_slice %arg6[%arg0, %add3A_100, %dma_wait3A_113] : memref<2x10240x128xf32, #tpu.memory_space<hbm>> -> memref<1x64x128xf32, #tpu.memory_space<hbm>>
      %dma_wait3A_115 = tpu.memref_squeeze %dma_wait3A_114 : memref<1x64x128xf32, #tpu.memory_space<hbm>> -> memref<64x128xf32, #tpu.memory_space<hbm>>
      tpu.wait_dma2 semaphore(%run_scoped3A : memref<!tpu.dma_semaphore, #tpu.memory_space<semaphore_mem>>) src(%arg11 : memref<64x128xf32, #tpu.memory_space<vmem>>) dst(%dma_wait3A_115 : memref<64x128xf32, #tpu.memory_space<hbm>>)
      tpu.yield
    }) : () -> ()
    %mul3A_101 = arith.constant 640 : i32
    %mul3A_102 = arith.muli %arg1, %mul3A_101 : i32
    %add3A_103 = arith.constant 576 : i32
    %add3A_104 = arith.addi %mul3A_102, %add3A_103 : i32
    "tpu.region"() ({
      %run_scoped3A = tpu.sem_alloc : memref<!tpu.dma_semaphore, #tpu.memory_space<semaphore_mem>>
      %dma_start3A_105 = arith.constant 0 : i32
      %dma_start3A_106 = tpu.memref_slice %arg17[%add3A_104, %dma_start3A_105] : memref<10240x128xf32, #tpu.memory_space<vmem_shared>> -> memref<64x128xf32, #tpu.memory_space<vmem_shared>>
      %dma_start3A_107 = arith.constant 0 : i32
      %dma_start3A_108 = tpu.memref_slice %arg17[%add3A_104, %dma_start3A_107] : memref<10240x128xf32, #tpu.memory_space<vmem_shared>> -> memref<64x128xf32, #tpu.memory_space<vmem_shared>>
      tpu.enqueue_dma source(%dma_start3A_108 : memref<64x128xf32, #tpu.memory_space<vmem_shared>>) target(%arg11 : memref<64x128xf32, #tpu.memory_space<vmem>>) target_semaphore(%run_scoped3A : memref<!tpu.dma_semaphore, #tpu.memory_space<semaphore_mem>>)
      %dma_wait3A = arith.constant 0 : i32
      %dma_wait3A_109 = tpu.memref_slice %arg17[%add3A_104, %dma_wait3A] : memref<10240x128xf32, #tpu.memory_space<vmem_shared>> -> memref<64x128xf32, #tpu.memory_space<vmem_shared>>
      %dma_wait3A_110 = arith.constant 0 : i32
      %dma_wait3A_111 = tpu.memref_slice %arg17[%add3A_104, %dma_wait3A_110] : memref<10240x128xf32, #tpu.memory_space<vmem_shared>> -> memref<64x128xf32, #tpu.memory_space<vmem_shared>>
      tpu.wait_dma2 semaphore(%run_scoped3A : memref<!tpu.dma_semaphore, #tpu.memory_space<semaphore_mem>>) src(%dma_wait3A_111 : memref<64x128xf32, #tpu.memory_space<vmem_shared>>) dst(%arg11 : memref<64x128xf32, #tpu.memory_space<vmem>>)
      tpu.yield
    }) : () -> ()
    "tpu.region"() ({
      %run_scoped3A = tpu.sem_alloc : memref<!tpu.dma_semaphore, #tpu.memory_space<semaphore_mem>>
      %dma_start3A_105 = arith.constant 0 : i32
      %dma_start3A_106 = tpu.memref_slice %arg6[%arg0, %add3A_104, %dma_start3A_105] : memref<2x10240x128xf32, #tpu.memory_space<hbm>> -> memref<1x64x128xf32, #tpu.memory_space<hbm>>
      %dma_start3A_107 = tpu.memref_squeeze %dma_start3A_106 : memref<1x64x128xf32, #tpu.memory_space<hbm>> -> memref<64x128xf32, #tpu.memory_space<hbm>>
      %dma_start3A_108 = arith.constant 0 : i32
      %dma_start3A_109 = tpu.memref_slice %arg6[%arg0, %add3A_104, %dma_start3A_108] : memref<2x10240x128xf32, #tpu.memory_space<hbm>> -> memref<1x64x128xf32, #tpu.memory_space<hbm>>
      %dma_start3A_110 = tpu.memref_squeeze %dma_start3A_109 : memref<1x64x128xf32, #tpu.memory_space<hbm>> -> memref<64x128xf32, #tpu.memory_space<hbm>>
      tpu.enqueue_dma source(%arg11 : memref<64x128xf32, #tpu.memory_space<vmem>>) target(%dma_start3A_110 : memref<64x128xf32, #tpu.memory_space<hbm>>) target_semaphore(%run_scoped3A : memref<!tpu.dma_semaphore, #tpu.memory_space<semaphore_mem>>)
      %dma_wait3A = arith.constant 0 : i32
      %dma_wait3A_111 = tpu.memref_slice %arg6[%arg0, %add3A_104, %dma_wait3A] : memref<2x10240x128xf32, #tpu.memory_space<hbm>> -> memref<1x64x128xf32, #tpu.memory_space<hbm>>
      %dma_wait3A_112 = tpu.memref_squeeze %dma_wait3A_111 : memref<1x64x128xf32, #tpu.memory_space<hbm>> -> memref<64x128xf32, #tpu.memory_space<hbm>>
      %dma_wait3A_113 = arith.constant 0 : i32
      %dma_wait3A_114 = tpu.memref_slice %arg6[%arg0, %add3A_104, %dma_wait3A_113] : memref<2x10240x128xf32, #tpu.memory_space<hbm>> -> memref<1x64x128xf32, #tpu.memory_space<hbm>>
      %dma_wait3A_115 = tpu.memref_squeeze %dma_wait3A_114 : memref<1x64x128xf32, #tpu.memory_space<hbm>> -> memref<64x128xf32, #tpu.memory_space<hbm>>
      tpu.wait_dma2 semaphore(%run_scoped3A : memref<!tpu.dma_semaphore, #tpu.memory_space<semaphore_mem>>) src(%arg11 : memref<64x128xf32, #tpu.memory_space<vmem>>) dst(%dma_wait3A_115 : memref<64x128xf32, #tpu.memory_space<hbm>>)
      tpu.yield
    }) : () -> ()
    return
  }
}

#map = affine_map<(d0, d1) -> (0)>
#map1 = affine_map<(d0, d1) -> (0, 0)>
#map2 = affine_map<(d0, d1) -> (0, 0, 0)>
module attributes {stable_mosaic.version = 14 : i64} {
  func.func @_edge2(%arg0: i32, %arg1: i32, %arg2: memref<172032xi32, #tpu.memory_space<hbm>>, %arg3: memref<172032xi32, #tpu.memory_space<hbm>>, %arg4: memref<10240x128xf32, #tpu.memory_space<hbm>>, %arg5: memref<10240xf32, #tpu.memory_space<hbm>>, %arg6: memref<10240xf32, #tpu.memory_space<hbm>>, %arg7: memref<2x10240x128xf32, #tpu.memory_space<hbm>>, %arg8: memref<2x16x10240xf32, #tpu.memory_space<hbm>>, %arg9: memref<64xi32, #tpu.memory_space<vmem>>, %arg10: memref<64xi32, #tpu.memory_space<vmem>>, %arg11: memref<64xi32, #tpu.memory_space<vmem>>, %arg12: memref<64xi32, #tpu.memory_space<vmem>>, %arg13: memref<64x128xf32, #tpu.memory_space<vmem>>, %arg14: memref<64x128xf32, #tpu.memory_space<vmem>>, %arg15: memref<64xf32, #tpu.memory_space<vmem>>, %arg16: memref<10240xf32, #tpu.memory_space<vmem>>, %arg17: memref<10240xf32, #tpu.memory_space<vmem>>, %arg18: memref<10240xf32, #tpu.memory_space<vmem>>, %arg19: memref<!tpu.dma_semaphore, #tpu.memory_space<semaphore_mem>>, %arg20: memref<!tpu.dma_semaphore, #tpu.memory_space<semaphore_mem>>, %arg21: memref<10240x128xf32, #tpu.memory_space<vmem_shared>>) attributes {dimension_semantics = [#tpu.dimension_semantics<core_parallel>, #tpu.dimension_semantics<subcore_parallel>], iteration_bounds = array<i64: 2, 16>, scalar_prefetch = 0 : i64, scratch_operands = 13 : i64, tpu.core_type = #tpu.core_type<sc_vector_subcore>, window_params = [{transform_indices = #map}, {transform_indices = #map}, {transform_indices = #map1}, {transform_indices = #map}, {transform_indices = #map}, {transform_indices = #map2}, {transform_indices = #map2}]} {
    %mul3A = arith.constant 2 : i32
    %mul3A_0 = arith.muli %arg1, %mul3A : i32
    %add3A = arith.addi %mul3A_0, %arg0 : i32
    %mul3A_1 = arith.constant 5376 : i32
    %mul3A_2 = arith.muli %add3A, %mul3A_1 : i32
    %broadcast_in_dim3A = arith.constant 0.000000e+00 : f32
    %broadcast_in_dim3A_3 = vector.broadcast %broadcast_in_dim3A : f32 to vector<16xf32>
    "tpu.region"() ({
      %run_scoped3A = tpu.sem_alloc : memref<!tpu.dma_semaphore, #tpu.memory_space<semaphore_mem>>
      tpu.enqueue_dma source(%arg5 : memref<10240xf32, #tpu.memory_space<hbm>>) target(%arg16 : memref<10240xf32, #tpu.memory_space<vmem>>) target_semaphore(%run_scoped3A : memref<!tpu.dma_semaphore, #tpu.memory_space<semaphore_mem>>)
      tpu.wait_dma2 semaphore(%run_scoped3A : memref<!tpu.dma_semaphore, #tpu.memory_space<semaphore_mem>>) src(%arg5 : memref<10240xf32, #tpu.memory_space<hbm>>) dst(%arg16 : memref<10240xf32, #tpu.memory_space<vmem>>)
      tpu.yield
    }) : () -> ()
    "tpu.region"() ({
      %run_scoped3A = tpu.sem_alloc : memref<!tpu.dma_semaphore, #tpu.memory_space<semaphore_mem>>
      tpu.enqueue_dma source(%arg6 : memref<10240xf32, #tpu.memory_space<hbm>>) target(%arg17 : memref<10240xf32, #tpu.memory_space<vmem>>) target_semaphore(%run_scoped3A : memref<!tpu.dma_semaphore, #tpu.memory_space<semaphore_mem>>)
      tpu.wait_dma2 semaphore(%run_scoped3A : memref<!tpu.dma_semaphore, #tpu.memory_space<semaphore_mem>>) src(%arg6 : memref<10240xf32, #tpu.memory_space<hbm>>) dst(%arg17 : memref<10240xf32, #tpu.memory_space<vmem>>)
      tpu.yield
    }) : () -> ()
    %scan3A = arith.constant 0 : i32
    %scan3A_4 = arith.constant 0 : i32
    %scan3A_5 = arith.constant 640 : i32
    %scan3A_6 = arith.addi %scan3A_4, %scan3A_5 : i32
    %scan3A_7 = arith.constant 1 : i32
    %scan3A_8 = scf.for %scan3A_109 = %scan3A_4 to %scan3A_6 step %scan3A_7 iter_args(%scan3A_110 = %scan3A) -> (i32)  : i32 {
      %mul3A_111 = arith.constant 16 : i32
      %mul3A_112 = arith.muli %scan3A_109, %mul3A_111 : i32
      %swap3A = arith.index_cast %mul3A_112 : i32 to index
      %swap3A_113 = tpu.vector_load %arg18[%swap3A] {strides = array<i32>} : memref<10240xf32, #tpu.memory_space<vmem>>, vector<16xf32>,
      tpu.vector_store %arg18[%swap3A], %broadcast_in_dim3A_3 {strides = array<i32>} : memref<10240xf32, #tpu.memory_space<vmem>>, vector<16xf32>,
      %scan3A_114 = arith.constant 0 : i32
      scf.yield %scan3A_114 : i32
    }
    %scan3A_9 = arith.constant 640 : i32
    %scan3A_10 = arith.constant 0 : i32
    %scan3A_11 = arith.constant 0 : i32
    %scan3A_12 = arith.constant 64 : i32
    %scan3A_13 = arith.addi %scan3A_11, %scan3A_12 : i32
    %scan3A_14 = arith.constant 1 : i32
    %scan3A_15 = scf.for %scan3A_109 = %scan3A_11 to %scan3A_13 step %scan3A_14 iter_args(%scan3A_110 = %scan3A_10) -> (i32)  : i32 {
      %swap3A = arith.index_cast %scan3A_109 : i32 to index
      %swap3A_111 = arith.constant 0 : index
      %swap3A_112 = tpu.vector_load %arg13[%swap3A, %swap3A_111] {strides = array<i32>} : memref<64x128xf32, #tpu.memory_space<vmem>>, vector<16xf32>,
      tpu.vector_store %arg13[%swap3A, %swap3A_111], %broadcast_in_dim3A_3 {strides = array<i32>} : memref<64x128xf32, #tpu.memory_space<vmem>>, vector<16xf32>,
      %swap3A_113 = arith.index_cast %scan3A_109 : i32 to index
      %swap3A_114 = arith.constant 16 : index
      %swap3A_115 = tpu.vector_load %arg13[%swap3A_113, %swap3A_114] {strides = array<i32>} : memref<64x128xf32, #tpu.memory_space<vmem>>, vector<16xf32>,
      tpu.vector_store %arg13[%swap3A_113, %swap3A_114], %broadcast_in_dim3A_3 {strides = array<i32>} : memref<64x128xf32, #tpu.memory_space<vmem>>, vector<16xf32>,
      %swap3A_116 = arith.index_cast %scan3A_109 : i32 to index
      %swap3A_117 = arith.constant 32 : index
      %swap3A_118 = tpu.vector_load %arg13[%swap3A_116, %swap3A_117] {strides = array<i32>} : memref<64x128xf32, #tpu.memory_space<vmem>>, vector<16xf32>,
      tpu.vector_store %arg13[%swap3A_116, %swap3A_117], %broadcast_in_dim3A_3 {strides = array<i32>} : memref<64x128xf32, #tpu.memory_space<vmem>>, vector<16xf32>,
      %swap3A_119 = arith.index_cast %scan3A_109 : i32 to index
      %swap3A_120 = arith.constant 48 : index
      %swap3A_121 = tpu.vector_load %arg13[%swap3A_119, %swap3A_120] {strides = array<i32>} : memref<64x128xf32, #tpu.memory_space<vmem>>, vector<16xf32>,
      tpu.vector_store %arg13[%swap3A_119, %swap3A_120], %broadcast_in_dim3A_3 {strides = array<i32>} : memref<64x128xf32, #tpu.memory_space<vmem>>, vector<16xf32>,
      %swap3A_122 = arith.index_cast %scan3A_109 : i32 to index
      %swap3A_123 = arith.constant 64 : index
      %swap3A_124 = tpu.vector_load %arg13[%swap3A_122, %swap3A_123] {strides = array<i32>} : memref<64x128xf32, #tpu.memory_space<vmem>>, vector<16xf32>,
      tpu.vector_store %arg13[%swap3A_122, %swap3A_123], %broadcast_in_dim3A_3 {strides = array<i32>} : memref<64x128xf32, #tpu.memory_space<vmem>>, vector<16xf32>,
      %swap3A_125 = arith.index_cast %scan3A_109 : i32 to index
      %swap3A_126 = arith.constant 80 : index
      %swap3A_127 = tpu.vector_load %arg13[%swap3A_125, %swap3A_126] {strides = array<i32>} : memref<64x128xf32, #tpu.memory_space<vmem>>, vector<16xf32>,
      tpu.vector_store %arg13[%swap3A_125, %swap3A_126], %broadcast_in_dim3A_3 {strides = array<i32>} : memref<64x128xf32, #tpu.memory_space<vmem>>, vector<16xf32>,
      %swap3A_128 = arith.index_cast %scan3A_109 : i32 to index
      %swap3A_129 = arith.constant 96 : index
      %swap3A_130 = tpu.vector_load %arg13[%swap3A_128, %swap3A_129] {strides = array<i32>} : memref<64x128xf32, #tpu.memory_space<vmem>>, vector<16xf32>,
      tpu.vector_store %arg13[%swap3A_128, %swap3A_129], %broadcast_in_dim3A_3 {strides = array<i32>} : memref<64x128xf32, #tpu.memory_space<vmem>>, vector<16xf32>,
      %swap3A_131 = arith.index_cast %scan3A_109 : i32 to index
      %swap3A_132 = arith.constant 112 : index
      %swap3A_133 = tpu.vector_load %arg13[%swap3A_131, %swap3A_132] {strides = array<i32>} : memref<64x128xf32, #tpu.memory_space<vmem>>, vector<16xf32>,
      tpu.vector_store %arg13[%swap3A_131, %swap3A_132], %broadcast_in_dim3A_3 {strides = array<i32>} : memref<64x128xf32, #tpu.memory_space<vmem>>, vector<16xf32>,
      %scan3A_134 = arith.constant 0 : i32
      scf.yield %scan3A_134 : i32
    }
    %scan3A_16 = arith.constant 64 : i32
    %mul3A_17 = arith.constant 640 : i32
    %mul3A_18 = arith.muli %arg1, %mul3A_17 : i32
    %add3A_19 = arith.constant 0 : i32
    %add3A_20 = arith.addi %mul3A_18, %add3A_19 : i32
    "tpu.region"() ({
      %run_scoped3A = tpu.sem_alloc : memref<!tpu.dma_semaphore, #tpu.memory_space<semaphore_mem>>
      %dma_start3A_109 = arith.constant 0 : i32
      %dma_start3A_110 = tpu.memref_slice %arg21[%add3A_20, %dma_start3A_109] : memref<10240x128xf32, #tpu.memory_space<vmem_shared>> -> memref<64x128xf32, #tpu.memory_space<vmem_shared>>
      %dma_start3A_111 = arith.constant 0 : i32
      %dma_start3A_112 = tpu.memref_slice %arg21[%add3A_20, %dma_start3A_111] : memref<10240x128xf32, #tpu.memory_space<vmem_shared>> -> memref<64x128xf32, #tpu.memory_space<vmem_shared>>
      tpu.enqueue_dma source(%arg13 : memref<64x128xf32, #tpu.memory_space<vmem>>) target(%dma_start3A_112 : memref<64x128xf32, #tpu.memory_space<vmem_shared>>) target_semaphore(%run_scoped3A : memref<!tpu.dma_semaphore, #tpu.memory_space<semaphore_mem>>)
      %dma_wait3A = arith.constant 0 : i32
      %dma_wait3A_113 = tpu.memref_slice %arg21[%add3A_20, %dma_wait3A] : memref<10240x128xf32, #tpu.memory_space<vmem_shared>> -> memref<64x128xf32, #tpu.memory_space<vmem_shared>>
      %dma_wait3A_114 = arith.constant 0 : i32
      %dma_wait3A_115 = tpu.memref_slice %arg21[%add3A_20, %dma_wait3A_114] : memref<10240x128xf32, #tpu.memory_space<vmem_shared>> -> memref<64x128xf32, #tpu.memory_space<vmem_shared>>
      tpu.wait_dma2 semaphore(%run_scoped3A : memref<!tpu.dma_semaphore, #tpu.memory_space<semaphore_mem>>) src(%arg13 : memref<64x128xf32, #tpu.memory_space<vmem>>) dst(%dma_wait3A_115 : memref<64x128xf32, #tpu.memory_space<vmem_shared>>)
      tpu.yield
    }) : () -> ()
    %mul3A_21 = arith.constant 640 : i32
    %mul3A_22 = arith.muli %arg1, %mul3A_21 : i32
    %add3A_23 = arith.constant 64 : i32
    %add3A_24 = arith.addi %mul3A_22, %add3A_23 : i32
    "tpu.region"() ({
      %run_scoped3A = tpu.sem_alloc : memref<!tpu.dma_semaphore, #tpu.memory_space<semaphore_mem>>
      %dma_start3A_109 = arith.constant 0 : i32
      %dma_start3A_110 = tpu.memref_slice %arg21[%add3A_24, %dma_start3A_109] : memref<10240x128xf32, #tpu.memory_space<vmem_shared>> -> memref<64x128xf32, #tpu.memory_space<vmem_shared>>
      %dma_start3A_111 = arith.constant 0 : i32
      %dma_start3A_112 = tpu.memref_slice %arg21[%add3A_24, %dma_start3A_111] : memref<10240x128xf32, #tpu.memory_space<vmem_shared>> -> memref<64x128xf32, #tpu.memory_space<vmem_shared>>
      tpu.enqueue_dma source(%arg13 : memref<64x128xf32, #tpu.memory_space<vmem>>) target(%dma_start3A_112 : memref<64x128xf32, #tpu.memory_space<vmem_shared>>) target_semaphore(%run_scoped3A : memref<!tpu.dma_semaphore, #tpu.memory_space<semaphore_mem>>)
      %dma_wait3A = arith.constant 0 : i32
      %dma_wait3A_113 = tpu.memref_slice %arg21[%add3A_24, %dma_wait3A] : memref<10240x128xf32, #tpu.memory_space<vmem_shared>> -> memref<64x128xf32, #tpu.memory_space<vmem_shared>>
      %dma_wait3A_114 = arith.constant 0 : i32
      %dma_wait3A_115 = tpu.memref_slice %arg21[%add3A_24, %dma_wait3A_114] : memref<10240x128xf32, #tpu.memory_space<vmem_shared>> -> memref<64x128xf32, #tpu.memory_space<vmem_shared>>
      tpu.wait_dma2 semaphore(%run_scoped3A : memref<!tpu.dma_semaphore, #tpu.memory_space<semaphore_mem>>) src(%arg13 : memref<64x128xf32, #tpu.memory_space<vmem>>) dst(%dma_wait3A_115 : memref<64x128xf32, #tpu.memory_space<vmem_shared>>)
      tpu.yield
    }) : () -> ()
    %mul3A_25 = arith.constant 640 : i32
    %mul3A_26 = arith.muli %arg1, %mul3A_25 : i32
    %add3A_27 = arith.constant 128 : i32
    %add3A_28 = arith.addi %mul3A_26, %add3A_27 : i32
    "tpu.region"() ({
      %run_scoped3A = tpu.sem_alloc : memref<!tpu.dma_semaphore, #tpu.memory_space<semaphore_mem>>
      %dma_start3A_109 = arith.constant 0 : i32
      %dma_start3A_110 = tpu.memref_slice %arg21[%add3A_28, %dma_start3A_109] : memref<10240x128xf32, #tpu.memory_space<vmem_shared>> -> memref<64x128xf32, #tpu.memory_space<vmem_shared>>
      %dma_start3A_111 = arith.constant 0 : i32
      %dma_start3A_112 = tpu.memref_slice %arg21[%add3A_28, %dma_start3A_111] : memref<10240x128xf32, #tpu.memory_space<vmem_shared>> -> memref<64x128xf32, #tpu.memory_space<vmem_shared>>
      tpu.enqueue_dma source(%arg13 : memref<64x128xf32, #tpu.memory_space<vmem>>) target(%dma_start3A_112 : memref<64x128xf32, #tpu.memory_space<vmem_shared>>) target_semaphore(%run_scoped3A : memref<!tpu.dma_semaphore, #tpu.memory_space<semaphore_mem>>)
      %dma_wait3A = arith.constant 0 : i32
      %dma_wait3A_113 = tpu.memref_slice %arg21[%add3A_28, %dma_wait3A] : memref<10240x128xf32, #tpu.memory_space<vmem_shared>> -> memref<64x128xf32, #tpu.memory_space<vmem_shared>>
      %dma_wait3A_114 = arith.constant 0 : i32
      %dma_wait3A_115 = tpu.memref_slice %arg21[%add3A_28, %dma_wait3A_114] : memref<10240x128xf32, #tpu.memory_space<vmem_shared>> -> memref<64x128xf32, #tpu.memory_space<vmem_shared>>
      tpu.wait_dma2 semaphore(%run_scoped3A : memref<!tpu.dma_semaphore, #tpu.memory_space<semaphore_mem>>) src(%arg13 : memref<64x128xf32, #tpu.memory_space<vmem>>) dst(%dma_wait3A_115 : memref<64x128xf32, #tpu.memory_space<vmem_shared>>)
      tpu.yield
    }) : () -> ()
    %mul3A_29 = arith.constant 640 : i32
    %mul3A_30 = arith.muli %arg1, %mul3A_29 : i32
    %add3A_31 = arith.constant 192 : i32
    %add3A_32 = arith.addi %mul3A_30, %add3A_31 : i32
    "tpu.region"() ({
      %run_scoped3A = tpu.sem_alloc : memref<!tpu.dma_semaphore, #tpu.memory_space<semaphore_mem>>
      %dma_start3A_109 = arith.constant 0 : i32
      %dma_start3A_110 = tpu.memref_slice %arg21[%add3A_32, %dma_start3A_109] : memref<10240x128xf32, #tpu.memory_space<vmem_shared>> -> memref<64x128xf32, #tpu.memory_space<vmem_shared>>
      %dma_start3A_111 = arith.constant 0 : i32
      %dma_start3A_112 = tpu.memref_slice %arg21[%add3A_32, %dma_start3A_111] : memref<10240x128xf32, #tpu.memory_space<vmem_shared>> -> memref<64x128xf32, #tpu.memory_space<vmem_shared>>
      tpu.enqueue_dma source(%arg13 : memref<64x128xf32, #tpu.memory_space<vmem>>) target(%dma_start3A_112 : memref<64x128xf32, #tpu.memory_space<vmem_shared>>) target_semaphore(%run_scoped3A : memref<!tpu.dma_semaphore, #tpu.memory_space<semaphore_mem>>)
      %dma_wait3A = arith.constant 0 : i32
      %dma_wait3A_113 = tpu.memref_slice %arg21[%add3A_32, %dma_wait3A] : memref<10240x128xf32, #tpu.memory_space<vmem_shared>> -> memref<64x128xf32, #tpu.memory_space<vmem_shared>>
      %dma_wait3A_114 = arith.constant 0 : i32
      %dma_wait3A_115 = tpu.memref_slice %arg21[%add3A_32, %dma_wait3A_114] : memref<10240x128xf32, #tpu.memory_space<vmem_shared>> -> memref<64x128xf32, #tpu.memory_space<vmem_shared>>
      tpu.wait_dma2 semaphore(%run_scoped3A : memref<!tpu.dma_semaphore, #tpu.memory_space<semaphore_mem>>) src(%arg13 : memref<64x128xf32, #tpu.memory_space<vmem>>) dst(%dma_wait3A_115 : memref<64x128xf32, #tpu.memory_space<vmem_shared>>)
      tpu.yield
    }) : () -> ()
    %mul3A_33 = arith.constant 640 : i32
    %mul3A_34 = arith.muli %arg1, %mul3A_33 : i32
    %add3A_35 = arith.constant 256 : i32
    %add3A_36 = arith.addi %mul3A_34, %add3A_35 : i32
    "tpu.region"() ({
      %run_scoped3A = tpu.sem_alloc : memref<!tpu.dma_semaphore, #tpu.memory_space<semaphore_mem>>
      %dma_start3A_109 = arith.constant 0 : i32
      %dma_start3A_110 = tpu.memref_slice %arg21[%add3A_36, %dma_start3A_109] : memref<10240x128xf32, #tpu.memory_space<vmem_shared>> -> memref<64x128xf32, #tpu.memory_space<vmem_shared>>
      %dma_start3A_111 = arith.constant 0 : i32
      %dma_start3A_112 = tpu.memref_slice %arg21[%add3A_36, %dma_start3A_111] : memref<10240x128xf32, #tpu.memory_space<vmem_shared>> -> memref<64x128xf32, #tpu.memory_space<vmem_shared>>
      tpu.enqueue_dma source(%arg13 : memref<64x128xf32, #tpu.memory_space<vmem>>) target(%dma_start3A_112 : memref<64x128xf32, #tpu.memory_space<vmem_shared>>) target_semaphore(%run_scoped3A : memref<!tpu.dma_semaphore, #tpu.memory_space<semaphore_mem>>)
      %dma_wait3A = arith.constant 0 : i32
      %dma_wait3A_113 = tpu.memref_slice %arg21[%add3A_36, %dma_wait3A] : memref<10240x128xf32, #tpu.memory_space<vmem_shared>> -> memref<64x128xf32, #tpu.memory_space<vmem_shared>>
      %dma_wait3A_114 = arith.constant 0 : i32
      %dma_wait3A_115 = tpu.memref_slice %arg21[%add3A_36, %dma_wait3A_114] : memref<10240x128xf32, #tpu.memory_space<vmem_shared>> -> memref<64x128xf32, #tpu.memory_space<vmem_shared>>
      tpu.wait_dma2 semaphore(%run_scoped3A : memref<!tpu.dma_semaphore, #tpu.memory_space<semaphore_mem>>) src(%arg13 : memref<64x128xf32, #tpu.memory_space<vmem>>) dst(%dma_wait3A_115 : memref<64x128xf32, #tpu.memory_space<vmem_shared>>)
      tpu.yield
    }) : () -> ()
    %mul3A_37 = arith.constant 640 : i32
    %mul3A_38 = arith.muli %arg1, %mul3A_37 : i32
    %add3A_39 = arith.constant 320 : i32
    %add3A_40 = arith.addi %mul3A_38, %add3A_39 : i32
    "tpu.region"() ({
      %run_scoped3A = tpu.sem_alloc : memref<!tpu.dma_semaphore, #tpu.memory_space<semaphore_mem>>
      %dma_start3A_109 = arith.constant 0 : i32
      %dma_start3A_110 = tpu.memref_slice %arg21[%add3A_40, %dma_start3A_109] : memref<10240x128xf32, #tpu.memory_space<vmem_shared>> -> memref<64x128xf32, #tpu.memory_space<vmem_shared>>
      %dma_start3A_111 = arith.constant 0 : i32
      %dma_start3A_112 = tpu.memref_slice %arg21[%add3A_40, %dma_start3A_111] : memref<10240x128xf32, #tpu.memory_space<vmem_shared>> -> memref<64x128xf32, #tpu.memory_space<vmem_shared>>
      tpu.enqueue_dma source(%arg13 : memref<64x128xf32, #tpu.memory_space<vmem>>) target(%dma_start3A_112 : memref<64x128xf32, #tpu.memory_space<vmem_shared>>) target_semaphore(%run_scoped3A : memref<!tpu.dma_semaphore, #tpu.memory_space<semaphore_mem>>)
      %dma_wait3A = arith.constant 0 : i32
      %dma_wait3A_113 = tpu.memref_slice %arg21[%add3A_40, %dma_wait3A] : memref<10240x128xf32, #tpu.memory_space<vmem_shared>> -> memref<64x128xf32, #tpu.memory_space<vmem_shared>>
      %dma_wait3A_114 = arith.constant 0 : i32
      %dma_wait3A_115 = tpu.memref_slice %arg21[%add3A_40, %dma_wait3A_114] : memref<10240x128xf32, #tpu.memory_space<vmem_shared>> -> memref<64x128xf32, #tpu.memory_space<vmem_shared>>
      tpu.wait_dma2 semaphore(%run_scoped3A : memref<!tpu.dma_semaphore, #tpu.memory_space<semaphore_mem>>) src(%arg13 : memref<64x128xf32, #tpu.memory_space<vmem>>) dst(%dma_wait3A_115 : memref<64x128xf32, #tpu.memory_space<vmem_shared>>)
      tpu.yield
    }) : () -> ()
    %mul3A_41 = arith.constant 640 : i32
    %mul3A_42 = arith.muli %arg1, %mul3A_41 : i32
    %add3A_43 = arith.constant 384 : i32
    %add3A_44 = arith.addi %mul3A_42, %add3A_43 : i32
    "tpu.region"() ({
      %run_scoped3A = tpu.sem_alloc : memref<!tpu.dma_semaphore, #tpu.memory_space<semaphore_mem>>
      %dma_start3A_109 = arith.constant 0 : i32
      %dma_start3A_110 = tpu.memref_slice %arg21[%add3A_44, %dma_start3A_109] : memref<10240x128xf32, #tpu.memory_space<vmem_shared>> -> memref<64x128xf32, #tpu.memory_space<vmem_shared>>
      %dma_start3A_111 = arith.constant 0 : i32
      %dma_start3A_112 = tpu.memref_slice %arg21[%add3A_44, %dma_start3A_111] : memref<10240x128xf32, #tpu.memory_space<vmem_shared>> -> memref<64x128xf32, #tpu.memory_space<vmem_shared>>
      tpu.enqueue_dma source(%arg13 : memref<64x128xf32, #tpu.memory_space<vmem>>) target(%dma_start3A_112 : memref<64x128xf32, #tpu.memory_space<vmem_shared>>) target_semaphore(%run_scoped3A : memref<!tpu.dma_semaphore, #tpu.memory_space<semaphore_mem>>)
      %dma_wait3A = arith.constant 0 : i32
      %dma_wait3A_113 = tpu.memref_slice %arg21[%add3A_44, %dma_wait3A] : memref<10240x128xf32, #tpu.memory_space<vmem_shared>> -> memref<64x128xf32, #tpu.memory_space<vmem_shared>>
      %dma_wait3A_114 = arith.constant 0 : i32
      %dma_wait3A_115 = tpu.memref_slice %arg21[%add3A_44, %dma_wait3A_114] : memref<10240x128xf32, #tpu.memory_space<vmem_shared>> -> memref<64x128xf32, #tpu.memory_space<vmem_shared>>
      tpu.wait_dma2 semaphore(%run_scoped3A : memref<!tpu.dma_semaphore, #tpu.memory_space<semaphore_mem>>) src(%arg13 : memref<64x128xf32, #tpu.memory_space<vmem>>) dst(%dma_wait3A_115 : memref<64x128xf32, #tpu.memory_space<vmem_shared>>)
      tpu.yield
    }) : () -> ()
    %mul3A_45 = arith.constant 640 : i32
    %mul3A_46 = arith.muli %arg1, %mul3A_45 : i32
    %add3A_47 = arith.constant 448 : i32
    %add3A_48 = arith.addi %mul3A_46, %add3A_47 : i32
    "tpu.region"() ({
      %run_scoped3A = tpu.sem_alloc : memref<!tpu.dma_semaphore, #tpu.memory_space<semaphore_mem>>
      %dma_start3A_109 = arith.constant 0 : i32
      %dma_start3A_110 = tpu.memref_slice %arg21[%add3A_48, %dma_start3A_109] : memref<10240x128xf32, #tpu.memory_space<vmem_shared>> -> memref<64x128xf32, #tpu.memory_space<vmem_shared>>
      %dma_start3A_111 = arith.constant 0 : i32
      %dma_start3A_112 = tpu.memref_slice %arg21[%add3A_48, %dma_start3A_111] : memref<10240x128xf32, #tpu.memory_space<vmem_shared>> -> memref<64x128xf32, #tpu.memory_space<vmem_shared>>
      tpu.enqueue_dma source(%arg13 : memref<64x128xf32, #tpu.memory_space<vmem>>) target(%dma_start3A_112 : memref<64x128xf32, #tpu.memory_space<vmem_shared>>) target_semaphore(%run_scoped3A : memref<!tpu.dma_semaphore, #tpu.memory_space<semaphore_mem>>)
      %dma_wait3A = arith.constant 0 : i32
      %dma_wait3A_113 = tpu.memref_slice %arg21[%add3A_48, %dma_wait3A] : memref<10240x128xf32, #tpu.memory_space<vmem_shared>> -> memref<64x128xf32, #tpu.memory_space<vmem_shared>>
      %dma_wait3A_114 = arith.constant 0 : i32
      %dma_wait3A_115 = tpu.memref_slice %arg21[%add3A_48, %dma_wait3A_114] : memref<10240x128xf32, #tpu.memory_space<vmem_shared>> -> memref<64x128xf32, #tpu.memory_space<vmem_shared>>
      tpu.wait_dma2 semaphore(%run_scoped3A : memref<!tpu.dma_semaphore, #tpu.memory_space<semaphore_mem>>) src(%arg13 : memref<64x128xf32, #tpu.memory_space<vmem>>) dst(%dma_wait3A_115 : memref<64x128xf32, #tpu.memory_space<vmem_shared>>)
      tpu.yield
    }) : () -> ()
    %mul3A_49 = arith.constant 640 : i32
    %mul3A_50 = arith.muli %arg1, %mul3A_49 : i32
    %add3A_51 = arith.constant 512 : i32
    %add3A_52 = arith.addi %mul3A_50, %add3A_51 : i32
    "tpu.region"() ({
      %run_scoped3A = tpu.sem_alloc : memref<!tpu.dma_semaphore, #tpu.memory_space<semaphore_mem>>
      %dma_start3A_109 = arith.constant 0 : i32
      %dma_start3A_110 = tpu.memref_slice %arg21[%add3A_52, %dma_start3A_109] : memref<10240x128xf32, #tpu.memory_space<vmem_shared>> -> memref<64x128xf32, #tpu.memory_space<vmem_shared>>
      %dma_start3A_111 = arith.constant 0 : i32
      %dma_start3A_112 = tpu.memref_slice %arg21[%add3A_52, %dma_start3A_111] : memref<10240x128xf32, #tpu.memory_space<vmem_shared>> -> memref<64x128xf32, #tpu.memory_space<vmem_shared>>
      tpu.enqueue_dma source(%arg13 : memref<64x128xf32, #tpu.memory_space<vmem>>) target(%dma_start3A_112 : memref<64x128xf32, #tpu.memory_space<vmem_shared>>) target_semaphore(%run_scoped3A : memref<!tpu.dma_semaphore, #tpu.memory_space<semaphore_mem>>)
      %dma_wait3A = arith.constant 0 : i32
      %dma_wait3A_113 = tpu.memref_slice %arg21[%add3A_52, %dma_wait3A] : memref<10240x128xf32, #tpu.memory_space<vmem_shared>> -> memref<64x128xf32, #tpu.memory_space<vmem_shared>>
      %dma_wait3A_114 = arith.constant 0 : i32
      %dma_wait3A_115 = tpu.memref_slice %arg21[%add3A_52, %dma_wait3A_114] : memref<10240x128xf32, #tpu.memory_space<vmem_shared>> -> memref<64x128xf32, #tpu.memory_space<vmem_shared>>
      tpu.wait_dma2 semaphore(%run_scoped3A : memref<!tpu.dma_semaphore, #tpu.memory_space<semaphore_mem>>) src(%arg13 : memref<64x128xf32, #tpu.memory_space<vmem>>) dst(%dma_wait3A_115 : memref<64x128xf32, #tpu.memory_space<vmem_shared>>)
      tpu.yield
    }) : () -> ()
    %mul3A_53 = arith.constant 640 : i32
    %mul3A_54 = arith.muli %arg1, %mul3A_53 : i32
    %add3A_55 = arith.constant 576 : i32
    %add3A_56 = arith.addi %mul3A_54, %add3A_55 : i32
    "tpu.region"() ({
      %run_scoped3A = tpu.sem_alloc : memref<!tpu.dma_semaphore, #tpu.memory_space<semaphore_mem>>
      %dma_start3A_109 = arith.constant 0 : i32
      %dma_start3A_110 = tpu.memref_slice %arg21[%add3A_56, %dma_start3A_109] : memref<10240x128xf32, #tpu.memory_space<vmem_shared>> -> memref<64x128xf32, #tpu.memory_space<vmem_shared>>
      %dma_start3A_111 = arith.constant 0 : i32
      %dma_start3A_112 = tpu.memref_slice %arg21[%add3A_56, %dma_start3A_111] : memref<10240x128xf32, #tpu.memory_space<vmem_shared>> -> memref<64x128xf32, #tpu.memory_space<vmem_shared>>
      tpu.enqueue_dma source(%arg13 : memref<64x128xf32, #tpu.memory_space<vmem>>) target(%dma_start3A_112 : memref<64x128xf32, #tpu.memory_space<vmem_shared>>) target_semaphore(%run_scoped3A : memref<!tpu.dma_semaphore, #tpu.memory_space<semaphore_mem>>)
      %dma_wait3A = arith.constant 0 : i32
      %dma_wait3A_113 = tpu.memref_slice %arg21[%add3A_56, %dma_wait3A] : memref<10240x128xf32, #tpu.memory_space<vmem_shared>> -> memref<64x128xf32, #tpu.memory_space<vmem_shared>>
      %dma_wait3A_114 = arith.constant 0 : i32
      %dma_wait3A_115 = tpu.memref_slice %arg21[%add3A_56, %dma_wait3A_114] : memref<10240x128xf32, #tpu.memory_space<vmem_shared>> -> memref<64x128xf32, #tpu.memory_space<vmem_shared>>
      tpu.wait_dma2 semaphore(%run_scoped3A : memref<!tpu.dma_semaphore, #tpu.memory_space<semaphore_mem>>) src(%arg13 : memref<64x128xf32, #tpu.memory_space<vmem>>) dst(%dma_wait3A_115 : memref<64x128xf32, #tpu.memory_space<vmem_shared>>)
      tpu.yield
    }) : () -> ()
    %barrier3A = arith.constant 0 : index
    tpu.barrier barrier_id(%barrier3A)
    %add3A_57 = arith.constant 0 : i32
    %add3A_58 = arith.addi %mul3A_2, %add3A_57 : i32
    "tpu.region"() ({
      %run_scoped3A = tpu.sem_alloc : memref<!tpu.dma_semaphore, #tpu.memory_space<semaphore_mem>>
      %dma_start3A_109 = tpu.memref_slice %arg2[%add3A_58] : memref<172032xi32, #tpu.memory_space<hbm>> -> memref<64xi32, #tpu.memory_space<hbm>>
      %dma_start3A_110 = tpu.memref_slice %arg2[%add3A_58] : memref<172032xi32, #tpu.memory_space<hbm>> -> memref<64xi32, #tpu.memory_space<hbm>>
      tpu.enqueue_dma source(%dma_start3A_110 : memref<64xi32, #tpu.memory_space<hbm>>) target(%arg9 : memref<64xi32, #tpu.memory_space<vmem>>) target_semaphore(%run_scoped3A : memref<!tpu.dma_semaphore, #tpu.memory_space<semaphore_mem>>)
      %dma_wait3A = tpu.memref_slice %arg2[%add3A_58] : memref<172032xi32, #tpu.memory_space<hbm>> -> memref<64xi32, #tpu.memory_space<hbm>>
      %dma_wait3A_111 = tpu.memref_slice %arg2[%add3A_58] : memref<172032xi32, #tpu.memory_space<hbm>> -> memref<64xi32, #tpu.memory_space<hbm>>
      tpu.wait_dma2 semaphore(%run_scoped3A : memref<!tpu.dma_semaphore, #tpu.memory_space<semaphore_mem>>) src(%dma_wait3A_111 : memref<64xi32, #tpu.memory_space<hbm>>) dst(%arg9 : memref<64xi32, #tpu.memory_space<vmem>>)
      tpu.yield
    }) : () -> ()
    "tpu.region"() ({
      %run_scoped3A = tpu.sem_alloc : memref<!tpu.dma_semaphore, #tpu.memory_space<semaphore_mem>>
      %dma_start3A_109 = tpu.memref_slice %arg3[%add3A_58] : memref<172032xi32, #tpu.memory_space<hbm>> -> memref<64xi32, #tpu.memory_space<hbm>>
      %dma_start3A_110 = tpu.memref_slice %arg3[%add3A_58] : memref<172032xi32, #tpu.memory_space<hbm>> -> memref<64xi32, #tpu.memory_space<hbm>>
      tpu.enqueue_dma source(%dma_start3A_110 : memref<64xi32, #tpu.memory_space<hbm>>) target(%arg11 : memref<64xi32, #tpu.memory_space<vmem>>) target_semaphore(%run_scoped3A : memref<!tpu.dma_semaphore, #tpu.memory_space<semaphore_mem>>)
      %dma_wait3A = tpu.memref_slice %arg3[%add3A_58] : memref<172032xi32, #tpu.memory_space<hbm>> -> memref<64xi32, #tpu.memory_space<hbm>>
      %dma_wait3A_111 = tpu.memref_slice %arg3[%add3A_58] : memref<172032xi32, #tpu.memory_space<hbm>> -> memref<64xi32, #tpu.memory_space<hbm>>
      tpu.wait_dma2 semaphore(%run_scoped3A : memref<!tpu.dma_semaphore, #tpu.memory_space<semaphore_mem>>) src(%dma_wait3A_111 : memref<64xi32, #tpu.memory_space<hbm>>) dst(%arg11 : memref<64xi32, #tpu.memory_space<vmem>>)
      tpu.yield
    }) : () -> ()
    %dma_start3A = arith.constant 0 : i32
    %dma_start3A_59 = arith.constant 0 : i32
    %dma_start3A_60 = tpu.memref_slice %arg4[%dma_start3A, %dma_start3A_59] : memref<10240x128xf32, #tpu.memory_space<hbm>> -> memref<10240x128xf32, #tpu.memory_space<hbm>>
    tpu.enqueue_indirect_dma source(%dma_start3A_60 : memref<10240x128xf32, #tpu.memory_space<hbm>>) target(%arg13 : memref<64x128xf32, #tpu.memory_space<vmem>>) offsets(%arg9 : memref<64xi32, #tpu.memory_space<vmem>>) semaphore(%arg19 : memref<!tpu.dma_semaphore, #tpu.memory_space<semaphore_mem>>)
    %scan3A_61 = arith.constant 0 : i32
    %scan3A_62 = arith.constant 0 : i32
    %scan3A_63 = arith.constant 42 : i32
    %scan3A_64 = arith.addi %scan3A_62, %scan3A_63 : i32
    %scan3A_65 = arith.constant 1 : i32
    %scan3A_66 = scf.for %scan3A_109 = %scan3A_62 to %scan3A_64 step %scan3A_65 iter_args(%scan3A_110 = %scan3A_61) -> (i32)  : i32 {
      %mul3A_111 = arith.constant 2 : i32
      %mul3A_112 = arith.muli %mul3A_111, %scan3A_109 : i32
      %add3A_113 = arith.constant 1 : i32
      %add3A_114 = arith.addi %mul3A_112, %add3A_113 : i32
      %mul3A_115 = arith.constant 64 : i32
      %mul3A_116 = arith.muli %add3A_114, %mul3A_115 : i32
      %add3A_117 = arith.addi %mul3A_2, %mul3A_116 : i32
      "tpu.region"() ({
        %run_scoped3A = tpu.sem_alloc : memref<!tpu.dma_semaphore, #tpu.memory_space<semaphore_mem>>
        %dma_start3A_150 = tpu.memref_slice %arg2[%add3A_117] : memref<172032xi32, #tpu.memory_space<hbm>> -> memref<64xi32, #tpu.memory_space<hbm>>
        %dma_start3A_151 = tpu.memref_slice %arg2[%add3A_117] : memref<172032xi32, #tpu.memory_space<hbm>> -> memref<64xi32, #tpu.memory_space<hbm>>
        tpu.enqueue_dma source(%dma_start3A_151 : memref<64xi32, #tpu.memory_space<hbm>>) target(%arg10 : memref<64xi32, #tpu.memory_space<vmem>>) target_semaphore(%run_scoped3A : memref<!tpu.dma_semaphore, #tpu.memory_space<semaphore_mem>>)
        %dma_wait3A_152 = tpu.memref_slice %arg2[%add3A_117] : memref<172032xi32, #tpu.memory_space<hbm>> -> memref<64xi32, #tpu.memory_space<hbm>>
        %dma_wait3A_153 = tpu.memref_slice %arg2[%add3A_117] : memref<172032xi32, #tpu.memory_space<hbm>> -> memref<64xi32, #tpu.memory_space<hbm>>
        tpu.wait_dma2 semaphore(%run_scoped3A : memref<!tpu.dma_semaphore, #tpu.memory_space<semaphore_mem>>) src(%dma_wait3A_153 : memref<64xi32, #tpu.memory_space<hbm>>) dst(%arg10 : memref<64xi32, #tpu.memory_space<vmem>>)
        tpu.yield
      }) : () -> ()
      "tpu.region"() ({
        %run_scoped3A = tpu.sem_alloc : memref<!tpu.dma_semaphore, #tpu.memory_space<semaphore_mem>>
        %dma_start3A_150 = tpu.memref_slice %arg3[%add3A_117] : memref<172032xi32, #tpu.memory_space<hbm>> -> memref<64xi32, #tpu.memory_space<hbm>>
        %dma_start3A_151 = tpu.memref_slice %arg3[%add3A_117] : memref<172032xi32, #tpu.memory_space<hbm>> -> memref<64xi32, #tpu.memory_space<hbm>>
        tpu.enqueue_dma source(%dma_start3A_151 : memref<64xi32, #tpu.memory_space<hbm>>) target(%arg12 : memref<64xi32, #tpu.memory_space<vmem>>) target_semaphore(%run_scoped3A : memref<!tpu.dma_semaphore, #tpu.memory_space<semaphore_mem>>)
        %dma_wait3A_152 = tpu.memref_slice %arg3[%add3A_117] : memref<172032xi32, #tpu.memory_space<hbm>> -> memref<64xi32, #tpu.memory_space<hbm>>
        %dma_wait3A_153 = tpu.memref_slice %arg3[%add3A_117] : memref<172032xi32, #tpu.memory_space<hbm>> -> memref<64xi32, #tpu.memory_space<hbm>>
        tpu.wait_dma2 semaphore(%run_scoped3A : memref<!tpu.dma_semaphore, #tpu.memory_space<semaphore_mem>>) src(%dma_wait3A_153 : memref<64xi32, #tpu.memory_space<hbm>>) dst(%arg12 : memref<64xi32, #tpu.memory_space<vmem>>)
        tpu.yield
      }) : () -> ()
      %dma_start3A_118 = arith.constant 0 : i32
      %dma_start3A_119 = arith.constant 0 : i32
      %dma_start3A_120 = tpu.memref_slice %arg4[%dma_start3A_118, %dma_start3A_119] : memref<10240x128xf32, #tpu.memory_space<hbm>> -> memref<10240x128xf32, #tpu.memory_space<hbm>>
      tpu.enqueue_indirect_dma source(%dma_start3A_120 : memref<10240x128xf32, #tpu.memory_space<hbm>>) target(%arg14 : memref<64x128xf32, #tpu.memory_space<vmem>>) offsets(%arg10 : memref<64xi32, #tpu.memory_space<vmem>>) semaphore(%arg20 : memref<!tpu.dma_semaphore, #tpu.memory_space<semaphore_mem>>)
      %scan3A_121 = arith.constant 0 : i32
      %scan3A_122 = arith.constant 0 : i32
      %scan3A_123 = arith.constant 4 : i32
      %scan3A_124 = arith.addi %scan3A_122, %scan3A_123 : i32
      %scan3A_125 = arith.constant 1 : i32
      %scan3A_126 = scf.for %scan3A_150 = %scan3A_122 to %scan3A_124 step %scan3A_125 iter_args(%scan3A_151 = %scan3A_121) -> (i32)  : i32 {
        %mul3A_152 = arith.constant 16 : i32
        %mul3A_153 = arith.muli %scan3A_150, %mul3A_152 : i32
        %get3A = arith.index_cast %mul3A_153 : i32 to index
        %get3A_154 = tpu.vector_load %arg9[%get3A] {strides = array<i32>} : memref<64xi32, #tpu.memory_space<vmem>>, vector<16xi32>,
        %mul3A_155 = arith.constant 16 : i32
        %mul3A_156 = arith.muli %scan3A_150, %mul3A_155 : i32
        %get3A_157 = arith.index_cast %mul3A_156 : i32 to index
        %get3A_158 = tpu.vector_load %arg11[%get3A_157] {strides = array<i32>} : memref<64xi32, #tpu.memory_space<vmem>>, vector<16xi32>,
        %gather3A = tpu.vector_load_idx %arg16[%get3A_154] : memref<10240xf32, #tpu.memory_space<vmem>>[vector<16xi32>], vector<16xf32>,
        %gather3A_159 = tpu.vector_load_idx %arg17[%get3A_158] : memref<10240xf32, #tpu.memory_space<vmem>>[vector<16xi32>], vector<16xf32>,
        %add3A_160 = arith.addf %gather3A, %gather3A_159 : vector<16xf32>
        %ge3A = arith.constant 0.000000e+00 : f32
        %ge3A_161 = vector.broadcast %ge3A : f32 to vector<16xf32>
        %ge3A_162 = arith.cmpf oge, %add3A_160, %ge3A_161 : vector<16xf32>
        %mul3A_163 = arith.constant 2.000000e-01 : f32
        %mul3A_164 = vector.broadcast %mul3A_163 : f32 to vector<16xf32>
        %mul3A_165 = arith.mulf %mul3A_164, %add3A_160 : vector<16xf32>
        %select_n3A = arith.select %ge3A_162, %add3A_160, %mul3A_165 : vector<16xi1>, vector<16xf32>
        %exp3A = math.exp %select_n3A : vector<16xf32>
        %mul3A_166 = arith.constant 16 : i32
        %mul3A_167 = arith.muli %scan3A_150, %mul3A_166 : i32
        %swap3A = arith.index_cast %mul3A_167 : i32 to index
        %swap3A_168 = tpu.vector_load %arg15[%swap3A] {strides = array<i32>} : memref<64xf32, #tpu.memory_space<vmem>>, vector<16xf32>,
        tpu.vector_store %arg15[%swap3A], %exp3A {strides = array<i32>} : memref<64xf32, #tpu.memory_space<vmem>>, vector<16xf32>,
        tpu.vector_store_idx %arg18[%get3A_158], %exp3A {add = true} : memref<10240xf32, #tpu.memory_space<vmem>>[vector<16xi32>], vector<16xf32>,
        %scan3A_169 = arith.constant 0 : i32
        scf.yield %scan3A_169 : i32
      }
      %scan3A_127 = arith.constant 4 : i32
      %dma_wait3A = arith.constant 0 : i32
      %dma_wait3A_128 = arith.constant 0 : i32
      %dma_wait3A_129 = tpu.memref_slice %arg4[%dma_wait3A, %dma_wait3A_128] : memref<10240x128xf32, #tpu.memory_space<hbm>> -> memref<10240x128xf32, #tpu.memory_space<hbm>>
      tpu.wait_indirect_dma semaphore(%arg19 : memref<!tpu.dma_semaphore, #tpu.memory_space<semaphore_mem>>) src(%dma_wait3A_129 : memref<10240x128xf32, #tpu.memory_space<hbm>>) dst(%arg13 : memref<64x128xf32, #tpu.memory_space<vmem>>)
      %parallel_loop3A = arith.constant 0 : i32
      %parallel_loop3A_130 = arith.constant 64 : i32
      %parallel_loop3A_131 = arith.constant 1 : i32
      scf.for %parallel_loop3A_150 = %parallel_loop3A to %parallel_loop3A_130 step %parallel_loop3A_131  : i32 {
        %parallel_loop3A_151 = vector.broadcast %parallel_loop3A_150 : i32 to vector<16xi32>
        %parallel_loop3A_152 = tpu.vector_load_idx %arg15[%parallel_loop3A_151] : memref<64xf32, #tpu.memory_space<vmem>>[vector<16xi32>], vector<16xf32>,
        %parallel_loop3A_153 = arith.index_cast %parallel_loop3A_150 : i32 to index
        %parallel_loop3A_154 = arith.constant 0 : index
        %parallel_loop3A_155 = tpu.vector_load %arg13[%parallel_loop3A_153, %parallel_loop3A_154] {strides = array<i32>} : memref<64x128xf32, #tpu.memory_space<vmem>>, vector<16xf32>,
        %parallel_loop3A_156 = arith.mulf %parallel_loop3A_155, %parallel_loop3A_152 : vector<16xf32>
        %parallel_loop3A_157 = arith.index_cast %parallel_loop3A_150 : i32 to index
        %parallel_loop3A_158 = arith.constant 0 : index
        %parallel_loop3A_159 = tpu.vector_load %arg13[%parallel_loop3A_157, %parallel_loop3A_158] {strides = array<i32>} : memref<64x128xf32, #tpu.memory_space<vmem>>, vector<16xf32>,
        tpu.vector_store %arg13[%parallel_loop3A_157, %parallel_loop3A_158], %parallel_loop3A_156 {strides = array<i32>} : memref<64x128xf32, #tpu.memory_space<vmem>>, vector<16xf32>,
        %parallel_loop3A_160 = arith.index_cast %parallel_loop3A_150 : i32 to index
        %parallel_loop3A_161 = arith.constant 16 : index
        %parallel_loop3A_162 = tpu.vector_load %arg13[%parallel_loop3A_160, %parallel_loop3A_161] {strides = array<i32>} : memref<64x128xf32, #tpu.memory_space<vmem>>, vector<16xf32>,
        %parallel_loop3A_163 = arith.mulf %parallel_loop3A_162, %parallel_loop3A_152 : vector<16xf32>
        %parallel_loop3A_164 = arith.index_cast %parallel_loop3A_150 : i32 to index
        %parallel_loop3A_165 = arith.constant 16 : index
        %parallel_loop3A_166 = tpu.vector_load %arg13[%parallel_loop3A_164, %parallel_loop3A_165] {strides = array<i32>} : memref<64x128xf32, #tpu.memory_space<vmem>>, vector<16xf32>,
        tpu.vector_store %arg13[%parallel_loop3A_164, %parallel_loop3A_165], %parallel_loop3A_163 {strides = array<i32>} : memref<64x128xf32, #tpu.memory_space<vmem>>, vector<16xf32>,
        %parallel_loop3A_167 = arith.index_cast %parallel_loop3A_150 : i32 to index
        %parallel_loop3A_168 = arith.constant 32 : index
        %parallel_loop3A_169 = tpu.vector_load %arg13[%parallel_loop3A_167, %parallel_loop3A_168] {strides = array<i32>} : memref<64x128xf32, #tpu.memory_space<vmem>>, vector<16xf32>,
        %parallel_loop3A_170 = arith.mulf %parallel_loop3A_169, %parallel_loop3A_152 : vector<16xf32>
        %parallel_loop3A_171 = arith.index_cast %parallel_loop3A_150 : i32 to index
        %parallel_loop3A_172 = arith.constant 32 : index
        %parallel_loop3A_173 = tpu.vector_load %arg13[%parallel_loop3A_171, %parallel_loop3A_172] {strides = array<i32>} : memref<64x128xf32, #tpu.memory_space<vmem>>, vector<16xf32>,
        tpu.vector_store %arg13[%parallel_loop3A_171, %parallel_loop3A_172], %parallel_loop3A_170 {strides = array<i32>} : memref<64x128xf32, #tpu.memory_space<vmem>>, vector<16xf32>,
        %parallel_loop3A_174 = arith.index_cast %parallel_loop3A_150 : i32 to index
        %parallel_loop3A_175 = arith.constant 48 : index
        %parallel_loop3A_176 = tpu.vector_load %arg13[%parallel_loop3A_174, %parallel_loop3A_175] {strides = array<i32>} : memref<64x128xf32, #tpu.memory_space<vmem>>, vector<16xf32>,
        %parallel_loop3A_177 = arith.mulf %parallel_loop3A_176, %parallel_loop3A_152 : vector<16xf32>
        %parallel_loop3A_178 = arith.index_cast %parallel_loop3A_150 : i32 to index
        %parallel_loop3A_179 = arith.constant 48 : index
        %parallel_loop3A_180 = tpu.vector_load %arg13[%parallel_loop3A_178, %parallel_loop3A_179] {strides = array<i32>} : memref<64x128xf32, #tpu.memory_space<vmem>>, vector<16xf32>,
        tpu.vector_store %arg13[%parallel_loop3A_178, %parallel_loop3A_179], %parallel_loop3A_177 {strides = array<i32>} : memref<64x128xf32, #tpu.memory_space<vmem>>, vector<16xf32>,
        %parallel_loop3A_181 = arith.index_cast %parallel_loop3A_150 : i32 to index
        %parallel_loop3A_182 = arith.constant 64 : index
        %parallel_loop3A_183 = tpu.vector_load %arg13[%parallel_loop3A_181, %parallel_loop3A_182] {strides = array<i32>} : memref<64x128xf32, #tpu.memory_space<vmem>>, vector<16xf32>,
        %parallel_loop3A_184 = arith.mulf %parallel_loop3A_183, %parallel_loop3A_152 : vector<16xf32>
        %parallel_loop3A_185 = arith.index_cast %parallel_loop3A_150 : i32 to index
        %parallel_loop3A_186 = arith.constant 64 : index
        %parallel_loop3A_187 = tpu.vector_load %arg13[%parallel_loop3A_185, %parallel_loop3A_186] {strides = array<i32>} : memref<64x128xf32, #tpu.memory_space<vmem>>, vector<16xf32>,
        tpu.vector_store %arg13[%parallel_loop3A_185, %parallel_loop3A_186], %parallel_loop3A_184 {strides = array<i32>} : memref<64x128xf32, #tpu.memory_space<vmem>>, vector<16xf32>,
        %parallel_loop3A_188 = arith.index_cast %parallel_loop3A_150 : i32 to index
        %parallel_loop3A_189 = arith.constant 80 : index
        %parallel_loop3A_190 = tpu.vector_load %arg13[%parallel_loop3A_188, %parallel_loop3A_189] {strides = array<i32>} : memref<64x128xf32, #tpu.memory_space<vmem>>, vector<16xf32>,
        %parallel_loop3A_191 = arith.mulf %parallel_loop3A_190, %parallel_loop3A_152 : vector<16xf32>
        %parallel_loop3A_192 = arith.index_cast %parallel_loop3A_150 : i32 to index
        %parallel_loop3A_193 = arith.constant 80 : index
        %parallel_loop3A_194 = tpu.vector_load %arg13[%parallel_loop3A_192, %parallel_loop3A_193] {strides = array<i32>} : memref<64x128xf32, #tpu.memory_space<vmem>>, vector<16xf32>,
        tpu.vector_store %arg13[%parallel_loop3A_192, %parallel_loop3A_193], %parallel_loop3A_191 {strides = array<i32>} : memref<64x128xf32, #tpu.memory_space<vmem>>, vector<16xf32>,
        %parallel_loop3A_195 = arith.index_cast %parallel_loop3A_150 : i32 to index
        %parallel_loop3A_196 = arith.constant 96 : index
        %parallel_loop3A_197 = tpu.vector_load %arg13[%parallel_loop3A_195, %parallel_loop3A_196] {strides = array<i32>} : memref<64x128xf32, #tpu.memory_space<vmem>>, vector<16xf32>,
        %parallel_loop3A_198 = arith.mulf %parallel_loop3A_197, %parallel_loop3A_152 : vector<16xf32>
        %parallel_loop3A_199 = arith.index_cast %parallel_loop3A_150 : i32 to index
        %parallel_loop3A_200 = arith.constant 96 : index
        %parallel_loop3A_201 = tpu.vector_load %arg13[%parallel_loop3A_199, %parallel_loop3A_200] {strides = array<i32>} : memref<64x128xf32, #tpu.memory_space<vmem>>, vector<16xf32>,
        tpu.vector_store %arg13[%parallel_loop3A_199, %parallel_loop3A_200], %parallel_loop3A_198 {strides = array<i32>} : memref<64x128xf32, #tpu.memory_space<vmem>>, vector<16xf32>,
        %parallel_loop3A_202 = arith.index_cast %parallel_loop3A_150 : i32 to index
        %parallel_loop3A_203 = arith.constant 112 : index
        %parallel_loop3A_204 = tpu.vector_load %arg13[%parallel_loop3A_202, %parallel_loop3A_203] {strides = array<i32>} : memref<64x128xf32, #tpu.memory_space<vmem>>, vector<16xf32>,
        %parallel_loop3A_205 = arith.mulf %parallel_loop3A_204, %parallel_loop3A_152 : vector<16xf32>
        %parallel_loop3A_206 = arith.index_cast %parallel_loop3A_150 : i32 to index
        %parallel_loop3A_207 = arith.constant 112 : index
        %parallel_loop3A_208 = tpu.vector_load %arg13[%parallel_loop3A_206, %parallel_loop3A_207] {strides = array<i32>} : memref<64x128xf32, #tpu.memory_space<vmem>>, vector<16xf32>,
        tpu.vector_store %arg13[%parallel_loop3A_206, %parallel_loop3A_207], %parallel_loop3A_205 {strides = array<i32>} : memref<64x128xf32, #tpu.memory_space<vmem>>, vector<16xf32>,
      } {sc.loop_unroll_factor = 4 : i64, sc.parallel_access}
      "tpu.region"() ({
        %run_scoped3A = tpu.sem_alloc : memref<!tpu.dma_semaphore, #tpu.memory_space<semaphore_mem>>
        %dma_start3A_150 = arith.constant 0 : i32
        %dma_start3A_151 = arith.constant 0 : i32
        %dma_start3A_152 = tpu.memref_slice %arg21[%dma_start3A_150, %dma_start3A_151] : memref<10240x128xf32, #tpu.memory_space<vmem_shared>> -> memref<10240x128xf32, #tpu.memory_space<vmem_shared>>
        tpu.enqueue_indirect_dma source(%arg13 : memref<64x128xf32, #tpu.memory_space<vmem>>) target(%dma_start3A_152 : memref<10240x128xf32, #tpu.memory_space<vmem_shared>>) offsets(%arg11 : memref<64xi32, #tpu.memory_space<vmem>>) semaphore(%run_scoped3A : memref<!tpu.dma_semaphore, #tpu.memory_space<semaphore_mem>>) {add = true}
        %dma_wait3A_153 = arith.constant 0 : i32
        %dma_wait3A_154 = arith.constant 0 : i32
        %dma_wait3A_155 = tpu.memref_slice %arg21[%dma_wait3A_153, %dma_wait3A_154] : memref<10240x128xf32, #tpu.memory_space<vmem_shared>> -> memref<10240x128xf32, #tpu.memory_space<vmem_shared>>
        tpu.wait_indirect_dma semaphore(%run_scoped3A : memref<!tpu.dma_semaphore, #tpu.memory_space<semaphore_mem>>) src(%arg13 : memref<64x128xf32, #tpu.memory_space<vmem>>) dst(%dma_wait3A_155 : memref<10240x128xf32, #tpu.memory_space<vmem_shared>>)
        tpu.yield
      }) : () -> ()
      %add3A_132 = arith.constant 2 : i32
      %add3A_133 = arith.addi %mul3A_112, %add3A_132 : i32
      %lt3A = arith.constant 84 : i32
      %lt3A_134 = arith.cmpi slt, %add3A_133, %lt3A : i32
      %convert_element_type3A = arith.extui %lt3A_134 : i1 to i32
      %cond3A = arith.constant 0 : i32
      %cond3A_135 = arith.cmpi ne, %convert_element_type3A, %cond3A : i32
      scf.if %cond3A_135 {
        %add3A_150 = arith.constant 2 : i32
        %add3A_151 = arith.addi %mul3A_112, %add3A_150 : i32
        %mul3A_152 = arith.constant 64 : i32
        %mul3A_153 = arith.muli %add3A_151, %mul3A_152 : i32
        %add3A_154 = arith.addi %mul3A_2, %mul3A_153 : i32
        "tpu.region"() ({
          %run_scoped3A = tpu.sem_alloc : memref<!tpu.dma_semaphore, #tpu.memory_space<semaphore_mem>>
          %dma_start3A_158 = tpu.memref_slice %arg2[%add3A_154] : memref<172032xi32, #tpu.memory_space<hbm>> -> memref<64xi32, #tpu.memory_space<hbm>>
          %dma_start3A_159 = tpu.memref_slice %arg2[%add3A_154] : memref<172032xi32, #tpu.memory_space<hbm>> -> memref<64xi32, #tpu.memory_space<hbm>>
          tpu.enqueue_dma source(%dma_start3A_159 : memref<64xi32, #tpu.memory_space<hbm>>) target(%arg9 : memref<64xi32, #tpu.memory_space<vmem>>) target_semaphore(%run_scoped3A : memref<!tpu.dma_semaphore, #tpu.memory_space<semaphore_mem>>)
          %dma_wait3A_160 = tpu.memref_slice %arg2[%add3A_154] : memref<172032xi32, #tpu.memory_space<hbm>> -> memref<64xi32, #tpu.memory_space<hbm>>
          %dma_wait3A_161 = tpu.memref_slice %arg2[%add3A_154] : memref<172032xi32, #tpu.memory_space<hbm>> -> memref<64xi32, #tpu.memory_space<hbm>>
          tpu.wait_dma2 semaphore(%run_scoped3A : memref<!tpu.dma_semaphore, #tpu.memory_space<semaphore_mem>>) src(%dma_wait3A_161 : memref<64xi32, #tpu.memory_space<hbm>>) dst(%arg9 : memref<64xi32, #tpu.memory_space<vmem>>)
          tpu.yield
        }) : () -> ()
        "tpu.region"() ({
          %run_scoped3A = tpu.sem_alloc : memref<!tpu.dma_semaphore, #tpu.memory_space<semaphore_mem>>
          %dma_start3A_158 = tpu.memref_slice %arg3[%add3A_154] : memref<172032xi32, #tpu.memory_space<hbm>> -> memref<64xi32, #tpu.memory_space<hbm>>
          %dma_start3A_159 = tpu.memref_slice %arg3[%add3A_154] : memref<172032xi32, #tpu.memory_space<hbm>> -> memref<64xi32, #tpu.memory_space<hbm>>
          tpu.enqueue_dma source(%dma_start3A_159 : memref<64xi32, #tpu.memory_space<hbm>>) target(%arg11 : memref<64xi32, #tpu.memory_space<vmem>>) target_semaphore(%run_scoped3A : memref<!tpu.dma_semaphore, #tpu.memory_space<semaphore_mem>>)
          %dma_wait3A_160 = tpu.memref_slice %arg3[%add3A_154] : memref<172032xi32, #tpu.memory_space<hbm>> -> memref<64xi32, #tpu.memory_space<hbm>>
          %dma_wait3A_161 = tpu.memref_slice %arg3[%add3A_154] : memref<172032xi32, #tpu.memory_space<hbm>> -> memref<64xi32, #tpu.memory_space<hbm>>
          tpu.wait_dma2 semaphore(%run_scoped3A : memref<!tpu.dma_semaphore, #tpu.memory_space<semaphore_mem>>) src(%dma_wait3A_161 : memref<64xi32, #tpu.memory_space<hbm>>) dst(%arg11 : memref<64xi32, #tpu.memory_space<vmem>>)
          tpu.yield
        }) : () -> ()
        %dma_start3A_155 = arith.constant 0 : i32
        %dma_start3A_156 = arith.constant 0 : i32
        %dma_start3A_157 = tpu.memref_slice %arg4[%dma_start3A_155, %dma_start3A_156] : memref<10240x128xf32, #tpu.memory_space<hbm>> -> memref<10240x128xf32, #tpu.memory_space<hbm>>
        tpu.enqueue_indirect_dma source(%dma_start3A_157 : memref<10240x128xf32, #tpu.memory_space<hbm>>) target(%arg13 : memref<64x128xf32, #tpu.memory_space<vmem>>) offsets(%arg9 : memref<64xi32, #tpu.memory_space<vmem>>) semaphore(%arg19 : memref<!tpu.dma_semaphore, #tpu.memory_space<semaphore_mem>>)
      } else {
      }
      %scan3A_136 = arith.constant 0 : i32
      %scan3A_137 = arith.constant 0 : i32
      %scan3A_138 = arith.constant 4 : i32
      %scan3A_139 = arith.addi %scan3A_137, %scan3A_138 : i32
      %scan3A_140 = arith.constant 1 : i32
      %scan3A_141 = scf.for %scan3A_150 = %scan3A_137 to %scan3A_139 step %scan3A_140 iter_args(%scan3A_151 = %scan3A_136) -> (i32)  : i32 {
        %mul3A_152 = arith.constant 16 : i32
        %mul3A_153 = arith.muli %scan3A_150, %mul3A_152 : i32
        %get3A = arith.index_cast %mul3A_153 : i32 to index
        %get3A_154 = tpu.vector_load %arg10[%get3A] {strides = array<i32>} : memref<64xi32, #tpu.memory_space<vmem>>, vector<16xi32>,
        %mul3A_155 = arith.constant 16 : i32
        %mul3A_156 = arith.muli %scan3A_150, %mul3A_155 : i32
        %get3A_157 = arith.index_cast %mul3A_156 : i32 to index
        %get3A_158 = tpu.vector_load %arg12[%get3A_157] {strides = array<i32>} : memref<64xi32, #tpu.memory_space<vmem>>, vector<16xi32>,
        %gather3A = tpu.vector_load_idx %arg16[%get3A_154] : memref<10240xf32, #tpu.memory_space<vmem>>[vector<16xi32>], vector<16xf32>,
        %gather3A_159 = tpu.vector_load_idx %arg17[%get3A_158] : memref<10240xf32, #tpu.memory_space<vmem>>[vector<16xi32>], vector<16xf32>,
        %add3A_160 = arith.addf %gather3A, %gather3A_159 : vector<16xf32>
        %ge3A = arith.constant 0.000000e+00 : f32
        %ge3A_161 = vector.broadcast %ge3A : f32 to vector<16xf32>
        %ge3A_162 = arith.cmpf oge, %add3A_160, %ge3A_161 : vector<16xf32>
        %mul3A_163 = arith.constant 2.000000e-01 : f32
        %mul3A_164 = vector.broadcast %mul3A_163 : f32 to vector<16xf32>
        %mul3A_165 = arith.mulf %mul3A_164, %add3A_160 : vector<16xf32>
        %select_n3A = arith.select %ge3A_162, %add3A_160, %mul3A_165 : vector<16xi1>, vector<16xf32>
        %exp3A = math.exp %select_n3A : vector<16xf32>
        %mul3A_166 = arith.constant 16 : i32
        %mul3A_167 = arith.muli %scan3A_150, %mul3A_166 : i32
        %swap3A = arith.index_cast %mul3A_167 : i32 to index
        %swap3A_168 = tpu.vector_load %arg15[%swap3A] {strides = array<i32>} : memref<64xf32, #tpu.memory_space<vmem>>, vector<16xf32>,
        tpu.vector_store %arg15[%swap3A], %exp3A {strides = array<i32>} : memref<64xf32, #tpu.memory_space<vmem>>, vector<16xf32>,
        tpu.vector_store_idx %arg18[%get3A_158], %exp3A {add = true} : memref<10240xf32, #tpu.memory_space<vmem>>[vector<16xi32>], vector<16xf32>,
        %scan3A_169 = arith.constant 0 : i32
        scf.yield %scan3A_169 : i32
      }
      %scan3A_142 = arith.constant 4 : i32
      %dma_wait3A_143 = arith.constant 0 : i32
      %dma_wait3A_144 = arith.constant 0 : i32
      %dma_wait3A_145 = tpu.memref_slice %arg4[%dma_wait3A_143, %dma_wait3A_144] : memref<10240x128xf32, #tpu.memory_space<hbm>> -> memref<10240x128xf32, #tpu.memory_space<hbm>>
      tpu.wait_indirect_dma semaphore(%arg20 : memref<!tpu.dma_semaphore, #tpu.memory_space<semaphore_mem>>) src(%dma_wait3A_145 : memref<10240x128xf32, #tpu.memory_space<hbm>>) dst(%arg14 : memref<64x128xf32, #tpu.memory_space<vmem>>)
      %parallel_loop3A_146 = arith.constant 0 : i32
      %parallel_loop3A_147 = arith.constant 64 : i32
      %parallel_loop3A_148 = arith.constant 1 : i32
      scf.for %parallel_loop3A_150 = %parallel_loop3A_146 to %parallel_loop3A_147 step %parallel_loop3A_148  : i32 {
        %parallel_loop3A_151 = vector.broadcast %parallel_loop3A_150 : i32 to vector<16xi32>
        %parallel_loop3A_152 = tpu.vector_load_idx %arg15[%parallel_loop3A_151] : memref<64xf32, #tpu.memory_space<vmem>>[vector<16xi32>], vector<16xf32>,
        %parallel_loop3A_153 = arith.index_cast %parallel_loop3A_150 : i32 to index
        %parallel_loop3A_154 = arith.constant 0 : index
        %parallel_loop3A_155 = tpu.vector_load %arg14[%parallel_loop3A_153, %parallel_loop3A_154] {strides = array<i32>} : memref<64x128xf32, #tpu.memory_space<vmem>>, vector<16xf32>,
        %parallel_loop3A_156 = arith.mulf %parallel_loop3A_155, %parallel_loop3A_152 : vector<16xf32>
        %parallel_loop3A_157 = arith.index_cast %parallel_loop3A_150 : i32 to index
        %parallel_loop3A_158 = arith.constant 0 : index
        %parallel_loop3A_159 = tpu.vector_load %arg14[%parallel_loop3A_157, %parallel_loop3A_158] {strides = array<i32>} : memref<64x128xf32, #tpu.memory_space<vmem>>, vector<16xf32>,
        tpu.vector_store %arg14[%parallel_loop3A_157, %parallel_loop3A_158], %parallel_loop3A_156 {strides = array<i32>} : memref<64x128xf32, #tpu.memory_space<vmem>>, vector<16xf32>,
        %parallel_loop3A_160 = arith.index_cast %parallel_loop3A_150 : i32 to index
        %parallel_loop3A_161 = arith.constant 16 : index
        %parallel_loop3A_162 = tpu.vector_load %arg14[%parallel_loop3A_160, %parallel_loop3A_161] {strides = array<i32>} : memref<64x128xf32, #tpu.memory_space<vmem>>, vector<16xf32>,
        %parallel_loop3A_163 = arith.mulf %parallel_loop3A_162, %parallel_loop3A_152 : vector<16xf32>
        %parallel_loop3A_164 = arith.index_cast %parallel_loop3A_150 : i32 to index
        %parallel_loop3A_165 = arith.constant 16 : index
        %parallel_loop3A_166 = tpu.vector_load %arg14[%parallel_loop3A_164, %parallel_loop3A_165] {strides = array<i32>} : memref<64x128xf32, #tpu.memory_space<vmem>>, vector<16xf32>,
        tpu.vector_store %arg14[%parallel_loop3A_164, %parallel_loop3A_165], %parallel_loop3A_163 {strides = array<i32>} : memref<64x128xf32, #tpu.memory_space<vmem>>, vector<16xf32>,
        %parallel_loop3A_167 = arith.index_cast %parallel_loop3A_150 : i32 to index
        %parallel_loop3A_168 = arith.constant 32 : index
        %parallel_loop3A_169 = tpu.vector_load %arg14[%parallel_loop3A_167, %parallel_loop3A_168] {strides = array<i32>} : memref<64x128xf32, #tpu.memory_space<vmem>>, vector<16xf32>,
        %parallel_loop3A_170 = arith.mulf %parallel_loop3A_169, %parallel_loop3A_152 : vector<16xf32>
        %parallel_loop3A_171 = arith.index_cast %parallel_loop3A_150 : i32 to index
        %parallel_loop3A_172 = arith.constant 32 : index
        %parallel_loop3A_173 = tpu.vector_load %arg14[%parallel_loop3A_171, %parallel_loop3A_172] {strides = array<i32>} : memref<64x128xf32, #tpu.memory_space<vmem>>, vector<16xf32>,
        tpu.vector_store %arg14[%parallel_loop3A_171, %parallel_loop3A_172], %parallel_loop3A_170 {strides = array<i32>} : memref<64x128xf32, #tpu.memory_space<vmem>>, vector<16xf32>,
        %parallel_loop3A_174 = arith.index_cast %parallel_loop3A_150 : i32 to index
        %parallel_loop3A_175 = arith.constant 48 : index
        %parallel_loop3A_176 = tpu.vector_load %arg14[%parallel_loop3A_174, %parallel_loop3A_175] {strides = array<i32>} : memref<64x128xf32, #tpu.memory_space<vmem>>, vector<16xf32>,
        %parallel_loop3A_177 = arith.mulf %parallel_loop3A_176, %parallel_loop3A_152 : vector<16xf32>
        %parallel_loop3A_178 = arith.index_cast %parallel_loop3A_150 : i32 to index
        %parallel_loop3A_179 = arith.constant 48 : index
        %parallel_loop3A_180 = tpu.vector_load %arg14[%parallel_loop3A_178, %parallel_loop3A_179] {strides = array<i32>} : memref<64x128xf32, #tpu.memory_space<vmem>>, vector<16xf32>,
        tpu.vector_store %arg14[%parallel_loop3A_178, %parallel_loop3A_179], %parallel_loop3A_177 {strides = array<i32>} : memref<64x128xf32, #tpu.memory_space<vmem>>, vector<16xf32>,
        %parallel_loop3A_181 = arith.index_cast %parallel_loop3A_150 : i32 to index
        %parallel_loop3A_182 = arith.constant 64 : index
        %parallel_loop3A_183 = tpu.vector_load %arg14[%parallel_loop3A_181, %parallel_loop3A_182] {strides = array<i32>} : memref<64x128xf32, #tpu.memory_space<vmem>>, vector<16xf32>,
        %parallel_loop3A_184 = arith.mulf %parallel_loop3A_183, %parallel_loop3A_152 : vector<16xf32>
        %parallel_loop3A_185 = arith.index_cast %parallel_loop3A_150 : i32 to index
        %parallel_loop3A_186 = arith.constant 64 : index
        %parallel_loop3A_187 = tpu.vector_load %arg14[%parallel_loop3A_185, %parallel_loop3A_186] {strides = array<i32>} : memref<64x128xf32, #tpu.memory_space<vmem>>, vector<16xf32>,
        tpu.vector_store %arg14[%parallel_loop3A_185, %parallel_loop3A_186], %parallel_loop3A_184 {strides = array<i32>} : memref<64x128xf32, #tpu.memory_space<vmem>>, vector<16xf32>,
        %parallel_loop3A_188 = arith.index_cast %parallel_loop3A_150 : i32 to index
        %parallel_loop3A_189 = arith.constant 80 : index
        %parallel_loop3A_190 = tpu.vector_load %arg14[%parallel_loop3A_188, %parallel_loop3A_189] {strides = array<i32>} : memref<64x128xf32, #tpu.memory_space<vmem>>, vector<16xf32>,
        %parallel_loop3A_191 = arith.mulf %parallel_loop3A_190, %parallel_loop3A_152 : vector<16xf32>
        %parallel_loop3A_192 = arith.index_cast %parallel_loop3A_150 : i32 to index
        %parallel_loop3A_193 = arith.constant 80 : index
        %parallel_loop3A_194 = tpu.vector_load %arg14[%parallel_loop3A_192, %parallel_loop3A_193] {strides = array<i32>} : memref<64x128xf32, #tpu.memory_space<vmem>>, vector<16xf32>,
        tpu.vector_store %arg14[%parallel_loop3A_192, %parallel_loop3A_193], %parallel_loop3A_191 {strides = array<i32>} : memref<64x128xf32, #tpu.memory_space<vmem>>, vector<16xf32>,
        %parallel_loop3A_195 = arith.index_cast %parallel_loop3A_150 : i32 to index
        %parallel_loop3A_196 = arith.constant 96 : index
        %parallel_loop3A_197 = tpu.vector_load %arg14[%parallel_loop3A_195, %parallel_loop3A_196] {strides = array<i32>} : memref<64x128xf32, #tpu.memory_space<vmem>>, vector<16xf32>,
        %parallel_loop3A_198 = arith.mulf %parallel_loop3A_197, %parallel_loop3A_152 : vector<16xf32>
        %parallel_loop3A_199 = arith.index_cast %parallel_loop3A_150 : i32 to index
        %parallel_loop3A_200 = arith.constant 96 : index
        %parallel_loop3A_201 = tpu.vector_load %arg14[%parallel_loop3A_199, %parallel_loop3A_200] {strides = array<i32>} : memref<64x128xf32, #tpu.memory_space<vmem>>, vector<16xf32>,
        tpu.vector_store %arg14[%parallel_loop3A_199, %parallel_loop3A_200], %parallel_loop3A_198 {strides = array<i32>} : memref<64x128xf32, #tpu.memory_space<vmem>>, vector<16xf32>,
        %parallel_loop3A_202 = arith.index_cast %parallel_loop3A_150 : i32 to index
        %parallel_loop3A_203 = arith.constant 112 : index
        %parallel_loop3A_204 = tpu.vector_load %arg14[%parallel_loop3A_202, %parallel_loop3A_203] {strides = array<i32>} : memref<64x128xf32, #tpu.memory_space<vmem>>, vector<16xf32>,
        %parallel_loop3A_205 = arith.mulf %parallel_loop3A_204, %parallel_loop3A_152 : vector<16xf32>
        %parallel_loop3A_206 = arith.index_cast %parallel_loop3A_150 : i32 to index
        %parallel_loop3A_207 = arith.constant 112 : index
        %parallel_loop3A_208 = tpu.vector_load %arg14[%parallel_loop3A_206, %parallel_loop3A_207] {strides = array<i32>} : memref<64x128xf32, #tpu.memory_space<vmem>>, vector<16xf32>,
        tpu.vector_store %arg14[%parallel_loop3A_206, %parallel_loop3A_207], %parallel_loop3A_205 {strides = array<i32>} : memref<64x128xf32, #tpu.memory_space<vmem>>, vector<16xf32>,
      } {sc.loop_unroll_factor = 4 : i64, sc.parallel_access}
      "tpu.region"() ({
        %run_scoped3A = tpu.sem_alloc : memref<!tpu.dma_semaphore, #tpu.memory_space<semaphore_mem>>
        %dma_start3A_150 = arith.constant 0 : i32
        %dma_start3A_151 = arith.constant 0 : i32
        %dma_start3A_152 = tpu.memref_slice %arg21[%dma_start3A_150, %dma_start3A_151] : memref<10240x128xf32, #tpu.memory_space<vmem_shared>> -> memref<10240x128xf32, #tpu.memory_space<vmem_shared>>
        tpu.enqueue_indirect_dma source(%arg14 : memref<64x128xf32, #tpu.memory_space<vmem>>) target(%dma_start3A_152 : memref<10240x128xf32, #tpu.memory_space<vmem_shared>>) offsets(%arg12 : memref<64xi32, #tpu.memory_space<vmem>>) semaphore(%run_scoped3A : memref<!tpu.dma_semaphore, #tpu.memory_space<semaphore_mem>>) {add = true}
        %dma_wait3A_153 = arith.constant 0 : i32
        %dma_wait3A_154 = arith.constant 0 : i32
        %dma_wait3A_155 = tpu.memref_slice %arg21[%dma_wait3A_153, %dma_wait3A_154] : memref<10240x128xf32, #tpu.memory_space<vmem_shared>> -> memref<10240x128xf32, #tpu.memory_space<vmem_shared>>
        tpu.wait_indirect_dma semaphore(%run_scoped3A : memref<!tpu.dma_semaphore, #tpu.memory_space<semaphore_mem>>) src(%arg14 : memref<64x128xf32, #tpu.memory_space<vmem>>) dst(%dma_wait3A_155 : memref<10240x128xf32, #tpu.memory_space<vmem_shared>>)
        tpu.yield
      }) : () -> ()
      %scan3A_149 = arith.constant 0 : i32
      scf.yield %scan3A_149 : i32
    }
    %scan3A_67 = arith.constant 42 : i32
    "tpu.region"() ({
      %run_scoped3A = tpu.sem_alloc : memref<!tpu.dma_semaphore, #tpu.memory_space<semaphore_mem>>
      %dma_start3A_109 = arith.constant 0 : i32
      %dma_start3A_110 = tpu.memref_slice %arg8[%arg0, %arg1, %dma_start3A_109] : memref<2x16x10240xf32, #tpu.memory_space<hbm>> -> memref<1x1x10240xf32, #tpu.memory_space<hbm>>
      %dma_start3A_111 = tpu.memref_squeeze %dma_start3A_110 : memref<1x1x10240xf32, #tpu.memory_space<hbm>> -> memref<10240xf32, #tpu.memory_space<hbm>>
      %dma_start3A_112 = arith.constant 0 : i32
      %dma_start3A_113 = tpu.memref_slice %arg8[%arg0, %arg1, %dma_start3A_112] : memref<2x16x10240xf32, #tpu.memory_space<hbm>> -> memref<1x1x10240xf32, #tpu.memory_space<hbm>>
      %dma_start3A_114 = tpu.memref_squeeze %dma_start3A_113 : memref<1x1x10240xf32, #tpu.memory_space<hbm>> -> memref<10240xf32, #tpu.memory_space<hbm>>
      tpu.enqueue_dma source(%arg18 : memref<10240xf32, #tpu.memory_space<vmem>>) target(%dma_start3A_114 : memref<10240xf32, #tpu.memory_space<hbm>>) target_semaphore(%run_scoped3A : memref<!tpu.dma_semaphore, #tpu.memory_space<semaphore_mem>>)
      %dma_wait3A = arith.constant 0 : i32
      %dma_wait3A_115 = tpu.memref_slice %arg8[%arg0, %arg1, %dma_wait3A] : memref<2x16x10240xf32, #tpu.memory_space<hbm>> -> memref<1x1x10240xf32, #tpu.memory_space<hbm>>
      %dma_wait3A_116 = tpu.memref_squeeze %dma_wait3A_115 : memref<1x1x10240xf32, #tpu.memory_space<hbm>> -> memref<10240xf32, #tpu.memory_space<hbm>>
      %dma_wait3A_117 = arith.constant 0 : i32
      %dma_wait3A_118 = tpu.memref_slice %arg8[%arg0, %arg1, %dma_wait3A_117] : memref<2x16x10240xf32, #tpu.memory_space<hbm>> -> memref<1x1x10240xf32, #tpu.memory_space<hbm>>
      %dma_wait3A_119 = tpu.memref_squeeze %dma_wait3A_118 : memref<1x1x10240xf32, #tpu.memory_space<hbm>> -> memref<10240xf32, #tpu.memory_space<hbm>>
      tpu.wait_dma2 semaphore(%run_scoped3A : memref<!tpu.dma_semaphore, #tpu.memory_space<semaphore_mem>>) src(%arg18 : memref<10240xf32, #tpu.memory_space<vmem>>) dst(%dma_wait3A_119 : memref<10240xf32, #tpu.memory_space<hbm>>)
      tpu.yield
    }) : () -> ()
    %barrier3A_68 = arith.constant 0 : index
    tpu.barrier barrier_id(%barrier3A_68)
    %mul3A_69 = arith.constant 640 : i32
    %mul3A_70 = arith.muli %arg1, %mul3A_69 : i32
    %add3A_71 = arith.constant 0 : i32
    %add3A_72 = arith.addi %mul3A_70, %add3A_71 : i32
    "tpu.region"() ({
      %run_scoped3A = tpu.sem_alloc : memref<!tpu.dma_semaphore, #tpu.memory_space<semaphore_mem>>
      %dma_start3A_109 = arith.constant 0 : i32
      %dma_start3A_110 = tpu.memref_slice %arg21[%add3A_72, %dma_start3A_109] : memref<10240x128xf32, #tpu.memory_space<vmem_shared>> -> memref<64x128xf32, #tpu.memory_space<vmem_shared>>
      %dma_start3A_111 = arith.constant 0 : i32
      %dma_start3A_112 = tpu.memref_slice %arg21[%add3A_72, %dma_start3A_111] : memref<10240x128xf32, #tpu.memory_space<vmem_shared>> -> memref<64x128xf32, #tpu.memory_space<vmem_shared>>
      tpu.enqueue_dma source(%dma_start3A_112 : memref<64x128xf32, #tpu.memory_space<vmem_shared>>) target(%arg13 : memref<64x128xf32, #tpu.memory_space<vmem>>) target_semaphore(%run_scoped3A : memref<!tpu.dma_semaphore, #tpu.memory_space<semaphore_mem>>)
      %dma_wait3A = arith.constant 0 : i32
      %dma_wait3A_113 = tpu.memref_slice %arg21[%add3A_72, %dma_wait3A] : memref<10240x128xf32, #tpu.memory_space<vmem_shared>> -> memref<64x128xf32, #tpu.memory_space<vmem_shared>>
      %dma_wait3A_114 = arith.constant 0 : i32
      %dma_wait3A_115 = tpu.memref_slice %arg21[%add3A_72, %dma_wait3A_114] : memref<10240x128xf32, #tpu.memory_space<vmem_shared>> -> memref<64x128xf32, #tpu.memory_space<vmem_shared>>
      tpu.wait_dma2 semaphore(%run_scoped3A : memref<!tpu.dma_semaphore, #tpu.memory_space<semaphore_mem>>) src(%dma_wait3A_115 : memref<64x128xf32, #tpu.memory_space<vmem_shared>>) dst(%arg13 : memref<64x128xf32, #tpu.memory_space<vmem>>)
      tpu.yield
    }) : () -> ()
    "tpu.region"() ({
      %run_scoped3A = tpu.sem_alloc : memref<!tpu.dma_semaphore, #tpu.memory_space<semaphore_mem>>
      %dma_start3A_109 = arith.constant 0 : i32
      %dma_start3A_110 = tpu.memref_slice %arg7[%arg0, %add3A_72, %dma_start3A_109] : memref<2x10240x128xf32, #tpu.memory_space<hbm>> -> memref<1x64x128xf32, #tpu.memory_space<hbm>>
      %dma_start3A_111 = tpu.memref_squeeze %dma_start3A_110 : memref<1x64x128xf32, #tpu.memory_space<hbm>> -> memref<64x128xf32, #tpu.memory_space<hbm>>
      %dma_start3A_112 = arith.constant 0 : i32
      %dma_start3A_113 = tpu.memref_slice %arg7[%arg0, %add3A_72, %dma_start3A_112] : memref<2x10240x128xf32, #tpu.memory_space<hbm>> -> memref<1x64x128xf32, #tpu.memory_space<hbm>>
      %dma_start3A_114 = tpu.memref_squeeze %dma_start3A_113 : memref<1x64x128xf32, #tpu.memory_space<hbm>> -> memref<64x128xf32, #tpu.memory_space<hbm>>
      tpu.enqueue_dma source(%arg13 : memref<64x128xf32, #tpu.memory_space<vmem>>) target(%dma_start3A_114 : memref<64x128xf32, #tpu.memory_space<hbm>>) target_semaphore(%run_scoped3A : memref<!tpu.dma_semaphore, #tpu.memory_space<semaphore_mem>>)
      %dma_wait3A = arith.constant 0 : i32
      %dma_wait3A_115 = tpu.memref_slice %arg7[%arg0, %add3A_72, %dma_wait3A] : memref<2x10240x128xf32, #tpu.memory_space<hbm>> -> memref<1x64x128xf32, #tpu.memory_space<hbm>>
      %dma_wait3A_116 = tpu.memref_squeeze %dma_wait3A_115 : memref<1x64x128xf32, #tpu.memory_space<hbm>> -> memref<64x128xf32, #tpu.memory_space<hbm>>
      %dma_wait3A_117 = arith.constant 0 : i32
      %dma_wait3A_118 = tpu.memref_slice %arg7[%arg0, %add3A_72, %dma_wait3A_117] : memref<2x10240x128xf32, #tpu.memory_space<hbm>> -> memref<1x64x128xf32, #tpu.memory_space<hbm>>
      %dma_wait3A_119 = tpu.memref_squeeze %dma_wait3A_118 : memref<1x64x128xf32, #tpu.memory_space<hbm>> -> memref<64x128xf32, #tpu.memory_space<hbm>>
      tpu.wait_dma2 semaphore(%run_scoped3A : memref<!tpu.dma_semaphore, #tpu.memory_space<semaphore_mem>>) src(%arg13 : memref<64x128xf32, #tpu.memory_space<vmem>>) dst(%dma_wait3A_119 : memref<64x128xf32, #tpu.memory_space<hbm>>)
      tpu.yield
    }) : () -> ()
    %mul3A_73 = arith.constant 640 : i32
    %mul3A_74 = arith.muli %arg1, %mul3A_73 : i32
    %add3A_75 = arith.constant 64 : i32
    %add3A_76 = arith.addi %mul3A_74, %add3A_75 : i32
    "tpu.region"() ({
      %run_scoped3A = tpu.sem_alloc : memref<!tpu.dma_semaphore, #tpu.memory_space<semaphore_mem>>
      %dma_start3A_109 = arith.constant 0 : i32
      %dma_start3A_110 = tpu.memref_slice %arg21[%add3A_76, %dma_start3A_109] : memref<10240x128xf32, #tpu.memory_space<vmem_shared>> -> memref<64x128xf32, #tpu.memory_space<vmem_shared>>
      %dma_start3A_111 = arith.constant 0 : i32
      %dma_start3A_112 = tpu.memref_slice %arg21[%add3A_76, %dma_start3A_111] : memref<10240x128xf32, #tpu.memory_space<vmem_shared>> -> memref<64x128xf32, #tpu.memory_space<vmem_shared>>
      tpu.enqueue_dma source(%dma_start3A_112 : memref<64x128xf32, #tpu.memory_space<vmem_shared>>) target(%arg13 : memref<64x128xf32, #tpu.memory_space<vmem>>) target_semaphore(%run_scoped3A : memref<!tpu.dma_semaphore, #tpu.memory_space<semaphore_mem>>)
      %dma_wait3A = arith.constant 0 : i32
      %dma_wait3A_113 = tpu.memref_slice %arg21[%add3A_76, %dma_wait3A] : memref<10240x128xf32, #tpu.memory_space<vmem_shared>> -> memref<64x128xf32, #tpu.memory_space<vmem_shared>>
      %dma_wait3A_114 = arith.constant 0 : i32
      %dma_wait3A_115 = tpu.memref_slice %arg21[%add3A_76, %dma_wait3A_114] : memref<10240x128xf32, #tpu.memory_space<vmem_shared>> -> memref<64x128xf32, #tpu.memory_space<vmem_shared>>
      tpu.wait_dma2 semaphore(%run_scoped3A : memref<!tpu.dma_semaphore, #tpu.memory_space<semaphore_mem>>) src(%dma_wait3A_115 : memref<64x128xf32, #tpu.memory_space<vmem_shared>>) dst(%arg13 : memref<64x128xf32, #tpu.memory_space<vmem>>)
      tpu.yield
    }) : () -> ()
    "tpu.region"() ({
      %run_scoped3A = tpu.sem_alloc : memref<!tpu.dma_semaphore, #tpu.memory_space<semaphore_mem>>
      %dma_start3A_109 = arith.constant 0 : i32
      %dma_start3A_110 = tpu.memref_slice %arg7[%arg0, %add3A_76, %dma_start3A_109] : memref<2x10240x128xf32, #tpu.memory_space<hbm>> -> memref<1x64x128xf32, #tpu.memory_space<hbm>>
      %dma_start3A_111 = tpu.memref_squeeze %dma_start3A_110 : memref<1x64x128xf32, #tpu.memory_space<hbm>> -> memref<64x128xf32, #tpu.memory_space<hbm>>
      %dma_start3A_112 = arith.constant 0 : i32
      %dma_start3A_113 = tpu.memref_slice %arg7[%arg0, %add3A_76, %dma_start3A_112] : memref<2x10240x128xf32, #tpu.memory_space<hbm>> -> memref<1x64x128xf32, #tpu.memory_space<hbm>>
      %dma_start3A_114 = tpu.memref_squeeze %dma_start3A_113 : memref<1x64x128xf32, #tpu.memory_space<hbm>> -> memref<64x128xf32, #tpu.memory_space<hbm>>
      tpu.enqueue_dma source(%arg13 : memref<64x128xf32, #tpu.memory_space<vmem>>) target(%dma_start3A_114 : memref<64x128xf32, #tpu.memory_space<hbm>>) target_semaphore(%run_scoped3A : memref<!tpu.dma_semaphore, #tpu.memory_space<semaphore_mem>>)
      %dma_wait3A = arith.constant 0 : i32
      %dma_wait3A_115 = tpu.memref_slice %arg7[%arg0, %add3A_76, %dma_wait3A] : memref<2x10240x128xf32, #tpu.memory_space<hbm>> -> memref<1x64x128xf32, #tpu.memory_space<hbm>>
      %dma_wait3A_116 = tpu.memref_squeeze %dma_wait3A_115 : memref<1x64x128xf32, #tpu.memory_space<hbm>> -> memref<64x128xf32, #tpu.memory_space<hbm>>
      %dma_wait3A_117 = arith.constant 0 : i32
      %dma_wait3A_118 = tpu.memref_slice %arg7[%arg0, %add3A_76, %dma_wait3A_117] : memref<2x10240x128xf32, #tpu.memory_space<hbm>> -> memref<1x64x128xf32, #tpu.memory_space<hbm>>
      %dma_wait3A_119 = tpu.memref_squeeze %dma_wait3A_118 : memref<1x64x128xf32, #tpu.memory_space<hbm>> -> memref<64x128xf32, #tpu.memory_space<hbm>>
      tpu.wait_dma2 semaphore(%run_scoped3A : memref<!tpu.dma_semaphore, #tpu.memory_space<semaphore_mem>>) src(%arg13 : memref<64x128xf32, #tpu.memory_space<vmem>>) dst(%dma_wait3A_119 : memref<64x128xf32, #tpu.memory_space<hbm>>)
      tpu.yield
    }) : () -> ()
    %mul3A_77 = arith.constant 640 : i32
    %mul3A_78 = arith.muli %arg1, %mul3A_77 : i32
    %add3A_79 = arith.constant 128 : i32
    %add3A_80 = arith.addi %mul3A_78, %add3A_79 : i32
    "tpu.region"() ({
      %run_scoped3A = tpu.sem_alloc : memref<!tpu.dma_semaphore, #tpu.memory_space<semaphore_mem>>
      %dma_start3A_109 = arith.constant 0 : i32
      %dma_start3A_110 = tpu.memref_slice %arg21[%add3A_80, %dma_start3A_109] : memref<10240x128xf32, #tpu.memory_space<vmem_shared>> -> memref<64x128xf32, #tpu.memory_space<vmem_shared>>
      %dma_start3A_111 = arith.constant 0 : i32
      %dma_start3A_112 = tpu.memref_slice %arg21[%add3A_80, %dma_start3A_111] : memref<10240x128xf32, #tpu.memory_space<vmem_shared>> -> memref<64x128xf32, #tpu.memory_space<vmem_shared>>
      tpu.enqueue_dma source(%dma_start3A_112 : memref<64x128xf32, #tpu.memory_space<vmem_shared>>) target(%arg13 : memref<64x128xf32, #tpu.memory_space<vmem>>) target_semaphore(%run_scoped3A : memref<!tpu.dma_semaphore, #tpu.memory_space<semaphore_mem>>)
      %dma_wait3A = arith.constant 0 : i32
      %dma_wait3A_113 = tpu.memref_slice %arg21[%add3A_80, %dma_wait3A] : memref<10240x128xf32, #tpu.memory_space<vmem_shared>> -> memref<64x128xf32, #tpu.memory_space<vmem_shared>>
      %dma_wait3A_114 = arith.constant 0 : i32
      %dma_wait3A_115 = tpu.memref_slice %arg21[%add3A_80, %dma_wait3A_114] : memref<10240x128xf32, #tpu.memory_space<vmem_shared>> -> memref<64x128xf32, #tpu.memory_space<vmem_shared>>
      tpu.wait_dma2 semaphore(%run_scoped3A : memref<!tpu.dma_semaphore, #tpu.memory_space<semaphore_mem>>) src(%dma_wait3A_115 : memref<64x128xf32, #tpu.memory_space<vmem_shared>>) dst(%arg13 : memref<64x128xf32, #tpu.memory_space<vmem>>)
      tpu.yield
    }) : () -> ()
    "tpu.region"() ({
      %run_scoped3A = tpu.sem_alloc : memref<!tpu.dma_semaphore, #tpu.memory_space<semaphore_mem>>
      %dma_start3A_109 = arith.constant 0 : i32
      %dma_start3A_110 = tpu.memref_slice %arg7[%arg0, %add3A_80, %dma_start3A_109] : memref<2x10240x128xf32, #tpu.memory_space<hbm>> -> memref<1x64x128xf32, #tpu.memory_space<hbm>>
      %dma_start3A_111 = tpu.memref_squeeze %dma_start3A_110 : memref<1x64x128xf32, #tpu.memory_space<hbm>> -> memref<64x128xf32, #tpu.memory_space<hbm>>
      %dma_start3A_112 = arith.constant 0 : i32
      %dma_start3A_113 = tpu.memref_slice %arg7[%arg0, %add3A_80, %dma_start3A_112] : memref<2x10240x128xf32, #tpu.memory_space<hbm>> -> memref<1x64x128xf32, #tpu.memory_space<hbm>>
      %dma_start3A_114 = tpu.memref_squeeze %dma_start3A_113 : memref<1x64x128xf32, #tpu.memory_space<hbm>> -> memref<64x128xf32, #tpu.memory_space<hbm>>
      tpu.enqueue_dma source(%arg13 : memref<64x128xf32, #tpu.memory_space<vmem>>) target(%dma_start3A_114 : memref<64x128xf32, #tpu.memory_space<hbm>>) target_semaphore(%run_scoped3A : memref<!tpu.dma_semaphore, #tpu.memory_space<semaphore_mem>>)
      %dma_wait3A = arith.constant 0 : i32
      %dma_wait3A_115 = tpu.memref_slice %arg7[%arg0, %add3A_80, %dma_wait3A] : memref<2x10240x128xf32, #tpu.memory_space<hbm>> -> memref<1x64x128xf32, #tpu.memory_space<hbm>>
      %dma_wait3A_116 = tpu.memref_squeeze %dma_wait3A_115 : memref<1x64x128xf32, #tpu.memory_space<hbm>> -> memref<64x128xf32, #tpu.memory_space<hbm>>
      %dma_wait3A_117 = arith.constant 0 : i32
      %dma_wait3A_118 = tpu.memref_slice %arg7[%arg0, %add3A_80, %dma_wait3A_117] : memref<2x10240x128xf32, #tpu.memory_space<hbm>> -> memref<1x64x128xf32, #tpu.memory_space<hbm>>
      %dma_wait3A_119 = tpu.memref_squeeze %dma_wait3A_118 : memref<1x64x128xf32, #tpu.memory_space<hbm>> -> memref<64x128xf32, #tpu.memory_space<hbm>>
      tpu.wait_dma2 semaphore(%run_scoped3A : memref<!tpu.dma_semaphore, #tpu.memory_space<semaphore_mem>>) src(%arg13 : memref<64x128xf32, #tpu.memory_space<vmem>>) dst(%dma_wait3A_119 : memref<64x128xf32, #tpu.memory_space<hbm>>)
      tpu.yield
    }) : () -> ()
    %mul3A_81 = arith.constant 640 : i32
    %mul3A_82 = arith.muli %arg1, %mul3A_81 : i32
    %add3A_83 = arith.constant 192 : i32
    %add3A_84 = arith.addi %mul3A_82, %add3A_83 : i32
    "tpu.region"() ({
      %run_scoped3A = tpu.sem_alloc : memref<!tpu.dma_semaphore, #tpu.memory_space<semaphore_mem>>
      %dma_start3A_109 = arith.constant 0 : i32
      %dma_start3A_110 = tpu.memref_slice %arg21[%add3A_84, %dma_start3A_109] : memref<10240x128xf32, #tpu.memory_space<vmem_shared>> -> memref<64x128xf32, #tpu.memory_space<vmem_shared>>
      %dma_start3A_111 = arith.constant 0 : i32
      %dma_start3A_112 = tpu.memref_slice %arg21[%add3A_84, %dma_start3A_111] : memref<10240x128xf32, #tpu.memory_space<vmem_shared>> -> memref<64x128xf32, #tpu.memory_space<vmem_shared>>
      tpu.enqueue_dma source(%dma_start3A_112 : memref<64x128xf32, #tpu.memory_space<vmem_shared>>) target(%arg13 : memref<64x128xf32, #tpu.memory_space<vmem>>) target_semaphore(%run_scoped3A : memref<!tpu.dma_semaphore, #tpu.memory_space<semaphore_mem>>)
      %dma_wait3A = arith.constant 0 : i32
      %dma_wait3A_113 = tpu.memref_slice %arg21[%add3A_84, %dma_wait3A] : memref<10240x128xf32, #tpu.memory_space<vmem_shared>> -> memref<64x128xf32, #tpu.memory_space<vmem_shared>>
      %dma_wait3A_114 = arith.constant 0 : i32
      %dma_wait3A_115 = tpu.memref_slice %arg21[%add3A_84, %dma_wait3A_114] : memref<10240x128xf32, #tpu.memory_space<vmem_shared>> -> memref<64x128xf32, #tpu.memory_space<vmem_shared>>
      tpu.wait_dma2 semaphore(%run_scoped3A : memref<!tpu.dma_semaphore, #tpu.memory_space<semaphore_mem>>) src(%dma_wait3A_115 : memref<64x128xf32, #tpu.memory_space<vmem_shared>>) dst(%arg13 : memref<64x128xf32, #tpu.memory_space<vmem>>)
      tpu.yield
    }) : () -> ()
    "tpu.region"() ({
      %run_scoped3A = tpu.sem_alloc : memref<!tpu.dma_semaphore, #tpu.memory_space<semaphore_mem>>
      %dma_start3A_109 = arith.constant 0 : i32
      %dma_start3A_110 = tpu.memref_slice %arg7[%arg0, %add3A_84, %dma_start3A_109] : memref<2x10240x128xf32, #tpu.memory_space<hbm>> -> memref<1x64x128xf32, #tpu.memory_space<hbm>>
      %dma_start3A_111 = tpu.memref_squeeze %dma_start3A_110 : memref<1x64x128xf32, #tpu.memory_space<hbm>> -> memref<64x128xf32, #tpu.memory_space<hbm>>
      %dma_start3A_112 = arith.constant 0 : i32
      %dma_start3A_113 = tpu.memref_slice %arg7[%arg0, %add3A_84, %dma_start3A_112] : memref<2x10240x128xf32, #tpu.memory_space<hbm>> -> memref<1x64x128xf32, #tpu.memory_space<hbm>>
      %dma_start3A_114 = tpu.memref_squeeze %dma_start3A_113 : memref<1x64x128xf32, #tpu.memory_space<hbm>> -> memref<64x128xf32, #tpu.memory_space<hbm>>
      tpu.enqueue_dma source(%arg13 : memref<64x128xf32, #tpu.memory_space<vmem>>) target(%dma_start3A_114 : memref<64x128xf32, #tpu.memory_space<hbm>>) target_semaphore(%run_scoped3A : memref<!tpu.dma_semaphore, #tpu.memory_space<semaphore_mem>>)
      %dma_wait3A = arith.constant 0 : i32
      %dma_wait3A_115 = tpu.memref_slice %arg7[%arg0, %add3A_84, %dma_wait3A] : memref<2x10240x128xf32, #tpu.memory_space<hbm>> -> memref<1x64x128xf32, #tpu.memory_space<hbm>>
      %dma_wait3A_116 = tpu.memref_squeeze %dma_wait3A_115 : memref<1x64x128xf32, #tpu.memory_space<hbm>> -> memref<64x128xf32, #tpu.memory_space<hbm>>
      %dma_wait3A_117 = arith.constant 0 : i32
      %dma_wait3A_118 = tpu.memref_slice %arg7[%arg0, %add3A_84, %dma_wait3A_117] : memref<2x10240x128xf32, #tpu.memory_space<hbm>> -> memref<1x64x128xf32, #tpu.memory_space<hbm>>
      %dma_wait3A_119 = tpu.memref_squeeze %dma_wait3A_118 : memref<1x64x128xf32, #tpu.memory_space<hbm>> -> memref<64x128xf32, #tpu.memory_space<hbm>>
      tpu.wait_dma2 semaphore(%run_scoped3A : memref<!tpu.dma_semaphore, #tpu.memory_space<semaphore_mem>>) src(%arg13 : memref<64x128xf32, #tpu.memory_space<vmem>>) dst(%dma_wait3A_119 : memref<64x128xf32, #tpu.memory_space<hbm>>)
      tpu.yield
    }) : () -> ()
    %mul3A_85 = arith.constant 640 : i32
    %mul3A_86 = arith.muli %arg1, %mul3A_85 : i32
    %add3A_87 = arith.constant 256 : i32
    %add3A_88 = arith.addi %mul3A_86, %add3A_87 : i32
    "tpu.region"() ({
      %run_scoped3A = tpu.sem_alloc : memref<!tpu.dma_semaphore, #tpu.memory_space<semaphore_mem>>
      %dma_start3A_109 = arith.constant 0 : i32
      %dma_start3A_110 = tpu.memref_slice %arg21[%add3A_88, %dma_start3A_109] : memref<10240x128xf32, #tpu.memory_space<vmem_shared>> -> memref<64x128xf32, #tpu.memory_space<vmem_shared>>
      %dma_start3A_111 = arith.constant 0 : i32
      %dma_start3A_112 = tpu.memref_slice %arg21[%add3A_88, %dma_start3A_111] : memref<10240x128xf32, #tpu.memory_space<vmem_shared>> -> memref<64x128xf32, #tpu.memory_space<vmem_shared>>
      tpu.enqueue_dma source(%dma_start3A_112 : memref<64x128xf32, #tpu.memory_space<vmem_shared>>) target(%arg13 : memref<64x128xf32, #tpu.memory_space<vmem>>) target_semaphore(%run_scoped3A : memref<!tpu.dma_semaphore, #tpu.memory_space<semaphore_mem>>)
      %dma_wait3A = arith.constant 0 : i32
      %dma_wait3A_113 = tpu.memref_slice %arg21[%add3A_88, %dma_wait3A] : memref<10240x128xf32, #tpu.memory_space<vmem_shared>> -> memref<64x128xf32, #tpu.memory_space<vmem_shared>>
      %dma_wait3A_114 = arith.constant 0 : i32
      %dma_wait3A_115 = tpu.memref_slice %arg21[%add3A_88, %dma_wait3A_114] : memref<10240x128xf32, #tpu.memory_space<vmem_shared>> -> memref<64x128xf32, #tpu.memory_space<vmem_shared>>
      tpu.wait_dma2 semaphore(%run_scoped3A : memref<!tpu.dma_semaphore, #tpu.memory_space<semaphore_mem>>) src(%dma_wait3A_115 : memref<64x128xf32, #tpu.memory_space<vmem_shared>>) dst(%arg13 : memref<64x128xf32, #tpu.memory_space<vmem>>)
      tpu.yield
    }) : () -> ()
    "tpu.region"() ({
      %run_scoped3A = tpu.sem_alloc : memref<!tpu.dma_semaphore, #tpu.memory_space<semaphore_mem>>
      %dma_start3A_109 = arith.constant 0 : i32
      %dma_start3A_110 = tpu.memref_slice %arg7[%arg0, %add3A_88, %dma_start3A_109] : memref<2x10240x128xf32, #tpu.memory_space<hbm>> -> memref<1x64x128xf32, #tpu.memory_space<hbm>>
      %dma_start3A_111 = tpu.memref_squeeze %dma_start3A_110 : memref<1x64x128xf32, #tpu.memory_space<hbm>> -> memref<64x128xf32, #tpu.memory_space<hbm>>
      %dma_start3A_112 = arith.constant 0 : i32
      %dma_start3A_113 = tpu.memref_slice %arg7[%arg0, %add3A_88, %dma_start3A_112] : memref<2x10240x128xf32, #tpu.memory_space<hbm>> -> memref<1x64x128xf32, #tpu.memory_space<hbm>>
      %dma_start3A_114 = tpu.memref_squeeze %dma_start3A_113 : memref<1x64x128xf32, #tpu.memory_space<hbm>> -> memref<64x128xf32, #tpu.memory_space<hbm>>
      tpu.enqueue_dma source(%arg13 : memref<64x128xf32, #tpu.memory_space<vmem>>) target(%dma_start3A_114 : memref<64x128xf32, #tpu.memory_space<hbm>>) target_semaphore(%run_scoped3A : memref<!tpu.dma_semaphore, #tpu.memory_space<semaphore_mem>>)
      %dma_wait3A = arith.constant 0 : i32
      %dma_wait3A_115 = tpu.memref_slice %arg7[%arg0, %add3A_88, %dma_wait3A] : memref<2x10240x128xf32, #tpu.memory_space<hbm>> -> memref<1x64x128xf32, #tpu.memory_space<hbm>>
      %dma_wait3A_116 = tpu.memref_squeeze %dma_wait3A_115 : memref<1x64x128xf32, #tpu.memory_space<hbm>> -> memref<64x128xf32, #tpu.memory_space<hbm>>
      %dma_wait3A_117 = arith.constant 0 : i32
      %dma_wait3A_118 = tpu.memref_slice %arg7[%arg0, %add3A_88, %dma_wait3A_117] : memref<2x10240x128xf32, #tpu.memory_space<hbm>> -> memref<1x64x128xf32, #tpu.memory_space<hbm>>
      %dma_wait3A_119 = tpu.memref_squeeze %dma_wait3A_118 : memref<1x64x128xf32, #tpu.memory_space<hbm>> -> memref<64x128xf32, #tpu.memory_space<hbm>>
      tpu.wait_dma2 semaphore(%run_scoped3A : memref<!tpu.dma_semaphore, #tpu.memory_space<semaphore_mem>>) src(%arg13 : memref<64x128xf32, #tpu.memory_space<vmem>>) dst(%dma_wait3A_119 : memref<64x128xf32, #tpu.memory_space<hbm>>)
      tpu.yield
    }) : () -> ()
    %mul3A_89 = arith.constant 640 : i32
    %mul3A_90 = arith.muli %arg1, %mul3A_89 : i32
    %add3A_91 = arith.constant 320 : i32
    %add3A_92 = arith.addi %mul3A_90, %add3A_91 : i32
    "tpu.region"() ({
      %run_scoped3A = tpu.sem_alloc : memref<!tpu.dma_semaphore, #tpu.memory_space<semaphore_mem>>
      %dma_start3A_109 = arith.constant 0 : i32
      %dma_start3A_110 = tpu.memref_slice %arg21[%add3A_92, %dma_start3A_109] : memref<10240x128xf32, #tpu.memory_space<vmem_shared>> -> memref<64x128xf32, #tpu.memory_space<vmem_shared>>
      %dma_start3A_111 = arith.constant 0 : i32
      %dma_start3A_112 = tpu.memref_slice %arg21[%add3A_92, %dma_start3A_111] : memref<10240x128xf32, #tpu.memory_space<vmem_shared>> -> memref<64x128xf32, #tpu.memory_space<vmem_shared>>
      tpu.enqueue_dma source(%dma_start3A_112 : memref<64x128xf32, #tpu.memory_space<vmem_shared>>) target(%arg13 : memref<64x128xf32, #tpu.memory_space<vmem>>) target_semaphore(%run_scoped3A : memref<!tpu.dma_semaphore, #tpu.memory_space<semaphore_mem>>)
      %dma_wait3A = arith.constant 0 : i32
      %dma_wait3A_113 = tpu.memref_slice %arg21[%add3A_92, %dma_wait3A] : memref<10240x128xf32, #tpu.memory_space<vmem_shared>> -> memref<64x128xf32, #tpu.memory_space<vmem_shared>>
      %dma_wait3A_114 = arith.constant 0 : i32
      %dma_wait3A_115 = tpu.memref_slice %arg21[%add3A_92, %dma_wait3A_114] : memref<10240x128xf32, #tpu.memory_space<vmem_shared>> -> memref<64x128xf32, #tpu.memory_space<vmem_shared>>
      tpu.wait_dma2 semaphore(%run_scoped3A : memref<!tpu.dma_semaphore, #tpu.memory_space<semaphore_mem>>) src(%dma_wait3A_115 : memref<64x128xf32, #tpu.memory_space<vmem_shared>>) dst(%arg13 : memref<64x128xf32, #tpu.memory_space<vmem>>)
      tpu.yield
    }) : () -> ()
    "tpu.region"() ({
      %run_scoped3A = tpu.sem_alloc : memref<!tpu.dma_semaphore, #tpu.memory_space<semaphore_mem>>
      %dma_start3A_109 = arith.constant 0 : i32
      %dma_start3A_110 = tpu.memref_slice %arg7[%arg0, %add3A_92, %dma_start3A_109] : memref<2x10240x128xf32, #tpu.memory_space<hbm>> -> memref<1x64x128xf32, #tpu.memory_space<hbm>>
      %dma_start3A_111 = tpu.memref_squeeze %dma_start3A_110 : memref<1x64x128xf32, #tpu.memory_space<hbm>> -> memref<64x128xf32, #tpu.memory_space<hbm>>
      %dma_start3A_112 = arith.constant 0 : i32
      %dma_start3A_113 = tpu.memref_slice %arg7[%arg0, %add3A_92, %dma_start3A_112] : memref<2x10240x128xf32, #tpu.memory_space<hbm>> -> memref<1x64x128xf32, #tpu.memory_space<hbm>>
      %dma_start3A_114 = tpu.memref_squeeze %dma_start3A_113 : memref<1x64x128xf32, #tpu.memory_space<hbm>> -> memref<64x128xf32, #tpu.memory_space<hbm>>
      tpu.enqueue_dma source(%arg13 : memref<64x128xf32, #tpu.memory_space<vmem>>) target(%dma_start3A_114 : memref<64x128xf32, #tpu.memory_space<hbm>>) target_semaphore(%run_scoped3A : memref<!tpu.dma_semaphore, #tpu.memory_space<semaphore_mem>>)
      %dma_wait3A = arith.constant 0 : i32
      %dma_wait3A_115 = tpu.memref_slice %arg7[%arg0, %add3A_92, %dma_wait3A] : memref<2x10240x128xf32, #tpu.memory_space<hbm>> -> memref<1x64x128xf32, #tpu.memory_space<hbm>>
      %dma_wait3A_116 = tpu.memref_squeeze %dma_wait3A_115 : memref<1x64x128xf32, #tpu.memory_space<hbm>> -> memref<64x128xf32, #tpu.memory_space<hbm>>
      %dma_wait3A_117 = arith.constant 0 : i32
      %dma_wait3A_118 = tpu.memref_slice %arg7[%arg0, %add3A_92, %dma_wait3A_117] : memref<2x10240x128xf32, #tpu.memory_space<hbm>> -> memref<1x64x128xf32, #tpu.memory_space<hbm>>
      %dma_wait3A_119 = tpu.memref_squeeze %dma_wait3A_118 : memref<1x64x128xf32, #tpu.memory_space<hbm>> -> memref<64x128xf32, #tpu.memory_space<hbm>>
      tpu.wait_dma2 semaphore(%run_scoped3A : memref<!tpu.dma_semaphore, #tpu.memory_space<semaphore_mem>>) src(%arg13 : memref<64x128xf32, #tpu.memory_space<vmem>>) dst(%dma_wait3A_119 : memref<64x128xf32, #tpu.memory_space<hbm>>)
      tpu.yield
    }) : () -> ()
    %mul3A_93 = arith.constant 640 : i32
    %mul3A_94 = arith.muli %arg1, %mul3A_93 : i32
    %add3A_95 = arith.constant 384 : i32
    %add3A_96 = arith.addi %mul3A_94, %add3A_95 : i32
    "tpu.region"() ({
      %run_scoped3A = tpu.sem_alloc : memref<!tpu.dma_semaphore, #tpu.memory_space<semaphore_mem>>
      %dma_start3A_109 = arith.constant 0 : i32
      %dma_start3A_110 = tpu.memref_slice %arg21[%add3A_96, %dma_start3A_109] : memref<10240x128xf32, #tpu.memory_space<vmem_shared>> -> memref<64x128xf32, #tpu.memory_space<vmem_shared>>
      %dma_start3A_111 = arith.constant 0 : i32
      %dma_start3A_112 = tpu.memref_slice %arg21[%add3A_96, %dma_start3A_111] : memref<10240x128xf32, #tpu.memory_space<vmem_shared>> -> memref<64x128xf32, #tpu.memory_space<vmem_shared>>
      tpu.enqueue_dma source(%dma_start3A_112 : memref<64x128xf32, #tpu.memory_space<vmem_shared>>) target(%arg13 : memref<64x128xf32, #tpu.memory_space<vmem>>) target_semaphore(%run_scoped3A : memref<!tpu.dma_semaphore, #tpu.memory_space<semaphore_mem>>)
      %dma_wait3A = arith.constant 0 : i32
      %dma_wait3A_113 = tpu.memref_slice %arg21[%add3A_96, %dma_wait3A] : memref<10240x128xf32, #tpu.memory_space<vmem_shared>> -> memref<64x128xf32, #tpu.memory_space<vmem_shared>>
      %dma_wait3A_114 = arith.constant 0 : i32
      %dma_wait3A_115 = tpu.memref_slice %arg21[%add3A_96, %dma_wait3A_114] : memref<10240x128xf32, #tpu.memory_space<vmem_shared>> -> memref<64x128xf32, #tpu.memory_space<vmem_shared>>
      tpu.wait_dma2 semaphore(%run_scoped3A : memref<!tpu.dma_semaphore, #tpu.memory_space<semaphore_mem>>) src(%dma_wait3A_115 : memref<64x128xf32, #tpu.memory_space<vmem_shared>>) dst(%arg13 : memref<64x128xf32, #tpu.memory_space<vmem>>)
      tpu.yield
    }) : () -> ()
    "tpu.region"() ({
      %run_scoped3A = tpu.sem_alloc : memref<!tpu.dma_semaphore, #tpu.memory_space<semaphore_mem>>
      %dma_start3A_109 = arith.constant 0 : i32
      %dma_start3A_110 = tpu.memref_slice %arg7[%arg0, %add3A_96, %dma_start3A_109] : memref<2x10240x128xf32, #tpu.memory_space<hbm>> -> memref<1x64x128xf32, #tpu.memory_space<hbm>>
      %dma_start3A_111 = tpu.memref_squeeze %dma_start3A_110 : memref<1x64x128xf32, #tpu.memory_space<hbm>> -> memref<64x128xf32, #tpu.memory_space<hbm>>
      %dma_start3A_112 = arith.constant 0 : i32
      %dma_start3A_113 = tpu.memref_slice %arg7[%arg0, %add3A_96, %dma_start3A_112] : memref<2x10240x128xf32, #tpu.memory_space<hbm>> -> memref<1x64x128xf32, #tpu.memory_space<hbm>>
      %dma_start3A_114 = tpu.memref_squeeze %dma_start3A_113 : memref<1x64x128xf32, #tpu.memory_space<hbm>> -> memref<64x128xf32, #tpu.memory_space<hbm>>
      tpu.enqueue_dma source(%arg13 : memref<64x128xf32, #tpu.memory_space<vmem>>) target(%dma_start3A_114 : memref<64x128xf32, #tpu.memory_space<hbm>>) target_semaphore(%run_scoped3A : memref<!tpu.dma_semaphore, #tpu.memory_space<semaphore_mem>>)
      %dma_wait3A = arith.constant 0 : i32
      %dma_wait3A_115 = tpu.memref_slice %arg7[%arg0, %add3A_96, %dma_wait3A] : memref<2x10240x128xf32, #tpu.memory_space<hbm>> -> memref<1x64x128xf32, #tpu.memory_space<hbm>>
      %dma_wait3A_116 = tpu.memref_squeeze %dma_wait3A_115 : memref<1x64x128xf32, #tpu.memory_space<hbm>> -> memref<64x128xf32, #tpu.memory_space<hbm>>
      %dma_wait3A_117 = arith.constant 0 : i32
      %dma_wait3A_118 = tpu.memref_slice %arg7[%arg0, %add3A_96, %dma_wait3A_117] : memref<2x10240x128xf32, #tpu.memory_space<hbm>> -> memref<1x64x128xf32, #tpu.memory_space<hbm>>
      %dma_wait3A_119 = tpu.memref_squeeze %dma_wait3A_118 : memref<1x64x128xf32, #tpu.memory_space<hbm>> -> memref<64x128xf32, #tpu.memory_space<hbm>>
      tpu.wait_dma2 semaphore(%run_scoped3A : memref<!tpu.dma_semaphore, #tpu.memory_space<semaphore_mem>>) src(%arg13 : memref<64x128xf32, #tpu.memory_space<vmem>>) dst(%dma_wait3A_119 : memref<64x128xf32, #tpu.memory_space<hbm>>)
      tpu.yield
    }) : () -> ()
    %mul3A_97 = arith.constant 640 : i32
    %mul3A_98 = arith.muli %arg1, %mul3A_97 : i32
    %add3A_99 = arith.constant 448 : i32
    %add3A_100 = arith.addi %mul3A_98, %add3A_99 : i32
    "tpu.region"() ({
      %run_scoped3A = tpu.sem_alloc : memref<!tpu.dma_semaphore, #tpu.memory_space<semaphore_mem>>
      %dma_start3A_109 = arith.constant 0 : i32
      %dma_start3A_110 = tpu.memref_slice %arg21[%add3A_100, %dma_start3A_109] : memref<10240x128xf32, #tpu.memory_space<vmem_shared>> -> memref<64x128xf32, #tpu.memory_space<vmem_shared>>
      %dma_start3A_111 = arith.constant 0 : i32
      %dma_start3A_112 = tpu.memref_slice %arg21[%add3A_100, %dma_start3A_111] : memref<10240x128xf32, #tpu.memory_space<vmem_shared>> -> memref<64x128xf32, #tpu.memory_space<vmem_shared>>
      tpu.enqueue_dma source(%dma_start3A_112 : memref<64x128xf32, #tpu.memory_space<vmem_shared>>) target(%arg13 : memref<64x128xf32, #tpu.memory_space<vmem>>) target_semaphore(%run_scoped3A : memref<!tpu.dma_semaphore, #tpu.memory_space<semaphore_mem>>)
      %dma_wait3A = arith.constant 0 : i32
      %dma_wait3A_113 = tpu.memref_slice %arg21[%add3A_100, %dma_wait3A] : memref<10240x128xf32, #tpu.memory_space<vmem_shared>> -> memref<64x128xf32, #tpu.memory_space<vmem_shared>>
      %dma_wait3A_114 = arith.constant 0 : i32
      %dma_wait3A_115 = tpu.memref_slice %arg21[%add3A_100, %dma_wait3A_114] : memref<10240x128xf32, #tpu.memory_space<vmem_shared>> -> memref<64x128xf32, #tpu.memory_space<vmem_shared>>
      tpu.wait_dma2 semaphore(%run_scoped3A : memref<!tpu.dma_semaphore, #tpu.memory_space<semaphore_mem>>) src(%dma_wait3A_115 : memref<64x128xf32, #tpu.memory_space<vmem_shared>>) dst(%arg13 : memref<64x128xf32, #tpu.memory_space<vmem>>)
      tpu.yield
    }) : () -> ()
    "tpu.region"() ({
      %run_scoped3A = tpu.sem_alloc : memref<!tpu.dma_semaphore, #tpu.memory_space<semaphore_mem>>
      %dma_start3A_109 = arith.constant 0 : i32
      %dma_start3A_110 = tpu.memref_slice %arg7[%arg0, %add3A_100, %dma_start3A_109] : memref<2x10240x128xf32, #tpu.memory_space<hbm>> -> memref<1x64x128xf32, #tpu.memory_space<hbm>>
      %dma_start3A_111 = tpu.memref_squeeze %dma_start3A_110 : memref<1x64x128xf32, #tpu.memory_space<hbm>> -> memref<64x128xf32, #tpu.memory_space<hbm>>
      %dma_start3A_112 = arith.constant 0 : i32
      %dma_start3A_113 = tpu.memref_slice %arg7[%arg0, %add3A_100, %dma_start3A_112] : memref<2x10240x128xf32, #tpu.memory_space<hbm>> -> memref<1x64x128xf32, #tpu.memory_space<hbm>>
      %dma_start3A_114 = tpu.memref_squeeze %dma_start3A_113 : memref<1x64x128xf32, #tpu.memory_space<hbm>> -> memref<64x128xf32, #tpu.memory_space<hbm>>
      tpu.enqueue_dma source(%arg13 : memref<64x128xf32, #tpu.memory_space<vmem>>) target(%dma_start3A_114 : memref<64x128xf32, #tpu.memory_space<hbm>>) target_semaphore(%run_scoped3A : memref<!tpu.dma_semaphore, #tpu.memory_space<semaphore_mem>>)
      %dma_wait3A = arith.constant 0 : i32
      %dma_wait3A_115 = tpu.memref_slice %arg7[%arg0, %add3A_100, %dma_wait3A] : memref<2x10240x128xf32, #tpu.memory_space<hbm>> -> memref<1x64x128xf32, #tpu.memory_space<hbm>>
      %dma_wait3A_116 = tpu.memref_squeeze %dma_wait3A_115 : memref<1x64x128xf32, #tpu.memory_space<hbm>> -> memref<64x128xf32, #tpu.memory_space<hbm>>
      %dma_wait3A_117 = arith.constant 0 : i32
      %dma_wait3A_118 = tpu.memref_slice %arg7[%arg0, %add3A_100, %dma_wait3A_117] : memref<2x10240x128xf32, #tpu.memory_space<hbm>> -> memref<1x64x128xf32, #tpu.memory_space<hbm>>
      %dma_wait3A_119 = tpu.memref_squeeze %dma_wait3A_118 : memref<1x64x128xf32, #tpu.memory_space<hbm>> -> memref<64x128xf32, #tpu.memory_space<hbm>>
      tpu.wait_dma2 semaphore(%run_scoped3A : memref<!tpu.dma_semaphore, #tpu.memory_space<semaphore_mem>>) src(%arg13 : memref<64x128xf32, #tpu.memory_space<vmem>>) dst(%dma_wait3A_119 : memref<64x128xf32, #tpu.memory_space<hbm>>)
      tpu.yield
    }) : () -> ()
    %mul3A_101 = arith.constant 640 : i32
    %mul3A_102 = arith.muli %arg1, %mul3A_101 : i32
    %add3A_103 = arith.constant 512 : i32
    %add3A_104 = arith.addi %mul3A_102, %add3A_103 : i32
    "tpu.region"() ({
      %run_scoped3A = tpu.sem_alloc : memref<!tpu.dma_semaphore, #tpu.memory_space<semaphore_mem>>
      %dma_start3A_109 = arith.constant 0 : i32
      %dma_start3A_110 = tpu.memref_slice %arg21[%add3A_104, %dma_start3A_109] : memref<10240x128xf32, #tpu.memory_space<vmem_shared>> -> memref<64x128xf32, #tpu.memory_space<vmem_shared>>
      %dma_start3A_111 = arith.constant 0 : i32
      %dma_start3A_112 = tpu.memref_slice %arg21[%add3A_104, %dma_start3A_111] : memref<10240x128xf32, #tpu.memory_space<vmem_shared>> -> memref<64x128xf32, #tpu.memory_space<vmem_shared>>
      tpu.enqueue_dma source(%dma_start3A_112 : memref<64x128xf32, #tpu.memory_space<vmem_shared>>) target(%arg13 : memref<64x128xf32, #tpu.memory_space<vmem>>) target_semaphore(%run_scoped3A : memref<!tpu.dma_semaphore, #tpu.memory_space<semaphore_mem>>)
      %dma_wait3A = arith.constant 0 : i32
      %dma_wait3A_113 = tpu.memref_slice %arg21[%add3A_104, %dma_wait3A] : memref<10240x128xf32, #tpu.memory_space<vmem_shared>> -> memref<64x128xf32, #tpu.memory_space<vmem_shared>>
      %dma_wait3A_114 = arith.constant 0 : i32
      %dma_wait3A_115 = tpu.memref_slice %arg21[%add3A_104, %dma_wait3A_114] : memref<10240x128xf32, #tpu.memory_space<vmem_shared>> -> memref<64x128xf32, #tpu.memory_space<vmem_shared>>
      tpu.wait_dma2 semaphore(%run_scoped3A : memref<!tpu.dma_semaphore, #tpu.memory_space<semaphore_mem>>) src(%dma_wait3A_115 : memref<64x128xf32, #tpu.memory_space<vmem_shared>>) dst(%arg13 : memref<64x128xf32, #tpu.memory_space<vmem>>)
      tpu.yield
    }) : () -> ()
    "tpu.region"() ({
      %run_scoped3A = tpu.sem_alloc : memref<!tpu.dma_semaphore, #tpu.memory_space<semaphore_mem>>
      %dma_start3A_109 = arith.constant 0 : i32
      %dma_start3A_110 = tpu.memref_slice %arg7[%arg0, %add3A_104, %dma_start3A_109] : memref<2x10240x128xf32, #tpu.memory_space<hbm>> -> memref<1x64x128xf32, #tpu.memory_space<hbm>>
      %dma_start3A_111 = tpu.memref_squeeze %dma_start3A_110 : memref<1x64x128xf32, #tpu.memory_space<hbm>> -> memref<64x128xf32, #tpu.memory_space<hbm>>
      %dma_start3A_112 = arith.constant 0 : i32
      %dma_start3A_113 = tpu.memref_slice %arg7[%arg0, %add3A_104, %dma_start3A_112] : memref<2x10240x128xf32, #tpu.memory_space<hbm>> -> memref<1x64x128xf32, #tpu.memory_space<hbm>>
      %dma_start3A_114 = tpu.memref_squeeze %dma_start3A_113 : memref<1x64x128xf32, #tpu.memory_space<hbm>> -> memref<64x128xf32, #tpu.memory_space<hbm>>
      tpu.enqueue_dma source(%arg13 : memref<64x128xf32, #tpu.memory_space<vmem>>) target(%dma_start3A_114 : memref<64x128xf32, #tpu.memory_space<hbm>>) target_semaphore(%run_scoped3A : memref<!tpu.dma_semaphore, #tpu.memory_space<semaphore_mem>>)
      %dma_wait3A = arith.constant 0 : i32
      %dma_wait3A_115 = tpu.memref_slice %arg7[%arg0, %add3A_104, %dma_wait3A] : memref<2x10240x128xf32, #tpu.memory_space<hbm>> -> memref<1x64x128xf32, #tpu.memory_space<hbm>>
      %dma_wait3A_116 = tpu.memref_squeeze %dma_wait3A_115 : memref<1x64x128xf32, #tpu.memory_space<hbm>> -> memref<64x128xf32, #tpu.memory_space<hbm>>
      %dma_wait3A_117 = arith.constant 0 : i32
      %dma_wait3A_118 = tpu.memref_slice %arg7[%arg0, %add3A_104, %dma_wait3A_117] : memref<2x10240x128xf32, #tpu.memory_space<hbm>> -> memref<1x64x128xf32, #tpu.memory_space<hbm>>
      %dma_wait3A_119 = tpu.memref_squeeze %dma_wait3A_118 : memref<1x64x128xf32, #tpu.memory_space<hbm>> -> memref<64x128xf32, #tpu.memory_space<hbm>>
      tpu.wait_dma2 semaphore(%run_scoped3A : memref<!tpu.dma_semaphore, #tpu.memory_space<semaphore_mem>>) src(%arg13 : memref<64x128xf32, #tpu.memory_space<vmem>>) dst(%dma_wait3A_119 : memref<64x128xf32, #tpu.memory_space<hbm>>)
      tpu.yield
    }) : () -> ()
    %mul3A_105 = arith.constant 640 : i32
    %mul3A_106 = arith.muli %arg1, %mul3A_105 : i32
    %add3A_107 = arith.constant 576 : i32
    %add3A_108 = arith.addi %mul3A_106, %add3A_107 : i32
    "tpu.region"() ({
      %run_scoped3A = tpu.sem_alloc : memref<!tpu.dma_semaphore, #tpu.memory_space<semaphore_mem>>
      %dma_start3A_109 = arith.constant 0 : i32
      %dma_start3A_110 = tpu.memref_slice %arg21[%add3A_108, %dma_start3A_109] : memref<10240x128xf32, #tpu.memory_space<vmem_shared>> -> memref<64x128xf32, #tpu.memory_space<vmem_shared>>
      %dma_start3A_111 = arith.constant 0 : i32
      %dma_start3A_112 = tpu.memref_slice %arg21[%add3A_108, %dma_start3A_111] : memref<10240x128xf32, #tpu.memory_space<vmem_shared>> -> memref<64x128xf32, #tpu.memory_space<vmem_shared>>
      tpu.enqueue_dma source(%dma_start3A_112 : memref<64x128xf32, #tpu.memory_space<vmem_shared>>) target(%arg13 : memref<64x128xf32, #tpu.memory_space<vmem>>) target_semaphore(%run_scoped3A : memref<!tpu.dma_semaphore, #tpu.memory_space<semaphore_mem>>)
      %dma_wait3A = arith.constant 0 : i32
      %dma_wait3A_113 = tpu.memref_slice %arg21[%add3A_108, %dma_wait3A] : memref<10240x128xf32, #tpu.memory_space<vmem_shared>> -> memref<64x128xf32, #tpu.memory_space<vmem_shared>>
      %dma_wait3A_114 = arith.constant 0 : i32
      %dma_wait3A_115 = tpu.memref_slice %arg21[%add3A_108, %dma_wait3A_114] : memref<10240x128xf32, #tpu.memory_space<vmem_shared>> -> memref<64x128xf32, #tpu.memory_space<vmem_shared>>
      tpu.wait_dma2 semaphore(%run_scoped3A : memref<!tpu.dma_semaphore, #tpu.memory_space<semaphore_mem>>) src(%dma_wait3A_115 : memref<64x128xf32, #tpu.memory_space<vmem_shared>>) dst(%arg13 : memref<64x128xf32, #tpu.memory_space<vmem>>)
      tpu.yield
    }) : () -> ()
    "tpu.region"() ({
      %run_scoped3A = tpu.sem_alloc : memref<!tpu.dma_semaphore, #tpu.memory_space<semaphore_mem>>
      %dma_start3A_109 = arith.constant 0 : i32
      %dma_start3A_110 = tpu.memref_slice %arg7[%arg0, %add3A_108, %dma_start3A_109] : memref<2x10240x128xf32, #tpu.memory_space<hbm>> -> memref<1x64x128xf32, #tpu.memory_space<hbm>>
      %dma_start3A_111 = tpu.memref_squeeze %dma_start3A_110 : memref<1x64x128xf32, #tpu.memory_space<hbm>> -> memref<64x128xf32, #tpu.memory_space<hbm>>
      %dma_start3A_112 = arith.constant 0 : i32
      %dma_start3A_113 = tpu.memref_slice %arg7[%arg0, %add3A_108, %dma_start3A_112] : memref<2x10240x128xf32, #tpu.memory_space<hbm>> -> memref<1x64x128xf32, #tpu.memory_space<hbm>>
      %dma_start3A_114 = tpu.memref_squeeze %dma_start3A_113 : memref<1x64x128xf32, #tpu.memory_space<hbm>> -> memref<64x128xf32, #tpu.memory_space<hbm>>
      tpu.enqueue_dma source(%arg13 : memref<64x128xf32, #tpu.memory_space<vmem>>) target(%dma_start3A_114 : memref<64x128xf32, #tpu.memory_space<hbm>>) target_semaphore(%run_scoped3A : memref<!tpu.dma_semaphore, #tpu.memory_space<semaphore_mem>>)
      %dma_wait3A = arith.constant 0 : i32
      %dma_wait3A_115 = tpu.memref_slice %arg7[%arg0, %add3A_108, %dma_wait3A] : memref<2x10240x128xf32, #tpu.memory_space<hbm>> -> memref<1x64x128xf32, #tpu.memory_space<hbm>>
      %dma_wait3A_116 = tpu.memref_squeeze %dma_wait3A_115 : memref<1x64x128xf32, #tpu.memory_space<hbm>> -> memref<64x128xf32, #tpu.memory_space<hbm>>
      %dma_wait3A_117 = arith.constant 0 : i32
      %dma_wait3A_118 = tpu.memref_slice %arg7[%arg0, %add3A_108, %dma_wait3A_117] : memref<2x10240x128xf32, #tpu.memory_space<hbm>> -> memref<1x64x128xf32, #tpu.memory_space<hbm>>
      %dma_wait3A_119 = tpu.memref_squeeze %dma_wait3A_118 : memref<1x64x128xf32, #tpu.memory_space<hbm>> -> memref<64x128xf32, #tpu.memory_space<hbm>>
      tpu.wait_dma2 semaphore(%run_scoped3A : memref<!tpu.dma_semaphore, #tpu.memory_space<semaphore_mem>>) src(%arg13 : memref<64x128xf32, #tpu.memory_space<vmem>>) dst(%dma_wait3A_119 : memref<64x128xf32, #tpu.memory_space<hbm>>)
      tpu.yield
    }) : () -> ()
    return
  }
}

module attributes {stable_mosaic.version = 14 : i64} {
  func.func @_dense1_body(%arg0: i32, %arg1: memref<256x256xf32, #tpu.memory_space<vmem>>, %arg2: memref<256x64xf32, #tpu.memory_space<vmem>>, %arg3: memref<64x64xf32, #tpu.memory_space<vmem>>, %arg4: memref<64x64xf32, #tpu.memory_space<vmem>>, %arg5: memref<256x128xf32, #tpu.memory_space<vmem>>, %arg6: memref<256x128xf32, #tpu.memory_space<vmem>>) attributes {dimension_semantics = [#tpu.dimension_semantics<arbitrary>], iteration_bounds = array<i64: 40>, scalar_prefetch = 0 : i64, scratch_operands = 0 : i64, tpu.core_type = #tpu.core_type<tc>, window_params = [{transform_indices = @transform_0, window_bounds = array<i64: 256, 256>}, {pipeline_mode = #tpu.pipeline_mode<synchronous>, transform_indices = @transform_1, window_bounds = array<i64: 256, 64>}, {pipeline_mode = #tpu.pipeline_mode<synchronous>, transform_indices = @transform_2, window_bounds = array<i64: 64, 64>}, {pipeline_mode = #tpu.pipeline_mode<synchronous>, transform_indices = @transform_3, window_bounds = array<i64: 64, 64>}, {transform_indices = @transform_4, window_bounds = array<i64: 256, 128>}, {transform_indices = @transform_5, window_bounds = array<i64: 256, 128>}]} {
    %get3A = arith.constant 0 : index
    %get3A_0 = arith.constant 0 : index
    %get3A_1 = vector.load %arg1[%get3A, %get3A_0] : memref<256x256xf32, #tpu.memory_space<vmem>>, vector<256x256xf32>
    %get3A_2 = arith.constant 0 : index
    %get3A_3 = arith.constant 0 : index
    %get3A_4 = vector.load %arg2[%get3A_2, %get3A_3] : memref<256x64xf32, #tpu.memory_space<vmem>>, vector<256x64xf32>
    %dot_general3A = arith.constant dense<0.000000e+00> : vector<256x64xf32>
    %dot_general3A_5 = tpu.matmul %get3A_1, %get3A_4, %dot_general3A {dimension_numbers = #tpu.dot_dimension_numbers<[1], [0], [0], [1], [0, 0, 1, 1], [], []>, transpose_lhs_hint = false} : vector<256x256xf32>, vector<256x64xf32>, vector<256x64xf32> -> vector<256x64xf32>
    %get3A_6 = arith.constant 0 : index
    %get3A_7 = arith.constant 0 : index
    %get3A_8 = vector.load %arg3[%get3A_6, %get3A_7] : memref<64x64xf32, #tpu.memory_space<vmem>>, vector<64x64xf32>
    %dot_general3A_9 = arith.constant dense<0.000000e+00> : vector<256x64xf32>
    %dot_general3A_10 = tpu.matmul %dot_general3A_5, %get3A_8, %dot_general3A_9 {dimension_numbers = #tpu.dot_dimension_numbers<[1], [0], [0], [1], [0, 0, 1, 1], [], []>, transpose_lhs_hint = false} : vector<256x64xf32>, vector<64x64xf32>, vector<256x64xf32> -> vector<256x64xf32>
    %get3A_11 = arith.constant 0 : index
    %get3A_12 = arith.constant 0 : index
    %get3A_13 = vector.load %arg4[%get3A_11, %get3A_12] : memref<64x64xf32, #tpu.memory_space<vmem>>, vector<64x64xf32>
    %dot_general3A_14 = arith.constant dense<0.000000e+00> : vector<256x64xf32>
    %dot_general3A_15 = tpu.matmul %dot_general3A_5, %get3A_13, %dot_general3A_14 {dimension_numbers = #tpu.dot_dimension_numbers<[1], [0], [0], [1], [0, 0, 1, 1], [], []>, transpose_lhs_hint = false} : vector<256x64xf32>, vector<64x64xf32>, vector<256x64xf32> -> vector<256x64xf32>
    %concatenate3A = tpu.concatenate %dot_general3A_5, %dot_general3A_10 in 1 : vector<256x64xf32>, vector<256x64xf32> -> vector<256x128xf32>
    %swap3A = arith.constant 0 : index
    %swap3A_16 = arith.constant 0 : index
    %swap3A_17 = vector.load %arg5[%swap3A, %swap3A_16] : memref<256x128xf32, #tpu.memory_space<vmem>>, vector<256x128xf32>
    tpu.vector_store %arg5[%swap3A, %swap3A_16], %concatenate3A {strides = array<i32>} : memref<256x128xf32, #tpu.memory_space<vmem>>, vector<256x128xf32>,
    %broadcast_in_dim3A = arith.constant 0.000000e+00 : f32
    %broadcast_in_dim3A_18 = vector.broadcast %broadcast_in_dim3A : f32 to vector<256x64xf32>
    %concatenate3A_19 = tpu.concatenate %dot_general3A_15, %broadcast_in_dim3A_18 in 1 : vector<256x64xf32>, vector<256x64xf32> -> vector<256x128xf32>
    %swap3A_20 = arith.constant 0 : index
    %swap3A_21 = arith.constant 0 : index
    %swap3A_22 = vector.load %arg6[%swap3A_20, %swap3A_21] : memref<256x128xf32, #tpu.memory_space<vmem>>, vector<256x128xf32>
    tpu.vector_store %arg6[%swap3A_20, %swap3A_21], %concatenate3A_19 {strides = array<i32>} : memref<256x128xf32, #tpu.memory_space<vmem>>, vector<256x128xf32>,
    return
  }
  func.func @transform_0(%arg0: i32) -> (i32, i32) {
    %c0_i32 = arith.constant 0 : i32
    %c0_i32_0 = arith.constant 0 : i32
    return %arg0, %c0_i32 : i32, i32
  }
  func.func @transform_1(%arg0: i32) -> (i32, i32) {
    %c0_i32 = arith.constant 0 : i32
    %c0_i32_0 = arith.constant 0 : i32
    %c0_i32_1 = arith.constant 0 : i32
    return %c0_i32, %c0_i32_0 : i32, i32
  }
  func.func @transform_2(%arg0: i32) -> (i32, i32) {
    %c0_i32 = arith.constant 0 : i32
    %c0_i32_0 = arith.constant 0 : i32
    %c0_i32_1 = arith.constant 0 : i32
    return %c0_i32, %c0_i32_0 : i32, i32
  }
  func.func @transform_3(%arg0: i32) -> (i32, i32) {
    %c0_i32 = arith.constant 0 : i32
    %c0_i32_0 = arith.constant 0 : i32
    %c0_i32_1 = arith.constant 0 : i32
    return %c0_i32, %c0_i32_0 : i32, i32
  }
  func.func @transform_4(%arg0: i32) -> (i32, i32) {
    %c0_i32 = arith.constant 0 : i32
    %c0_i32_0 = arith.constant 0 : i32
    return %arg0, %c0_i32 : i32, i32
  }
  func.func @transform_5(%arg0: i32) -> (i32, i32) {
    %c0_i32 = arith.constant 0 : i32
    %c0_i32_0 = arith.constant 0 : i32
    return %arg0, %c0_i32 : i32, i32
  }
}

module attributes {stable_mosaic.version = 14 : i64} {
  func.func @_dense2_body(%arg0: i32, %arg1: memref<2x256x128xf32, #tpu.memory_space<vmem>>, %arg2: memref<1x64xf32, #tpu.memory_space<vmem>>, %arg3: memref<64x128xf32, #tpu.memory_space<vmem>>, %arg4: memref<1x128xf32, #tpu.memory_space<vmem>>, %arg5: memref<1x128xf32, #tpu.memory_space<vmem>>, %arg6: memref<256x128xf32, #tpu.memory_space<vmem>>, %arg7: memref<256xf32, #tpu.memory_space<vmem>>, %arg8: memref<256xf32, #tpu.memory_space<vmem>>) attributes {dimension_semantics = [#tpu.dimension_semantics<arbitrary>], iteration_bounds = array<i64: 40>, scalar_prefetch = 0 : i64, scratch_operands = 0 : i64, tpu.core_type = #tpu.core_type<tc>, window_params = [{transform_indices = @transform_0, window_bounds = array<i64: 2, 256, 128>}, {pipeline_mode = #tpu.pipeline_mode<synchronous>, transform_indices = @transform_1, window_bounds = array<i64: 1, 64>}, {pipeline_mode = #tpu.pipeline_mode<synchronous>, transform_indices = @transform_2, window_bounds = array<i64: 64, 128>}, {pipeline_mode = #tpu.pipeline_mode<synchronous>, transform_indices = @transform_3, window_bounds = array<i64: 1, 128>}, {pipeline_mode = #tpu.pipeline_mode<synchronous>, transform_indices = @transform_4, window_bounds = array<i64: 1, 128>}, {transform_indices = @transform_5, window_bounds = array<i64: 256, 128>}, {transform_indices = @transform_6, window_bounds = array<i64: 256>}, {transform_indices = @transform_7, window_bounds = array<i64: 256>}]} {
    %get3A = arith.constant 0 : index
    %get3A_0 = arith.constant 0 : index
    %get3A_1 = arith.constant 0 : index
    %get3A_2 = vector.load %arg1[%get3A, %get3A_0, %get3A_1] : memref<2x256x128xf32, #tpu.memory_space<vmem>>, vector<1x256x128xf32>
    %get3A_3 = vector.shape_cast %get3A_2 : vector<1x256x128xf32> to vector<256x128xf32>
    %get3A_4 = arith.constant 1 : index
    %get3A_5 = arith.constant 0 : index
    %get3A_6 = arith.constant 0 : index
    %get3A_7 = vector.load %arg1[%get3A_4, %get3A_5, %get3A_6] : memref<2x256x128xf32, #tpu.memory_space<vmem>>, vector<1x256x128xf32>
    %get3A_8 = vector.shape_cast %get3A_7 : vector<1x256x128xf32> to vector<256x128xf32>
    %add3A = arith.addf %get3A_3, %get3A_8 : vector<256x128xf32>
    %slice3A = vector.extract_strided_slice %add3A {offsets = [0, 0], sizes = [256, 64], strides = [1, 1]} : vector<256x128xf32> to vector<256x64xf32>
    %slice3A_9 = vector.extract_strided_slice %add3A {offsets = [0, 64], sizes = [256, 64], strides = [1, 1]} : vector<256x128xf32> to vector<256x64xf32>
    %max3A = arith.constant 1.000000e-30 : f32
    %max3A_10 = vector.broadcast %max3A : f32 to vector<256x64xf32>
    %max3A_11 = arith.maximumf %slice3A_9, %max3A_10 : vector<256x64xf32>
    %div3A = arith.divf %slice3A, %max3A_11 : vector<256x64xf32>
    %get3A_12 = arith.constant 0 : index
    %get3A_13 = arith.constant 0 : index
    %get3A_14 = vector.load %arg2[%get3A_12, %get3A_13] : memref<1x64xf32, #tpu.memory_space<vmem>>, vector<1x64xf32>
    %add3A_15 = vector.broadcast %get3A_14 : vector<1x64xf32> to vector<256x64xf32>
    %add3A_16 = arith.addf %div3A, %add3A_15 : vector<256x64xf32>
    %max3A_17 = arith.constant 0.000000e+00 : f32
    %max3A_18 = vector.broadcast %max3A_17 : f32 to vector<256x64xf32>
    %max3A_19 = arith.maximumf %add3A_16, %max3A_18 : vector<256x64xf32>
    %get3A_20 = arith.constant 0 : index
    %get3A_21 = arith.constant 0 : index
    %get3A_22 = vector.load %arg3[%get3A_20, %get3A_21] : memref<64x128xf32, #tpu.memory_space<vmem>>, vector<64x128xf32>
    %dot_general3A = arith.constant dense<0.000000e+00> : vector<256x128xf32>
    %dot_general3A_23 = tpu.matmul %max3A_19, %get3A_22, %dot_general3A {dimension_numbers = #tpu.dot_dimension_numbers<[1], [0], [0], [1], [0, 0, 1, 1], [], []>, transpose_lhs_hint = false} : vector<256x64xf32>, vector<64x128xf32>, vector<256x128xf32> -> vector<256x128xf32>
    %swap3A = arith.constant 0 : index
    %swap3A_24 = arith.constant 0 : index
    %swap3A_25 = vector.load %arg6[%swap3A, %swap3A_24] : memref<256x128xf32, #tpu.memory_space<vmem>>, vector<256x128xf32>
    tpu.vector_store %arg6[%swap3A, %swap3A_24], %dot_general3A_23 {strides = array<i32>} : memref<256x128xf32, #tpu.memory_space<vmem>>, vector<256x128xf32>,
    %get3A_26 = arith.constant 0 : index
    %get3A_27 = arith.constant 0 : index
    %get3A_28 = vector.load %arg4[%get3A_26, %get3A_27] : memref<1x128xf32, #tpu.memory_space<vmem>>, vector<1x128xf32>
    %mul3A = vector.broadcast %get3A_28 : vector<1x128xf32> to vector<256x128xf32>
    %mul3A_29 = arith.mulf %dot_general3A_23, %mul3A : vector<256x128xf32>
    %reduce_sum3A = arith.constant dense<0.000000e+00> : vector<256xf32>
    %reduce_sum3A_30 = vector.multi_reduction <add>, %mul3A_29, %reduce_sum3A [1] : vector<256x128xf32> to vector<256xf32>
    %swap3A_31 = arith.constant 0 : index
    %swap3A_32 = vector.load %arg7[%swap3A_31] : memref<256xf32, #tpu.memory_space<vmem>>, vector<256xf32>
    tpu.vector_store %arg7[%swap3A_31], %reduce_sum3A_30 {strides = array<i32>} : memref<256xf32, #tpu.memory_space<vmem>>, vector<256xf32>,
    %get3A_33 = arith.constant 0 : index
    %get3A_34 = arith.constant 0 : index
    %get3A_35 = vector.load %arg5[%get3A_33, %get3A_34] : memref<1x128xf32, #tpu.memory_space<vmem>>, vector<1x128xf32>
    %mul3A_36 = vector.broadcast %get3A_35 : vector<1x128xf32> to vector<256x128xf32>
    %mul3A_37 = arith.mulf %dot_general3A_23, %mul3A_36 : vector<256x128xf32>
    %reduce_sum3A_38 = arith.constant dense<0.000000e+00> : vector<256xf32>
    %reduce_sum3A_39 = vector.multi_reduction <add>, %mul3A_37, %reduce_sum3A_38 [1] : vector<256x128xf32> to vector<256xf32>
    %swap3A_40 = arith.constant 0 : index
    %swap3A_41 = vector.load %arg8[%swap3A_40] : memref<256xf32, #tpu.memory_space<vmem>>, vector<256xf32>
    tpu.vector_store %arg8[%swap3A_40], %reduce_sum3A_39 {strides = array<i32>} : memref<256xf32, #tpu.memory_space<vmem>>, vector<256xf32>,
    return
  }
  func.func @transform_0(%arg0: i32) -> (i32, i32, i32) {
    %c0_i32 = arith.constant 0 : i32
    %c0_i32_0 = arith.constant 0 : i32
    %c0_i32_1 = arith.constant 0 : i32
    return %c0_i32, %arg0, %c0_i32_0 : i32, i32, i32
  }
  func.func @transform_1(%arg0: i32) -> (i32, i32) {
    %c0_i32 = arith.constant 0 : i32
    %c0_i32_0 = arith.constant 0 : i32
    %c0_i32_1 = arith.constant 0 : i32
    return %c0_i32, %c0_i32_0 : i32, i32
  }
  func.func @transform_2(%arg0: i32) -> (i32, i32) {
    %c0_i32 = arith.constant 0 : i32
    %c0_i32_0 = arith.constant 0 : i32
    %c0_i32_1 = arith.constant 0 : i32
    return %c0_i32, %c0_i32_0 : i32, i32
  }
  func.func @transform_3(%arg0: i32) -> (i32, i32) {
    %c0_i32 = arith.constant 0 : i32
    %c0_i32_0 = arith.constant 0 : i32
    %c0_i32_1 = arith.constant 0 : i32
    return %c0_i32, %c0_i32_0 : i32, i32
  }
  func.func @transform_4(%arg0: i32) -> (i32, i32) {
    %c0_i32 = arith.constant 0 : i32
    %c0_i32_0 = arith.constant 0 : i32
    %c0_i32_1 = arith.constant 0 : i32
    return %c0_i32, %c0_i32_0 : i32, i32
  }
  func.func @transform_5(%arg0: i32) -> (i32, i32) {
    %c0_i32 = arith.constant 0 : i32
    %c0_i32_0 = arith.constant 0 : i32
    return %arg0, %c0_i32 : i32, i32
  }
  func.func @transform_6(%arg0: i32) -> i32 {
    %c0_i32 = arith.constant 0 : i32
    return %arg0 : i32
  }
  func.func @transform_7(%arg0: i32) -> i32 {
    %c0_i32 = arith.constant 0 : i32
    return %arg0 : i32
  }
}

module attributes {stable_mosaic.version = 14 : i64} {
  func.func @_final_body(%arg0: i32, %arg1: memref<2x256x128xf32, #tpu.memory_space<vmem>>, %arg2: memref<2x16x256xf32, #tpu.memory_space<vmem>>, %arg3: memref<1x128xf32, #tpu.memory_space<vmem>>, %arg4: memref<256x128xf32, #tpu.memory_space<vmem>>) attributes {dimension_semantics = [#tpu.dimension_semantics<arbitrary>], iteration_bounds = array<i64: 40>, scalar_prefetch = 0 : i64, scratch_operands = 0 : i64, tpu.core_type = #tpu.core_type<tc>, window_params = [{transform_indices = @transform_0, window_bounds = array<i64: 2, 256, 128>}, {transform_indices = @transform_1, window_bounds = array<i64: 2, 16, 256>}, {pipeline_mode = #tpu.pipeline_mode<synchronous>, transform_indices = @transform_2, window_bounds = array<i64: 1, 128>}, {transform_indices = @transform_3, window_bounds = array<i64: 256, 128>}]} {
    %get3A = arith.constant 0 : index
    %get3A_0 = arith.constant 0 : index
    %get3A_1 = arith.constant 0 : index
    %get3A_2 = vector.load %arg1[%get3A, %get3A_0, %get3A_1] : memref<2x256x128xf32, #tpu.memory_space<vmem>>, vector<1x256x128xf32>
    %get3A_3 = vector.shape_cast %get3A_2 : vector<1x256x128xf32> to vector<256x128xf32>
    %get3A_4 = arith.constant 1 : index
    %get3A_5 = arith.constant 0 : index
    %get3A_6 = arith.constant 0 : index
    %get3A_7 = vector.load %arg1[%get3A_4, %get3A_5, %get3A_6] : memref<2x256x128xf32, #tpu.memory_space<vmem>>, vector<1x256x128xf32>
    %get3A_8 = vector.shape_cast %get3A_7 : vector<1x256x128xf32> to vector<256x128xf32>
    %add3A = arith.addf %get3A_3, %get3A_8 : vector<256x128xf32>
    %get3A_9 = arith.constant 0 : index
    %get3A_10 = arith.constant 0 : index
    %get3A_11 = arith.constant 0 : index
    %get3A_12 = vector.load %arg2[%get3A_9, %get3A_10, %get3A_11] : memref<2x16x256xf32, #tpu.memory_space<vmem>>, vector<2x16x256xf32>
    %reduce_sum3A = arith.constant dense<0.000000e+00> : vector<256xf32>
    %reduce_sum3A_13 = vector.multi_reduction <add>, %get3A_12, %reduce_sum3A [0, 1] : vector<2x16x256xf32> to vector<256xf32>
    %max3A = arith.constant 1.000000e-30 : f32
    %max3A_14 = vector.broadcast %max3A : f32 to vector<256xf32>
    %max3A_15 = arith.maximumf %reduce_sum3A_13, %max3A_14 : vector<256xf32>
    %broadcast_in_dim3A = vector.shape_cast %max3A_15 : vector<256xf32> to vector<256x1xf32>
    %div3A = vector.broadcast %broadcast_in_dim3A : vector<256x1xf32> to vector<256x128xf32>
    %div3A_16 = arith.divf %add3A, %div3A : vector<256x128xf32>
    %get3A_17 = arith.constant 0 : index
    %get3A_18 = arith.constant 0 : index
    %get3A_19 = vector.load %arg3[%get3A_17, %get3A_18] : memref<1x128xf32, #tpu.memory_space<vmem>>, vector<1x128xf32>
    %add3A_20 = vector.broadcast %get3A_19 : vector<1x128xf32> to vector<256x128xf32>
    %add3A_21 = arith.addf %div3A_16, %add3A_20 : vector<256x128xf32>
    %reduce_max3A = arith.constant dense<0xFF800000> : vector<256xf32>
    %reduce_max3A_22 = vector.multi_reduction <maximumf>, %add3A_21, %reduce_max3A [1] : vector<256x128xf32> to vector<256xf32>
    %broadcast_in_dim3A_23 = vector.shape_cast %reduce_max3A_22 : vector<256xf32> to vector<256x1xf32>
    %sub3A = vector.broadcast %broadcast_in_dim3A_23 : vector<256x1xf32> to vector<256x128xf32>
    %sub3A_24 = arith.subf %add3A_21, %sub3A : vector<256x128xf32>
    %exp3A = math.exp %sub3A_24 : vector<256x128xf32>
    %reduce_sum3A_25 = arith.constant dense<0.000000e+00> : vector<256xf32>
    %reduce_sum3A_26 = vector.multi_reduction <add>, %exp3A, %reduce_sum3A_25 [1] : vector<256x128xf32> to vector<256xf32>
    %broadcast_in_dim3A_27 = vector.shape_cast %reduce_sum3A_26 : vector<256xf32> to vector<256x1xf32>
    %log3A = math.log %broadcast_in_dim3A_27 : vector<256x1xf32>
    %sub3A_28 = vector.broadcast %log3A : vector<256x1xf32> to vector<256x128xf32>
    %sub3A_29 = arith.subf %sub3A_24, %sub3A_28 : vector<256x128xf32>
    %swap3A = arith.constant 0 : index
    %swap3A_30 = arith.constant 0 : index
    %swap3A_31 = vector.load %arg4[%swap3A, %swap3A_30] : memref<256x128xf32, #tpu.memory_space<vmem>>, vector<256x128xf32>
    tpu.vector_store %arg4[%swap3A, %swap3A_30], %sub3A_29 {strides = array<i32>} : memref<256x128xf32, #tpu.memory_space<vmem>>, vector<256x128xf32>,
    return
  }
  func.func @transform_0(%arg0: i32) -> (i32, i32, i32) {
    %c0_i32 = arith.constant 0 : i32
    %c0_i32_0 = arith.constant 0 : i32
    %c0_i32_1 = arith.constant 0 : i32
    return %c0_i32, %arg0, %c0_i32_0 : i32, i32, i32
  }
  func.func @transform_1(%arg0: i32) -> (i32, i32, i32) {
    %c0_i32 = arith.constant 0 : i32
    %c0_i32_0 = arith.constant 0 : i32
    %c0_i32_1 = arith.constant 0 : i32
    return %c0_i32, %c0_i32_0, %arg0 : i32, i32, i32
  }
  func.func @transform_2(%arg0: i32) -> (i32, i32) {
    %c0_i32 = arith.constant 0 : i32
    %c0_i32_0 = arith.constant 0 : i32
    %c0_i32_1 = arith.constant 0 : i32
    return %c0_i32, %c0_i32_0 : i32, i32
  }
  func.func @transform_3(%arg0: i32) -> (i32, i32) {
    %c0_i32 = arith.constant 0 : i32
    %c0_i32_0 = arith.constant 0 : i32
    return %arg0, %c0_i32 : i32, i32
  }
}

</mosaic_0001>

<sc_bundles>
// kernel: kernel.10.cloned.1.call-start
scs
__scs_entry_jumppad:
0x0: {  	(pc) =	sbr.rel $0x88, $3  }
0x1: {  	(tag) =	ssettag $0x0;
	lr =	simm.s32 $0x1  }
0x2: {  	[smem:$0x3F97] =	sst lr;
	_ =	strace $0xD0000000  }
0x3: {  	_ = 	snop  }
0x4: {  	_ = 	snop  }
0x5: {  	_ = 	snop  }
0x6: {  	_ = 	snop  }
0x7: {  	_ = 	snop  }
__scs_overlays_trampoline_lowered:
0x8: {  	[smem:$0x3FA6] =	sst s0  }
0x9: {  	[smem:$0x3FA7] =	sst s1  }
0xa: {  	[smem:$0x3FA8] =	sst s2  }
0xb: {  	[smem:$0x3FA9] =	sst s3  }
0xc: {  	[smem:$0x3FAA] =	sst s4  }
0xd: {  	[smem:$0x3FAB] =	sst s5  }
0xe: {  	[smem:$0x3FAC] =	sst s6  }
0xf: {  	[smem:$0x3FAD] =	sst s7  }
0x10: {  	[smem:$0x3FAE] =	sst s8  }
0x11: {  	[smem:$0x3FAF] =	sst s9;
	s0 =	simm.s32 @!p0 $0x0  }
0x12: {  	s1 =	sld [smem:$0x3F95];
	s0 =	simm.s32 @p0 $0x1  }
0x13: {  	[smem:$0x3FB0] =	sst s0;
	s0 =	simm.s32 @!p1 $0x0  }
0x14: {  	s2 =	sld [smem:$0x3F94];
	s0 =	simm.s32 @p1 $0x1  }
0x15: {  	[smem:$0x3FB1] =	sst s0;
	s0 =	simm.s32 @!p2 $0x0  }
0x16: {  	s3 =	sld [smem:$0x3FDB];
	s0 =	simm.s32 @p2 $0x1  }
0x17: {  	s4 =	simm.s32 $0x1BF5;
	[smem:$0x3FB3] =	sst s0  }
0x18: {  	s0 =	sld [smem:$0x3F96];
	_ =	swait.ge [sflag:s4], $0x0  }
0x19: {  	s7 =	sld [smem:$0x3F97]  }
0x1a: {  	s8 =	sadd.s32 $0xFFFFE003, lr  }
0x1b: {  	s9 =	sadd.s32 $0xFFFFFEF7, lr;
	s5 =	simm.s32 $0xFFFFFFFF;
	p2 =	slt.u32 s8, $0xFFFFF086  }
0x1c: {  	p1 =	slt.u32 s9, $0xF7A;
	s5 =	simm.s32 @!p2 $0x0  }
0x1d: {  	s5 =	simm.s32 @p1 $0x1;
	p0 =	seq.s32 s7, s2  }
0x1e: {  	s7 =	smul.u32 @!p0 $0xF7A, s2;
	p2 =	seq.s32 @!p0 s5, $0x0  }
0x1f: {  	s9 =	smul.u32 $0xF7A, s1;
	s8 =	simm.s32 @!p0 $0x1BF5;
	p2 =	por !p2, p0  }
0x20: {  	[sflag:s8] =	ssyncset.s32 @!p0 $0xFFFFF086;
	s6 =	sadd.s32 @!p0 s3, s7;
	s7 =	simm.s32 @!p0 $0x108  }
0x21: {  	s3 =	sadd.s32 s3, s9;
	s6 =	sadd.s32 @!p0 $0x88, s6;
	s7 =	simm.s32 @p2 $0x1082  }
0x22: {  	[simem:s7], [sflag:s8] =	dma.local @!p0 [hbm:s6], $0xF7A  }
0x23: {  	s9 =	sor.u32 $0xD0000000, s2;
	s6 =	simm.s32 $0x108;
	_ =	swait.ge @!p0 [sflag:s8], $0x0  }
0x24: {  	s3 =	sadd.s32 $0x88, s3;
	s6 =	simm.s32 @!p1 $0x1082;
	[sflag:s4] =	ssyncset.s32 $0xFFFFF086  }
0x25: {  	[simem:s6], [sflag:s4] =	dma.local [hbm:s3], $0xF7A  }
0x26: {  	[smem:$0x3F97] =	sst s1;
	(tag) =	ssettag s2;
	_ =	strace s9  }
0x27: {  	s1 =	sld [smem:$0x3FA7]  }
0x28: {  	s2 =	sld [smem:$0x3FA8]  }
0x29: {  	s4 =	sld [smem:$0x3FAA]  }
0x2a: {  	p0 =	seq.s32 s5, $0x0;
	s5 =	sld [smem:$0x3FAB]  }
0x2b: {  	s6 =	sld [smem:$0x3FAC]  }
0x2c: {  	s7 =	sld [smem:$0x3FAD]  }
0x2d: {  	s3 =	simm.s32 $0x108;
	s8 =	sld [smem:$0x3FAE]  }
0x2e: {  	s3 =	simm.s32 @!p0 $0x1082;
	s9 =	sld [smem:$0x3FAF]  }
0x2f: {  	lr =	sadd.s32 s0, s3;
	s0 =	sld [smem:$0x3FA6]  }
0x30: {  	s3 =	sld [smem:$0x3FA9]  }
0x31: {  	[smem:$0x3FB2] =	sst s10  }
0x32: {  	s10 =	sld [smem:$0x3FB0];
	_ =	sdelay $0x3  }
0x33: {  	p0 =	seq.s32 s10, $0x1;
	s10 =	sld [smem:$0x3FB2];
	_ =	sdelay $0x3  }
0x34: {  	[smem:$0x3FB2] =	sst s10  }
0x35: {  	s10 =	sld [smem:$0x3FB1];
	_ =	sdelay $0x3  }
0x36: {  	p1 =	seq.s32 s10, $0x1;
	s10 =	sld [smem:$0x3FB2];
	_ =	sdelay $0x3  }
0x37: {  	[smem:$0x3FB2] =	sst s10  }
0x38: {  	s10 =	sld [smem:$0x3FB3]  }
0x39: {  	_ = 	snop;
	(pc) =	sbr.ind lr, $3  }
0x3a: {  	_ = 	snop  }
0x3b: {  	_ = 	snop  }
0x3c: {  	p2 =	seq.s32 s10, $0x1;
	s10 =	sld [smem:$0x3FB2]  }
0x3d: {  	_ =	shalt  }
0x3e: {  	_ =	shalt  }
0x3f: {  	_ =	shalt  }
0x40: {  	_ =	shalt  }
0x41: {  	_ =	shalt  }
0x42: {  	_ =	shalt  }
0x43: {  	_ =	shalt  }
0x44: {  	_ =	shalt  }
0x45: {  	_ =	shalt  }
0x46: {  	_ =	shalt  }
0x47: {  	_ =	shalt  }
0x48: {  	_ =	shalt  }
0x49: {  	_ =	shalt  }
0x4a: {  	_ =	shalt  }
0x4b: {  	_ =	shalt  }
0x4c: {  	_ =	shalt  }
0x4d: {  	_ =	shalt  }
0x4e: {  	_ =	shalt  }
0x4f: {  	_ =	shalt  }
0x50: {  	_ =	shalt  }
0x51: {  	_ =	shalt  }
0x52: {  	_ =	shalt  }
0x53: {  	_ =	shalt  }
0x54: {  	_ =	shalt  }
0x55: {  	_ =	shalt  }
0x56: {  	_ =	shalt  }
0x57: {  	_ =	shalt  }
0x58: {  	_ =	shalt  }
0x59: {  	_ =	shalt  }
0x5a: {  	_ =	shalt  }
0x5b: {  	_ =	shalt  }
0x5c: {  	_ =	shalt  }
0x5d: {  	_ =	shalt  }
0x5e: {  	_ =	shalt  }
0x5f: {  	_ =	shalt  }
0x60: {  	_ =	shalt  }
0x61: {  	_ =	shalt  }
0x62: {  	_ =	shalt  }
0x63: {  	_ =	shalt  }
0x64: {  	_ =	shalt  }
0x65: {  	_ =	shalt  }
0x66: {  	_ =	shalt  }
0x67: {  	_ =	shalt  }
0x68: {  	_ =	shalt  }
0x69: {  	_ =	shalt  }
0x6a: {  	_ =	shalt  }
0x6b: {  	_ =	shalt  }
0x6c: {  	_ =	shalt  }
0x6d: {  	_ =	shalt  }
0x6e: {  	_ =	shalt  }
0x6f: {  	_ =	shalt  }
0x70: {  	_ =	shalt  }
0x71: {  	_ =	shalt  }
0x72: {  	_ =	shalt  }
0x73: {  	_ =	shalt  }
0x74: {  	_ =	shalt  }
0x75: {  	_ =	shalt  }
0x76: {  	_ =	shalt  }
0x77: {  	_ =	shalt  }
0x78: {  	_ =	shalt  }
0x79: {  	_ =	shalt  }
0x7a: {  	_ =	shalt  }
0x7b: {  	_ =	shalt  }
0x7c: {  	_ =	shalt  }
0x7d: {  	_ =	shalt  }
0x7e: {  	_ =	shalt  }
0x7f: {  	_ =	shalt  }
0x80: {  	_ =	shalt  }
0x81: {  	_ =	shalt  }
0x82: {  	_ =	shalt  }
0x83: {  	_ =	shalt  }
0x84: {  	_ =	shalt  }
0x85: {  	_ =	shalt  }
0x86: {  	_ =	shalt  }
0x87: {  	_ =	shalt  }
.Lfunc_end0:
.L_simem_size_0:
called_computation.1_lowered:
.L_overlay_start_0:
0x88: {  	s2 =	sld [smem:$0x3FD9]  }
0x89: {  	s3 =	sld [smem:$0x3FFE];
	_ =	sdelay $0x1  }
0x8a: {  	s1 =	srdreg.scid  }
0x8b: {  	s0 =	sand.u32 $0x1, s1  }
0x8c: {  	s17 =	sshll.u32 s0, $0xA;
	s2 =	sadd.s32 s3, s2  }
0x8d: {  	s2 =	sadd.s32 s2, s17  }
0x8e: {  	[smem:$0x3FBE] =	sst s2  }
0x8f: {  	_ = 	snop  }
0x90: {  	s2 =	sld [smem:$0x3FD0];
	(tm) =	ssettm $0x1  }
0x91: {  	s18 =	sld [smem:$0x3FFB];
	_ =	sdelay $0x3  }
0x92: {  	_ =	strace s18  }
0x93: {  	s3 =	sld [smem:$0x3FFC];
	_ =	sdelay $0x3  }
0x94: {  	_ =	strace s3  }
0x95: {  	s3 =	sld [smem:$0x3FFD];
	_ =	sdelay $0x3  }
0x96: {  	_ =	strace s3  }
0x97: {  	_ =	strace $0x8FFFFFFF  }
0x98: {  	s19 =	sld [smem:$0x3FDB];
	_ =	sdelay $0x1  }
0x99: {  	s4 =	simm.s32 $_scs_section_size  }
0x9a: {  	s5 =	simm.s32 $_size__tile_overlayer_lowered;
	s6 =	simm.s32 $_tile_overlayer_lowered  }
0x9b: {  	s22 =	simm.s32 $0x1BFF;
	s21 =	sshll.u32 s6, $0x1;
	s3 =	sadd.s32 s4, s19  }
0x9c: {  	s7 =	simm.s32 $0x0;
	s20 =	sshll.u32 s5, $0x1;
	s5 =	sadd.s32 s21, s3  }
0x9d: {  	[timem:s7], [sflag:s22] =	dma.local [hbm:s5], s20  }
0x9e: {  	_ =	swait.ge [sflag:s22], s20  }
0x9f: {  	s4 =	ssub.s32 $0x0, s20;
	[sflag:s22] =	ssyncset.done $0x0  }
0xa0: {  	[sflag:s22] =	ssyncadd.s32 s4;
	_ =	sdelay $0x1  }
0xa1: {  	s23 =	simm.s32 $0x1B8B  }
0xa2: {  	_ =	swait.ge [sflag:s23], $0x1  }
0xa3: {  	[sflag:s23] =	ssyncset.done $0x0  }
0xa4: {  	s25 =	simm.s32 $0x1B8E;
	s24 =	sld [smem:$0x3FFE];
	[sflag:s23] =	ssyncadd.s32 $0xFFFFFFFF  }
0xa5: {  	s26 =	simm.s32 $execute0_lowered;
	[smem:$0x3FD2] =	sst s25  }
0xa6: {  	s5 =	sshll.u32 s26, $0x1;
	_ =	strace $0x80000049;
	[dreg:$0x1] =	wrdreg $0xFFFFFFFF  }
0xa7: {  	s28 =	simm.s32 $_size_execute0_lowered;
	s3 =	sadd.s32 s3, s5;
	[dreg:$0x0] =	wrdreg $0x0  }
0xa8: {  	s5 =	sshll.u32 s28, $0x1;
	[dreg:$0x2] =	wrdreg s3  }
0xa9: {  	[dreg:$0x3] =	wrdreg s5  }
0xaa: {  	[dreg:$0x4] =	wrdreg $0xC0  }
0xab: {  	_ =	task [dreg:s7], $0x5FFFF  }
0xac: {  	[dreg:$0x1] =	wrdreg $0xFFFFFFFF  }
0xad: {  	[dreg:$0x0] =	wrdreg $0x60  }
0xae: {  	[dreg:$0x2] =	wrdreg s24  }
0xaf: {  	[dreg:$0x3] =	wrdreg s2  }
0xb0: {  	[dreg:$0x4] =	wrdreg $0xBA800  }
0xb1: {  	[dreg:$0x5] =	wrdreg $0x9  }
0xb2: {  	_ =	task.clear_ibuf [dreg:s7], $0x6FFFF;
	_ =	strace $0x90000049  }
0xb3: {  	s29 =	simm.s32 $0x9;
	_ =	strace $0x8000004B  }
0xb4: {  	_ =	swait.ge [sflag:s29], $0x1  }
0xb5: {  	[sflag:s29] =	ssyncadd.s32 $0xFFFFFFFF  }
0xb6: {  	_ =	strace $0x9000004B  }
0xb7: {  	_ =	sfence  }
0xb8: {  	s30 =	sld [smem:$0x0];
	_ =	sdelay $0x2  }
0xb9: {  	s31 =	sshll.u32 s1, $0xD;
	s1 =	sshrl.u32 s1, $0x2  }
0xba: {  	s3 =	sand.u32 $0x4000, s31;
	s1 =	sadd.s32 s1, s30  }
0xbb: {  	s0 =	sor.u32 s3, s0;
	s1 =	sshll.u32 s1, $0x11  }
0xbc: {  	s0 =	sor.u32 s1, s0  }
0xbd: {  	s0 =	sadd.s32 $0x8F2B, s0  }
0xbe: {  	[sflag:s0] =	ssyncadd.remote.s32 $0x1  }
0xbf: {  	_ =	sfence.sel $0xFFFF  }
0xc0: {  	[dreg:$0x0] =	wrdreg $0xFFFFFFFF;
	(pc) =	sbr.abs _section_cstart, $3  }
0xc1: {  	[dreg:$0x1] =	wrdreg $0xFFFFFFFF  }
0xc2: {  	_ =	task.clear_ibuf [dreg:s7], $0x2FFFF;
	_ =	strace $0x9FFFFFFF  }
0xc3: {  	(tm) =	ssettm $0x7FFFFFFF  }
tec
execute0_lowered:
.L_overlay_start_1:
0x0: {  	(tag) =	ssettag $0x1  }
0x1: {  	s0 =	rddreg [dreg:$0x0]  }
0x2: {  	s2 =	rddreg [dreg:$0x1];
	s3 =	srdreg.scid;
	s1 =	simm.s32 $0x0  }
0x3: {  	s15 =	stileid.u32;
	s31 =	simm.s32 $0x4200;
	s4 =	sand.u32 $0x1, s3  }
0x4: {  	[smem:$0x7FF] =	sst s1;
	s5 =	smul.u32 $0x14000, s15;
	s6 =	sadd.s32 $0x35800, s0  }
0x5: {  	s8 =	sshll.u32 s15, $0x1;
	s11 =	sshrl.u32 s15, $0x3;
	s10 =	smul.u32 $0x28000, s4  }
0x6: {  	s12 =	sshll.u32 s15, $0x7;
	s3 =	ssub.s32 $0x2, s4;
	s11 =	smul.u32 $0x14000, s11  }
0x7: {  	s22 =	sand.u32 $0x380, s12;
	s7 =	sshrl.u32 s3, $0x1;
	s9 =	sadd.s32 $0x4000, s5  }
0x8: {  	s13 =	sadd.s32 $0x6000, s5;
	s14 =	sadd.s32 $0x8000, s5;
	s18 =	sadd.s32 $0xA000, s5  }
0x9: {  	s19 =	sadd.s32 $0xC000, s5;
	s20 =	sadd.s32 $0xE000, s5;
	s21 =	sadd.s32 $0x10000, s5  }
0xa: {  	s3 =	ssub.s32 s3, s7;
	s7 =	sor.u32 s4, s8;
	s10 =	sadd.s32 s10, s11  }
0xb: {  	s8 =	sor.u32 $0x2000, s5;
	s4 =	smul.u32 $0x140000, s4;
	s10 =	sor.u32 s22, s10  }
0xc: {  	s11 =	sadd.s32 $0x12000, s5;
	s3 =	smax.u32 s3, $0x1;
	s10 =	sshrl.u32 s10, $0x3  }
0xd: {  	s5 =	sadd.s32 s5, s4;
	s24 =	sadd.s32 s4, s8;
	s26 =	sadd.s32 s4, s9  }
0xe: {  	s30 =	sadd.s32 s4, s13;
	s16 =	sadd.s32 s4, s18;
	s22 =	sadd.s32 s4, s19  }
0xf: {  	s2 =	sadd.s32 s2, s10;
	s23 =	sshrl.u32 s5, $0x3;
	s25 =	sshrl.u32 s24, $0x3  }
0x10: {  	s29 =	sshrl.u32 s26, $0x3;
	s5 =	sshrl.u32 s30, $0x3;
	s10 =	sadd.s32 s4, s14  }
0x11: {  	s17 =	sshrl.u32 s16, $0x3;
	s24 =	sadd.s32 s4, s20;
	s26 =	sadd.s32 s4, s21  }
0x12: {  	s4 =	sadd.s32 s4, s11;
	s30 =	smul.u32 $0x50000, s15;
	s15 =	sadd.s32 $0x7800, s0  }
0x13: {  	s16 =	sadd.s32 $0x2400, s0;
	[dreg:$0x4] =	wrdreg s2;
	s2 =	sadd.s32 s6, s23  }
0x14: {  	s4 =	sshrl.u32 s4, $0x3;
	[dreg:$0x5] =	wrdreg s2;
	s2 =	sadd.s32 s6, s25  }
0x15: {  	s12 =	sshrl.u32 s10, $0x3;
	s4 =	sadd.s32 s6, s4;
	[dreg:$0x6] =	wrdreg s2  }
0x16: {  	s23 =	sshrl.u32 s22, $0x3;
	s2 =	sadd.s32 s6, s29;
	[dreg:$0xe] =	wrdreg s4  }
0x17: {  	s10 =	smul.u32 $0x1500, s7;
	[dreg:$0x7] =	wrdreg s2;
	s2 =	sadd.s32 s6, s5  }
0x18: {  	s7 =	simm.s32 $0x200;
	s25 =	sshrl.u32 s24, $0x3;
	[dreg:$0x8] =	wrdreg s2  }
0x19: {  	s29 =	sshrl.u32 s26, $0x3;
	s2 =	sadd.s32 s6, s12;
	s12 =	rddreg [dreg:$0x2]  }
0x1a: {  	s4 =	simm.s32 $0x4280;
	[dreg:$0x9] =	wrdreg s2;
	s2 =	sadd.s32 s6, s17  }
0x1b: {  	s5 =	sshrl.u32 s30, $0x2;
	[dreg:$0xa] =	wrdreg s2;
	s2 =	sadd.s32 s6, s23  }
0x1c: {  	s17 =	sadd.s32 $0xCC00, s0;
	[dreg:$0xb] =	wrdreg s2;
	s2 =	sadd.s32 s6, s25  }
0x1d: {  	s22 =	sadd.s32 s5, s12;
	[dreg:$0xc] =	wrdreg s2;
	s2 =	sadd.s32 s6, s29  }
0x1e: {  	s24 =	sadd.s32 s9, s12;
	s6 =	sadd.s32 $0x34C00, s0;
	[dreg:$0xd] =	wrdreg s2  }
0x1f: {  	s0 =	sadd.s32 $0x35200, s0;
	_ =	strace $0x8000004A;
	[dreg:$0xf] =	wrdreg s6  }
0x20: {  	s28 =	sadd.s32 s18, s12;
	s18 =	sadd.s32 s19, s12;
	[dreg:$0x10] =	wrdreg s0  }
0x21: {  	s26 =	sadd.s32 s14, s12;
	s19 =	sadd.s32 s20, s12;
	[dreg:$0x15] =	wrdreg s18  }
0x22: {  	s20 =	sadd.s32 s21, s12;
	s21 =	sshrl.u32 s10, $0x3;
	[dreg:$0x16] =	wrdreg s19  }
0x23: {  	s5 =	simm.s32 $0x3;
	s29 =	sadd.s32 s11, s12;
	[dreg:$0x17] =	wrdreg s20  }
0x24: {  	s9 =	simm.s32 $0x40;
	s30 =	sadd.s32 s15, s21;
	[dreg:$0x18] =	wrdreg s29  }
0x25: {  	s14 =	simm.s32 $0x2200;
	s23 =	sadd.s32 s8, s12;
	[dreg:$0x19] =	wrdreg s30  }
0x26: {  	s8 =	simm.s32 $0x100;
	s25 =	sadd.s32 s13, s12;
	[dreg:$0x1b] =	wrdreg s3  }
0x27: {  	s13 =	simm.s32 $0x180;
	s11 =	simm.s32 $0x2;
	[dreg:$0x11] =	wrdreg s24  }
0x28: {  	s2 =	sor.u32 $0x80, s10;
	s0 =	sadd.s32 s16, s21;
	[dreg:$0x12] =	wrdreg s25  }
0x29: {  	s6 =	simm.s32 $0x6A80;
	s18 =	simm.s32 $0x9280;
	[dreg:$0x13] =	wrdreg s26  }
0x2a: {  	s19 =	simm.s32 $0x1;
	s3 =	simm.s32 $0x0;
	[dreg:$0x14] =	wrdreg s28  }
0x2b: {  	v0 =	vimm.f32 $0.0e+00;
	[dreg:$0x1a] =	wrdreg s0;
	s0 =	sor.u32 $0x40, s10;
	s10 =	simm.s32 $0x80  }
.LBB2_1:
0x2c: {  	s20 =	rddreg [dreg:$0xf]  }
0x2d: {  	[tilespmem:s4], [sflag:$0x3] =	stream.linear.gather [hbm4b:s20+s1], $0x2800, $0x38;
	[tilespmem:$0x1FA80] =	vst v63  }
0x2e: {  	_ =	swait.ge [sflag:s5], $0x2800  }
0x2f: {  	[sflag:s5] =	ssyncset.done $0x0  }
0x30: {  	s30 =	rddreg [dreg:$0x10];
	[sflag:s5] =	ssyncadd.s32 $0xFFFFD800  }
0x31: {  	[tilespmem:s6], [sflag:$0x3] =	stream.linear.gather [hbm4b:s30+s1], $0x2800, $0x38;
	[tilespmem:$0x1FA80] =	vst v63  }
0x32: {  	_ =	swait.ge [sflag:s5], $0x2800  }
0x33: {  	[sflag:s5] =	ssyncset.done $0x0  }
0x34: {  	s20 =	simm.s32 $0x0;
	[sflag:s5] =	ssyncadd.s32 $0xFFFFD800  }
.LBB2_2:
0x35: {  	p0 =	sne.s32 s20, $0x9FC0  }
.Ltmp0:
0x36: {  	_ = 	snop;
	(pc) =	sbr.rel @p0 .LBB2_2-.Ltmp0, $3  }
0x37: {  	_ =	sdelay $0x1  }
0x38: {  	s21 =	sshra.s32 s20, $0x2  }
0x39: {  	s20 =	sadd.s32 $0x40, s20;
	[tilespmem:s21+$0x9280] =	vst v0  }
0x3a: {  	s20 =	simm.s32 $0x0;
	s21 =	simm.s32 $0x200  }
.LBB2_4:
0x3b: {  	p0 =	sne.s32 s21, $0x7E00;
	[tilespmem:s20+$0x270] =	vst v0  }
0x3c: {  	[tilespmem:s20+$0x200] =	vst v0  }
0x3d: {  	[tilespmem:s20+$0x210] =	vst v0  }
.Ltmp1:
0x3e: {  	[tilespmem:s20+$0x220] =	vst v0;
	(pc) =	sbr.rel @p0 .LBB2_4-.Ltmp1, $4  }
0x3f: {  	[tilespmem:s20+$0x230] =	vst v0  }
0x40: {  	[tilespmem:s20+$0x240] =	vst v0  }
0x41: {  	[tilespmem:s20+$0x250] =	vst v0  }
0x42: {  	[tilespmem:s20+$0x260] =	vst v0;
	s20 =	sshra.s32 s21, $0x2;
	s21 =	sadd.s32 $0x200, s21  }
0x43: {  	[tilespmem:s20+$0x270] =	vst v0  }
0x44: {  	[tilespmem:s20+$0x200] =	vst v0  }
0x45: {  	[tilespmem:s20+$0x210] =	vst v0  }
0x46: {  	[tilespmem:s20+$0x220] =	vst v0  }
0x47: {  	[tilespmem:s20+$0x230] =	vst v0  }
0x48: {  	[tilespmem:s20+$0x240] =	vst v0  }
0x49: {  	[tilespmem:s20+$0x250] =	vst v0  }
0x4a: {  	[tilespmem:s20+$0x260] =	vst v0  }
0x4b: {  	[spmem:s22] =	stream.linear.scatter [tilespmem:s7], [sflag:$0x3], $0x2000, $0x38;
	[tilespmem:$0x1FA80] =	vst v63  }
0x4c: {  	_ =	swait.ge [sflag:s5], $0x2000  }
0x4d: {  	[sflag:s5] =	ssyncset.done $0x0  }
0x4e: {  	[sflag:s5] =	ssyncadd.s32 $0xFFFFE000  }
0x4f: {  	[spmem:s23] =	stream.linear.scatter [tilespmem:s7], [sflag:$0x3], $0x2000, $0x38;
	[tilespmem:$0x1FA80] =	vst v63  }
0x50: {  	_ =	swait.ge [sflag:s5], $0x2000  }
0x51: {  	[sflag:s5] =	ssyncset.done $0x0  }
0x52: {  	[sflag:s5] =	ssyncadd.s32 $0xFFFFE000  }
0x53: {  	[spmem:s24] =	stream.linear.scatter [tilespmem:s7], [sflag:$0x3], $0x2000, $0x38;
	[tilespmem:$0x1FA80] =	vst v63  }
0x54: {  	_ =	swait.ge [sflag:s5], $0x2000  }
0x55: {  	[sflag:s5] =	ssyncset.done $0x0  }
0x56: {  	[sflag:s5] =	ssyncadd.s32 $0xFFFFE000  }
0x57: {  	[spmem:s25] =	stream.linear.scatter [tilespmem:s7], [sflag:$0x3], $0x2000, $0x38;
	[tilespmem:$0x1FA80] =	vst v63  }
0x58: {  	_ =	swait.ge [sflag:s5], $0x2000  }
0x59: {  	[sflag:s5] =	ssyncset.done $0x0  }
0x5a: {  	[sflag:s5] =	ssyncadd.s32 $0xFFFFE000  }
0x5b: {  	[spmem:s26] =	stream.linear.scatter [tilespmem:s7], [sflag:$0x3], $0x2000, $0x38;
	[tilespmem:$0x1FA80] =	vst v63  }
0x5c: {  	_ =	swait.ge [sflag:s5], $0x2000  }
0x5d: {  	[sflag:s5] =	ssyncset.done $0x0  }
0x5e: {  	[sflag:s5] =	ssyncadd.s32 $0xFFFFE000  }
0x5f: {  	[spmem:s28] =	stream.linear.scatter [tilespmem:s7], [sflag:$0x3], $0x2000, $0x38;
	[tilespmem:$0x1FA80] =	vst v63  }
0x60: {  	_ =	swait.ge [sflag:s5], $0x2000  }
0x61: {  	[sflag:s5] =	ssyncset.done $0x0  }
0x62: {  	s30 =	smov.u32 s23;
	s23 =	rddreg [dreg:$0x15];
	[sflag:s5] =	ssyncadd.s32 $0xFFFFE000  }
0x63: {  	[spmem:s23] =	stream.linear.scatter [tilespmem:s7], [sflag:$0x3], $0x2000, $0x38;
	[tilespmem:$0x1FA80] =	vst v63  }
0x64: {  	_ =	swait.ge [sflag:s5], $0x2000  }
0x65: {  	[sflag:s5] =	ssyncset.done $0x0  }
0x66: {  	s24 =	rddreg [dreg:$0x16];
	[sflag:s5] =	ssyncadd.s32 $0xFFFFE000  }
0x67: {  	[spmem:s24] =	stream.linear.scatter [tilespmem:s7], [sflag:$0x3], $0x2000, $0x38;
	[tilespmem:$0x1FA80] =	vst v63  }
0x68: {  	_ =	swait.ge [sflag:s5], $0x2000  }
0x69: {  	[sflag:s5] =	ssyncset.done $0x0  }
0x6a: {  	s25 =	rddreg [dreg:$0x17];
	[sflag:s5] =	ssyncadd.s32 $0xFFFFE000  }
0x6b: {  	[spmem:s25] =	stream.linear.scatter [tilespmem:s7], [sflag:$0x3], $0x2000, $0x38;
	[tilespmem:$0x1FA80] =	vst v63  }
0x6c: {  	_ =	swait.ge [sflag:s5], $0x2000  }
0x6d: {  	[sflag:s5] =	ssyncset.done $0x0  }
0x6e: {  	s26 =	rddreg [dreg:$0x18];
	[sflag:s5] =	ssyncadd.s32 $0xFFFFE000  }
0x6f: {  	[spmem:s26] =	stream.linear.scatter [tilespmem:s7], [sflag:$0x3], $0x2000, $0x38;
	[tilespmem:$0x1FA80] =	vst v63  }
0x70: {  	_ =	swait.ge [sflag:s5], $0x2000  }
0x71: {  	[sflag:s5] =	ssyncset.done $0x0  }
0x72: {  	[sflag:s5] =	ssyncadd.s32 $0xFFFFE000  }
0x73: {  	[bflag:$0x0] =	sbarrier.arrive $0xFFFF  }
0x74: {  	s20 =	simm.s32 $0x0;
	s21 =	rddreg [dreg:$0x19]  }
0x75: {  	[tilespmem:s20], [sflag:$0x3] =	stream.linear.gather [hbm4b:s21+s20], $0x40, $0x38;
	[tilespmem:$0x1FA80] =	vst v63  }
0x76: {  	_ =	swait.ge [sflag:s5], $0x40  }
0x77: {  	[sflag:s5] =	ssyncset.done $0x0  }
0x78: {  	s28 =	rddreg [dreg:$0x1a];
	[sflag:s5] =	ssyncadd.s32 $0xFFFFFFC0  }
0x79: {  	[tilespmem:s8], [sflag:$0x3] =	stream.linear.gather [hbm4b:s28+s20], $0x40, $0x38;
	[tilespmem:$0x1FA80] =	vst v63  }
0x7a: {  	_ =	swait.ge [sflag:s5], $0x40  }
0x7b: {  	[sflag:s5] =	ssyncset.done $0x0  }
0x7c: {  	s29 =	smov.u32 s22;
	s21 =	simm.s32 $0x0;
	[sflag:s5] =	ssyncadd.s32 $0xFFFFFFC0  }
0x7d: {  	[tilespmem:s7], [sflag:$0x1] =	stream.indirect.gather [hbm4b:s17+s9], $0x80, s20, s9, $0xb8;
	[tilespmem:$0x1FA80] =	vst v63  }
.LBB2_6:
0x7e: {  	s22 =	sshll.u32 s21, $0x7  }
0x7f: {  	s23 =	sadd.s32 s22, s0  }
0x80: {  	s23 =	sshrl.u32 s23, $0x3  }
0x81: {  	s24 =	sadd.s32 s15, s23  }
0x82: {  	[tilespmem:s10], [sflag:$0x3] =	stream.linear.gather [hbm4b:s24+s20], $0x40, $0x38;
	[tilespmem:$0x1FA80] =	vst v63  }
0x83: {  	_ =	swait.ge [sflag:s5], $0x40  }
0x84: {  	[sflag:s5] =	ssyncset.done $0x0  }
0x85: {  	s23 =	sadd.s32 s16, s23;
	[sflag:s5] =	ssyncadd.s32 $0xFFFFFFC0  }
0x86: {  	[tilespmem:s13], [sflag:$0x3] =	stream.linear.gather [hbm4b:s23+s20], $0x40, $0x38;
	[tilespmem:$0x1FA80] =	vst v63  }
0x87: {  	_ =	swait.ge [sflag:s5], $0x40  }
0x88: {  	[sflag:s5] =	ssyncset.done $0x0  }
0x89: {  	[sflag:s5] =	ssyncadd.s32 $0xFFFFFFC0  }
0x8a: {  	[tilespmem:s14], [sflag:$0x2] =	stream.indirect.gather [hbm4b:s17+s9], $0x80, s10, s9, $0xb8;
	[tilespmem:$0x1FA80] =	vst v63  }
0x8b: {  	v1 =	vld [tilespmem:$0x0]  }
0x8c: {  	v2 =	vld [tilespmem:$0x100];
	_ =	sdelay $0x6  }
0x8d: {  	v1 =	vld.idx.msk [tilespmem:v1+s4+$0x0], $0xffff  }
0x8e: {  	v3 =	vld.idx.msk [tilespmem:v2+s6+$0x0], $0xffff;
	_ =	sdelay $0x4  }
0x8f: {  	v1 =	vadd.f32 v3, v1;
	_ =	sdelay $0x1  }
0x90: {  	v3 =	vmul.f32 $2.000000030e-01, v1  }
0x91: {  	vm0 =	vge.f32 v1, $0.0e+00  }
0x92: {  	v1 =	vsel vm0, v1, v3  }
0x93: {  	v1 =	vmul.f32 $1.442695020e+00, v1;
	_ =	sdelay $0x1  }
0x94: {  	(erf) = vpow2.f32 v1;
	_ =	sdelay $0x8  }
0x95: {  	v1 =	vpop (erf)  }
0x96: {  	[tilespmem:$0x4200] =	vst v1  }
0x97: {  	[tilespmem:v2+s18+$0x0] =	vst.idx.add.f32.msk $0xffff, v1  }
0x98: {  	v1 =	vld [tilespmem:$0x10]  }
0x99: {  	v2 =	vld [tilespmem:$0x110];
	_ =	sdelay $0x6  }
0x9a: {  	v1 =	vld.idx.msk [tilespmem:v1+s4+$0x0], $0xffff  }
0x9b: {  	v3 =	vld.idx.msk [tilespmem:v2+s6+$0x0], $0xffff;
	_ =	sdelay $0x4  }
0x9c: {  	v1 =	vadd.f32 v3, v1;
	_ =	sdelay $0x1  }
0x9d: {  	v3 =	vmul.f32 $2.000000030e-01, v1  }
0x9e: {  	vm13 =	vge.f32 v1, $0.0e+00  }
0x9f: {  	v1 =	vsel vm13, v1, v3  }
0xa0: {  	v1 =	vmul.f32 $1.442695020e+00, v1;
	_ =	sdelay $0x1  }
0xa1: {  	(erf) = vpow2.f32 v1;
	_ =	sdelay $0x8  }
0xa2: {  	v1 =	vpop (erf)  }
0xa3: {  	[tilespmem:$0x4210] =	vst v1  }
0xa4: {  	[tilespmem:v2+s18+$0x0] =	vst.idx.add.f32.msk $0xffff, v1  }
0xa5: {  	v1 =	vld [tilespmem:$0x20]  }
0xa6: {  	v2 =	vld [tilespmem:$0x120];
	_ =	sdelay $0x6  }
0xa7: {  	v1 =	vld.idx.msk [tilespmem:v1+s4+$0x0], $0xffff  }
0xa8: {  	v3 =	vld.idx.msk [tilespmem:v2+s6+$0x0], $0xffff;
	_ =	sdelay $0x4  }
0xa9: {  	v1 =	vadd.f32 v3, v1;
	_ =	sdelay $0x1  }
0xaa: {  	v3 =	vmul.f32 $2.000000030e-01, v1  }
0xab: {  	vm14 =	vge.f32 v1, $0.0e+00  }
0xac: {  	v1 =	vsel vm14, v1, v3  }
0xad: {  	v1 =	vmul.f32 $1.442695020e+00, v1;
	_ =	sdelay $0x1  }
0xae: {  	(erf) = vpow2.f32 v1;
	_ =	sdelay $0x8  }
0xaf: {  	v1 =	vpop (erf)  }
0xb0: {  	[tilespmem:$0x4220] =	vst v1  }
0xb1: {  	[tilespmem:v2+s18+$0x0] =	vst.idx.add.f32.msk $0xffff, v1  }
0xb2: {  	v1 =	vld [tilespmem:$0x30]  }
0xb3: {  	v2 =	vld [tilespmem:$0x130];
	_ =	sdelay $0x6  }
0xb4: {  	v1 =	vld.idx.msk [tilespmem:v1+s4+$0x0], $0xffff  }
0xb5: {  	v3 =	vld.idx.msk [tilespmem:v2+s6+$0x0], $0xffff;
	_ =	sdelay $0x4  }
0xb6: {  	v1 =	vadd.f32 v3, v1;
	_ =	sdelay $0x1  }
0xb7: {  	v3 =	vmul.f32 $2.000000030e-01, v1  }
0xb8: {  	vm15 =	vge.f32 v1, $0.0e+00  }
0xb9: {  	v1 =	vsel vm15, v1, v3  }
0xba: {  	v1 =	vmul.f32 $1.442695020e+00, v1;
	_ =	sdelay $0x1  }
0xbb: {  	(erf) = vpow2.f32 v1;
	_ =	sdelay $0x6  }
0xbc: {  	s26 =	simm.s32 $0x2;
	v1 =	vmov s20  }
0xbd: {  	v3 =	vmov s26;
	v1 =	vand.u32 $0xFFFFFFFC, v1  }
0xbe: {  	v3 =	vand.u32 $0xFFFFFFFE, v3;
	v1 =	vbroadcast v1, $0x0;
	v4 =	vpop (erf)  }
0xbf: {  	v3 =	vbroadcast v3, $0x0;
	[tilespmem:$0x4230] =	vst v4  }
0xc0: {  	[tilespmem:v2+s18+$0x0] =	vst.idx.add.f32.msk $0xffff, v4  }
0xc1: {  	_ =	swait.ge [sflag:s19], $0x2000  }
0xc2: {  	[sflag:s19] =	ssyncset.done $0x0  }
0xc3: {  	[sflag:s19] =	ssyncadd.s32 $0xFFFFE000  }
0xc4: {  	v1 =	vld.idx.msk [tilespmem:v1+s31+$0x0], $0xffff  }
0xc5: {  	s23 =	simm.s32 $0x300;
	v2 =	vld.idx.msk [tilespmem:v3+s31+$0x0], $0xffff  }
0xc6: {  	v4 =	vld [tilespmem:s23+$0x70]  }
0xc7: {  	v5 =	vld [tilespmem:s23+$0xFFFFFF00]  }
0xc8: {  	s28 =	simm.s32 $0x1;
	v6 =	vld [tilespmem:s23+$0xFFFFFF10]  }
0xc9: {  	v3 =	vmov s28;
	v7 =	vld [tilespmem:s23+$0xFFFFFF20]  }
0xca: {  	v8 =	vld [tilespmem:s23+$0xFFFFFF30];
	v3 =	vand.u32 $0xFFFFFFFD, v3  }
0xcb: {  	v9 =	vld [tilespmem:s23+$0xFFFFFF40];
	v3 =	vbroadcast v3, $0x0  }
0xcc: {  	v10 =	vld [tilespmem:s23+$0xFFFFFF50]  }
0xcd: {  	v11 =	vld [tilespmem:s23+$0xFFFFFF60];
	v5 =	vmul.f32 v5, v1  }
0xce: {  	v13 =	vld [tilespmem:s23+$0x40];
	v4 =	vmul.f32 v4, v2  }
0xcf: {  	[tilespmem:s23+$0xFFFFFF00] =	vst v5;
	v5 =	vmul.f32 v6, v1;
	v6 =	vld [tilespmem:s23+$0xFFFFFF70]  }
0xd0: {  	[tilespmem:s23+$0x70] =	vst v4;
	v4 =	vmul.f32 v7, v1;
	v7 =	vld [tilespmem:s23+$0xFFFFFF80]  }
0xd1: {  	v3 =	vld.idx.msk [tilespmem:v3+s31+$0x0], $0xffff;
	[tilespmem:s23+$0xFFFFFF10] =	vst v5;
	v5 =	vmul.f32 v8, v1  }
0xd2: {  	v8 =	vld [tilespmem:s23+$0xFFFFFF90];
	[tilespmem:s23+$0xFFFFFF20] =	vst v4;
	v4 =	vmul.f32 v9, v1  }
0xd3: {  	v9 =	vld [tilespmem:s23+$0xFFFFFFA0];
	[tilespmem:s23+$0xFFFFFF30] =	vst v5;
	v5 =	vmul.f32 v10, v1  }
0xd4: {  	v10 =	vld [tilespmem:s23+$0xFFFFFFB0];
	[tilespmem:s23+$0xFFFFFF40] =	vst v4;
	v4 =	vmul.f32 v11, v1  }
0xd5: {  	v11 =	vld [tilespmem:s23+$0xFFFFFFC0];
	v6 =	vmul.f32 v6, v1;
	[tilespmem:s23+$0xFFFFFF50] =	vst v5  }
0xd6: {  	v5 =	vmul.f32 v7, v3;
	v7 =	vld [tilespmem:s23+$0xFFFFFFD0];
	[tilespmem:s23+$0xFFFFFF60] =	vst v4  }
0xd7: {  	s25 =	simm.s32 $0x3;
	v4 =	vld [tilespmem:s23+$0xFFFFFFE0];
	v8 =	vmul.f32 v8, v3;
	[tilespmem:s23+$0xFFFFFF70] =	vst v6  }
0xd8: {  	v12 =	vmov s25;
	v6 =	vld [tilespmem:s23+$0xFFFFFFF0];
	[tilespmem:s23+$0xFFFFFF80] =	vst v5;
	v5 =	vmul.f32 v9, v3  }
0xd9: {  	v9 =	vld [tilespmem:s23+$0x0];
	[tilespmem:s23+$0xFFFFFF90] =	vst v8;
	v8 =	vmul.f32 v10, v3  }
0xda: {  	v10 =	vld [tilespmem:s23+$0x10];
	[tilespmem:s23+$0xFFFFFFA0] =	vst v5;
	v5 =	vmul.f32 v11, v3  }
0xdb: {  	[tilespmem:s23+$0xFFFFFFB0] =	vst v8;
	v7 =	vmul.f32 v7, v3;
	v8 =	vld [tilespmem:s23+$0x20]  }
0xdc: {  	v11 =	vld [tilespmem:s23+$0x30];
	v4 =	vmul.f32 v4, v3;
	[tilespmem:s23+$0xFFFFFFC0] =	vst v5  }
0xdd: {  	v1 =	vld.idx.msk [tilespmem:v12+s31+$0x0], $0xffff;
	v3 =	vmul.f32 v6, v3;
	[tilespmem:s23+$0xFFFFFFD0] =	vst v7  }
0xde: {  	[tilespmem:s23+$0xFFFFFFE0] =	vst v4;
	v5 =	vmul.f32 v9, v2;
	v4 =	vld [tilespmem:s23+$0x50]  }
0xdf: {  	s26 =	simm.s32 $0x4;
	[tilespmem:s23+$0xFFFFFFF0] =	vst v3;
	v6 =	vmul.f32 v10, v2;
	v3 =	vld [tilespmem:s23+$0x60]  }
0xe0: {  	s28 =	simm.s32 $0x7;
	v7 =	vmov s26;
	[tilespmem:s23+$0x0] =	vst v5;
	v9 =	vmul.f32 v8, v2;
	v8 =	vld [tilespmem:s23+$0x80]  }
0xe1: {  	s25 =	simm.s32 $0x5;
	v12 =	vand.u32 $0xFFFFFFFC, v7;
	v7 =	vld [tilespmem:s23+$0x90];
	v5 =	vmov s28;
	v10 =	vmul.f32 v11, v2;
	[tilespmem:s23+$0x10] =	vst v6  }
0xe2: {  	s24 =	simm.s32 $0x300;
	s26 =	simm.s32 $0x6;
	v11 =	vmul.f32 v13, v2;
	v6 =	vbroadcast v12, $0x0;
	v12 =	vmov s25;
	s25 =	simm.s32 $0x8;
	[tilespmem:s23+$0x20] =	vst v9;
	v9 =	vld [tilespmem:s23+$0xA0]  }
.LBB2_7:
0xe3: {  	p0 =	slt.u32 s25, $0x3C;
	v12 =	vand.u32 $0xFFFFFFFD, v12;
	v13 =	vmov s26;
	[tilespmem:s23+$0x30] =	vst v10;
	v4 =	vmul.f32 v4, v2;
	v10 =	vld [tilespmem:s23+$0xB0]  }
0xe4: {  	v12 =	vbroadcast v12, $0x0;
	v13 =	vand.u32 $0xFFFFFFFE, v13;
	[tilespmem:s23+$0x40] =	vst v11;
	v2 =	vmul.f32 v3, v2;
	v3 =	vld [tilespmem:s23+$0xC0]  }
0xe5: {  	v11 =	vbroadcast v13, $0x0;
	[tilespmem:s23+$0x50] =	vst v4;
	v4 =	vmul.f32 v8, v1;
	v8 =	vld [tilespmem:s23+$0xD0]  }
0xe6: {  	[tilespmem:s23+$0x60] =	vst v2;
	v2 =	vmul.f32 v7, v1;
	v7 =	vld [tilespmem:s23+$0xE0]  }
0xe7: {  	[tilespmem:s23+$0x80] =	vst v4;
	v4 =	vmul.f32 v9, v1;
	v9 =	vld [tilespmem:s23+$0xF0]  }
0xe8: {  	v5 =	vld.idx.msk [tilespmem:v5+s31+$0x0], $0xffff;
	[tilespmem:s23+$0x90] =	vst v2;
	v2 =	vmul.f32 v10, v1  }
0xe9: {  	v6 =	vld.idx.msk [tilespmem:v6+s31+$0x0], $0xffff;
	[tilespmem:s23+$0xA0] =	vst v4;
	v3 =	vmul.f32 v3, v1  }
0xea: {  	v4 =	vld.idx.msk [tilespmem:v12+s31+$0x0], $0xffff;
	[tilespmem:s23+$0xB0] =	vst v2;
	v8 =	vmul.f32 v8, v1  }
0xeb: {  	s23 =	sadd.s32 $0x200, s23;
	v2 =	vld.idx.msk [tilespmem:v11+s31+$0x0], $0xffff;
	[tilespmem:s24+$0xC0] =	vst v3;
	v3 =	vmul.f32 v7, v1  }
0xec: {  	v7 =	vld [tilespmem:s23+$0x70];
	[tilespmem:s24+$0xD0] =	vst v8;
	v9 =	vmul.f32 v9, v1  }
0xed: {  	v8 =	vld [tilespmem:s23+$0xFFFFFF00];
	[tilespmem:s24+$0xE0] =	vst v3  }
0xee: {  	v1 =	vmov v5;
	v3 =	vld [tilespmem:s23+$0xFFFFFF10];
	[tilespmem:s24+$0xF0] =	vst v9;
	s24 =	smov.u32 s23  }
0xef: {  	v5 =	vld [tilespmem:s23+$0xFFFFFF20]  }
0xf0: {  	v9 =	vld [tilespmem:s23+$0xFFFFFF30]  }
0xf1: {  	v10 =	vld [tilespmem:s23+$0xFFFFFF40];
	v7 =	vmul.f32 v7, v2  }
0xf2: {  	v8 =	vmul.f32 v8, v6;
	v11 =	vld [tilespmem:s23+$0xFFFFFF50]  }
0xf3: {  	v3 =	vmul.f32 v3, v6;
	v12 =	vld [tilespmem:s23+$0xFFFFFF60];
	[tilespmem:s23+$0x70] =	vst v7  }
0xf4: {  	[tilespmem:s23+$0xFFFFFF00] =	vst v8;
	v5 =	vmul.f32 v5, v6;
	v7 =	vld [tilespmem:s23+$0xFFFFFF70]  }
0xf5: {  	[tilespmem:s23+$0xFFFFFF10] =	vst v3;
	v3 =	vmul.f32 v9, v6;
	v8 =	vld [tilespmem:s23+$0xFFFFFF80]  }
0xf6: {  	[tilespmem:s23+$0xFFFFFF20] =	vst v5;
	v5 =	vmul.f32 v10, v6;
	v9 =	vld [tilespmem:s23+$0xFFFFFF90]  }
0xf7: {  	[tilespmem:s23+$0xFFFFFF30] =	vst v3;
	v3 =	vmul.f32 v11, v6;
	v10 =	vld [tilespmem:s23+$0xFFFFFFA0]  }
0xf8: {  	[tilespmem:s23+$0xFFFFFF40] =	vst v5;
	v5 =	vmul.f32 v12, v6;
	v11 =	vld [tilespmem:s23+$0xFFFFFFB0]  }
0xf9: {  	[tilespmem:s23+$0xFFFFFF50] =	vst v3;
	v3 =	vmul.f32 v7, v6;
	v6 =	vld [tilespmem:s23+$0xFFFFFFC0]  }
0xfa: {  	[tilespmem:s23+$0xFFFFFF60] =	vst v5;
	v5 =	vmul.f32 v8, v4;
	v7 =	vld [tilespmem:s23+$0xFFFFFFD0]  }
0xfb: {  	[tilespmem:s23+$0xFFFFFF70] =	vst v3;
	v3 =	vmul.f32 v9, v4;
	v8 =	vld [tilespmem:s23+$0xFFFFFFE0]  }
0xfc: {  	[tilespmem:s23+$0xFFFFFF80] =	vst v5;
	v5 =	vmul.f32 v10, v4;
	v9 =	vld [tilespmem:s23+$0xFFFFFFF0]  }
0xfd: {  	[tilespmem:s23+$0xFFFFFF90] =	vst v3;
	v3 =	vmul.f32 v11, v4;
	v10 =	vld [tilespmem:s23+$0x0]  }
0xfe: {  	[tilespmem:s23+$0xFFFFFFA0] =	vst v5;
	v5 =	vmul.f32 v6, v4;
	v6 =	vld [tilespmem:s23+$0x10]  }
0xff: {  	[tilespmem:s23+$0xFFFFFFB0] =	vst v3;
	v3 =	vmul.f32 v7, v4;
	v7 =	vld [tilespmem:s23+$0x20]  }
0x100: {  	[tilespmem:s23+$0xFFFFFFC0] =	vst v5;
	v5 =	vmul.f32 v8, v4;
	v11 =	vld [tilespmem:s23+$0x30]  }
0x101: {  	[tilespmem:s23+$0xFFFFFFD0] =	vst v3;
	v3 =	vmul.f32 v9, v4;
	v9 =	vld [tilespmem:s23+$0x40]  }
.Ltmp2:
0x102: {  	[tilespmem:s23+$0xFFFFFFE0] =	vst v5;
	v5 =	vmul.f32 v10, v2;
	v4 =	vld [tilespmem:s23+$0x50];
	(pc) =	sbr.rel @p0 .LBB2_7-.Ltmp2, $4  }
0x103: {  	[tilespmem:s23+$0xFFFFFFF0] =	vst v3;
	v6 =	vmul.f32 v6, v2;
	v3 =	vld [tilespmem:s23+$0x60]  }
0x104: {  	s26 =	sadd.s32 $0x3, s25;
	v10 =	vmov s25;
	[tilespmem:s23+$0x0] =	vst v5;
	v13 =	vmul.f32 v7, v2;
	v8 =	vld [tilespmem:s23+$0x80]  }
0x105: {  	s28 =	sadd.s32 $0x1, s25;
	v12 =	vand.u32 $0xFFFFFFFC, v10;
	v5 =	vmov s26;
	[tilespmem:s23+$0x10] =	vst v6;
	v10 =	vmul.f32 v11, v2;
	v7 =	vld [tilespmem:s23+$0x90]  }
0x106: {  	s26 =	sadd.s32 $0x2, s25;
	s25 =	sadd.s32 $0x4, s25;
	v6 =	vbroadcast v12, $0x0;
	v12 =	vmov s28;
	[tilespmem:s23+$0x20] =	vst v13;
	v11 =	vmul.f32 v9, v2;
	v9 =	vld [tilespmem:s23+$0xA0]  }
0x107: {  	v13 =	vld [tilespmem:s23+$0xB0]  }
0x108: {  	v15 =	vld [tilespmem:s23+$0xC0]  }
0x109: {  	v14 =	vmov s26;
	v16 =	vld [tilespmem:s23+$0xD0]  }
0x10a: {  	v17 =	vld [tilespmem:s23+$0xE0];
	[tilespmem:s23+$0x30] =	vst v10;
	v4 =	vmul.f32 v4, v2;
	v14 =	vand.u32 $0xFFFFFFFE, v14  }
0x10b: {  	v12 =	vand.u32 $0xFFFFFFFD, v12;
	v5 =	vld.idx.msk [tilespmem:v5+s31+$0x0], $0xffff;
	[tilespmem:s23+$0x40] =	vst v11;
	v2 =	vmul.f32 v3, v2;
	v14 =	vbroadcast v14, $0x0  }
0x10c: {  	s25 =	sadd.s32 $0x200, s23;
	v12 =	vbroadcast v12, $0x0;
	v3 =	vld.idx.msk [tilespmem:v6+s31+$0x0], $0xffff;
	v8 =	vmul.f32 v8, v1;
	[tilespmem:s23+$0x50] =	vst v4  }
0x10d: {  	v10 =	vld [tilespmem:s25+$0xFFFFFF00];
	v4 =	vmul.f32 v7, v1;
	[tilespmem:s23+$0x60] =	vst v2  }
0x10e: {  	[tilespmem:s23+$0x80] =	vst v8;
	v8 =	vld [tilespmem:s23+$0xF0];
	v2 =	vmul.f32 v9, v1  }
0x10f: {  	v11 =	vld [tilespmem:s25+$0xFFFFFF10];
	[tilespmem:s23+$0x90] =	vst v4;
	v4 =	vmul.f32 v13, v1  }
0x110: {  	v9 =	vld [tilespmem:s25+$0x70];
	[tilespmem:s23+$0xA0] =	vst v2;
	v2 =	vmul.f32 v15, v1  }
0x111: {  	[tilespmem:s23+$0xB0] =	vst v4;
	v4 =	vmul.f32 v16, v1;
	v7 =	vld.idx.msk [tilespmem:v14+s31+$0x0], $0xffff  }
0x112: {  	v6 =	vld.idx.msk [tilespmem:v12+s31+$0x0], $0xffff;
	[tilespmem:s24+$0xC0] =	vst v2;
	v2 =	vmul.f32 v17, v1  }
0x113: {  	v12 =	vld [tilespmem:s25+$0xFFFFFF20];
	[tilespmem:s24+$0xD0] =	vst v4;
	v1 =	vmul.f32 v8, v1  }
0x114: {  	v4 =	vld [tilespmem:s25+$0xFFFFFF30];
	[tilespmem:s24+$0xE0] =	vst v2  }
0x115: {  	v2 =	vld [tilespmem:s25+$0xFFFFFF40];
	[tilespmem:s24+$0xF0] =	vst v1;
	v1 =	vmul.f32 v10, v3  }
0x116: {  	v8 =	vmul.f32 v9, v7;
	v9 =	vld [tilespmem:s25+$0xFFFFFF50]  }
0x117: {  	v10 =	vmul.f32 v11, v3;
	v11 =	vld [tilespmem:s25+$0xFFFFFF60];
	[tilespmem:s25+$0xFFFFFF00] =	vst v1  }
0x118: {  	v1 =	vmul.f32 v12, v3;
	[tilespmem:s25+$0x70] =	vst v8;
	v8 =	vld [tilespmem:s25+$0xFFFFFF70]  }
0x119: {  	[tilespmem:s25+$0xFFFFFF10] =	vst v10;
	v10 =	vld [tilespmem:s25+$0xFFFFFF80];
	v4 =	vmul.f32 v4, v3  }
0x11a: {  	[tilespmem:s25+$0xFFFFFF20] =	vst v1;
	v1 =	vmul.f32 v2, v3;
	v2 =	vld [tilespmem:s25+$0xFFFFFF90]  }
0x11b: {  	[tilespmem:s25+$0xFFFFFF30] =	vst v4;
	v4 =	vmul.f32 v9, v3;
	v9 =	vld [tilespmem:s25+$0xFFFFFFA0]  }
0x11c: {  	[tilespmem:s25+$0xFFFFFF40] =	vst v1;
	v1 =	vmul.f32 v11, v3;
	v11 =	vld [tilespmem:s25+$0xFFFFFFB0]  }
0x11d: {  	[tilespmem:s25+$0xFFFFFF50] =	vst v4;
	v3 =	vmul.f32 v8, v3;
	v4 =	vld [tilespmem:s25+$0xFFFFFFC0]  }
0x11e: {  	[tilespmem:s25+$0xFFFFFF60] =	vst v1;
	v1 =	vmul.f32 v10, v6;
	v8 =	vld [tilespmem:s25+$0xFFFFFFD0]  }
0x11f: {  	v2 =	vmul.f32 v2, v6;
	[tilespmem:s25+$0xFFFFFF70] =	vst v3;
	v3 =	vld [tilespmem:s25+$0xFFFFFFE0]  }
0x120: {  	[tilespmem:s25+$0xFFFFFF80] =	vst v1;
	v1 =	vmul.f32 v9, v6;
	v9 =	vld [tilespmem:s25+$0xFFFFFFF0]  }
0x121: {  	v10 =	vld [tilespmem:s25+$0x0];
	[tilespmem:s25+$0xFFFFFF90] =	vst v2;
	v2 =	vmul.f32 v11, v6  }
0x122: {  	[tilespmem:s25+$0xFFFFFFA0] =	vst v1;
	v1 =	vmul.f32 v4, v6;
	v4 =	vld [tilespmem:s25+$0x10]  }
0x123: {  	[tilespmem:s25+$0xFFFFFFB0] =	vst v2;
	v2 =	vmul.f32 v8, v6;
	v8 =	vld [tilespmem:s25+$0x20]  }
0x124: {  	[tilespmem:s25+$0xFFFFFFC0] =	vst v1;
	v1 =	vmul.f32 v3, v6;
	v3 =	vld [tilespmem:s25+$0x30]  }
0x125: {  	[tilespmem:s25+$0xFFFFFFD0] =	vst v2;
	v2 =	vmul.f32 v9, v6;
	v6 =	vld [tilespmem:s25+$0x40]  }
0x126: {  	v9 =	vld [tilespmem:s25+$0x50];
	[tilespmem:s25+$0xFFFFFFE0] =	vst v1;
	v1 =	vmul.f32 v10, v7  }
0x127: {  	[tilespmem:s25+$0xFFFFFFF0] =	vst v2;
	v2 =	vmul.f32 v4, v7;
	v4 =	vld [tilespmem:s25+$0x60]  }
0x128: {  	[tilespmem:s25+$0x0] =	vst v1;
	v1 =	vmul.f32 v8, v7;
	v8 =	vld [tilespmem:s25+$0x80]  }
0x129: {  	[tilespmem:s25+$0x10] =	vst v2;
	v2 =	vmul.f32 v3, v7;
	v3 =	vld [tilespmem:s25+$0x90]  }
0x12a: {  	[tilespmem:s25+$0x20] =	vst v1;
	v1 =	vmul.f32 v6, v7;
	v6 =	vld [tilespmem:s25+$0xA0]  }
0x12b: {  	[tilespmem:s25+$0x30] =	vst v2;
	v2 =	vmul.f32 v9, v7;
	v9 =	vld [tilespmem:s25+$0xB0]  }
0x12c: {  	[tilespmem:s25+$0x40] =	vst v1;
	v1 =	vmul.f32 v4, v7;
	v4 =	vld [tilespmem:s25+$0xC0]  }
0x12d: {  	v7 =	vld [tilespmem:s25+$0xD0];
	[tilespmem:s25+$0x50] =	vst v2;
	v2 =	vmul.f32 v8, v5  }
0x12e: {  	[tilespmem:s25+$0x60] =	vst v1;
	v1 =	vmul.f32 v3, v5;
	v3 =	vld [tilespmem:s25+$0xE0]  }
0x12f: {  	[tilespmem:s25+$0x80] =	vst v2;
	v2 =	vmul.f32 v6, v5;
	v6 =	vld [tilespmem:s25+$0xF0]  }
0x130: {  	[tilespmem:s25+$0x90] =	vst v1;
	v1 =	vmul.f32 v9, v5  }
0x131: {  	[tilespmem:s25+$0xA0] =	vst v2;
	v2 =	vmul.f32 v4, v5  }
0x132: {  	[tilespmem:s25+$0xB0] =	vst v1;
	v1 =	vmul.f32 v7, v5  }
0x133: {  	[tilespmem:s25+$0xC0] =	vst v2;
	v2 =	vmul.f32 v3, v5  }
0x134: {  	[tilespmem:s25+$0xD0] =	vst v1;
	v1 =	vmul.f32 v6, v5  }
0x135: {  	[tilespmem:s25+$0xE0] =	vst v2  }
0x136: {  	p0 =	seq.s32 s21, $0x29;
	[tilespmem:s25+$0xF0] =	vst v1  }
0x137: {  	[spmem:s12] =	stream.indirect.scatter.add.f32 [tilespmem:s7], [sflag:$0x3], $0x80, s8, s9, $0xb8;
	[tilespmem:$0x1FA80] =	vst v63  }
0x138: {  	s22 =	sadd.s32 @!p0 s22, s2;
	_ =	swait.ge [sflag:s5], $0x2000  }
0x139: {  	s22 =	sshrl.u32 @!p0 s22, $0x3;
	[sflag:s5] =	ssyncset.done $0x0  }
0x13a: {  	s23 =	sadd.s32 @!p0 s15, s22;
	s24 =	simm.s32 @!p0 $0x0;
	[sflag:s5] =	ssyncadd.s32 $0xFFFFE000  }
0x13b: {  	[tilespmem:s24], [sflag:$0x3] =	stream.linear.gather @!p0 [hbm4b:s23+s24], $0x40, $0x38;
	[tilespmem:$0x1FA80] =	vst v63  }
0x13c: {  	s23 =	simm.s32 @!p0 $0x3  }
0x13d: {  	_ =	swait.ge @!p0 [sflag:s23], $0x40  }
0x13e: {  	[sflag:s23] =	ssyncset.done @!p0 $0x0  }
0x13f: {  	s22 =	sadd.s32 @!p0 s16, s22;
	s25 =	simm.s32 @!p0 $0x100;
	[sflag:s23] =	ssyncadd.s32 @!p0 $0xFFFFFFC0  }
0x140: {  	[tilespmem:s25], [sflag:$0x3] =	stream.linear.gather @!p0 [hbm4b:s22+s24], $0x40, $0x38;
	[tilespmem:$0x1FA80] =	vst v63  }
0x141: {  	_ =	swait.ge @!p0 [sflag:s23], $0x40  }
0x142: {  	[sflag:s23] =	ssyncset.done @!p0 $0x0  }
0x143: {  	s22 =	simm.s32 @!p0 $0x40;
	[sflag:s23] =	ssyncadd.s32 @!p0 $0xFFFFFFC0;
	s23 =	simm.s32 @!p0 $0x200  }
0x144: {  	[tilespmem:s23], [sflag:$0x1] =	stream.indirect.gather @!p0 [hbm4b:s17+s22], $0x80, s24, s22, $0xb8;
	[tilespmem:$0x1FA80] =	vst v63  }
0x145: {  	v1 =	vld [tilespmem:$0x80]  }
0x146: {  	v2 =	vld [tilespmem:$0x180];
	_ =	sdelay $0x6  }
0x147: {  	v1 =	vld.idx.msk [tilespmem:v1+s4+$0x0], $0xffff  }
0x148: {  	v3 =	vld.idx.msk [tilespmem:v2+s6+$0x0], $0xffff;
	_ =	sdelay $0x4  }
0x149: {  	v1 =	vadd.f32 v3, v1;
	_ =	sdelay $0x1  }
0x14a: {  	v3 =	vmul.f32 $2.000000030e-01, v1  }
0x14b: {  	vm0 =	vge.f32 v1, $0.0e+00  }
0x14c: {  	v1 =	vsel vm0, v1, v3  }
0x14d: {  	v1 =	vmul.f32 $1.442695020e+00, v1;
	_ =	sdelay $0x1  }
0x14e: {  	(erf) = vpow2.f32 v1;
	_ =	sdelay $0x8  }
0x14f: {  	v1 =	vpop (erf)  }
0x150: {  	[tilespmem:$0x4200] =	vst v1  }
0x151: {  	[tilespmem:v2+s18+$0x0] =	vst.idx.add.f32.msk $0xffff, v1  }
0x152: {  	v1 =	vld [tilespmem:$0x90]  }
0x153: {  	v2 =	vld [tilespmem:$0x190];
	_ =	sdelay $0x6  }
0x154: {  	v1 =	vld.idx.msk [tilespmem:v1+s4+$0x0], $0xffff  }
0x155: {  	v3 =	vld.idx.msk [tilespmem:v2+s6+$0x0], $0xffff;
	_ =	sdelay $0x4  }
0x156: {  	v1 =	vadd.f32 v3, v1;
	_ =	sdelay $0x1  }
0x157: {  	v3 =	vmul.f32 $2.000000030e-01, v1  }
0x158: {  	vm13 =	vge.f32 v1, $0.0e+00  }
0x159: {  	v1 =	vsel vm13, v1, v3  }
0x15a: {  	v1 =	vmul.f32 $1.442695020e+00, v1;
	_ =	sdelay $0x1  }
0x15b: {  	(erf) = vpow2.f32 v1;
	_ =	sdelay $0x8  }
0x15c: {  	v1 =	vpop (erf)  }
0x15d: {  	[tilespmem:$0x4210] =	vst v1  }
0x15e: {  	[tilespmem:v2+s18+$0x0] =	vst.idx.add.f32.msk $0xffff, v1  }
0x15f: {  	v1 =	vld [tilespmem:$0xA0]  }
0x160: {  	v2 =	vld [tilespmem:$0x1A0];
	_ =	sdelay $0x6  }
0x161: {  	v1 =	vld.idx.msk [tilespmem:v1+s4+$0x0], $0xffff  }
0x162: {  	v3 =	vld.idx.msk [tilespmem:v2+s6+$0x0], $0xffff;
	_ =	sdelay $0x4  }
0x163: {  	v1 =	vadd.f32 v3, v1;
	_ =	sdelay $0x1  }
0x164: {  	v3 =	vmul.f32 $2.000000030e-01, v1  }
0x165: {  	vm14 =	vge.f32 v1, $0.0e+00  }
0x166: {  	v1 =	vsel vm14, v1, v3  }
0x167: {  	v1 =	vmul.f32 $1.442695020e+00, v1;
	_ =	sdelay $0x1  }
0x168: {  	(erf) = vpow2.f32 v1;
	_ =	sdelay $0x8  }
0x169: {  	v1 =	vpop (erf)  }
0x16a: {  	[tilespmem:$0x4220] =	vst v1  }
0x16b: {  	[tilespmem:v2+s18+$0x0] =	vst.idx.add.f32.msk $0xffff, v1  }
0x16c: {  	v1 =	vld [tilespmem:$0xB0]  }
0x16d: {  	v2 =	vld [tilespmem:$0x1B0];
	_ =	sdelay $0x6  }
0x16e: {  	v1 =	vld.idx.msk [tilespmem:v1+s4+$0x0], $0xffff  }
0x16f: {  	v3 =	vld.idx.msk [tilespmem:v2+s6+$0x0], $0xffff;
	_ =	sdelay $0x4  }
0x170: {  	v1 =	vadd.f32 v3, v1;
	_ =	sdelay $0x1  }
0x171: {  	v3 =	vmul.f32 $2.000000030e-01, v1  }
0x172: {  	vm15 =	vge.f32 v1, $0.0e+00  }
0x173: {  	v1 =	vsel vm15, v1, v3  }
0x174: {  	v1 =	vmul.f32 $1.442695020e+00, v1;
	_ =	sdelay $0x1  }
0x175: {  	(erf) = vpow2.f32 v1;
	_ =	sdelay $0x5  }
0x176: {  	s25 =	simm.s32 $0x0  }
0x177: {  	s26 =	simm.s32 $0x2;
	v1 =	vmov s25  }
0x178: {  	v3 =	vmov s26;
	v1 =	vand.u32 $0xFFFFFFFC, v1  }
0x179: {  	v3 =	vand.u32 $0xFFFFFFFE, v3;
	v1 =	vbroadcast v1, $0x0;
	v4 =	vpop (erf)  }
0x17a: {  	v3 =	vbroadcast v3, $0x0;
	[tilespmem:$0x4230] =	vst v4  }
0x17b: {  	[tilespmem:v2+s18+$0x0] =	vst.idx.add.f32.msk $0xffff, v4  }
0x17c: {  	_ =	swait.ge [sflag:s11], $0x2000  }
0x17d: {  	[sflag:s11] =	ssyncset.done $0x0  }
0x17e: {  	[sflag:s11] =	ssyncadd.s32 $0xFFFFE000  }
0x17f: {  	v1 =	vld.idx.msk [tilespmem:v1+s31+$0x0], $0xffff  }
0x180: {  	s22 =	simm.s32 $0x2300;
	v2 =	vld.idx.msk [tilespmem:v3+s31+$0x0], $0xffff  }
0x181: {  	v4 =	vld [tilespmem:s22+$0x70]  }
0x182: {  	v5 =	vld [tilespmem:s22+$0xFFFFFF00]  }
0x183: {  	s28 =	simm.s32 $0x1;
	v6 =	vld [tilespmem:s22+$0xFFFFFF10]  }
0x184: {  	v3 =	vmov s28;
	v7 =	vld [tilespmem:s22+$0xFFFFFF20]  }
0x185: {  	v8 =	vld [tilespmem:s22+$0xFFFFFF30];
	v3 =	vand.u32 $0xFFFFFFFD, v3  }
0x186: {  	v9 =	vld [tilespmem:s22+$0xFFFFFF40];
	v3 =	vbroadcast v3, $0x0  }
0x187: {  	v10 =	vld [tilespmem:s22+$0xFFFFFF50]  }
0x188: {  	v11 =	vld [tilespmem:s22+$0xFFFFFF60];
	v5 =	vmul.f32 v5, v1  }
0x189: {  	v13 =	vld [tilespmem:s22+$0x40];
	v4 =	vmul.f32 v4, v2  }
0x18a: {  	[tilespmem:s22+$0xFFFFFF00] =	vst v5;
	v5 =	vmul.f32 v6, v1;
	v6 =	vld [tilespmem:s22+$0xFFFFFF70]  }
0x18b: {  	[tilespmem:s22+$0x70] =	vst v4;
	v4 =	vmul.f32 v7, v1;
	v7 =	vld [tilespmem:s22+$0xFFFFFF80]  }
0x18c: {  	v3 =	vld.idx.msk [tilespmem:v3+s31+$0x0], $0xffff;
	[tilespmem:s22+$0xFFFFFF10] =	vst v5;
	v5 =	vmul.f32 v8, v1  }
0x18d: {  	v8 =	vld [tilespmem:s22+$0xFFFFFF90];
	[tilespmem:s22+$0xFFFFFF20] =	vst v4;
	v4 =	vmul.f32 v9, v1  }
0x18e: {  	v9 =	vld [tilespmem:s22+$0xFFFFFFA0];
	[tilespmem:s22+$0xFFFFFF30] =	vst v5;
	v5 =	vmul.f32 v10, v1  }
0x18f: {  	v10 =	vld [tilespmem:s22+$0xFFFFFFB0];
	[tilespmem:s22+$0xFFFFFF40] =	vst v4;
	v4 =	vmul.f32 v11, v1  }
0x190: {  	v11 =	vld [tilespmem:s22+$0xFFFFFFC0];
	v6 =	vmul.f32 v6, v1;
	[tilespmem:s22+$0xFFFFFF50] =	vst v5  }
0x191: {  	v5 =	vmul.f32 v7, v3;
	v7 =	vld [tilespmem:s22+$0xFFFFFFD0];
	[tilespmem:s22+$0xFFFFFF60] =	vst v4  }
0x192: {  	s24 =	simm.s32 $0x3;
	v4 =	vld [tilespmem:s22+$0xFFFFFFE0];
	v8 =	vmul.f32 v8, v3;
	[tilespmem:s22+$0xFFFFFF70] =	vst v6  }
0x193: {  	v12 =	vmov s24;
	v6 =	vld [tilespmem:s22+$0xFFFFFFF0];
	[tilespmem:s22+$0xFFFFFF80] =	vst v5;
	v5 =	vmul.f32 v9, v3  }
0x194: {  	v9 =	vld [tilespmem:s22+$0x0];
	[tilespmem:s22+$0xFFFFFF90] =	vst v8;
	v8 =	vmul.f32 v10, v3  }
0x195: {  	v10 =	vld [tilespmem:s22+$0x10];
	[tilespmem:s22+$0xFFFFFFA0] =	vst v5;
	v5 =	vmul.f32 v11, v3  }
0x196: {  	[tilespmem:s22+$0xFFFFFFB0] =	vst v8;
	v7 =	vmul.f32 v7, v3;
	v8 =	vld [tilespmem:s22+$0x20]  }
0x197: {  	v11 =	vld [tilespmem:s22+$0x30];
	v4 =	vmul.f32 v4, v3;
	[tilespmem:s22+$0xFFFFFFC0] =	vst v5  }
0x198: {  	v1 =	vld.idx.msk [tilespmem:v12+s31+$0x0], $0xffff;
	v3 =	vmul.f32 v6, v3;
	[tilespmem:s22+$0xFFFFFFD0] =	vst v7  }
0x199: {  	[tilespmem:s22+$0xFFFFFFE0] =	vst v4;
	v5 =	vmul.f32 v9, v2;
	v4 =	vld [tilespmem:s22+$0x50]  }
0x19a: {  	s25 =	simm.s32 $0x4;
	[tilespmem:s22+$0xFFFFFFF0] =	vst v3;
	v6 =	vmul.f32 v10, v2;
	v3 =	vld [tilespmem:s22+$0x60]  }
0x19b: {  	s26 =	simm.s32 $0x7;
	v7 =	vmov s25;
	[tilespmem:s22+$0x0] =	vst v5;
	v9 =	vmul.f32 v8, v2;
	v8 =	vld [tilespmem:s22+$0x80]  }
0x19c: {  	s28 =	simm.s32 $0x5;
	v12 =	vand.u32 $0xFFFFFFFC, v7;
	v7 =	vld [tilespmem:s22+$0x90];
	v5 =	vmov s26;
	v10 =	vmul.f32 v11, v2;
	[tilespmem:s22+$0x10] =	vst v6  }
0x19d: {  	s23 =	simm.s32 $0x2300;
	s24 =	simm.s32 $0x8;
	s25 =	simm.s32 $0x6;
	v11 =	vmul.f32 v13, v2;
	v6 =	vbroadcast v12, $0x0;
	v12 =	vmov s28;
	[tilespmem:s22+$0x20] =	vst v9;
	v9 =	vld [tilespmem:s22+$0xA0]  }
.LBB2_9:
0x19e: {  	p0 =	slt.u32 s24, $0x3C;
	v12 =	vand.u32 $0xFFFFFFFD, v12;
	v13 =	vmov s25;
	[tilespmem:s22+$0x30] =	vst v10;
	v4 =	vmul.f32 v4, v2;
	v10 =	vld [tilespmem:s22+$0xB0]  }
0x19f: {  	v12 =	vbroadcast v12, $0x0;
	v13 =	vand.u32 $0xFFFFFFFE, v13;
	[tilespmem:s22+$0x40] =	vst v11;
	v2 =	vmul.f32 v3, v2;
	v3 =	vld [tilespmem:s22+$0xC0]  }
0x1a0: {  	v11 =	vbroadcast v13, $0x0;
	[tilespmem:s22+$0x50] =	vst v4;
	v4 =	vmul.f32 v8, v1;
	v8 =	vld [tilespmem:s22+$0xD0]  }
0x1a1: {  	[tilespmem:s22+$0x60] =	vst v2;
	v2 =	vmul.f32 v7, v1;
	v7 =	vld [tilespmem:s22+$0xE0]  }
0x1a2: {  	[tilespmem:s22+$0x80] =	vst v4;
	v4 =	vmul.f32 v9, v1;
	v9 =	vld [tilespmem:s22+$0xF0]  }
0x1a3: {  	v5 =	vld.idx.msk [tilespmem:v5+s31+$0x0], $0xffff;
	[tilespmem:s22+$0x90] =	vst v2;
	v2 =	vmul.f32 v10, v1  }
0x1a4: {  	v6 =	vld.idx.msk [tilespmem:v6+s31+$0x0], $0xffff;
	[tilespmem:s22+$0xA0] =	vst v4;
	v3 =	vmul.f32 v3, v1  }
0x1a5: {  	v4 =	vld.idx.msk [tilespmem:v12+s31+$0x0], $0xffff;
	[tilespmem:s22+$0xB0] =	vst v2;
	v8 =	vmul.f32 v8, v1  }
0x1a6: {  	s22 =	sadd.s32 $0x200, s22;
	v2 =	vld.idx.msk [tilespmem:v11+s31+$0x0], $0xffff;
	[tilespmem:s23+$0xC0] =	vst v3;
	v3 =	vmul.f32 v7, v1  }
0x1a7: {  	v7 =	vld [tilespmem:s22+$0x70];
	[tilespmem:s23+$0xD0] =	vst v8;
	v9 =	vmul.f32 v9, v1  }
0x1a8: {  	v8 =	vld [tilespmem:s22+$0xFFFFFF00];
	[tilespmem:s23+$0xE0] =	vst v3  }
0x1a9: {  	v1 =	vmov v5;
	v3 =	vld [tilespmem:s22+$0xFFFFFF10];
	[tilespmem:s23+$0xF0] =	vst v9;
	s23 =	smov.u32 s22  }
0x1aa: {  	v5 =	vld [tilespmem:s22+$0xFFFFFF20]  }
0x1ab: {  	v9 =	vld [tilespmem:s22+$0xFFFFFF30]  }
0x1ac: {  	v10 =	vld [tilespmem:s22+$0xFFFFFF40];
	v7 =	vmul.f32 v7, v2  }
0x1ad: {  	v8 =	vmul.f32 v8, v6;
	v11 =	vld [tilespmem:s22+$0xFFFFFF50]  }
0x1ae: {  	v3 =	vmul.f32 v3, v6;
	v12 =	vld [tilespmem:s22+$0xFFFFFF60];
	[tilespmem:s22+$0x70] =	vst v7  }
0x1af: {  	[tilespmem:s22+$0xFFFFFF00] =	vst v8;
	v5 =	vmul.f32 v5, v6;
	v7 =	vld [tilespmem:s22+$0xFFFFFF70]  }
0x1b0: {  	[tilespmem:s22+$0xFFFFFF10] =	vst v3;
	v3 =	vmul.f32 v9, v6;
	v8 =	vld [tilespmem:s22+$0xFFFFFF80]  }
0x1b1: {  	[tilespmem:s22+$0xFFFFFF20] =	vst v5;
	v5 =	vmul.f32 v10, v6;
	v9 =	vld [tilespmem:s22+$0xFFFFFF90]  }
0x1b2: {  	[tilespmem:s22+$0xFFFFFF30] =	vst v3;
	v3 =	vmul.f32 v11, v6;
	v10 =	vld [tilespmem:s22+$0xFFFFFFA0]  }
0x1b3: {  	[tilespmem:s22+$0xFFFFFF40] =	vst v5;
	v5 =	vmul.f32 v12, v6;
	v11 =	vld [tilespmem:s22+$0xFFFFFFB0]  }
0x1b4: {  	[tilespmem:s22+$0xFFFFFF50] =	vst v3;
	v3 =	vmul.f32 v7, v6;
	v6 =	vld [tilespmem:s22+$0xFFFFFFC0]  }
0x1b5: {  	[tilespmem:s22+$0xFFFFFF60] =	vst v5;
	v5 =	vmul.f32 v8, v4;
	v7 =	vld [tilespmem:s22+$0xFFFFFFD0]  }
0x1b6: {  	[tilespmem:s22+$0xFFFFFF70] =	vst v3;
	v3 =	vmul.f32 v9, v4;
	v8 =	vld [tilespmem:s22+$0xFFFFFFE0]  }
0x1b7: {  	[tilespmem:s22+$0xFFFFFF80] =	vst v5;
	v5 =	vmul.f32 v10, v4;
	v9 =	vld [tilespmem:s22+$0xFFFFFFF0]  }
0x1b8: {  	[tilespmem:s22+$0xFFFFFF90] =	vst v3;
	v3 =	vmul.f32 v11, v4;
	v10 =	vld [tilespmem:s22+$0x0]  }
0x1b9: {  	[tilespmem:s22+$0xFFFFFFA0] =	vst v5;
	v5 =	vmul.f32 v6, v4;
	v6 =	vld [tilespmem:s22+$0x10]  }
0x1ba: {  	[tilespmem:s22+$0xFFFFFFB0] =	vst v3;
	v3 =	vmul.f32 v7, v4;
	v7 =	vld [tilespmem:s22+$0x20]  }
0x1bb: {  	[tilespmem:s22+$0xFFFFFFC0] =	vst v5;
	v5 =	vmul.f32 v8, v4;
	v11 =	vld [tilespmem:s22+$0x30]  }
0x1bc: {  	[tilespmem:s22+$0xFFFFFFD0] =	vst v3;
	v3 =	vmul.f32 v9, v4;
	v9 =	vld [tilespmem:s22+$0x40]  }
.Ltmp3:
0x1bd: {  	[tilespmem:s22+$0xFFFFFFE0] =	vst v5;
	v5 =	vmul.f32 v10, v2;
	v4 =	vld [tilespmem:s22+$0x50];
	(pc) =	sbr.rel @p0 .LBB2_9-.Ltmp3, $4  }
0x1be: {  	[tilespmem:s22+$0xFFFFFFF0] =	vst v3;
	v6 =	vmul.f32 v6, v2;
	v3 =	vld [tilespmem:s22+$0x60]  }
0x1bf: {  	s25 =	sadd.s32 $0x3, s24;
	v10 =	vmov s24;
	[tilespmem:s22+$0x0] =	vst v5;
	v13 =	vmul.f32 v7, v2;
	v8 =	vld [tilespmem:s22+$0x80]  }
0x1c0: {  	s26 =	sadd.s32 $0x1, s24;
	v12 =	vand.u32 $0xFFFFFFFC, v10;
	v5 =	vmov s25;
	[tilespmem:s22+$0x10] =	vst v6;
	v10 =	vmul.f32 v11, v2;
	v7 =	vld [tilespmem:s22+$0x90]  }
0x1c1: {  	s25 =	sadd.s32 $0x2, s24;
	s24 =	sadd.s32 $0x4, s24;
	v6 =	vbroadcast v12, $0x0;
	v12 =	vmov s26;
	[tilespmem:s22+$0x20] =	vst v13;
	v11 =	vmul.f32 v9, v2;
	v9 =	vld [tilespmem:s22+$0xA0]  }
0x1c2: {  	v13 =	vld [tilespmem:s22+$0xB0]  }
0x1c3: {  	v15 =	vld [tilespmem:s22+$0xC0]  }
0x1c4: {  	v16 =	vld [tilespmem:s22+$0xD0]  }
0x1c5: {  	v17 =	vld [tilespmem:s22+$0xE0]  }
0x1c6: {  	v29 =	vld [tilespmem:s22+$0xF0];
	[tilespmem:s22+$0x30] =	vst v10;
	v4 =	vmul.f32 v4, v2  }
0x1c7: {  	v5 =	vld.idx.msk [tilespmem:v5+s31+$0x0], $0xffff;
	[tilespmem:s22+$0x40] =	vst v11;
	v2 =	vmul.f32 v3, v2  }
0x1c8: {  	s24 =	sadd.s32 $0x200, s22;
	v3 =	vld.idx.msk [tilespmem:v6+s31+$0x0], $0xffff;
	v8 =	vmul.f32 v8, v1;
	[tilespmem:s22+$0x50] =	vst v4  }
0x1c9: {  	v14 =	vmov s25;
	v34 =	vld [tilespmem:s24+$0x70];
	v30 =	vmul.f32 v7, v1;
	[tilespmem:s22+$0x60] =	vst v2  }
0x1ca: {  	v14 =	vand.u32 $0xFFFFFFFE, v14;
	v35 =	vld [tilespmem:s24+$0xFFFFFF00];
	[tilespmem:s22+$0x80] =	vst v8;
	v2 =	vmul.f32 v9, v1  }
0x1cb: {  	v37 =	vld [tilespmem:s24+$0xFFFFFF10];
	v14 =	vbroadcast v14, $0x0;
	[tilespmem:s22+$0x90] =	vst v30;
	v33 =	vmul.f32 v13, v1  }
0x1cc: {  	v38 =	vld [tilespmem:s24+$0xFFFFFF20];
	[tilespmem:s22+$0xA0] =	vst v2;
	v2 =	vmul.f32 v15, v1  }
0x1cd: {  	v12 =	vand.u32 $0xFFFFFFFD, v12;
	v39 =	vld [tilespmem:s24+$0xFFFFFF30];
	v36 =	vmul.f32 v16, v1;
	[tilespmem:s22+$0xB0] =	vst v33  }
0x1ce: {  	v12 =	vbroadcast v12, $0x0;
	v41 =	vld [tilespmem:s24+$0xFFFFFF50];
	[tilespmem:s23+$0xC0] =	vst v2;
	v2 =	vmul.f32 v17, v1  }
0x1cf: {  	v43 =	vld [tilespmem:s24+$0xFFFFFF60];
	[tilespmem:s23+$0xD0] =	vst v36;
	v1 =	vmul.f32 v29, v1  }
0x1d0: {  	v42 =	vmul.f32 v37, v3;
	[tilespmem:s23+$0xE0] =	vst v2;
	v2 =	vld [tilespmem:s24+$0xFFFFFF40]  }
0x1d1: {  	v32 =	vld.idx.msk [tilespmem:v14+s31+$0x0], $0xffff;
	[tilespmem:s23+$0xF0] =	vst v1;
	v1 =	vmul.f32 v35, v3  }
0x1d2: {  	v44 =	vld [tilespmem:s24+$0xFFFFFF70];
	v4 =	vmul.f32 v39, v3;
	[tilespmem:s24+$0xFFFFFF10] =	vst v42  }
0x1d3: {  	v45 =	vld [tilespmem:s24+$0xFFFFFF80];
	[tilespmem:s24+$0xFFFFFF00] =	vst v1;
	v1 =	vmul.f32 v38, v3  }
0x1d4: {  	v46 =	vmul.f32 v41, v3;
	v31 =	vld.idx.msk [tilespmem:v12+s31+$0x0], $0xffff;
	[tilespmem:s24+$0xFFFFFF30] =	vst v4  }
0x1d5: {  	[tilespmem:s24+$0xFFFFFF20] =	vst v1;
	v1 =	vmul.f32 v2, v3;
	v2 =	vld [tilespmem:s24+$0xFFFFFF90]  }
0x1d6: {  	v47 =	vld [tilespmem:s24+$0xFFFFFFA0];
	[tilespmem:s24+$0xFFFFFF50] =	vst v46;
	v40 =	vmul.f32 v34, v32  }
0x1d7: {  	v48 =	vld [tilespmem:s24+$0xFFFFFFB0];
	[tilespmem:s24+$0xFFFFFF40] =	vst v1;
	v1 =	vmul.f32 v43, v3  }
0x1d8: {  	v49 =	vld [tilespmem:s24+$0xFFFFFFC0];
	[tilespmem:s24+$0x70] =	vst v40;
	v3 =	vmul.f32 v44, v3  }
0x1d9: {  	v50 =	vld [tilespmem:s24+$0xFFFFFFD0];
	[tilespmem:s24+$0xFFFFFF60] =	vst v1;
	v1 =	vmul.f32 v45, v31  }
0x1da: {  	[tilespmem:s24+$0xFFFFFF70] =	vst v3;
	v3 =	vld [tilespmem:s24+$0xFFFFFFE0];
	v2 =	vmul.f32 v2, v31  }
0x1db: {  	v51 =	vld [tilespmem:s24+$0xFFFFFFF0];
	[tilespmem:s24+$0xFFFFFF80] =	vst v1;
	v1 =	vmul.f32 v47, v31  }
0x1dc: {  	v52 =	vld [tilespmem:s24+$0x0];
	[tilespmem:s24+$0xFFFFFF90] =	vst v2;
	v2 =	vmul.f32 v48, v31  }
0x1dd: {  	v53 =	vld [tilespmem:s24+$0x10];
	[tilespmem:s24+$0xFFFFFFA0] =	vst v1;
	v1 =	vmul.f32 v49, v31  }
0x1de: {  	v54 =	vld [tilespmem:s24+$0x20];
	[tilespmem:s24+$0xFFFFFFB0] =	vst v2;
	v2 =	vmul.f32 v50, v31  }
0x1df: {  	[tilespmem:s24+$0xFFFFFFC0] =	vst v1;
	v1 =	vmul.f32 v3, v31;
	v3 =	vld [tilespmem:s24+$0x30]  }
0x1e0: {  	v55 =	vld [tilespmem:s24+$0x40];
	[tilespmem:s24+$0xFFFFFFD0] =	vst v2;
	v2 =	vmul.f32 v51, v31  }
0x1e1: {  	v56 =	vld [tilespmem:s24+$0x50];
	[tilespmem:s24+$0xFFFFFFE0] =	vst v1;
	v1 =	vmul.f32 v52, v32  }
0x1e2: {  	v57 =	vld [tilespmem:s24+$0x60];
	[tilespmem:s24+$0xFFFFFFF0] =	vst v2;
	v2 =	vmul.f32 v53, v32  }
0x1e3: {  	v58 =	vld [tilespmem:s24+$0x80];
	[tilespmem:s24+$0x0] =	vst v1;
	v1 =	vmul.f32 v54, v32  }
0x1e4: {  	[tilespmem:s24+$0x10] =	vst v2;
	v2 =	vmul.f32 v3, v32;
	v3 =	vld [tilespmem:s24+$0x90]  }
0x1e5: {  	v59 =	vld [tilespmem:s24+$0xA0];
	[tilespmem:s24+$0x20] =	vst v1;
	v1 =	vmul.f32 v55, v32  }
0x1e6: {  	v60 =	vld [tilespmem:s24+$0xB0];
	[tilespmem:s24+$0x30] =	vst v2;
	v2 =	vmul.f32 v56, v32  }
0x1e7: {  	v61 =	vld [tilespmem:s24+$0xC0];
	[tilespmem:s24+$0x40] =	vst v1;
	v1 =	vmul.f32 v57, v32  }
0x1e8: {  	v62 =	vld [tilespmem:s24+$0xD0];
	[tilespmem:s24+$0x50] =	vst v2;
	v2 =	vmul.f32 v58, v5  }
0x1e9: {  	[tilespmem:s24+$0x60] =	vst v1;
	v1 =	vmul.f32 v3, v5;
	v3 =	vld [tilespmem:s24+$0xE0]  }
0x1ea: {  	v63 =	vld [tilespmem:s24+$0xF0];
	[tilespmem:s24+$0x80] =	vst v2;
	v2 =	vmul.f32 v59, v5  }
0x1eb: {  	[tilespmem:s24+$0x90] =	vst v1;
	v1 =	vmul.f32 v60, v5  }
0x1ec: {  	[tilespmem:s24+$0xA0] =	vst v2;
	v2 =	vmul.f32 v61, v5  }
0x1ed: {  	[tilespmem:s24+$0xB0] =	vst v1;
	v1 =	vmul.f32 v62, v5  }
0x1ee: {  	[tilespmem:s24+$0xC0] =	vst v2;
	v2 =	vmul.f32 v3, v5  }
0x1ef: {  	s21 =	sadd.s32 $0x1, s21;
	[tilespmem:s24+$0xD0] =	vst v1;
	v1 =	vmul.f32 v63, v5  }
0x1f0: {  	p0 =	sne.s32 s21, $0x2A;
	[tilespmem:s24+$0xE0] =	vst v2  }
.Ltmp4:
0x1f1: {  	[tilespmem:s24+$0xF0] =	vst v1;
	(pc) =	sbr.rel @p0 .LBB2_6-.Ltmp4, $4  }
0x1f2: {  	[spmem:s12] =	stream.indirect.scatter.add.f32 [tilespmem:s14], [sflag:$0x3], $0x80, s13, s9, $0xb8;
	[tilespmem:$0x1FA80] =	vst v63  }
0x1f3: {  	_ =	swait.ge [sflag:s5], $0x2000  }
0x1f4: {  	[sflag:s5] =	ssyncset.done $0x0  }
0x1f5: {  	[sflag:s5] =	ssyncadd.s32 $0xFFFFE000  }
0x1f6: {  	s20 =	rddreg [dreg:$0x4];
	s21 =	simm.s32 $0x400  }
0x1f7: {  	[hbm4b:s20+s10] =	stream.strided.scatter [tilespmem:s18], [sflag:$0x3], $0x2800, s21, s10, $0x38;
	[tilespmem:$0x1FA80] =	vst v63  }
0x1f8: {  	_ =	swait.ge [sflag:s5], $0x2800  }
0x1f9: {  	[sflag:s5] =	ssyncset.done $0x0  }
0x1fa: {  	[sflag:s5] =	ssyncadd.s32 $0xFFFFD800  }
0x1fb: {  	[bflag:$0x0] =	sbarrier.arrive $0xFFFF  }
0x1fc: {  	[tilespmem:s7], [sflag:$0x3] =	stream.linear.gather [spmem:s29], $0x2000, $0x38;
	[tilespmem:$0x1FA80] =	vst v63  }
0x1fd: {  	_ =	swait.ge [sflag:s5], $0x2000  }
0x1fe: {  	[sflag:s5] =	ssyncset.done $0x0  }
0x1ff: {  	s23 =	rddreg [dreg:$0x5];
	[sflag:s5] =	ssyncadd.s32 $0xFFFFE000  }
0x200: {  	[hbm4b:s23+s1] =	stream.linear.scatter [tilespmem:s7], [sflag:$0x3], $0x2000, $0x38;
	[tilespmem:$0x1FA80] =	vst v63  }
0x201: {  	_ =	swait.ge [sflag:s5], $0x2000  }
0x202: {  	[sflag:s5] =	ssyncset.done $0x0  }
0x203: {  	[sflag:s5] =	ssyncadd.s32 $0xFFFFE000  }
0x204: {  	[tilespmem:s7], [sflag:$0x3] =	stream.linear.gather [spmem:s30], $0x2000, $0x38;
	[tilespmem:$0x1FA80] =	vst v63  }
0x205: {  	_ =	swait.ge [sflag:s5], $0x2000  }
0x206: {  	[sflag:s5] =	ssyncset.done $0x0  }
0x207: {  	s24 =	rddreg [dreg:$0x6];
	[sflag:s5] =	ssyncadd.s32 $0xFFFFE000  }
0x208: {  	[hbm4b:s24+s1] =	stream.linear.scatter [tilespmem:s7], [sflag:$0x3], $0x2000, $0x38;
	[tilespmem:$0x1FA80] =	vst v63  }
0x209: {  	_ =	swait.ge [sflag:s5], $0x2000  }
0x20a: {  	[sflag:s5] =	ssyncset.done $0x0  }
0x20b: {  	s24 =	rddreg [dreg:$0x11];
	[sflag:s5] =	ssyncadd.s32 $0xFFFFE000  }
0x20c: {  	[tilespmem:s7], [sflag:$0x3] =	stream.linear.gather [spmem:s24], $0x2000, $0x38;
	[tilespmem:$0x1FA80] =	vst v63  }
0x20d: {  	_ =	swait.ge [sflag:s5], $0x2000  }
0x20e: {  	[sflag:s5] =	ssyncset.done $0x0  }
0x20f: {  	s25 =	rddreg [dreg:$0x7];
	[sflag:s5] =	ssyncadd.s32 $0xFFFFE000  }
0x210: {  	[hbm4b:s25+s1] =	stream.linear.scatter [tilespmem:s7], [sflag:$0x3], $0x2000, $0x38;
	[tilespmem:$0x1FA80] =	vst v63  }
0x211: {  	_ =	swait.ge [sflag:s5], $0x2000  }
0x212: {  	[sflag:s5] =	ssyncset.done $0x0  }
0x213: {  	s25 =	rddreg [dreg:$0x12];
	[sflag:s5] =	ssyncadd.s32 $0xFFFFE000  }
0x214: {  	[tilespmem:s7], [sflag:$0x3] =	stream.linear.gather [spmem:s25], $0x2000, $0x38;
	[tilespmem:$0x1FA80] =	vst v63  }
0x215: {  	_ =	swait.ge [sflag:s5], $0x2000  }
0x216: {  	[sflag:s5] =	ssyncset.done $0x0  }
0x217: {  	s26 =	rddreg [dreg:$0x8];
	[sflag:s5] =	ssyncadd.s32 $0xFFFFE000  }
0x218: {  	[hbm4b:s26+s1] =	stream.linear.scatter [tilespmem:s7], [sflag:$0x3], $0x2000, $0x38;
	[tilespmem:$0x1FA80] =	vst v63  }
0x219: {  	_ =	swait.ge [sflag:s5], $0x2000  }
0x21a: {  	[sflag:s5] =	ssyncset.done $0x0  }
0x21b: {  	s26 =	rddreg [dreg:$0x13];
	[sflag:s5] =	ssyncadd.s32 $0xFFFFE000  }
0x21c: {  	[tilespmem:s7], [sflag:$0x3] =	stream.linear.gather [spmem:s26], $0x2000, $0x38;
	[tilespmem:$0x1FA80] =	vst v63  }
0x21d: {  	_ =	swait.ge [sflag:s5], $0x2000  }
0x21e: {  	[sflag:s5] =	ssyncset.done $0x0  }
0x21f: {  	s22 =	smov.u32 s29;
	s29 =	rddreg [dreg:$0x9];
	[sflag:s5] =	ssyncadd.s32 $0xFFFFE000  }
0x220: {  	[hbm4b:s29+s1] =	stream.linear.scatter [tilespmem:s7], [sflag:$0x3], $0x2000, $0x38;
	[tilespmem:$0x1FA80] =	vst v63  }
0x221: {  	_ =	swait.ge [sflag:s5], $0x2000  }
0x222: {  	[sflag:s5] =	ssyncset.done $0x0  }
0x223: {  	s28 =	rddreg [dreg:$0x14];
	[sflag:s5] =	ssyncadd.s32 $0xFFFFE000  }
0x224: {  	[tilespmem:s7], [sflag:$0x3] =	stream.linear.gather [spmem:s28], $0x2000, $0x38;
	[tilespmem:$0x1FA80] =	vst v63  }
0x225: {  	_ =	swait.ge [sflag:s5], $0x2000  }
0x226: {  	[sflag:s5] =	ssyncset.done $0x0  }
0x227: {  	s23 =	smov.u32 s30;
	s30 =	rddreg [dreg:$0xa];
	[sflag:s5] =	ssyncadd.s32 $0xFFFFE000  }
0x228: {  	[hbm4b:s30+s1] =	stream.linear.scatter [tilespmem:s7], [sflag:$0x3], $0x2000, $0x38;
	[tilespmem:$0x1FA80] =	vst v63  }
0x229: {  	_ =	swait.ge [sflag:s5], $0x2000  }
0x22a: {  	[sflag:s5] =	ssyncset.done $0x0  }
0x22b: {  	s21 =	rddreg [dreg:$0x15];
	[sflag:s5] =	ssyncadd.s32 $0xFFFFE000  }
0x22c: {  	[tilespmem:s7], [sflag:$0x3] =	stream.linear.gather [spmem:s21], $0x2000, $0x38;
	[tilespmem:$0x1FA80] =	vst v63  }
0x22d: {  	_ =	swait.ge [sflag:s5], $0x2000  }
0x22e: {  	[sflag:s5] =	ssyncset.done $0x0  }
0x22f: {  	s29 =	rddreg [dreg:$0xb];
	[sflag:s5] =	ssyncadd.s32 $0xFFFFE000  }
0x230: {  	[hbm4b:s29+s1] =	stream.linear.scatter [tilespmem:s7], [sflag:$0x3], $0x2000, $0x38;
	[tilespmem:$0x1FA80] =	vst v63  }
0x231: {  	_ =	swait.ge [sflag:s5], $0x2000  }
0x232: {  	[sflag:s5] =	ssyncset.done $0x0  }
0x233: {  	s30 =	rddreg [dreg:$0x16];
	[sflag:s5] =	ssyncadd.s32 $0xFFFFE000  }
0x234: {  	[tilespmem:s7], [sflag:$0x3] =	stream.linear.gather [spmem:s30], $0x2000, $0x38;
	[tilespmem:$0x1FA80] =	vst v63  }
0x235: {  	_ =	swait.ge [sflag:s5], $0x2000  }
0x236: {  	[sflag:s5] =	ssyncset.done $0x0  }
0x237: {  	s21 =	rddreg [dreg:$0xc];
	[sflag:s5] =	ssyncadd.s32 $0xFFFFE000  }
0x238: {  	[hbm4b:s21+s1] =	stream.linear.scatter [tilespmem:s7], [sflag:$0x3], $0x2000, $0x38;
	[tilespmem:$0x1FA80] =	vst v63  }
0x239: {  	_ =	swait.ge [sflag:s5], $0x2000  }
0x23a: {  	[sflag:s5] =	ssyncset.done $0x0  }
0x23b: {  	s29 =	rddreg [dreg:$0x17];
	[sflag:s5] =	ssyncadd.s32 $0xFFFFE000  }
0x23c: {  	[tilespmem:s7], [sflag:$0x3] =	stream.linear.gather [spmem:s29], $0x2000, $0x38;
	[tilespmem:$0x1FA80] =	vst v63  }
0x23d: {  	_ =	swait.ge [sflag:s5], $0x2000  }
0x23e: {  	[sflag:s5] =	ssyncset.done $0x0  }
0x23f: {  	s30 =	rddreg [dreg:$0xd];
	[sflag:s5] =	ssyncadd.s32 $0xFFFFE000  }
0x240: {  	[hbm4b:s30+s1] =	stream.linear.scatter [tilespmem:s7], [sflag:$0x3], $0x2000, $0x38;
	[tilespmem:$0x1FA80] =	vst v63  }
0x241: {  	_ =	swait.ge [sflag:s5], $0x2000  }
0x242: {  	[sflag:s5] =	ssyncset.done $0x0  }
0x243: {  	s21 =	rddreg [dreg:$0x18];
	[sflag:s5] =	ssyncadd.s32 $0xFFFFE000  }
0x244: {  	[tilespmem:s7], [sflag:$0x3] =	stream.linear.gather [spmem:s21], $0x2000, $0x38;
	[tilespmem:$0x1FA80] =	vst v63  }
0x245: {  	_ =	swait.ge [sflag:s5], $0x2000  }
0x246: {  	[sflag:s5] =	ssyncset.done $0x0  }
0x247: {  	s29 =	rddreg [dreg:$0xe];
	[sflag:s5] =	ssyncadd.s32 $0xFFFFE000  }
0x248: {  	[hbm4b:s29+s1] =	stream.linear.scatter [tilespmem:s7], [sflag:$0x3], $0x2000, $0x38;
	[tilespmem:$0x1FA80] =	vst v63  }
0x249: {  	_ =	swait.ge [sflag:s5], $0x2000  }
0x24a: {  	s3 =	sadd.s32 $0x1, s3;
	s30 =	rddreg [dreg:$0x1b]  }
0x24b: {  	p0 =	sne.s32 s3, s30  }
.Ltmp5:
0x24c: {  	_ = 	snop;
	(pc) =	sbr.rel @p0 .LBB2_1-.Ltmp5, $3  }
0x24d: {  	_ =	sdelay $0x1  }
0x24e: {  	[sflag:s5] =	ssyncset.done $0x0  }
0x24f: {  	[sflag:s5] =	ssyncadd.s32 $0xFFFFE000  }
0x250: {  	_ =	sfence.sel $0x180000  }
0x251: {  	[bflag:$0x0] =	sbarrier.arrive $0xFFFF  }
0x252: {  	_ =	strace $0x9000004A  }
0x253: {  	s0 =	stileid.u32;
	[bflag:$0x2] =	sbarrier.arrive $0xFFFF  }
0x254: {  	p0 =	sne.s32 s0, $0x0;
	s0 =	rddreg [dreg:$0x3]  }
0x255: {  	s0 =	sadd.s32 @!p0 $0x100000, s0  }
0x256: {  	[sflag:s0] =	ssyncadd.tile.s32 @!p0 $0x1;
	_ =	shalt  }
.Lfunc_end2:
_tile_overlayer_lowered:
.L_overlay_start_2:
0x257: {  	(tag) =	ssettag $0x2  }
0x258: {  	s0 =	rddreg [dreg:$0x0];
	s2 =	stileid.u32  }
0x259: {  	s1 =	rddreg [dreg:$0x1];
	p0 =	sne.s32 s2, $0x0  }
0x25a: {  	s3 =	rddreg [dreg:$0x2];
	[bflag:$0x3] =	sbarrier.arrive $0xFFFF;
	s2 =	simm.s32 @!p0 $0x1C03  }
0x25b: {  	[timem:s3], [sflag:s2] =	dma.local @!p0 [hbm:s0], s1  }
0x25c: {  	s0 =	simm.s32 @!p0 $0x3  }
0x25d: {  	_ =	swait.ge @!p0 [sflag:s0], s1  }
0x25e: {  	s1 =	ssub.s32 @!p0 $0x0, s1;
	[sflag:s0] =	ssyncset.done @!p0 $0x0  }
0x25f: {  	[sflag:s0] =	ssyncadd.s32 @!p0 s1  }
0x260: {  	[bflag:$0x3] =	sbarrier.arrive $0xFFFF  }
0x261: {  	_ =	shalt  }

// kernel: kernel.7.cloned.1.call-start
scs
__scs_entry_jumppad:
0x0: {  	(pc) =	sbr.rel $0x88, $3  }
0x1: {  	(tag) =	ssettag $0x0;
	lr =	simm.s32 $0x1  }
0x2: {  	[smem:$0x3F97] =	sst lr;
	_ =	strace $0xD0000000  }
0x3: {  	_ = 	snop  }
0x4: {  	_ = 	snop  }
0x5: {  	_ = 	snop  }
0x6: {  	_ = 	snop  }
0x7: {  	_ = 	snop  }
__scs_overlays_trampoline_lowered:
0x8: {  	[smem:$0x3FA6] =	sst s0  }
0x9: {  	[smem:$0x3FA7] =	sst s1  }
0xa: {  	[smem:$0x3FA8] =	sst s2  }
0xb: {  	[smem:$0x3FA9] =	sst s3  }
0xc: {  	[smem:$0x3FAA] =	sst s4  }
0xd: {  	[smem:$0x3FAB] =	sst s5  }
0xe: {  	[smem:$0x3FAC] =	sst s6  }
0xf: {  	[smem:$0x3FAD] =	sst s7  }
0x10: {  	[smem:$0x3FAE] =	sst s8  }
0x11: {  	[smem:$0x3FAF] =	sst s9;
	s0 =	simm.s32 @!p0 $0x0  }
0x12: {  	s1 =	sld [smem:$0x3F95];
	s0 =	simm.s32 @p0 $0x1  }
0x13: {  	[smem:$0x3FB0] =	sst s0;
	s0 =	simm.s32 @!p1 $0x0  }
0x14: {  	s2 =	sld [smem:$0x3F94];
	s0 =	simm.s32 @p1 $0x1  }
0x15: {  	[smem:$0x3FB1] =	sst s0;
	s0 =	simm.s32 @!p2 $0x0  }
0x16: {  	s3 =	sld [smem:$0x3FDB];
	s0 =	simm.s32 @p2 $0x1  }
0x17: {  	s4 =	simm.s32 $0x1BF5;
	[smem:$0x3FB3] =	sst s0  }
0x18: {  	s0 =	sld [smem:$0x3F96];
	_ =	swait.ge [sflag:s4], $0x0  }
0x19: {  	s7 =	sld [smem:$0x3F97]  }
0x1a: {  	s8 =	sadd.s32 $0xFFFFE003, lr  }
0x1b: {  	s9 =	sadd.s32 $0xFFFFFEF7, lr;
	s5 =	simm.s32 $0xFFFFFFFF;
	p2 =	slt.u32 s8, $0xFFFFF086  }
0x1c: {  	p1 =	slt.u32 s9, $0xF7A;
	s5 =	simm.s32 @!p2 $0x0  }
0x1d: {  	s5 =	simm.s32 @p1 $0x1;
	p0 =	seq.s32 s7, s2  }
0x1e: {  	s7 =	smul.u32 @!p0 $0xF7A, s2;
	p2 =	seq.s32 @!p0 s5, $0x0  }
0x1f: {  	s9 =	smul.u32 $0xF7A, s1;
	s8 =	simm.s32 @!p0 $0x1BF5;
	p2 =	por !p2, p0  }
0x20: {  	[sflag:s8] =	ssyncset.s32 @!p0 $0xFFFFF086;
	s6 =	sadd.s32 @!p0 s3, s7;
	s7 =	simm.s32 @!p0 $0x108  }
0x21: {  	s3 =	sadd.s32 s3, s9;
	s6 =	sadd.s32 @!p0 $0x88, s6;
	s7 =	simm.s32 @p2 $0x1082  }
0x22: {  	[simem:s7], [sflag:s8] =	dma.local @!p0 [hbm:s6], $0xF7A  }
0x23: {  	s9 =	sor.u32 $0xD0000000, s2;
	s6 =	simm.s32 $0x108;
	_ =	swait.ge @!p0 [sflag:s8], $0x0  }
0x24: {  	s3 =	sadd.s32 $0x88, s3;
	s6 =	simm.s32 @!p1 $0x1082;
	[sflag:s4] =	ssyncset.s32 $0xFFFFF086  }
0x25: {  	[simem:s6], [sflag:s4] =	dma.local [hbm:s3], $0xF7A  }
0x26: {  	[smem:$0x3F97] =	sst s1;
	(tag) =	ssettag s2;
	_ =	strace s9  }
0x27: {  	s1 =	sld [smem:$0x3FA7]  }
0x28: {  	s2 =	sld [smem:$0x3FA8]  }
0x29: {  	s4 =	sld [smem:$0x3FAA]  }
0x2a: {  	p0 =	seq.s32 s5, $0x0;
	s5 =	sld [smem:$0x3FAB]  }
0x2b: {  	s6 =	sld [smem:$0x3FAC]  }
0x2c: {  	s7 =	sld [smem:$0x3FAD]  }
0x2d: {  	s3 =	simm.s32 $0x108;
	s8 =	sld [smem:$0x3FAE]  }
0x2e: {  	s3 =	simm.s32 @!p0 $0x1082;
	s9 =	sld [smem:$0x3FAF]  }
0x2f: {  	lr =	sadd.s32 s0, s3;
	s0 =	sld [smem:$0x3FA6]  }
0x30: {  	s3 =	sld [smem:$0x3FA9]  }
0x31: {  	[smem:$0x3FB2] =	sst s10  }
0x32: {  	s10 =	sld [smem:$0x3FB0];
	_ =	sdelay $0x3  }
0x33: {  	p0 =	seq.s32 s10, $0x1;
	s10 =	sld [smem:$0x3FB2];
	_ =	sdelay $0x3  }
0x34: {  	[smem:$0x3FB2] =	sst s10  }
0x35: {  	s10 =	sld [smem:$0x3FB1];
	_ =	sdelay $0x3  }
0x36: {  	p1 =	seq.s32 s10, $0x1;
	s10 =	sld [smem:$0x3FB2];
	_ =	sdelay $0x3  }
0x37: {  	[smem:$0x3FB2] =	sst s10  }
0x38: {  	s10 =	sld [smem:$0x3FB3]  }
0x39: {  	_ = 	snop;
	(pc) =	sbr.ind lr, $3  }
0x3a: {  	_ = 	snop  }
0x3b: {  	_ = 	snop  }
0x3c: {  	p2 =	seq.s32 s10, $0x1;
	s10 =	sld [smem:$0x3FB2]  }
0x3d: {  	_ =	shalt  }
0x3e: {  	_ =	shalt  }
0x3f: {  	_ =	shalt  }
0x40: {  	_ =	shalt  }
0x41: {  	_ =	shalt  }
0x42: {  	_ =	shalt  }
0x43: {  	_ =	shalt  }
0x44: {  	_ =	shalt  }
0x45: {  	_ =	shalt  }
0x46: {  	_ =	shalt  }
0x47: {  	_ =	shalt  }
0x48: {  	_ =	shalt  }
0x49: {  	_ =	shalt  }
0x4a: {  	_ =	shalt  }
0x4b: {  	_ =	shalt  }
0x4c: {  	_ =	shalt  }
0x4d: {  	_ =	shalt  }
0x4e: {  	_ =	shalt  }
0x4f: {  	_ =	shalt  }
0x50: {  	_ =	shalt  }
0x51: {  	_ =	shalt  }
0x52: {  	_ =	shalt  }
0x53: {  	_ =	shalt  }
0x54: {  	_ =	shalt  }
0x55: {  	_ =	shalt  }
0x56: {  	_ =	shalt  }
0x57: {  	_ =	shalt  }
0x58: {  	_ =	shalt  }
0x59: {  	_ =	shalt  }
0x5a: {  	_ =	shalt  }
0x5b: {  	_ =	shalt  }
0x5c: {  	_ =	shalt  }
0x5d: {  	_ =	shalt  }
0x5e: {  	_ =	shalt  }
0x5f: {  	_ =	shalt  }
0x60: {  	_ =	shalt  }
0x61: {  	_ =	shalt  }
0x62: {  	_ =	shalt  }
0x63: {  	_ =	shalt  }
0x64: {  	_ =	shalt  }
0x65: {  	_ =	shalt  }
0x66: {  	_ =	shalt  }
0x67: {  	_ =	shalt  }
0x68: {  	_ =	shalt  }
0x69: {  	_ =	shalt  }
0x6a: {  	_ =	shalt  }
0x6b: {  	_ =	shalt  }
0x6c: {  	_ =	shalt  }
0x6d: {  	_ =	shalt  }
0x6e: {  	_ =	shalt  }
0x6f: {  	_ =	shalt  }
0x70: {  	_ =	shalt  }
0x71: {  	_ =	shalt  }
0x72: {  	_ =	shalt  }
0x73: {  	_ =	shalt  }
0x74: {  	_ =	shalt  }
0x75: {  	_ =	shalt  }
0x76: {  	_ =	shalt  }
0x77: {  	_ =	shalt  }
0x78: {  	_ =	shalt  }
0x79: {  	_ =	shalt  }
0x7a: {  	_ =	shalt  }
0x7b: {  	_ =	shalt  }
0x7c: {  	_ =	shalt  }
0x7d: {  	_ =	shalt  }
0x7e: {  	_ =	shalt  }
0x7f: {  	_ =	shalt  }
0x80: {  	_ =	shalt  }
0x81: {  	_ =	shalt  }
0x82: {  	_ =	shalt  }
0x83: {  	_ =	shalt  }
0x84: {  	_ =	shalt  }
0x85: {  	_ =	shalt  }
0x86: {  	_ =	shalt  }
0x87: {  	_ =	shalt  }
.Lfunc_end0:
.L_simem_size_0:
called_computation_lowered:
.L_overlay_start_0:
0x88: {  	s2 =	sld [smem:$0x3FD9]  }
0x89: {  	s3 =	sld [smem:$0x3FFE];
	_ =	sdelay $0x1  }
0x8a: {  	s1 =	srdreg.scid  }
0x8b: {  	s0 =	sand.u32 $0x1, s1  }
0x8c: {  	s16 =	sshll.u32 s0, $0xA;
	s2 =	sadd.s32 s3, s2  }
0x8d: {  	s2 =	sadd.s32 s2, s16  }
0x8e: {  	[smem:$0x3FBE] =	sst s2  }
0x8f: {  	_ = 	snop  }
0x90: {  	(tm) =	ssettm $0x1  }
0x91: {  	s17 =	sld [smem:$0x3FFB];
	_ =	sdelay $0x3  }
0x92: {  	_ =	strace s17  }
0x93: {  	s2 =	sld [smem:$0x3FFC];
	_ =	sdelay $0x3  }
0x94: {  	_ =	strace s2  }
0x95: {  	s2 =	sld [smem:$0x3FFD];
	_ =	sdelay $0x3  }
0x96: {  	_ =	strace s2  }
0x97: {  	_ =	strace $0x8FFFFFFF  }
0x98: {  	s18 =	sld [smem:$0x3FDB];
	_ =	sdelay $0x1  }
0x99: {  	s19 =	simm.s32 $_scs_section_size  }
0x9a: {  	s4 =	simm.s32 $_size__tile_overlayer_lowered;
	s5 =	simm.s32 $_tile_overlayer_lowered  }
0x9b: {  	s22 =	simm.s32 $0x1BFF;
	s21 =	sshll.u32 s5, $0x1;
	s2 =	sadd.s32 s19, s18  }
0x9c: {  	s6 =	simm.s32 $0x0;
	s20 =	sshll.u32 s4, $0x1;
	s4 =	sadd.s32 s21, s2  }
0x9d: {  	[timem:s6], [sflag:s22] =	dma.local [hbm:s4], s20  }
0x9e: {  	_ =	swait.ge [sflag:s22], s20  }
0x9f: {  	s3 =	ssub.s32 $0x0, s20;
	[sflag:s22] =	ssyncset.done $0x0  }
0xa0: {  	[sflag:s22] =	ssyncadd.s32 s3;
	_ =	sdelay $0x1  }
0xa1: {  	s23 =	simm.s32 $0x1B8B  }
0xa2: {  	_ =	swait.ge [sflag:s23], $0x1  }
0xa3: {  	[sflag:s23] =	ssyncset.done $0x0  }
0xa4: {  	s25 =	simm.s32 $0x1B8E;
	s24 =	sld [smem:$0x3FFE];
	[sflag:s23] =	ssyncadd.s32 $0xFFFFFFFF  }
0xa5: {  	s26 =	simm.s32 $execute0_lowered;
	[smem:$0x3FD2] =	sst s25  }
0xa6: {  	s4 =	sshll.u32 s26, $0x1;
	_ =	strace $0x80000046;
	[dreg:$0x1] =	wrdreg $0xFFFFFFFF  }
0xa7: {  	s28 =	simm.s32 $_size_execute0_lowered;
	s2 =	sadd.s32 s2, s4;
	[dreg:$0x0] =	wrdreg $0x0  }
0xa8: {  	s4 =	sshll.u32 s28, $0x1;
	[dreg:$0x2] =	wrdreg s2  }
0xa9: {  	[dreg:$0x3] =	wrdreg s4  }
0xaa: {  	[dreg:$0x4] =	wrdreg $0xC0  }
0xab: {  	_ =	task [dreg:s6], $0x5FFFF  }
0xac: {  	[dreg:$0x1] =	wrdreg $0xFFFFFFFF  }
0xad: {  	[dreg:$0x0] =	wrdreg $0x60  }
0xae: {  	[dreg:$0x2] =	wrdreg s24  }
0xaf: {  	[dreg:$0x3] =	wrdreg $0x82000  }
0xb0: {  	[dreg:$0x4] =	wrdreg $0x9  }
0xb1: {  	_ =	task.clear_ibuf [dreg:s6], $0x5FFFF;
	_ =	strace $0x90000046  }
0xb2: {  	s29 =	simm.s32 $0x9;
	_ =	strace $0x80000048  }
0xb3: {  	_ =	swait.ge [sflag:s29], $0x1  }
0xb4: {  	[sflag:s29] =	ssyncadd.s32 $0xFFFFFFFF  }
0xb5: {  	_ =	strace $0x90000048  }
0xb6: {  	_ =	sfence  }
0xb7: {  	s30 =	sld [smem:$0x0];
	_ =	sdelay $0x2  }
0xb8: {  	s31 =	sshll.u32 s1, $0xD;
	s1 =	sshrl.u32 s1, $0x2  }
0xb9: {  	s3 =	sand.u32 $0x4000, s31;
	s1 =	sadd.s32 s1, s30  }
0xba: {  	s0 =	sor.u32 s3, s0;
	s1 =	sshll.u32 s1, $0x11  }
0xbb: {  	s0 =	sor.u32 s1, s0  }
0xbc: {  	s0 =	sadd.s32 $0x8F2B, s0  }
0xbd: {  	[sflag:s0] =	ssyncadd.remote.s32 $0x1  }
0xbe: {  	_ =	sfence.sel $0xFFFF  }
0xbf: {  	[dreg:$0x0] =	wrdreg $0xFFFFFFFF;
	(pc) =	sbr.abs _section_cstart, $3  }
0xc0: {  	[dreg:$0x1] =	wrdreg $0xFFFFFFFF  }
0xc1: {  	_ =	task.clear_ibuf [dreg:s6], $0x2FFFF;
	_ =	strace $0x9FFFFFFF  }
0xc2: {  	(tm) =	ssettm $0x7FFFFFFF  }
0xc3: {  	_ =	shalt  }
tec
execute0_lowered:
.L_overlay_start_1:
0x0: {  	(tag) =	ssettag $0x1  }
0x1: {  	s3 =	rddreg [dreg:$0x0]  }
0x2: {  	s0 =	srdreg.scid;
	s1 =	rddreg [dreg:$0x1]  }
0x3: {  	s2 =	simm.s32 $0x0;
	s17 =	stileid.u32;
	s29 =	simm.s32 $0x0  }
0x4: {  	s4 =	sand.u32 $0x1, s0;
	[smem:$0x7FF] =	sst s2;
	s6 =	smul.u32 $0x14000, s17  }
0x5: {  	s7 =	sadd.s32 $0x5CC00, s3;
	s22 =	sshll.u32 s17, $0x1;
	s0 =	ssub.s32 $0x2, s4  }
0x6: {  	s5 =	sshrl.u32 s0, $0x1;
	s8 =	sor.u32 $0x2000, s6;
	s9 =	sadd.s32 $0x4000, s6  }
0x7: {  	s10 =	sadd.s32 $0x6000, s6;
	s11 =	sadd.s32 $0x8000, s6;
	s12 =	sadd.s32 $0xA000, s6  }
0x8: {  	s0 =	ssub.s32 s0, s5;
	s5 =	sor.u32 s4, s22;
	s4 =	smul.u32 $0x140000, s4  }
0x9: {  	s13 =	sadd.s32 $0xC000, s6;
	s18 =	sadd.s32 $0xE000, s6;
	s19 =	sadd.s32 $0x10000, s6  }
0xa: {  	s30 =	sadd.s32 s11, s1;
	s0 =	smax.u32 s0, $0x1;
	s14 =	sadd.s32 s6, s4  }
0xb: {  	s15 =	sadd.s32 s4, s8;
	s6 =	sadd.s32 $0x12000, s6;
	s24 =	sadd.s32 s4, s9  }
0xc: {  	s25 =	sadd.s32 s4, s10;
	s16 =	sadd.s32 s4, s11;
	s20 =	sadd.s32 s4, s13  }
0xd: {  	s21 =	sadd.s32 s4, s18;
	s13 =	sadd.s32 s13, s1;
	s14 =	sshrl.u32 s14, $0x3  }
0xe: {  	s15 =	sshrl.u32 s15, $0x3;
	s26 =	sshrl.u32 s25, $0x3;
	s28 =	sshrl.u32 s16, $0x3  }
0xf: {  	s16 =	sadd.s32 s4, s12;
	s22 =	sshrl.u32 s20, $0x3;
	s25 =	sadd.s32 s4, s19  }
0x10: {  	s4 =	sadd.s32 s4, s6;
	s12 =	sadd.s32 s12, s1;
	s14 =	sadd.s32 s7, s14  }
0x11: {  	s19 =	sadd.s32 s19, s1;
	s23 =	sadd.s32 s7, s15;
	[dreg:$0x3] =	wrdreg s14  }
0x12: {  	s15 =	sadd.s32 s7, s28;
	s4 =	sshrl.u32 s4, $0x3;
	[dreg:$0x4] =	wrdreg s23  }
0x13: {  	s14 =	sshrl.u32 s24, $0x3;
	[dreg:$0x7] =	wrdreg s15;
	s23 =	sshrl.u32 s21, $0x3  }
0x14: {  	s4 =	sadd.s32 s7, s4;
	s15 =	sadd.s32 $0x2400, s3;
	s21 =	sadd.s32 s8, s1  }
0x15: {  	s8 =	simm.s32 $0x180;
	s14 =	sadd.s32 s7, s14;
	[dreg:$0xc] =	wrdreg s4  }
0x16: {  	s24 =	sadd.s32 s7, s23;
	[dreg:$0x5] =	wrdreg s14;
	s14 =	sadd.s32 s7, s26  }
0x17: {  	s23 =	sadd.s32 s10, s1;
	[dreg:$0x6] =	wrdreg s14;
	s14 =	sshrl.u32 s16, $0x3  }
0x18: {  	s10 =	simm.s32 $0x6200;
	[dreg:$0xa] =	wrdreg s24;
	s14 =	sadd.s32 s7, s14  }
0x19: {  	s26 =	smul.u32 $0x50000, s17;
	[dreg:$0x8] =	wrdreg s14;
	s14 =	sadd.s32 s7, s22  }
0x1a: {  	s17 =	sadd.s32 $0x34C00, s3;
	[dreg:$0x9] =	wrdreg s14;
	s14 =	sshrl.u32 s25, $0x3  }
0x1b: {  	s24 =	sadd.s32 s18, s1;
	s16 =	sadd.s32 $0xCC00, s3;
	s14 =	sadd.s32 s7, s14  }
0x1c: {  	s28 =	sshrl.u32 s26, $0x2;
	s26 =	sadd.s32 s6, s1;
	[dreg:$0xb] =	wrdreg s14  }
0x1d: {  	s6 =	simm.s32 $0x40;
	_ =	strace $0x80000047;
	[dreg:$0xe] =	wrdreg s12  }
0x1e: {  	s20 =	sadd.s32 s28, s1;
	s22 =	sadd.s32 s9, s1;
	[dreg:$0xf] =	wrdreg s13  }
0x1f: {  	s9 =	simm.s32 $0x2200;
	s7 =	smul.u32 $0x1500, s5;
	[dreg:$0x10] =	wrdreg s24  }
0x20: {  	s5 =	simm.s32 $0x100;
	s14 =	sadd.s32 $0x7800, s3;
	[dreg:$0x12] =	wrdreg s26  }
0x21: {  	s3 =	simm.s32 $0x200;
	s25 =	sshrl.u32 s7, $0x3;
	[dreg:$0x15] =	wrdreg s0  }
0x22: {  	s31 =	sor.u32 $0x40, s7;
	s11 =	sor.u32 $0x80, s7;
	[dreg:$0xd] =	wrdreg s30  }
0x23: {  	s7 =	simm.s32 $0x80;
	[dreg:$0x11] =	wrdreg s19;
	s28 =	sadd.s32 s14, s25  }
0x24: {  	s12 =	simm.s32 $0x1;
	s4 =	sadd.s32 s15, s25;
	[dreg:$0x13] =	wrdreg s28  }
0x25: {  	v0 =	vimm.f32 $0.0e+00;
	s13 =	simm.s32 $0x2;
	[dreg:$0x14] =	wrdreg s4;
	s4 =	simm.s32 $0x3  }
.LBB2_1:
0x26: {  	s0 =	simm.s32 $0x0;
	s18 =	simm.s32 $0x200  }
.LBB2_2:
0x27: {  	p0 =	sne.s32 s18, $0x7E00;
	[tilespmem:s0+$0x270] =	vst v0  }
0x28: {  	[tilespmem:s0+$0x200] =	vst v0  }
0x29: {  	[tilespmem:s0+$0x210] =	vst v0  }
.Ltmp0:
0x2a: {  	[tilespmem:s0+$0x220] =	vst v0;
	(pc) =	sbr.rel @p0 .LBB2_2-.Ltmp0, $4  }
0x2b: {  	[tilespmem:s0+$0x230] =	vst v0  }
0x2c: {  	[tilespmem:s0+$0x240] =	vst v0  }
0x2d: {  	[tilespmem:s0+$0x250] =	vst v0  }
0x2e: {  	[tilespmem:s0+$0x260] =	vst v0;
	s0 =	sshra.s32 s18, $0x2;
	s18 =	sadd.s32 $0x200, s18  }
0x2f: {  	[tilespmem:s0+$0x270] =	vst v0  }
0x30: {  	[tilespmem:s0+$0x200] =	vst v0  }
0x31: {  	[tilespmem:s0+$0x210] =	vst v0  }
0x32: {  	[tilespmem:s0+$0x220] =	vst v0  }
0x33: {  	[tilespmem:s0+$0x230] =	vst v0  }
0x34: {  	[tilespmem:s0+$0x240] =	vst v0  }
0x35: {  	[tilespmem:s0+$0x250] =	vst v0  }
0x36: {  	[tilespmem:s0+$0x260] =	vst v0  }
0x37: {  	[spmem:s20] =	stream.linear.scatter [tilespmem:s3], [sflag:$0x3], $0x2000, $0x38;
	[tilespmem:$0x1C200] =	vst v63  }
0x38: {  	_ =	swait.ge [sflag:s4], $0x2000  }
0x39: {  	[sflag:s4] =	ssyncset.done $0x0  }
0x3a: {  	[sflag:s4] =	ssyncadd.s32 $0xFFFFE000  }
0x3b: {  	[spmem:s21] =	stream.linear.scatter [tilespmem:s3], [sflag:$0x3], $0x2000, $0x38;
	[tilespmem:$0x1C200] =	vst v63  }
0x3c: {  	_ =	swait.ge [sflag:s4], $0x2000  }
0x3d: {  	[sflag:s4] =	ssyncset.done $0x0  }
0x3e: {  	[sflag:s4] =	ssyncadd.s32 $0xFFFFE000  }
0x3f: {  	[spmem:s22] =	stream.linear.scatter [tilespmem:s3], [sflag:$0x3], $0x2000, $0x38;
	[tilespmem:$0x1C200] =	vst v63  }
0x40: {  	_ =	swait.ge [sflag:s4], $0x2000  }
0x41: {  	[sflag:s4] =	ssyncset.done $0x0  }
0x42: {  	[sflag:s4] =	ssyncadd.s32 $0xFFFFE000  }
0x43: {  	[spmem:s23] =	stream.linear.scatter [tilespmem:s3], [sflag:$0x3], $0x2000, $0x38;
	[tilespmem:$0x1C200] =	vst v63  }
0x44: {  	_ =	swait.ge [sflag:s4], $0x2000  }
0x45: {  	[sflag:s4] =	ssyncset.done $0x0  }
0x46: {  	[sflag:s4] =	ssyncadd.s32 $0xFFFFE000  }
0x47: {  	[spmem:s30] =	stream.linear.scatter [tilespmem:s3], [sflag:$0x3], $0x2000, $0x38;
	[tilespmem:$0x1C200] =	vst v63  }
0x48: {  	_ =	swait.ge [sflag:s4], $0x2000  }
0x49: {  	[sflag:s4] =	ssyncset.done $0x0  }
0x4a: {  	s26 =	smov.u32 s22;
	s22 =	rddreg [dreg:$0xe];
	[sflag:s4] =	ssyncadd.s32 $0xFFFFE000  }
0x4b: {  	[spmem:s22] =	stream.linear.scatter [tilespmem:s3], [sflag:$0x3], $0x2000, $0x38;
	[tilespmem:$0x1C200] =	vst v63  }
0x4c: {  	_ =	swait.ge [sflag:s4], $0x2000  }
0x4d: {  	[sflag:s4] =	ssyncset.done $0x0  }
0x4e: {  	s28 =	smov.u32 s23;
	s23 =	rddreg [dreg:$0xf];
	[sflag:s4] =	ssyncadd.s32 $0xFFFFE000  }
0x4f: {  	[spmem:s23] =	stream.linear.scatter [tilespmem:s3], [sflag:$0x3], $0x2000, $0x38;
	[tilespmem:$0x1C200] =	vst v63  }
0x50: {  	_ =	swait.ge [sflag:s4], $0x2000  }
0x51: {  	[sflag:s4] =	ssyncset.done $0x0  }
0x52: {  	s18 =	rddreg [dreg:$0x10];
	[sflag:s4] =	ssyncadd.s32 $0xFFFFE000  }
0x53: {  	[spmem:s18] =	stream.linear.scatter [tilespmem:s3], [sflag:$0x3], $0x2000, $0x38;
	[tilespmem:$0x1C200] =	vst v63  }
0x54: {  	_ =	swait.ge [sflag:s4], $0x2000  }
0x55: {  	[sflag:s4] =	ssyncset.done $0x0  }
0x56: {  	[sflag:s4] =	ssyncadd.s32 $0xFFFFE000  }
0x57: {  	[spmem:s19] =	stream.linear.scatter [tilespmem:s3], [sflag:$0x3], $0x2000, $0x38;
	[tilespmem:$0x1C200] =	vst v63  }
0x58: {  	_ =	swait.ge [sflag:s4], $0x2000  }
0x59: {  	[sflag:s4] =	ssyncset.done $0x0  }
0x5a: {  	s24 =	smov.u32 s20;
	s20 =	rddreg [dreg:$0x12];
	[sflag:s4] =	ssyncadd.s32 $0xFFFFE000  }
0x5b: {  	[spmem:s20] =	stream.linear.scatter [tilespmem:s3], [sflag:$0x3], $0x2000, $0x38;
	[tilespmem:$0x1C200] =	vst v63  }
0x5c: {  	_ =	swait.ge [sflag:s4], $0x2000  }
0x5d: {  	[sflag:s4] =	ssyncset.done $0x0  }
0x5e: {  	[sflag:s4] =	ssyncadd.s32 $0xFFFFE000  }
0x5f: {  	[bflag:$0x0] =	sbarrier.arrive $0xFFFF  }
0x60: {  	s25 =	smov.u32 s21;
	s30 =	simm.s32 $0x0;
	s21 =	rddreg [dreg:$0x13]  }
0x61: {  	[tilespmem:s30], [sflag:$0x3] =	stream.linear.gather [hbm4b:s21+s30], $0x40, $0x38;
	[tilespmem:$0x1C200] =	vst v63  }
0x62: {  	_ =	swait.ge [sflag:s4], $0x40  }
0x63: {  	[sflag:s4] =	ssyncset.done $0x0  }
0x64: {  	s22 =	rddreg [dreg:$0x14];
	[sflag:s4] =	ssyncadd.s32 $0xFFFFFFC0  }
0x65: {  	[tilespmem:s5], [sflag:$0x3] =	stream.linear.gather [hbm4b:s22+s30], $0x40, $0x38;
	[tilespmem:$0x1C200] =	vst v63  }
0x66: {  	_ =	swait.ge [sflag:s4], $0x40  }
0x67: {  	[sflag:s4] =	ssyncset.done $0x0  }
0x68: {  	[sflag:s4] =	ssyncadd.s32 $0xFFFFFFC0  }
0x69: {  	[tilespmem:s3], [sflag:$0x1] =	stream.indirect.gather [hbm4b:s16+s6], $0x80, s30, s6, $0xb8;
	[tilespmem:$0x1C200] =	vst v63  }
0x6a: {  	s23 =	simm.s32 $0x4200  }
0x6b: {  	[tilespmem:s23], [sflag:$0x1] =	stream.indirect.gather [hbm4b:s17+s6], $0x80, s5, s6, $0xb8;
	[tilespmem:$0x1C200] =	vst v63  }
.LBB2_4:
0x6c: {  	s0 =	sshll.u32 s30, $0x7  }
0x6d: {  	s18 =	sadd.s32 s0, s31  }
0x6e: {  	s18 =	sshrl.u32 s18, $0x3  }
0x6f: {  	s19 =	sadd.s32 s14, s18  }
0x70: {  	[tilespmem:s7], [sflag:$0x3] =	stream.linear.gather [hbm4b:s19+s2], $0x40, $0x38;
	[tilespmem:$0x1C200] =	vst v63  }
0x71: {  	_ =	swait.ge [sflag:s4], $0x40  }
0x72: {  	[sflag:s4] =	ssyncset.done $0x0  }
0x73: {  	s18 =	sadd.s32 s15, s18;
	[sflag:s4] =	ssyncadd.s32 $0xFFFFFFC0  }
0x74: {  	[tilespmem:s8], [sflag:$0x3] =	stream.linear.gather [hbm4b:s18+s2], $0x40, $0x38;
	[tilespmem:$0x1C200] =	vst v63  }
0x75: {  	_ =	swait.ge [sflag:s4], $0x40  }
0x76: {  	[sflag:s4] =	ssyncset.done $0x0  }
0x77: {  	[sflag:s4] =	ssyncadd.s32 $0xFFFFFFC0  }
0x78: {  	[tilespmem:s9], [sflag:$0x2] =	stream.indirect.gather [hbm4b:s16+s6], $0x80, s7, s6, $0xb8;
	[tilespmem:$0x1C200] =	vst v63  }
0x79: {  	_ = 	snop  }
0x7a: {  	[tilespmem:s10], [sflag:$0x2] =	stream.indirect.gather [hbm4b:s17+s6], $0x80, s8, s6, $0xb8;
	[tilespmem:$0x1C200] =	vst v63  }
0x7b: {  	_ =	swait.ge [sflag:s12], $0x2000  }
0x7c: {  	[sflag:s12] =	ssyncset.done $0x0  }
0x7d: {  	[sflag:s12] =	ssyncadd.s32 $0xFFFFE000  }
0x7e: {  	_ =	swait.ge [sflag:s12], $0x2000  }
0x7f: {  	[sflag:s12] =	ssyncset.done $0x0  }
0x80: {  	s18 =	simm.s32 $0x400;
	[sflag:s12] =	ssyncadd.s32 $0xFFFFE000  }
0x81: {  	s21 =	simm.s32 $0x4400;
	v1 =	vld [tilespmem:s18+$0x1C0]  }
0x82: {  	v2 =	vld [tilespmem:s21+$0x180];
	_ =	sdelay $0x2  }
0x83: {  	v4 =	vld [tilespmem:s18+$0xFFFFFEC0]  }
0x84: {  	v5 =	vld [tilespmem:s21+$0xFFFFFE80]  }
0x85: {  	v6 =	vld [tilespmem:s21+$0xFFFFFF00];
	v1 =	vadd.f32 v2, v1  }
0x86: {  	v8 =	vld [tilespmem:s18+$0xFFFFFFC0]  }
0x87: {  	v2 =	vld [tilespmem:s18+$0xFFFFFF40];
	v7 =	vmul.f32 $2.000000030e-01, v1  }
0x88: {  	v9 =	vld [tilespmem:s21+$0xFFFFFF80];
	vm0 =	vge.f32 v1, $0.0e+00  }
0x89: {  	v3 =	vld [tilespmem:s21+$0xFFFFFE00];
	v1 =	vsel vm0, v1, v7  }
0x8a: {  	v10 =	vld [tilespmem:s21+$0x0];
	v1 =	vmul.f32 $1.442695020e+00, v1  }
0x8b: {  	v11 =	vld [tilespmem:s18+$0xC0]  }
0x8c: {  	v7 =	vld [tilespmem:s18+$0x40];
	v2 =	vadd.f32 v6, v2;
	(erf) = vpow2.f32 v1  }
0x8d: {  	v8 =	vadd.f32 v9, v8;
	v9 =	vld [tilespmem:s18+$0xFFFFFE40];
	v1 =	vadd.f32 v5, v4  }
0x8e: {  	v4 =	vld [tilespmem:s21+$0x80];
	v13 =	vmul.f32 $2.000000030e-01, v2  }
0x8f: {  	v6 =	vld [tilespmem:s21+$0x100];
	vm11 =	vge.f32 v2, $0.0e+00;
	v12 =	vmul.f32 $2.000000030e-01, v1  }
0x90: {  	v5 =	vld [tilespmem:s18+$0x140];
	vm10 =	vge.f32 v1, $0.0e+00;
	v2 =	vsel vm11, v2, v13  }
0x91: {  	v7 =	vadd.f32 v10, v7;
	v10 =	vld [tilespmem:s18+$0x180];
	v2 =	vmul.f32 $1.442695020e+00, v2;
	v1 =	vsel vm10, v1, v12  }
0x92: {  	vm1 =	vge.f32 v8, $0.0e+00;
	v12 =	vmul.f32 $2.000000030e-01, v8;
	v1 =	vmul.f32 $1.442695020e+00, v1  }
0x93: {  	v16 =	vld [tilespmem:s18+$0x150];
	vm12 =	vge.f32 v7, $0.0e+00;
	v13 =	vmul.f32 $2.000000030e-01, v7;
	v4 =	vadd.f32 v4, v11  }
0x94: {  	v18 =	vld [tilespmem:s18+$0xFFFFFE10];
	v8 =	vsel vm1, v8, v12;
	(erf) = vpow2.f32 v1;
	v1 =	vadd.f32 v3, v9  }
0x95: {  	v19 =	vld [tilespmem:s18+$0x10];
	v5 =	vadd.f32 v6, v5;
	v8 =	vmul.f32 $1.442695020e+00, v8;
	(erf) = vpow2.f32 v2;
	v3 =	vpop (erf)  }
0x96: {  	v20 =	vld [tilespmem:s18+$0xFFFFFF20];
	v7 =	vsel vm12, v7, v13;
	v14 =	vmul.f32 $2.000000030e-01, v1;
	v6 =	vmul.f32 v3, v10  }
0x97: {  	v23 =	vld [tilespmem:s18+$0x160];
	v12 =	vmul.f32 $2.000000030e-01, v4;
	vm14 =	vge.f32 v1, $0.0e+00;
	(erf) = vpow2.f32 v8;
	[tilespmem:s18+$0x1C0] =	vst v3  }
0x98: {  	vm13 =	vge.f32 v4, $0.0e+00;
	v2 =	vld [tilespmem:s18+$0x1D0];
	v1 =	vsel vm14, v1, v14;
	[tilespmem:s18+$0x180] =	vst v6;
	v6 =	vmul.f32 $1.442695020e+00, v7  }
0x99: {  	v13 =	vmul.f32 $2.000000030e-01, v5;
	v4 =	vsel vm13, v4, v12;
	v1 =	vmul.f32 $1.442695020e+00, v1;
	v7 =	vld [tilespmem:s21+$0x190]  }
0x9a: {  	v9 =	vld [tilespmem:s18+$0xFFFFFE80];
	v4 =	vmul.f32 $1.442695020e+00, v4;
	(erf) = vpow2.f32 v6  }
0x9b: {  	v10 =	vld [tilespmem:s18+$0xFFFFFF00];
	(erf) = vpow2.f32 v1  }
0x9c: {  	v3 =	vld [tilespmem:s18+$0xFFFFFF80];
	(erf) = vpow2.f32 v4  }
0x9d: {  	v11 =	vld [tilespmem:s18+$0xFFFFFE00];
	vm15 =	vge.f32 v5, $0.0e+00  }
0x9e: {  	v8 =	vld [tilespmem:s18+$0x0];
	v1 =	vsel vm15, v5, v13;
	v13 =	vpop (erf);
	v2 =	vadd.f32 v7, v2  }
0x9f: {  	v12 =	vld [tilespmem:s18+$0xFFFFFED0];
	v1 =	vmul.f32 $1.442695020e+00, v1;
	[tilespmem:s18+$0xFFFFFEC0] =	vst v13;
	v14 =	vpop (erf);
	v7 =	vmul.f32 v13, v9  }
0xa0: {  	v6 =	vld [tilespmem:s18+$0x80];
	[tilespmem:s18+$0xFFFFFF40] =	vst v14;
	v10 =	vmul.f32 v14, v10;
	v14 =	vpop (erf);
	v13 =	vmul.f32 $2.000000030e-01, v2  }
0xa1: {  	v9 =	vld [tilespmem:s18+$0xFFFFFF50];
	(erf) = vpow2.f32 v1;
	v3 =	vmul.f32 v14, v3;
	[tilespmem:s18+$0xFFFFFE80] =	vst v7;
	vm4 =	vge.f32 v2, $0.0e+00  }
0xa2: {  	[tilespmem:s18+$0xFFFFFF00] =	vst v10;
	v15 =	vld [tilespmem:s21+$0xFFFFFE90];
	v2 =	vsel vm4, v2, v13  }
0xa3: {  	[tilespmem:s18+$0xFFFFFFC0] =	vst v14;
	v17 =	vld [tilespmem:s21+$0xFFFFFF10];
	v14 =	vpop (erf);
	v2 =	vmul.f32 $1.442695020e+00, v2  }
0xa4: {  	v1 =	vld [tilespmem:s18+$0xFFFFFFD0];
	[tilespmem:s18+$0xFFFFFF80] =	vst v3;
	v10 =	vpop (erf)  }
0xa5: {  	v3 =	vpop (erf);
	(erf) = vpow2.f32 v2;
	v2 =	vld [tilespmem:s21+$0xFFFFFF90]  }
0xa6: {  	v5 =	vld [tilespmem:s18+$0x100];
	v8 =	vmul.f32 v14, v8;
	[tilespmem:s18+$0x40] =	vst v14;
	v6 =	vmul.f32 v3, v6  }
0xa7: {  	v4 =	vld [tilespmem:s18+$0xFFFFFE50];
	[tilespmem:s18+$0xFFFFFE40] =	vst v10  }
0xa8: {  	v7 =	vld [tilespmem:s18+$0x50];
	v11 =	vmul.f32 v10, v11;
	v9 =	vadd.f32 v17, v9;
	[tilespmem:s18+$0x80] =	vst v6;
	v6 =	vadd.f32 v15, v12  }
0xa9: {  	v13 =	vld [tilespmem:s18+$0xD0];
	[tilespmem:s18+$0x0] =	vst v8  }
0xaa: {  	v10 =	vld [tilespmem:s18+$0x190];
	[tilespmem:s18+$0xFFFFFE00] =	vst v11;
	v8 =	vpop (erf);
	v14 =	vmul.f32 $2.000000030e-01, v9;
	v12 =	vmul.f32 $2.000000030e-01, v6;
	v1 =	vadd.f32 v2, v1  }
0xab: {  	[tilespmem:s18+$0xC0] =	vst v3;
	v5 =	vmul.f32 v8, v5;
	v2 =	vld [tilespmem:s21+$0xFFFFFE10];
	vm5 =	vge.f32 v6, $0.0e+00  }
0xac: {  	vm6 =	vge.f32 v9, $0.0e+00;
	[tilespmem:s18+$0x140] =	vst v8;
	v6 =	vsel vm5, v6, v12;
	v3 =	vmul.f32 $2.000000030e-01, v1;
	v12 =	vld [tilespmem:s21+$0x10]  }
0xad: {  	v8 =	vsel vm6, v9, v14;
	v9 =	vld [tilespmem:s21+$0x90];
	[tilespmem:s18+$0x100] =	vst v5;
	vm7 =	vge.f32 v1, $0.0e+00  }
0xae: {  	v6 =	vmul.f32 $1.442695020e+00, v6;
	v14 =	vpop (erf);
	v1 =	vsel vm7, v1, v3;
	v3 =	vld [tilespmem:s21+$0x110]  }
0xaf: {  	s19 =	simm.s32 $0x800;
	v24 =	vld [tilespmem:s18+$0xFFFFFF70];
	v8 =	vmul.f32 $1.442695020e+00, v8;
	v10 =	vmul.f32 v14, v10  }
0xb0: {  	s20 =	simm.s32 $0x4800;
	v40 =	vld [tilespmem:s19+$0xC0];
	(erf) = vpow2.f32 v6;
	v1 =	vmul.f32 $1.442695020e+00, v1  }
0xb1: {  	v29 =	vld [tilespmem:s20+$0x80];
	v2 =	vadd.f32 v2, v4;
	[tilespmem:s18+$0x1D0] =	vst v14;
	(erf) = vpow2.f32 v8;
	v6 =	vadd.f32 v12, v7  }
0xb2: {  	v8 =	vadd.f32 v9, v13;
	[tilespmem:s18+$0x190] =	vst v10;
	v7 =	vld [tilespmem:s18+$0x1E0];
	(erf) = vpow2.f32 v1  }
0xb3: {  	v1 =	vmul.f32 $2.000000030e-01, v2;
	v9 =	vld [tilespmem:s21+$0x1A0];
	v12 =	vmul.f32 $2.000000030e-01, v6;
	v3 =	vadd.f32 v3, v16  }
0xb4: {  	v30 =	vld [tilespmem:s19+$0x140];
	vm8 =	vge.f32 v2, $0.0e+00;
	vm9 =	vge.f32 v6, $0.0e+00  }
0xb5: {  	v32 =	vld [tilespmem:s19+$0x180];
	v1 =	vsel vm8, v2, v1;
	v6 =	vsel vm9, v6, v12;
	v12 =	vmul.f32 $2.000000030e-01, v3  }
0xb6: {  	v4 =	vld [tilespmem:s18+$0xFFFFFE90];
	v1 =	vmul.f32 $1.442695020e+00, v1  }
0xb7: {  	v10 =	vld [tilespmem:s18+$0xFFFFFF10];
	vm10 =	vge.f32 v8, $0.0e+00;
	v14 =	vmul.f32 $2.000000030e-01, v8  }
0xb8: {  	v2 =	vld [tilespmem:s18+$0xFFFFFF90];
	vm11 =	vge.f32 v3, $0.0e+00;
	(erf) = vpow2.f32 v1;
	v7 =	vadd.f32 v9, v7  }
0xb9: {  	v33 =	vld [tilespmem:s19+$0xFFFFFE40];
	v8 =	vsel vm10, v8, v14;
	v6 =	vmul.f32 $1.442695020e+00, v6;
	v3 =	vsel vm11, v3, v12;
	v12 =	vpop (erf)  }
0xba: {  	v36 =	vld [tilespmem:s19+$0xFFFFFE80];
	v8 =	vmul.f32 $1.442695020e+00, v8;
	v16 =	vmul.f32 $2.000000030e-01, v7;
	[tilespmem:s18+$0xFFFFFED0] =	vst v12;
	v17 =	vpop (erf)  }
0xbb: {  	v15 =	vld [tilespmem:s18+$0xFFFFFEE0];
	(erf) = vpow2.f32 v6;
	vm12 =	vge.f32 v7, $0.0e+00;
	v4 =	vmul.f32 v12, v4;
	[tilespmem:s18+$0xFFFFFF50] =	vst v17;
	v12 =	vpop (erf)  }
0xbc: {  	v1 =	vld [tilespmem:s18+$0xFFFFFF60];
	(erf) = vpow2.f32 v8;
	v8 =	vmul.f32 v17, v10;
	v7 =	vsel vm12, v7, v16;
	[tilespmem:s18+$0xFFFFFFD0] =	vst v12  }
0xbd: {  	v9 =	vld [tilespmem:s18+$0xFFFFFFE0];
	[tilespmem:s18+$0xFFFFFE90] =	vst v4;
	v2 =	vmul.f32 v12, v2;
	v4 =	vmul.f32 $1.442695020e+00, v7  }
0xbe: {  	v3 =	vmul.f32 $1.442695020e+00, v3;
	v7 =	vld [tilespmem:s21+$0xFFFFFEA0];
	[tilespmem:s18+$0xFFFFFF10] =	vst v8  }
0xbf: {  	v8 =	vld [tilespmem:s21+$0xFFFFFF20];
	[tilespmem:s18+$0xFFFFFF90] =	vst v2  }
0xc0: {  	(erf) = vpow2.f32 v3;
	v2 =	vld [tilespmem:s21+$0xFFFFFFA0]  }
0xc1: {  	v42 =	vld [tilespmem:s19+$0xFFFFFF00];
	(erf) = vpow2.f32 v4;
	v4 =	vpop (erf)  }
0xc2: {  	v43 =	vld [tilespmem:s19+$0xFFFFFF80];
	v10 =	vmul.f32 v4, v18  }
0xc3: {  	v44 =	vld [tilespmem:s19+$0x0];
	[tilespmem:s18+$0xFFFFFE50] =	vst v4;
	v4 =	vadd.f32 v7, v15  }
0xc4: {  	v13 =	vld [tilespmem:s18+$0xFFFFFE60];
	v7 =	vpop (erf);
	[tilespmem:s18+$0xFFFFFE10] =	vst v10;
	v1 =	vadd.f32 v8, v1  }
0xc5: {  	v8 =	vmul.f32 v7, v19;
	v19 =	vld [tilespmem:s21+$0xFFFFFE20];
	v21 =	vmul.f32 $2.000000030e-01, v4;
	v2 =	vadd.f32 v2, v9  }
0xc6: {  	v46 =	vld [tilespmem:s19+$0x80];
	[tilespmem:s18+$0x50] =	vst v7;
	vm13 =	vge.f32 v4, $0.0e+00;
	v7 =	vmul.f32 $2.000000030e-01, v1  }
0xc7: {  	v50 =	vld [tilespmem:s19+$0x100];
	[tilespmem:s18+$0x10] =	vst v8;
	vm14 =	vge.f32 v1, $0.0e+00;
	v8 =	vmul.f32 $2.000000030e-01, v2;
	v4 =	vsel vm13, v4, v21  }
0xc8: {  	v51 =	vld [tilespmem:s19+$0xFFFFFE50];
	vm15 =	vge.f32 v2, $0.0e+00;
	v1 =	vsel vm14, v1, v7;
	v4 =	vmul.f32 $1.442695020e+00, v4  }
0xc9: {  	v11 =	vld [tilespmem:s18+$0x90];
	v2 =	vsel vm15, v2, v8;
	v1 =	vmul.f32 $1.442695020e+00, v1  }
0xca: {  	v5 =	vld [tilespmem:s18+$0x110];
	v13 =	vadd.f32 v19, v13;
	v2 =	vmul.f32 $1.442695020e+00, v2;
	(erf) = vpow2.f32 v4  }
0xcb: {  	v14 =	vld [tilespmem:s18+$0x60];
	(erf) = vpow2.f32 v1  }
0xcc: {  	v15 =	vld [tilespmem:s18+$0x1A0];
	v4 =	vmul.f32 $2.000000030e-01, v13;
	(erf) = vpow2.f32 v2  }
0xcd: {  	v6 =	vld [tilespmem:s18+$0xFFFFFEA0];
	v18 =	vpop (erf);
	vm4 =	vge.f32 v13, $0.0e+00  }
0xce: {  	v3 =	vld [tilespmem:s18+$0xFFFFFFA0];
	v9 =	vmul.f32 v18, v11;
	v22 =	vpop (erf);
	[tilespmem:s18+$0xD0] =	vst v18;
	v2 =	vsel vm4, v13, v4  }
0xcf: {  	v17 =	vld [tilespmem:s18+$0xE0];
	v5 =	vmul.f32 v22, v5;
	[tilespmem:s18+$0x150] =	vst v22;
	v2 =	vmul.f32 $1.442695020e+00, v2  }
0xd0: {  	[tilespmem:s18+$0x90] =	vst v9;
	v9 =	vld [tilespmem:s21+$0x20];
	v7 =	vpop (erf)  }
0xd1: {  	v18 =	vld [tilespmem:s21+$0xA0];
	[tilespmem:s18+$0x110] =	vst v5;
	v8 =	vmul.f32 v7, v15;
	(erf) = vpow2.f32 v2  }
0xd2: {  	v21 =	vld [tilespmem:s21+$0x120];
	[tilespmem:s18+$0x1E0] =	vst v7  }
0xd3: {  	v19 =	vld [tilespmem:s18+$0x1F0];
	[tilespmem:s18+$0x1A0] =	vst v8;
	v25 =	vpop (erf)  }
0xd4: {  	v1 =	vld [tilespmem:s21+$0x1B0];
	v26 =	vpop (erf)  }
0xd5: {  	v53 =	vld [tilespmem:s19+$0xFFFFFF50];
	v14 =	vadd.f32 v9, v14;
	[tilespmem:s18+$0xFFFFFEE0] =	vst v25;
	v25 =	vmul.f32 v25, v6;
	v27 =	vpop (erf)  }
0xd6: {  	v16 =	vld [tilespmem:s18+$0xFFFFFE20];
	v17 =	vadd.f32 v18, v17;
	v20 =	vmul.f32 v26, v20;
	[tilespmem:s18+$0xFFFFFFE0] =	vst v27  }
0xd7: {  	v22 =	vld [tilespmem:s18+$0xFFFFFEF0];
	v28 =	vmul.f32 $2.000000030e-01, v14;
	[tilespmem:s18+$0xFFFFFEA0] =	vst v25;
	v3 =	vmul.f32 v27, v3  }
0xd8: {  	vm5 =	vge.f32 v14, $0.0e+00;
	v21 =	vadd.f32 v21, v23;
	v2 =	vld [tilespmem:s18+$0xFFFFFFF0];
	[tilespmem:s18+$0xFFFFFF20] =	vst v20;
	v20 =	vmul.f32 $2.000000030e-01, v17  }
0xd9: {  	vm6 =	vge.f32 v17, $0.0e+00;
	v14 =	vsel vm5, v14, v28;
	v18 =	vadd.f32 v1, v19;
	v19 =	vld [tilespmem:s21+$0xFFFFFEB0];
	[tilespmem:s18+$0xFFFFFFA0] =	vst v3  }
0xda: {  	v14 =	vmul.f32 $1.442695020e+00, v14;
	[tilespmem:s18+$0xFFFFFF60] =	vst v26;
	v25 =	vld [tilespmem:s21+$0xFFFFFFB0];
	v17 =	vsel vm6, v17, v20;
	v20 =	vmul.f32 $2.000000030e-01, v21;
	v1 =	vpop (erf)  }
0xdb: {  	v23 =	vld [tilespmem:s21+$0xFFFFFF30];
	v3 =	vmul.f32 v1, v16;
	v16 =	vmul.f32 $2.000000030e-01, v18  }
0xdc: {  	v15 =	vld [tilespmem:s18+$0xFFFFFE70];
	vm8 =	vge.f32 v21, $0.0e+00;
	(erf) = vpow2.f32 v14;
	vm7 =	vge.f32 v18, $0.0e+00;
	[tilespmem:s18+$0xFFFFFE60] =	vst v1  }
0xdd: {  	v14 =	vsel vm8, v21, v20;
	v20 =	vld [tilespmem:s20+$0x180];
	[tilespmem:s18+$0xFFFFFE20] =	vst v3;
	v3 =	vmul.f32 $1.442695020e+00, v17;
	v16 =	vsel vm7, v18, v16  }
0xde: {  	v17 =	vld [tilespmem:s21+$0xFFFFFE30];
	v16 =	vmul.f32 $1.442695020e+00, v16  }
0xdf: {  	v19 =	vadd.f32 v19, v22;
	v18 =	vld [tilespmem:s19+$0x1C0];
	v21 =	vadd.f32 v25, v2;
	(erf) = vpow2.f32 v3  }
0xe0: {  	v54 =	vld [tilespmem:s19+$0xFFFFFFD0];
	v14 =	vmul.f32 $1.442695020e+00, v14;
	(erf) = vpow2.f32 v16;
	v16 =	vadd.f32 v23, v24  }
0xe1: {  	v56 =	vld [tilespmem:s19+$0xD0];
	vm9 =	vge.f32 v19, $0.0e+00;
	v22 =	vmul.f32 $2.000000030e-01, v19;
	v25 =	vmul.f32 $2.000000030e-01, v21  }
0xe2: {  	v39 =	vld [tilespmem:s19+$0x150];
	vm2 =	vge.f32 v21, $0.0e+00;
	(erf) = vpow2.f32 v14;
	vm10 =	vge.f32 v16, $0.0e+00  }
0xe3: {  	v62 =	vld [tilespmem:s19+$0x190];
	v23 =	vmul.f32 $2.000000030e-01, v16;
	v21 =	vsel vm2, v21, v25;
	v15 =	vadd.f32 v17, v15  }
0xe4: {  	v12 =	vld [tilespmem:s18+$0x20];
	v18 =	vadd.f32 v20, v18;
	v17 =	vsel vm9, v19, v22;
	v21 =	vmul.f32 $1.442695020e+00, v21  }
0xe5: {  	v20 =	vld [tilespmem:s20+$0xFFFFFE80];
	v16 =	vsel vm10, v16, v23;
	v17 =	vmul.f32 $1.442695020e+00, v17;
	v22 =	vmul.f32 $2.000000030e-01, v15  }
0xe6: {  	v19 =	vld [tilespmem:s19+$0xFFFFFEC0];
	v25 =	vmul.f32 $2.000000030e-01, v18;
	v16 =	vmul.f32 $1.442695020e+00, v16;
	vm11 =	vge.f32 v15, $0.0e+00  }
0xe7: {  	v26 =	vld [tilespmem:s20+$0xFFFFFF00];
	vm12 =	vge.f32 v18, $0.0e+00;
	(erf) = vpow2.f32 v17;
	v15 =	vsel vm11, v15, v22  }
0xe8: {  	v23 =	vld [tilespmem:s19+$0xFFFFFF40];
	(erf) = vpow2.f32 v16;
	v16 =	vsel vm12, v18, v25;
	v15 =	vmul.f32 $1.442695020e+00, v15  }
0xe9: {  	v17 =	vld [tilespmem:s19+$0xFFFFFFC0];
	(erf) = vpow2.f32 v21;
	v16 =	vmul.f32 $1.442695020e+00, v16  }
0xea: {  	v18 =	vld [tilespmem:s20+$0xFFFFFF80];
	(erf) = vpow2.f32 v15  }
0xeb: {  	v10 =	vld [tilespmem:s18+$0xA0];
	(erf) = vpow2.f32 v16;
	v16 =	vadd.f32 v20, v19  }
0xec: {  	v24 =	vld [tilespmem:s20+$0xFFFFFE00]  }
0xed: {  	v11 =	vld [tilespmem:s18+$0x120];
	v22 =	vpop (erf);
	v19 =	vmul.f32 $2.000000030e-01, v16  }
0xee: {  	v27 =	vld [tilespmem:s20+$0x0];
	v23 =	vadd.f32 v26, v23;
	v21 =	vpop (erf);
	vm13 =	vge.f32 v16, $0.0e+00  }
0xef: {  	v25 =	vld [tilespmem:s19+$0x40];
	v15 =	vpop (erf);
	v31 =	vadd.f32 v18, v17;
	v17 =	vsel vm13, v16, v19  }
0xf0: {  	v5 =	vld [tilespmem:s18+$0x70];
	v28 =	vadd.f32 v29, v40;
	v20 =	vpop (erf);
	v19 =	vmul.f32 $2.000000030e-01, v23  }
0xf1: {  	v7 =	vld [tilespmem:s18+$0x170];
	v24 =	vadd.f32 v24, v33;
	v16 =	vpop (erf)  }
0xf2: {  	v9 =	vld [tilespmem:s18+$0xFFFFFF30];
	vm5 =	vge.f32 v28, $0.0e+00;
	v38 =	vmul.f32 $2.000000030e-01, v28;
	v34 =	vmul.f32 $1.442695020e+00, v17;
	v17 =	vpop (erf)  }
0xf3: {  	v8 =	vld [tilespmem:s18+$0xFFFFFEB0];
	v47 =	vmul.f32 $2.000000030e-01, v24;
	vm6 =	vge.f32 v24, $0.0e+00;
	vm14 =	vge.f32 v23, $0.0e+00;
	v18 =	vpop (erf)  }
0xf4: {  	v26 =	vld [tilespmem:s20+$0x100];
	v25 =	vadd.f32 v27, v25;
	v35 =	vmul.f32 $2.000000030e-01, v31;
	v23 =	vsel vm14, v23, v19;
	v19 =	vpop (erf)  }
0xf5: {  	v4 =	vld [tilespmem:s18+$0xF0];
	vm15 =	vge.f32 v31, $0.0e+00;
	v23 =	vmul.f32 $1.442695020e+00, v23;
	(erf) = vpow2.f32 v34;
	v37 =	vpop (erf)  }
0xf6: {  	v13 =	vld [tilespmem:s18+$0xFFFFFE30];
	v41 =	vmul.f32 $2.000000030e-01, v25;
	v31 =	vsel vm15, v31, v35;
	v32 =	vmul.f32 v37, v32  }
0xf7: {  	v6 =	vld [tilespmem:s18+$0xFFFFFFB0];
	vm4 =	vge.f32 v25, $0.0e+00;
	v45 =	vmul.f32 $1.442695020e+00, v31;
	(erf) = vpow2.f32 v23;
	[tilespmem:s19+$0x1C0] =	vst v37  }
0xf8: {  	v28 =	vsel vm5, v28, v38;
	v24 =	vsel vm6, v24, v47;
	v25 =	vsel vm4, v25, v41;
	v23 =	vld [tilespmem:s19+$0x1D0];
	[tilespmem:s19+$0x180] =	vst v32  }
0xf9: {  	v26 =	vadd.f32 v26, v30;
	v25 =	vmul.f32 $1.442695020e+00, v25;
	(erf) = vpow2.f32 v45;
	v49 =	vld [tilespmem:s20+$0x190]  }
0xfa: {  	v38 =	vld [tilespmem:s19+$0xFFFFFE90];
	v28 =	vmul.f32 $1.442695020e+00, v28;
	v24 =	vmul.f32 $1.442695020e+00, v24  }
0xfb: {  	v1 =	vld [tilespmem:s18+$0x30];
	v48 =	vmul.f32 $2.000000030e-01, v26;
	(erf) = vpow2.f32 v25  }
0xfc: {  	v2 =	vld [tilespmem:s18+$0x130];
	vm7 =	vge.f32 v26, $0.0e+00;
	(erf) = vpow2.f32 v24  }
0xfd: {  	v3 =	vld [tilespmem:s18+$0xB0];
	v10 =	vmul.f32 v21, v10;
	v26 =	vsel vm7, v26, v48;
	(erf) = vpow2.f32 v28  }
0xfe: {  	v14 =	vld [tilespmem:s18+$0x1B0];
	[tilespmem:s18+$0xE0] =	vst v21;
	v26 =	vmul.f32 $1.442695020e+00, v26;
	v52 =	vpop (erf);
	v23 =	vadd.f32 v49, v23  }
0xff: {  	v21 =	vld [tilespmem:s19+$0x20];
	[tilespmem:s18+$0xA0] =	vst v10;
	v24 =	vmul.f32 v52, v36  }
0x100: {  	v27 =	vld [tilespmem:s19+$0xFFFFFE00];
	(erf) = vpow2.f32 v26;
	[tilespmem:s19+$0xFFFFFEC0] =	vst v52;
	v57 =	vpop (erf);
	v26 =	vmul.f32 $2.000000030e-01, v23  }
0x101: {  	v25 =	vld [tilespmem:s19+$0xFFFFFED0];
	v29 =	vmul.f32 v57, v42;
	[tilespmem:s19+$0xFFFFFE80] =	vst v24;
	vm8 =	vge.f32 v23, $0.0e+00  }
0x102: {  	[tilespmem:s19+$0xFFFFFF40] =	vst v57;
	v58 =	vpop (erf);
	v55 =	vld [tilespmem:s20+$0xFFFFFE90];
	v23 =	vsel vm8, v23, v26  }
0x103: {  	v10 =	vld [tilespmem:s19+$0x120];
	v35 =	vmul.f32 v58, v43;
	[tilespmem:s19+$0xFFFFFF00] =	vst v29;
	v23 =	vmul.f32 $1.442695020e+00, v23  }
0x104: {  	[tilespmem:s19+$0xFFFFFFC0] =	vst v58;
	v59 =	vpop (erf);
	v40 =	vld [tilespmem:s20+$0xFFFFFF10]  }
0x105: {  	v30 =	vld [tilespmem:s19+$0x10];
	v60 =	vpop (erf);
	[tilespmem:s19+$0xFFFFFF80] =	vst v35;
	(erf) = vpow2.f32 v23;
	v23 =	vmul.f32 v59, v44  }
0x106: {  	[tilespmem:s19+$0x40] =	vst v59;
	v42 =	vpop (erf);
	v35 =	vld [tilespmem:s20+$0xFFFFFF90]  }
0x107: {  	v41 =	vld [tilespmem:s19+$0xFFFFFF10];
	v25 =	vadd.f32 v55, v25;
	[tilespmem:s19+$0x0] =	vst v23;
	v23 =	vmul.f32 v42, v46  }
0x108: {  	v37 =	vld [tilespmem:s19+$0x160];
	v27 =	vmul.f32 v60, v27;
	[tilespmem:s19+$0xFFFFFE40] =	vst v60  }
0x109: {  	v24 =	vld [tilespmem:s19+$0x50];
	v61 =	vpop (erf);
	v63 =	vmul.f32 $2.000000030e-01, v25;
	[tilespmem:s19+$0x80] =	vst v23;
	v23 =	vadd.f32 v40, v53  }
0x10a: {  	[tilespmem:s19+$0xFFFFFE00] =	vst v27;
	v27 =	vmul.f32 v61, v50;
	vm9 =	vge.f32 v25, $0.0e+00;
	v46 =	vld [tilespmem:s20+$0x10]  }
0x10b: {  	[tilespmem:s19+$0xC0] =	vst v42;
	v45 =	vld [tilespmem:s20+$0xFFFFFE10];
	v28 =	vadd.f32 v35, v54;
	v25 =	vsel vm9, v25, v63;
	v44 =	vmul.f32 $2.000000030e-01, v23  }
0x10c: {  	v36 =	vld [tilespmem:s19+$0xFFFFFE60];
	[tilespmem:s19+$0x140] =	vst v61;
	v25 =	vmul.f32 $1.442695020e+00, v25;
	vm10 =	vge.f32 v23, $0.0e+00  }
0x10d: {  	v12 =	vmul.f32 v22, v12;
	[tilespmem:s19+$0x100] =	vst v27;
	v35 =	vmul.f32 $2.000000030e-01, v28;
	v48 =	vld [tilespmem:s20+$0x90];
	v23 =	vsel vm10, v23, v44  }
0x10e: {  	vm11 =	vge.f32 v28, $0.0e+00;
	(erf) = vpow2.f32 v25;
	v25 =	vld [tilespmem:s20+$0x110];
	v47 =	vpop (erf);
	v23 =	vmul.f32 $1.442695020e+00, v23  }
0x10f: {  	v52 =	vld [tilespmem:s19+$0xFFFFFEE0];
	v28 =	vsel vm11, v28, v35;
	v24 =	vadd.f32 v46, v24;
	v49 =	vmul.f32 v47, v62  }
0x110: {  	v43 =	vld [tilespmem:s19+$0xFFFFFF90];
	v28 =	vmul.f32 $1.442695020e+00, v28;
	[tilespmem:s19+$0x1D0] =	vst v47;
	(erf) = vpow2.f32 v23;
	v23 =	vadd.f32 v45, v51  }
0x111: {  	v11 =	vmul.f32 v20, v11;
	v50 =	vld [tilespmem:s19+$0x1E0];
	v55 =	vmul.f32 $2.000000030e-01, v24;
	[tilespmem:s19+$0x190] =	vst v49  }
0x112: {  	v31 =	vadd.f32 v48, v56;
	(erf) = vpow2.f32 v28;
	v51 =	vld [tilespmem:s20+$0x1A0];
	v53 =	vmul.f32 $2.000000030e-01, v23  }
0x113: {  	v58 =	vld [tilespmem:s19+$0x60];
	vm13 =	vge.f32 v24, $0.0e+00;
	v25 =	vadd.f32 v25, v39;
	vm12 =	vge.f32 v23, $0.0e+00  }
0x114: {  	v26 =	vld [tilespmem:s19+$0xFFFFFE10];
	v57 =	vmul.f32 $2.000000030e-01, v31;
	v24 =	vsel vm13, v24, v55;
	v23 =	vsel vm12, v23, v53  }
0x115: {  	[tilespmem:s18+$0x60] =	vst v22;
	v54 =	vld [tilespmem:s19+$0xFFFFFF60];
	vm14 =	vge.f32 v31, $0.0e+00;
	v24 =	vmul.f32 $1.442695020e+00, v24;
	v23 =	vmul.f32 $1.442695020e+00, v23  }
0x116: {  	[tilespmem:s18+$0x20] =	vst v12;
	v27 =	vld [tilespmem:s19+$0x110];
	v39 =	vmul.f32 $2.000000030e-01, v25;
	v22 =	vsel vm14, v31, v57;
	vm15 =	vge.f32 v25, $0.0e+00  }
0x117: {  	[tilespmem:s18+$0x160] =	vst v20;
	v40 =	vld [tilespmem:s19+$0x90];
	v59 =	vmul.f32 $1.442695020e+00, v22;
	v12 =	vpop (erf);
	v28 =	vadd.f32 v51, v50;
	(erf) = vpow2.f32 v23  }
0x118: {  	v46 =	vld [tilespmem:s19+$0x1A0];
	[tilespmem:s19+$0xFFFFFED0] =	vst v12;
	v12 =	vmul.f32 v12, v38;
	v23 =	vsel vm15, v25, v39;
	(erf) = vpow2.f32 v24  }
0x119: {  	[tilespmem:s18+$0x120] =	vst v11;
	v56 =	vld [tilespmem:s19+$0xFFFFFFE0];
	v63 =	vmul.f32 $1.442695020e+00, v23;
	v60 =	vmul.f32 $2.000000030e-01, v28;
	v24 =	vpop (erf)  }
0x11a: {  	v47 =	vld [tilespmem:s21+$0x30];
	[tilespmem:s19+$0xFFFFFE90] =	vst v12;
	vm4 =	vge.f32 v28, $0.0e+00;
	(erf) = vpow2.f32 v59;
	v62 =	vmul.f32 v24, v41  }
0x11b: {  	v55 =	vld [tilespmem:s21+$0x130];
	[tilespmem:s19+$0xFFFFFF50] =	vst v24;
	v61 =	vpop (erf);
	(erf) = vpow2.f32 v63;
	v28 =	vsel vm4, v28, v60  }
0x11c: {  	v12 =	vmul.f32 v61, v43;
	v43 =	vld [tilespmem:s20+$0xFFFFFEA0];
	v28 =	vmul.f32 $1.442695020e+00, v28;
	[tilespmem:s19+$0xFFFFFF10] =	vst v62  }
0x11d: {  	[tilespmem:s19+$0xFFFFFFD0] =	vst v61;
	v38 =	vld [tilespmem:s20+$0xFFFFFF20]  }
0x11e: {  	v14 =	vmul.f32 v15, v14;
	v31 =	vld [tilespmem:s19+$0xE0];
	[tilespmem:s19+$0xFFFFFF90] =	vst v12;
	(erf) = vpow2.f32 v28  }
0x11f: {  	[tilespmem:s18+$0x1F0] =	vst v15;
	v44 =	vld [tilespmem:s20+$0xFFFFFFA0]  }
0x120: {  	[tilespmem:s18+$0x1B0] =	vst v14;
	v22 =	vld [tilespmem:s19+$0xFFFFFE20];
	v11 =	vpop (erf)  }
0x121: {  	v25 =	vld [tilespmem:s19+$0xFFFFFEA0];
	v20 =	vadd.f32 v43, v52;
	[tilespmem:s19+$0xFFFFFE50] =	vst v11;
	v11 =	vmul.f32 v11, v26;
	v26 =	vpop (erf)  }
0x122: {  	v53 =	vmul.f32 v19, v13;
	v50 =	vld [tilespmem:s21+$0xB0];
	v45 =	vadd.f32 v38, v54;
	[tilespmem:s19+$0x50] =	vst v26;
	v26 =	vmul.f32 v26, v30  }
0x123: {  	v57 =	vadd.f32 v47, v5;
	v23 =	vld [tilespmem:s19+$0xFFFFFFA0];
	v48 =	vpop (erf);
	v49 =	vmul.f32 $2.000000030e-01, v20;
	vm5 =	vge.f32 v20, $0.0e+00;
	[tilespmem:s19+$0xFFFFFE10] =	vst v11  }
0x124: {  	v59 =	vld [tilespmem:s19+$0xFFFFFEF0];
	v28 =	vadd.f32 v44, v56;
	v11 =	vmul.f32 v48, v40;
	v52 =	vpop (erf);
	v51 =	vmul.f32 $2.000000030e-01, v45;
	[tilespmem:s19+$0x10] =	vst v26  }
0x125: {  	v26 =	vld [tilespmem:s20+$0xFFFFFE20];
	v20 =	vsel vm5, v20, v49;
	vm6 =	vge.f32 v45, $0.0e+00;
	v27 =	vmul.f32 v52, v27;
	[tilespmem:s19+$0x150] =	vst v52  }
0x126: {  	v13 =	vmul.f32 $2.000000030e-01, v28;
	[tilespmem:s19+$0x90] =	vst v11;
	v11 =	vld [tilespmem:s20+$0x20];
	v20 =	vmul.f32 $1.442695020e+00, v20;
	v29 =	vsel vm6, v45, v51  }
0x127: {  	v15 =	vmul.f32 $2.000000030e-01, v57;
	v24 =	vld [tilespmem:s19+$0xFFFFFF20];
	vm7 =	vge.f32 v28, $0.0e+00;
	[tilespmem:s19+$0x110] =	vst v27;
	v54 =	vpop (erf);
	v29 =	vmul.f32 $1.442695020e+00, v29  }
0x128: {  	[tilespmem:s19+$0xD0] =	vst v48;
	v28 =	vsel vm7, v28, v13;
	(erf) = vpow2.f32 v20;
	v14 =	vld [tilespmem:s20+$0x120];
	v32 =	vmul.f32 v54, v46  }
0x129: {  	v33 =	vadd.f32 v50, v4;
	v56 =	vld [tilespmem:s20+$0xA0];
	v27 =	vmul.f32 v17, v9;
	[tilespmem:s19+$0x1E0] =	vst v54;
	v28 =	vmul.f32 $1.442695020e+00, v28  }
0x12a: {  	v20 =	vadd.f32 v26, v36;
	v26 =	vmul.f32 v16, v8;
	(erf) = vpow2.f32 v29;
	v8 =	vld [tilespmem:s19+$0x1F0];
	[tilespmem:s19+$0x1A0] =	vst v32  }
0x12b: {  	(erf) = vpow2.f32 v28;
	v5 =	vadd.f32 v11, v58;
	v58 =	vmul.f32 v18, v6;
	v9 =	vld [tilespmem:s20+$0x1B0]  }
0x12c: {  	[tilespmem:s18+$0xFFFFFFF0] =	vst v18;
	v12 =	vld [tilespmem:s19+$0xA0];
	v30 =	vadd.f32 v55, v7;
	v18 =	vmul.f32 $2.000000030e-01, v33;
	v11 =	vmul.f32 $2.000000030e-01, v20  }
0x12d: {  	v7 =	vld [tilespmem:s19+$0xFFFFFE30];
	vm8 =	vge.f32 v20, $0.0e+00;
	v4 =	vmul.f32 $2.000000030e-01, v5;
	v14 =	vadd.f32 v14, v37  }
0x12e: {  	[tilespmem:s18+$0xFFFFFF70] =	vst v17;
	v17 =	vld [tilespmem:s19+$0xFFFFFFF0];
	vm9 =	vge.f32 v5, $0.0e+00;
	v6 =	vsel vm8, v20, v11;
	v11 =	vadd.f32 v56, v31  }
0x12f: {  	[tilespmem:s18+$0xFFFFFEF0] =	vst v16;
	v13 =	vld [tilespmem:s19+$0xFFFFFE70];
	v16 =	vmul.f32 $1.442695020e+00, v6;
	v4 =	vsel vm9, v5, v4;
	v62 =	vmul.f32 $2.000000030e-01, v14  }
0x130: {  	v20 =	vld [tilespmem:s19+$0xFFFFFF70];
	vm12 =	vge.f32 v14, $0.0e+00;
	v9 =	vadd.f32 v9, v8;
	v8 =	vmul.f32 $2.000000030e-01, v11  }
0x131: {  	[tilespmem:s18+$0xFFFFFE70] =	vst v19;
	v6 =	vld [tilespmem:s19+$0x70];
	vm10 =	vge.f32 v11, $0.0e+00;
	(erf) = vpow2.f32 v16;
	v16 =	vmul.f32 $1.442695020e+00, v4;
	v60 =	vpop (erf)  }
0x132: {  	[tilespmem:s18+$0xFFFFFE30] =	vst v53;
	v5 =	vld [tilespmem:s19+$0xF0];
	v14 =	vsel vm12, v14, v62;
	v25 =	vmul.f32 v60, v25;
	v19 =	vmul.f32 $2.000000030e-01, v9  }
0x133: {  	[tilespmem:s18+$0xFFFFFEB0] =	vst v26;
	v4 =	vld [tilespmem:s19+$0x170];
	v11 =	vsel vm10, v11, v8;
	vm11 =	vge.f32 v9, $0.0e+00;
	(erf) = vpow2.f32 v16  }
0x134: {  	v61 =	vpop (erf);
	v8 =	vld [tilespmem:s19+$0xFFFFFEB0];
	v26 =	vmul.f32 $1.442695020e+00, v11;
	[tilespmem:s19+$0xFFFFFEA0] =	vst v25;
	v25 =	vmul.f32 $1.442695020e+00, v14;
	v19 =	vsel vm11, v9, v19  }
0x135: {  	vm13 =	vge.f32 v57, $0.0e+00;
	[tilespmem:s19+$0xFFFFFEE0] =	vst v60;
	v11 =	vld [tilespmem:s19+$0xFFFFFFB0];
	v24 =	vmul.f32 v61, v24;
	v16 =	vpop (erf);
	v19 =	vmul.f32 $1.442695020e+00, v19  }
0x136: {  	vm14 =	vge.f32 v33, $0.0e+00;
	v14 =	vld [tilespmem:s19+$0x30];
	[tilespmem:s19+$0xFFFFFFE0] =	vst v16;
	(erf) = vpow2.f32 v26;
	v16 =	vmul.f32 v16, v23  }
0x137: {  	v63 =	vmul.f32 $2.000000030e-01, v30;
	vm15 =	vge.f32 v30, $0.0e+00;
	[tilespmem:s19+$0xFFFFFF60] =	vst v61;
	v9 =	vld [tilespmem:s19+$0xFFFFFF30];
	(erf) = vpow2.f32 v19  }
0x138: {  	v18 =	vsel vm14, v33, v18;
	v26 =	vld [tilespmem:s20+$0xFFFFFEB0];
	[tilespmem:s19+$0xFFFFFF20] =	vst v24;
	v19 =	vsel vm13, v57, v15;
	(erf) = vpow2.f32 v25  }
0x139: {  	[tilespmem:s18+$0xFFFFFF30] =	vst v27;
	v18 =	vmul.f32 $1.442695020e+00, v18;
	v23 =	vsel vm15, v30, v63;
	v24 =	vld [tilespmem:s20+$0xFFFFFF30];
	v19 =	vmul.f32 $1.442695020e+00, v19  }
0x13a: {  	v23 =	vmul.f32 $1.442695020e+00, v23;
	v15 =	vld [tilespmem:s19+$0xB0];
	[tilespmem:s19+$0xFFFFFFA0] =	vst v16;
	v16 =	vpop (erf)  }
0x13b: {  	[tilespmem:s18+$0xFFFFFFB0] =	vst v58;
	v25 =	vld [tilespmem:s20+$0xFFFFFFB0];
	v27 =	vmul.f32 v16, v22;
	(erf) = vpow2.f32 v19  }
0x13c: {  	[tilespmem:s19+$0xFFFFFE60] =	vst v16;
	v22 =	vld [tilespmem:s19+$0x1B0];
	(erf) = vpow2.f32 v18  }
0x13d: {  	v16 =	vld [tilespmem:s19+$0x130];
	v19 =	vadd.f32 v26, v59;
	v18 =	vpop (erf);
	[tilespmem:s19+$0xFFFFFE20] =	vst v27;
	(erf) = vpow2.f32 v23  }
0x13e: {  	s22 =	simm.s32 $0x8;
	s23 =	simm.s32 $0xC00;
	s21 =	simm.s32 $0x4800;
	[tilespmem:s19+$0x60] =	vst v18;
	v18 =	vmul.f32 v18, v21;
	v23 =	vld [tilespmem:s20+$0xFFFFFE30]  }
.LBB2_5:
0x13f: {  	v21 =	vld [tilespmem:s23+$0x1C0];
	vm0 =	vge.f32 v19, $0.0e+00;
	v26 =	vmul.f32 $2.000000030e-01, v19;
	v20 =	vadd.f32 v24, v20;
	s20 =	sadd.s32 $0x400, s20;
	v24 =	vpop (erf)  }
0x140: {  	s22 =	sadd.s32 $0x8, s22;
	v27 =	vld [tilespmem:s20+$0x180];
	v17 =	vadd.f32 v25, v17;
	[tilespmem:s19+$0x20] =	vst v18;
	v12 =	vmul.f32 v24, v12;
	v18 =	vpop (erf)  }
0x141: {  	p0 =	slt.u32 s22, $0x38;
	v25 =	vld [tilespmem:s20+$0xFFFFFE00];
	vm1 =	vge.f32 v20, $0.0e+00;
	v28 =	vmul.f32 $2.000000030e-01, v20;
	[tilespmem:s19+$0xE0] =	vst v24;
	v22 =	vmul.f32 v18, v22;
	v24 =	vpop (erf)  }
0x142: {  	v29 =	vld [tilespmem:s23+$0xFFFFFEC0];
	vm2 =	vge.f32 v17, $0.0e+00;
	v30 =	vmul.f32 $2.000000030e-01, v17;
	[tilespmem:s19+$0xA0] =	vst v12;
	v31 =	vmul.f32 v24, v10  }
0x143: {  	v19 =	vsel vm0, v19, v26;
	v12 =	vld [tilespmem:s20+$0xFFFFFE80];
	v13 =	vadd.f32 v23, v13;
	v20 =	vsel vm1, v20, v28;
	[tilespmem:s19+$0x1B0] =	vst v22  }
0x144: {  	v28 =	vmul.f32 $1.442695020e+00, v19;
	v22 =	vld [tilespmem:s23+$0xFFFFFF40];
	v20 =	vmul.f32 $1.442695020e+00, v20;
	v17 =	vsel vm2, v17, v30;
	[tilespmem:s19+$0x120] =	vst v31;
	v10 =	vpop (erf)  }
0x145: {  	v23 =	vld [tilespmem:s20+$0xFFFFFF00];
	v21 =	vadd.f32 v27, v21;
	vm0 =	vge.f32 v13, $0.0e+00;
	v26 =	vmul.f32 $2.000000030e-01, v13;
	[tilespmem:s19+$0x160] =	vst v24;
	v24 =	vpop (erf)  }
0x146: {  	v17 =	vmul.f32 $1.442695020e+00, v17;
	v27 =	vld [tilespmem:s23+$0xFFFFFFC0];
	(erf) = vpow2.f32 v28;
	[tilespmem:s18+$0x70] =	vst v10;
	v19 =	vpop (erf)  }
0x147: {  	v28 =	vld [tilespmem:s20+$0xFFFFFF80];
	v30 =	vmul.f32 $2.000000030e-01, v21;
	v13 =	vsel vm0, v13, v26;
	(erf) = vpow2.f32 v20;
	[tilespmem:s18+$0xF0] =	vst v24  }
0x148: {  	vm0 =	vge.f32 v21, $0.0e+00;
	v12 =	vadd.f32 v12, v29;
	v20 =	vld [tilespmem:s23+$0x40];
	v13 =	vmul.f32 $1.442695020e+00, v13;
	[tilespmem:s18+$0x170] =	vst v19  }
0x149: {  	v10 =	vmul.f32 v10, v1;
	v1 =	vmovc v14;
	v26 =	vld [tilespmem:s20+$0x0];
	v21 =	vsel vm0, v21, v30;
	[tilespmem:s19+$0x1F0] =	vst v18;
	(erf) = vpow2.f32 v17  }
0x14a: {  	v14 =	vmul.f32 $2.000000030e-01, v12;
	v17 =	vadd.f32 v23, v22;
	v18 =	vld [tilespmem:s23+$0xC0];
	v21 =	vmul.f32 $1.442695020e+00, v21  }
0x14b: {  	vm0 =	vge.f32 v12, $0.0e+00;
	v22 =	vld [tilespmem:s20+$0x80];
	(erf) = vpow2.f32 v13;
	[tilespmem:s18+$0x30] =	vst v10;
	v10 =	vmul.f32 v24, v3;
	v3 =	vmovc v15  }
0x14c: {  	v13 =	vmul.f32 $2.000000030e-01, v17;
	v15 =	vadd.f32 v28, v27;
	v23 =	vld [tilespmem:s23+$0x140];
	(erf) = vpow2.f32 v21  }
0x14d: {  	v12 =	vsel vm0, v12, v14;
	vm0 =	vge.f32 v17, $0.0e+00;
	v14 =	vld [tilespmem:s20+$0x100];
	[tilespmem:s18+$0xB0] =	vst v10;
	v10 =	vmul.f32 v19, v2;
	v2 =	vmovc v16  }
0x14e: {  	v16 =	vld [tilespmem:s23+$0xFFFFFE40];
	vm1 =	vge.f32 v15, $0.0e+00;
	v19 =	vmul.f32 $2.000000030e-01, v15;
	v20 =	vadd.f32 v26, v20  }
0x14f: {  	v12 =	vmul.f32 $1.442695020e+00, v12;
	v13 =	vsel vm0, v17, v13;
	v21 =	vld [tilespmem:s23+$0xFFFFFE00];
	v17 =	vpop (erf);
	[tilespmem:s18+$0x130] =	vst v10;
	s18 =	smov.u32 s19;
	s19 =	smov.u32 s23  }
0x150: {  	v10 =	vld [tilespmem:s23+$0xFFFFFE80];
	vm0 =	vge.f32 v20, $0.0e+00;
	v24 =	vmul.f32 $2.000000030e-01, v20;
	v18 =	vadd.f32 v22, v18;
	[tilespmem:s18+$0xFFFFFEF0] =	vst v17;
	v22 =	vpop (erf)  }
0x151: {  	v13 =	vmul.f32 $1.442695020e+00, v13;
	v15 =	vsel vm1, v15, v19;
	v19 =	vld [tilespmem:s23+$0x180];
	(erf) = vpow2.f32 v12;
	[tilespmem:s18+$0xFFFFFF70] =	vst v22  }
0x152: {  	v12 =	vld [tilespmem:s23+$0xFFFFFF00];
	vm1 =	vge.f32 v18, $0.0e+00;
	v26 =	vmul.f32 $2.000000030e-01, v18;
	v14 =	vadd.f32 v14, v23;
	v23 =	vpop (erf)  }
0x153: {  	v15 =	vmul.f32 $1.442695020e+00, v15;
	v20 =	vsel vm0, v20, v24;
	v16 =	vadd.f32 v25, v16;
	v25 =	vld [tilespmem:s23+$0xFFFFFF80];
	[tilespmem:s18+$0xFFFFFFF0] =	vst v23  }
0x154: {  	v24 =	vld [tilespmem:s23+$0x0];
	v18 =	vsel vm1, v18, v26;
	vm0 =	vge.f32 v14, $0.0e+00;
	v26 =	vmul.f32 $2.000000030e-01, v14;
	v27 =	vpop (erf)  }
0x155: {  	v20 =	vmul.f32 $1.442695020e+00, v20;
	vm1 =	vge.f32 v16, $0.0e+00;
	v28 =	vmul.f32 $2.000000030e-01, v16;
	v29 =	vld [tilespmem:s23+$0x80];
	v30 =	vpop (erf);
	[tilespmem:s18+$0xFFFFFE70] =	vst v27  }
0x156: {  	v18 =	vmul.f32 $1.442695020e+00, v18;
	v14 =	vsel vm0, v14, v26;
	v26 =	vld [tilespmem:s23+$0x100];
	v19 =	vmul.f32 v30, v19  }
0x157: {  	v16 =	vsel vm1, v16, v28;
	v28 =	vld [tilespmem:s23+$0xFFFFFE50];
	v14 =	vmul.f32 $1.442695020e+00, v14;
	[tilespmem:s23+$0x1C0] =	vst v30;
	(erf) = vpow2.f32 v13  }
0x158: {  	v30 =	vmul.f32 $1.442695020e+00, v16;
	[tilespmem:s23+$0x180] =	vst v19;
	v16 =	vld [tilespmem:s23+$0x1D0];
	(erf) = vpow2.f32 v15  }
0x159: {  	v7 =	vmul.f32 v27, v7;
	v15 =	vld [tilespmem:s20+$0x190];
	(erf) = vpow2.f32 v20  }
0x15a: {  	v8 =	vmul.f32 v17, v8;
	v19 =	vld [tilespmem:s23+$0xFFFFFED0];
	(erf) = vpow2.f32 v30;
	v13 =	vpop (erf)  }
0x15b: {  	[tilespmem:s23+$0xFFFFFEC0] =	vst v13;
	v10 =	vmul.f32 v13, v10;
	v20 =	vld [tilespmem:s23+$0xFFFFFF50];
	(erf) = vpow2.f32 v18  }
0x15c: {  	v18 =	vld [tilespmem:s23+$0xFFFFFFD0];
	(erf) = vpow2.f32 v14;
	[tilespmem:s18+$0xFFFFFE30] =	vst v7;
	v7 =	vmul.f32 v22, v9  }
0x15d: {  	[tilespmem:s23+$0xFFFFFE80] =	vst v10;
	v9 =	vld [tilespmem:s23+$0x50];
	v10 =	vmul.f32 v23, v11  }
0x15e: {  	v11 =	vld [tilespmem:s20+$0xFFFFFE90];
	v13 =	vadd.f32 v15, v16;
	[tilespmem:s18+$0xFFFFFEB0] =	vst v8  }
0x15f: {  	v14 =	vld [tilespmem:s23+$0xD0];
	[tilespmem:s18+$0xFFFFFF30] =	vst v7  }
0x160: {  	v15 =	vld [tilespmem:s23+$0x150];
	v8 =	vmul.f32 $2.000000030e-01, v13;
	v16 =	vpop (erf);
	[tilespmem:s18+$0xFFFFFFB0] =	vst v10  }
0x161: {  	vm0 =	vge.f32 v13, $0.0e+00;
	v7 =	vld [tilespmem:s23+$0xFFFFFE10];
	[tilespmem:s23+$0xFFFFFF40] =	vst v16;
	v10 =	vmul.f32 v16, v12;
	v12 =	vpop (erf)  }
0x162: {  	v22 =	vld [tilespmem:s23+$0xFFFFFE90];
	[tilespmem:s23+$0xFFFFFFC0] =	vst v12;
	v23 =	vmul.f32 v12, v25;
	v8 =	vsel vm0, v13, v8;
	v16 =	vpop (erf)  }
0x163: {  	v11 =	vadd.f32 v11, v19;
	[tilespmem:s23+$0xFFFFFF00] =	vst v10;
	v10 =	vld [tilespmem:s23+$0xFFFFFF10];
	v13 =	vmul.f32 v16, v24;
	v8 =	vmul.f32 $1.442695020e+00, v8;
	v19 =	vpop (erf)  }
0x164: {  	v17 =	vmul.f32 v19, v21;
	v21 =	vld [tilespmem:s20+$0xFFFFFF10];
	[tilespmem:s23+$0xFFFFFF80] =	vst v23;
	v12 =	vpop (erf)  }
0x165: {  	vm0 =	vge.f32 v11, $0.0e+00;
	v23 =	vld [tilespmem:s20+$0xFFFFFF90];
	[tilespmem:s23+$0x0] =	vst v13;
	v13 =	vmul.f32 v12, v29;
	v24 =	vpop (erf);
	(erf) = vpow2.f32 v8  }
0x166: {  	v8 =	vmul.f32 $2.000000030e-01, v11;
	[tilespmem:s23+$0xFFFFFE00] =	vst v17;
	v25 =	vld [tilespmem:s23+$0xFFFFFF90];
	v26 =	vmul.f32 v24, v26  }
0x167: {  	v17 =	vld [tilespmem:s23+$0x10];
	[tilespmem:s23+$0x80] =	vst v13  }
0x168: {  	v8 =	vsel vm0, v11, v8;
	v13 =	vld [tilespmem:s23+$0x90];
	[tilespmem:s23+$0x100] =	vst v26  }
0x169: {  	v8 =	vmul.f32 $1.442695020e+00, v8;
	[tilespmem:s23+$0xFFFFFE40] =	vst v19;
	v19 =	vadd.f32 v21, v20;
	v11 =	vld [tilespmem:s23+$0x110]  }
0x16a: {  	v18 =	vadd.f32 v23, v18;
	[tilespmem:s23+$0x40] =	vst v16;
	v16 =	vld [tilespmem:s23+$0x190]  }
0x16b: {  	v20 =	vld [tilespmem:s20+$0xFFFFFE10];
	vm0 =	vge.f32 v19, $0.0e+00;
	v21 =	vmul.f32 $2.000000030e-01, v19;
	[tilespmem:s23+$0xC0] =	vst v12;
	(erf) = vpow2.f32 v8  }
0x16c: {  	vm1 =	vge.f32 v18, $0.0e+00;
	v8 =	vmul.f32 $2.000000030e-01, v18;
	v12 =	vld [tilespmem:s20+$0x10];
	[tilespmem:s23+$0x140] =	vst v24  }
0x16d: {  	v19 =	vsel vm0, v19, v21;
	v21 =	vld [tilespmem:s20+$0x90]  }
0x16e: {  	v19 =	vmul.f32 $1.442695020e+00, v19;
	v18 =	vsel vm1, v18, v8;
	v23 =	vld [tilespmem:s20+$0x110];
	v24 =	vpop (erf)  }
0x16f: {  	v8 =	vld [tilespmem:s23+$0xFFFFFE60];
	v18 =	vmul.f32 $1.442695020e+00, v18;
	v16 =	vmul.f32 v24, v16  }
0x170: {  	v20 =	vadd.f32 v20, v28;
	v26 =	vld [tilespmem:s23+$0xFFFFFEE0];
	[tilespmem:s23+$0x1D0] =	vst v24;
	(erf) = vpow2.f32 v19  }
0x171: {  	v9 =	vadd.f32 v12, v9;
	[tilespmem:s23+$0x190] =	vst v16;
	v12 =	vld [tilespmem:s23+$0x1E0];
	(erf) = vpow2.f32 v18  }
0x172: {  	vm0 =	vge.f32 v20, $0.0e+00;
	v16 =	vmul.f32 $2.000000030e-01, v20;
	v14 =	vadd.f32 v21, v14;
	v18 =	vld [tilespmem:s20+$0x1A0]  }
0x173: {  	v21 =	vld [tilespmem:s23+$0xFFFFFF60];
	vm1 =	vge.f32 v9, $0.0e+00;
	v19 =	vmul.f32 $2.000000030e-01, v9;
	v15 =	vadd.f32 v23, v15  }
0x174: {  	v16 =	vsel vm0, v20, v16;
	v20 =	vld [tilespmem:s23+$0xFFFFFFE0];
	vm0 =	vge.f32 v14, $0.0e+00;
	v23 =	vmul.f32 $2.000000030e-01, v14;
	v24 =	vpop (erf)  }
0x175: {  	[tilespmem:s23+$0xFFFFFED0] =	vst v24;
	v9 =	vsel vm1, v9, v19;
	v27 =	vld [tilespmem:s23+$0x60];
	vm1 =	vge.f32 v15, $0.0e+00;
	v19 =	vmul.f32 $2.000000030e-01, v15  }
0x176: {  	v28 =	vmul.f32 $1.442695020e+00, v16;
	v29 =	vmul.f32 $1.442695020e+00, v9;
	v9 =	vsel vm0, v14, v23;
	v23 =	vld [tilespmem:s23+$0xE0]  }
0x177: {  	v30 =	vmul.f32 $1.442695020e+00, v9;
	v9 =	vsel vm1, v15, v19;
	v19 =	vld [tilespmem:s23+$0x160];
	v12 =	vadd.f32 v18, v12  }
0x178: {  	v16 =	vld [tilespmem:s23+$0xFFFFFE20];
	v18 =	vmul.f32 $1.442695020e+00, v9;
	(erf) = vpow2.f32 v28  }
0x179: {  	v9 =	vld [tilespmem:s23+$0xFFFFFEA0];
	v28 =	vmul.f32 $2.000000030e-01, v12;
	v15 =	vpop (erf);
	(erf) = vpow2.f32 v29  }
0x17a: {  	v22 =	vmul.f32 v24, v22;
	vm0 =	vge.f32 v12, $0.0e+00;
	[tilespmem:s23+$0xFFFFFF50] =	vst v15;
	v14 =	vld [tilespmem:s23+$0xFFFFFF20];
	v24 =	vpop (erf);
	(erf) = vpow2.f32 v30  }
0x17b: {  	v10 =	vmul.f32 v15, v10;
	[tilespmem:s23+$0xFFFFFFD0] =	vst v24;
	v15 =	vld [tilespmem:s23+$0xFFFFFFA0];
	v12 =	vsel vm0, v12, v28;
	(erf) = vpow2.f32 v18  }
0x17c: {  	[tilespmem:s23+$0xFFFFFE90] =	vst v22;
	v22 =	vmul.f32 v24, v25;
	v18 =	vld [tilespmem:s23+$0x20];
	v12 =	vmul.f32 $1.442695020e+00, v12  }
0x17d: {  	v24 =	vld [tilespmem:s20+$0xFFFFFEA0];
	[tilespmem:s23+$0xFFFFFF10] =	vst v10  }
0x17e: {  	v25 =	vld [tilespmem:s20+$0xFFFFFF20];
	[tilespmem:s23+$0xFFFFFF90] =	vst v22;
	(erf) = vpow2.f32 v12  }
0x17f: {  	v22 =	vld [tilespmem:s20+$0xFFFFFFA0]  }
0x180: {  	v12 =	vld [tilespmem:s23+$0xA0]  }
0x181: {  	v10 =	vld [tilespmem:s23+$0x120];
	v28 =	vpop (erf)  }
0x182: {  	[tilespmem:s23+$0xFFFFFE50] =	vst v28;
	v7 =	vmul.f32 v28, v7;
	v24 =	vadd.f32 v24, v26;
	v26 =	vpop (erf);
	v28 =	vld [tilespmem:s21+$0x30]  }
0x183: {  	v21 =	vadd.f32 v25, v21;
	[tilespmem:s23+$0x50] =	vst v26;
	v17 =	vmul.f32 v26, v17;
	v25 =	vld [tilespmem:s23+$0x1A0];
	v26 =	vpop (erf)  }
0x184: {  	[tilespmem:s23+$0xFFFFFE10] =	vst v7;
	v7 =	vmul.f32 $2.000000030e-01, v24;
	v20 =	vadd.f32 v22, v20;
	v13 =	vmul.f32 v26, v13;
	v22 =	vpop (erf);
	v29 =	vld [tilespmem:s21+$0xB0]  }
0x185: {  	vm0 =	vge.f32 v24, $0.0e+00;
	v30 =	vld [tilespmem:s20+$0xFFFFFE20];
	v31 =	vmul.f32 $2.000000030e-01, v21;
	[tilespmem:s23+$0x10] =	vst v17;
	v33 =	vmul.f32 v22, v11  }
0x186: {  	vm1 =	vge.f32 v21, $0.0e+00;
	vm2 =	vge.f32 v20, $0.0e+00;
	v17 =	vmul.f32 $2.000000030e-01, v20;
	v32 =	vld [tilespmem:s20+$0x20];
	[tilespmem:s23+$0x90] =	vst v13  }
0x187: {  	v7 =	vsel vm0, v24, v7;
	v21 =	vsel vm1, v21, v31;
	[tilespmem:s23+$0x110] =	vst v33;
	v11 =	vpop (erf);
	v24 =	vadd.f32 v28, v6;
	v6 =	vld [tilespmem:s21+$0x130];
	s21 =	smov.u32 s20  }
0x188: {  	v7 =	vmul.f32 $1.442695020e+00, v7;
	v13 =	vld [tilespmem:s23+$0xFFFFFE70];
	v17 =	vsel vm2, v20, v17;
	[tilespmem:s23+$0xD0] =	vst v26;
	v20 =	vmul.f32 v11, v25  }
0x189: {  	v21 =	vmul.f32 $1.442695020e+00, v21;
	v17 =	vmul.f32 $1.442695020e+00, v17;
	v25 =	vld [tilespmem:s20+$0xA0];
	[tilespmem:s23+$0x1E0] =	vst v11;
	v26 =	vadd.f32 v29, v5  }
0x18a: {  	v28 =	vmul.f32 $2.000000030e-01, v24;
	v5 =	vadd.f32 v30, v8;
	[tilespmem:s23+$0x1A0] =	vst v20;
	v8 =	vld [tilespmem:s23+$0x1F0];
	(erf) = vpow2.f32 v7  }
0x18b: {  	v7 =	vadd.f32 v32, v27;
	[tilespmem:s23+$0x150] =	vst v22;
	v11 =	vld [tilespmem:s20+$0x1B0];
	(erf) = vpow2.f32 v21;
	v21 =	vmul.f32 $2.000000030e-01, v26  }
0x18c: {  	vm0 =	vge.f32 v5, $0.0e+00;
	v20 =	vmul.f32 $2.000000030e-01, v5;
	v22 =	vld [tilespmem:s20+$0x120];
	(erf) = vpow2.f32 v17  }
0x18d: {  	v30 =	vadd.f32 v6, v4;
	v27 =	vld [tilespmem:s23+$0xFFFFFEF0];
	vm1 =	vge.f32 v7, $0.0e+00;
	v29 =	vmul.f32 $2.000000030e-01, v7  }
0x18e: {  	v4 =	vsel vm0, v5, v20;
	v20 =	vld [tilespmem:s23+$0xFFFFFF70];
	v23 =	vadd.f32 v25, v23;
	vm0 =	vge.f32 v24, $0.0e+00  }
0x18f: {  	v25 =	vmul.f32 $2.000000030e-01, v30;
	v4 =	vmul.f32 $1.442695020e+00, v4;
	v17 =	vld [tilespmem:s23+$0xFFFFFFF0];
	v5 =	vsel vm1, v7, v29  }
0x190: {  	v6 =	vld [tilespmem:s23+$0x70];
	vm1 =	vge.f32 v23, $0.0e+00;
	v7 =	vmul.f32 $2.000000030e-01, v23;
	v11 =	vadd.f32 v11, v8  }
0x191: {  	v29 =	vmul.f32 $1.442695020e+00, v5;
	v5 =	vld [tilespmem:s23+$0xF0];
	v19 =	vadd.f32 v22, v19;
	(erf) = vpow2.f32 v4  }
0x192: {  	v22 =	vsel vm1, v23, v7;
	v4 =	vld [tilespmem:s23+$0x170];
	v33 =	vmul.f32 $2.000000030e-01, v11;
	vm1 =	vge.f32 v26, $0.0e+00  }
0x193: {  	vm3 =	vge.f32 v11, $0.0e+00;
	v7 =	vld [tilespmem:s23+$0xFFFFFE30];
	vm2 =	vge.f32 v19, $0.0e+00;
	v31 =	vmul.f32 $2.000000030e-01, v19;
	v32 =	vpop (erf)  }
0x194: {  	v22 =	vmul.f32 $1.442695020e+00, v22;
	[tilespmem:s23+$0xFFFFFEE0] =	vst v32;
	v8 =	vld [tilespmem:s23+$0xFFFFFEB0];
	v11 =	vsel vm3, v11, v33;
	v23 =	vpop (erf);
	(erf) = vpow2.f32 v29  }
0x195: {  	v29 =	vmul.f32 v32, v9;
	[tilespmem:s23+$0xFFFFFF60] =	vst v23;
	v9 =	vld [tilespmem:s23+$0xFFFFFF30];
	v19 =	vsel vm2, v19, v31;
	v31 =	vmul.f32 $1.442695020e+00, v11;
	v32 =	vpop (erf)  }
0x196: {  	vm2 =	vge.f32 v30, $0.0e+00;
	[tilespmem:s23+$0xFFFFFFE0] =	vst v32;
	v11 =	vld [tilespmem:s23+$0xFFFFFFB0];
	v19 =	vmul.f32 $1.442695020e+00, v19;
	(erf) = vpow2.f32 v22  }
0x197: {  	v22 =	vmul.f32 v23, v14;
	v23 =	vsel vm0, v24, v28;
	[tilespmem:s23+$0xFFFFFEA0] =	vst v29;
	v14 =	vld [tilespmem:s23+$0x30];
	(erf) = vpow2.f32 v31  }
0x198: {  	v29 =	vmul.f32 v32, v15;
	v28 =	vld [tilespmem:s20+$0xFFFFFEB0];
	(erf) = vpow2.f32 v19;
	v19 =	vsel vm1, v26, v21  }
0x199: {  	v21 =	vmul.f32 $1.442695020e+00, v23;
	[tilespmem:s23+$0xFFFFFF20] =	vst v22;
	v15 =	vld [tilespmem:s23+$0xB0];
	v19 =	vmul.f32 $1.442695020e+00, v19;
	v22 =	vsel vm2, v30, v25  }
.Ltmp1:
0x19a: {  	v24 =	vld [tilespmem:s20+$0xFFFFFF30];
	[tilespmem:s23+$0xFFFFFFA0] =	vst v29;
	v23 =	vpop (erf);
	v26 =	vmul.f32 $1.442695020e+00, v22;
	(pc) =	sbr.rel @p0 .LBB2_5-.Ltmp1, $4  }
0x19b: {  	[tilespmem:s23+$0xFFFFFE60] =	vst v23;
	v16 =	vmul.f32 v23, v16;
	v25 =	vld [tilespmem:s20+$0xFFFFFFB0];
	(erf) = vpow2.f32 v21  }
0x19c: {  	v22 =	vld [tilespmem:s23+$0x1B0];
	(erf) = vpow2.f32 v19  }
0x19d: {  	[tilespmem:s23+$0xFFFFFE20] =	vst v16;
	v19 =	vadd.f32 v28, v27;
	v16 =	vld [tilespmem:s23+$0x130];
	v21 =	vpop (erf);
	(erf) = vpow2.f32 v26  }
0x19e: {  	s23 =	sadd.s32 $0x400, s23;
	v23 =	vld [tilespmem:s20+$0xFFFFFE30];
	[tilespmem:s19+$0x60] =	vst v21;
	v18 =	vmul.f32 v21, v18  }
0x19f: {  	_ = 	snop  }
0x1a0: {  	v21 =	vpop (erf);
	v20 =	vadd.f32 v24, v20  }
0x1a1: {  	v26 =	vmul.f32 $2.000000030e-01, v19;
	v24 =	vpop (erf);
	[tilespmem:s19+$0x20] =	vst v18;
	v12 =	vmul.f32 v21, v12  }
0x1a2: {  	vm0 =	vge.f32 v19, $0.0e+00;
	v17 =	vadd.f32 v25, v17;
	[tilespmem:s19+$0xE0] =	vst v21;
	v18 =	vpop (erf);
	v21 =	vmul.f32 $2.000000030e-01, v20  }
0x1a3: {  	v19 =	vsel vm0, v19, v26;
	v10 =	vmul.f32 v18, v10;
	[tilespmem:s19+$0xA0] =	vst v12;
	v12 =	vadd.f32 v23, v13  }
0x1a4: {  	vm1 =	vge.f32 v20, $0.0e+00;
	v19 =	vmul.f32 $1.442695020e+00, v19  }
0x1a5: {  	v13 =	vmul.f32 $2.000000030e-01, v17;
	v20 =	vsel vm1, v20, v21;
	[tilespmem:s19+$0x120] =	vst v10;
	v10 =	vld [tilespmem:s21+$0x30];
	v21 =	vmul.f32 $2.000000030e-01, v12  }
0x1a6: {  	vm2 =	vge.f32 v17, $0.0e+00;
	[tilespmem:s19+$0x160] =	vst v18;
	v18 =	vld [tilespmem:s21+$0xB0];
	v20 =	vmul.f32 $1.442695020e+00, v20;
	vm15 =	vge.f32 v12, $0.0e+00  }
0x1a7: {  	(erf) = vpow2.f32 v19;
	v13 =	vsel vm2, v17, v13;
	v17 =	vld [tilespmem:s21+$0x130];
	v12 =	vsel vm15, v12, v21  }
0x1a8: {  	v13 =	vmul.f32 $1.442695020e+00, v13;
	v12 =	vmul.f32 $1.442695020e+00, v12  }
0x1a9: {  	(erf) = vpow2.f32 v20  }
0x1aa: {  	(erf) = vpow2.f32 v13;
	v6 =	vadd.f32 v10, v6  }
0x1ab: {  	v22 =	vmul.f32 v24, v22;
	[tilespmem:s19+$0x1F0] =	vst v24;
	v5 =	vadd.f32 v18, v5;
	v10 =	vpop (erf);
	(erf) = vpow2.f32 v12  }
0x1ac: {  	[tilespmem:s18+$0x70] =	vst v10;
	v1 =	vmul.f32 v10, v1;
	v4 =	vadd.f32 v17, v4;
	v10 =	vmul.f32 $2.000000030e-01, v6;
	v12 =	vpop (erf)  }
0x1ad: {  	vm4 =	vge.f32 v6, $0.0e+00;
	[tilespmem:s18+$0xF0] =	vst v12;
	v3 =	vmul.f32 v12, v3;
	v12 =	vmul.f32 $2.000000030e-01, v5  }
0x1ae: {  	[tilespmem:s19+$0x1B0] =	vst v22;
	vm5 =	vge.f32 v5, $0.0e+00;
	v17 =	vmul.f32 $2.000000030e-01, v4;
	v13 =	vpop (erf);
	v6 =	vsel vm4, v6, v10  }
0x1af: {  	[tilespmem:s18+$0x30] =	vst v1;
	v6 =	vmul.f32 $1.442695020e+00, v6;
	v1 =	vmul.f32 v13, v2;
	v5 =	vsel vm5, v5, v12  }
0x1b0: {  	vm6 =	vge.f32 v4, $0.0e+00;
	[tilespmem:s18+$0x170] =	vst v13;
	v2 =	vmul.f32 $1.442695020e+00, v5  }
0x1b1: {  	v4 =	vsel vm6, v4, v17;
	[tilespmem:s18+$0xB0] =	vst v3;
	(erf) = vpow2.f32 v6  }
0x1b2: {  	v4 =	vmul.f32 $1.442695020e+00, v4;
	[tilespmem:s18+$0x130] =	vst v1;
	v3 =	vpop (erf);
	(erf) = vpow2.f32 v2  }
0x1b3: {  	v1 =	vpop (erf);
	[tilespmem:s19+$0xFFFFFEF0] =	vst v3;
	v3 =	vmul.f32 v3, v8  }
0x1b4: {  	(erf) = vpow2.f32 v4;
	[tilespmem:s19+$0xFFFFFF70] =	vst v1  }
0x1b5: {  	v1 =	vmul.f32 v1, v9;
	v2 =	vpop (erf);
	[tilespmem:s19+$0xFFFFFEB0] =	vst v3  }
0x1b6: {  	[tilespmem:s19+$0xFFFFFFF0] =	vst v2  }
0x1b7: {  	v4 =	vpop (erf);
	v2 =	vmul.f32 v2, v11;
	[tilespmem:s19+$0xFFFFFF30] =	vst v1  }
0x1b8: {  	v5 =	vmul.f32 v4, v7;
	[tilespmem:s19+$0xFFFFFE70] =	vst v4  }
0x1b9: {  	[tilespmem:s19+$0xFFFFFFB0] =	vst v2  }
0x1ba: {  	[tilespmem:s19+$0xFFFFFE30] =	vst v5;
	v1 =	vpop (erf)  }
0x1bb: {  	[tilespmem:s19+$0x70] =	vst v1;
	v1 =	vmul.f32 v1, v14;
	v2 =	vpop (erf)  }
0x1bc: {  	[tilespmem:s19+$0xF0] =	vst v2  }
0x1bd: {  	v3 =	vpop (erf);
	v2 =	vmul.f32 v2, v15;
	[tilespmem:s19+$0x30] =	vst v1  }
0x1be: {  	[tilespmem:s19+$0x170] =	vst v3;
	v1 =	vmul.f32 v3, v16  }
0x1bf: {  	[tilespmem:s19+$0xB0] =	vst v2  }
0x1c0: {  	p0 =	seq.s32 s30, $0x29;
	[tilespmem:s19+$0x130] =	vst v1  }
0x1c1: {  	[spmem:s1] =	stream.indirect.scatter.add.f32 [tilespmem:s3], [sflag:$0x3], $0x80, s5, s6, $0xb8;
	[tilespmem:$0x1C200] =	vst v63  }
0x1c2: {  	s0 =	sadd.s32 @!p0 s0, s11;
	_ =	swait.ge [sflag:s4], $0x2000  }
0x1c3: {  	s0 =	sshrl.u32 @!p0 s0, $0x3;
	[sflag:s4] =	ssyncset.done $0x0  }
0x1c4: {  	s18 =	sadd.s32 @!p0 s14, s0;
	s19 =	simm.s32 @!p0 $0x0;
	[sflag:s4] =	ssyncadd.s32 $0xFFFFE000  }
0x1c5: {  	[tilespmem:s19], [sflag:$0x3] =	stream.linear.gather @!p0 [hbm4b:s18+s19], $0x40, $0x38;
	[tilespmem:$0x1C200] =	vst v63  }
0x1c6: {  	s18 =	simm.s32 @!p0 $0x3  }
0x1c7: {  	_ =	swait.ge @!p0 [sflag:s18], $0x40  }
0x1c8: {  	[sflag:s18] =	ssyncset.done @!p0 $0x0  }
0x1c9: {  	s20 =	simm.s32 @!p0 $0x100;
	s0 =	sadd.s32 @!p0 s15, s0;
	[sflag:s18] =	ssyncadd.s32 @!p0 $0xFFFFFFC0  }
0x1ca: {  	[tilespmem:s20], [sflag:$0x3] =	stream.linear.gather @!p0 [hbm4b:s0+s19], $0x40, $0x38;
	[tilespmem:$0x1C200] =	vst v63  }
0x1cb: {  	_ =	swait.ge @!p0 [sflag:s18], $0x40  }
0x1cc: {  	[sflag:s18] =	ssyncset.done @!p0 $0x0  }
0x1cd: {  	s0 =	simm.s32 @!p0 $0x40;
	[sflag:s18] =	ssyncadd.s32 @!p0 $0xFFFFFFC0;
	s18 =	simm.s32 @!p0 $0x200  }
0x1ce: {  	[tilespmem:s18], [sflag:$0x1] =	stream.indirect.gather @!p0 [hbm4b:s16+s0], $0x80, s19, s0, $0xb8;
	[tilespmem:$0x1C200] =	vst v63  }
0x1cf: {  	s18 =	simm.s32 @!p0 $0x4200  }
0x1d0: {  	[tilespmem:s18], [sflag:$0x1] =	stream.indirect.gather @!p0 [hbm4b:s17+s0], $0x80, s20, s0, $0xb8;
	[tilespmem:$0x1C200] =	vst v63  }
0x1d1: {  	_ =	swait.ge [sflag:s13], $0x2000  }
0x1d2: {  	[sflag:s13] =	ssyncset.done $0x0  }
0x1d3: {  	[sflag:s13] =	ssyncadd.s32 $0xFFFFE000  }
0x1d4: {  	_ =	swait.ge [sflag:s13], $0x2000  }
0x1d5: {  	[sflag:s13] =	ssyncset.done $0x0  }
0x1d6: {  	s0 =	simm.s32 $0x2400;
	[sflag:s13] =	ssyncadd.s32 $0xFFFFE000  }
0x1d7: {  	s23 =	simm.s32 $0x6400;
	v1 =	vld [tilespmem:s0+$0x1C0]  }
0x1d8: {  	v2 =	vld [tilespmem:s23+$0x180];
	_ =	sdelay $0x2  }
0x1d9: {  	v4 =	vld [tilespmem:s0+$0xFFFFFEC0]  }
0x1da: {  	v5 =	vld [tilespmem:s23+$0xFFFFFE80]  }
0x1db: {  	v6 =	vld [tilespmem:s23+$0xFFFFFF00];
	v1 =	vadd.f32 v2, v1  }
0x1dc: {  	v8 =	vld [tilespmem:s0+$0xFFFFFFC0]  }
0x1dd: {  	v2 =	vld [tilespmem:s0+$0xFFFFFF40];
	v7 =	vmul.f32 $2.000000030e-01, v1  }
0x1de: {  	v9 =	vld [tilespmem:s23+$0xFFFFFF80];
	vm7 =	vge.f32 v1, $0.0e+00  }
0x1df: {  	v3 =	vld [tilespmem:s23+$0xFFFFFE00];
	v1 =	vsel vm7, v1, v7  }
0x1e0: {  	v10 =	vld [tilespmem:s23+$0x0];
	v1 =	vmul.f32 $1.442695020e+00, v1  }
0x1e1: {  	v11 =	vld [tilespmem:s0+$0xC0]  }
0x1e2: {  	v7 =	vld [tilespmem:s0+$0x40];
	v2 =	vadd.f32 v6, v2;
	(erf) = vpow2.f32 v1  }
0x1e3: {  	v8 =	vadd.f32 v9, v8;
	v9 =	vld [tilespmem:s0+$0xFFFFFE40];
	v1 =	vadd.f32 v5, v4  }
0x1e4: {  	v4 =	vld [tilespmem:s23+$0x80];
	v13 =	vmul.f32 $2.000000030e-01, v2  }
0x1e5: {  	v6 =	vld [tilespmem:s23+$0x100];
	vm9 =	vge.f32 v2, $0.0e+00;
	v12 =	vmul.f32 $2.000000030e-01, v1  }
0x1e6: {  	v5 =	vld [tilespmem:s0+$0x140];
	vm8 =	vge.f32 v1, $0.0e+00;
	v2 =	vsel vm9, v2, v13  }
0x1e7: {  	v7 =	vadd.f32 v10, v7;
	v10 =	vld [tilespmem:s0+$0x180];
	v2 =	vmul.f32 $1.442695020e+00, v2;
	v1 =	vsel vm8, v1, v12  }
0x1e8: {  	vm10 =	vge.f32 v8, $0.0e+00;
	v12 =	vmul.f32 $2.000000030e-01, v8;
	v1 =	vmul.f32 $1.442695020e+00, v1  }
0x1e9: {  	v16 =	vld [tilespmem:s0+$0x150];
	vm11 =	vge.f32 v7, $0.0e+00;
	v13 =	vmul.f32 $2.000000030e-01, v7;
	v4 =	vadd.f32 v4, v11  }
0x1ea: {  	v18 =	vld [tilespmem:s0+$0xFFFFFE10];
	v8 =	vsel vm10, v8, v12;
	(erf) = vpow2.f32 v1;
	v1 =	vadd.f32 v3, v9  }
0x1eb: {  	v19 =	vld [tilespmem:s0+$0x10];
	v5 =	vadd.f32 v6, v5;
	v8 =	vmul.f32 $1.442695020e+00, v8;
	(erf) = vpow2.f32 v2;
	v3 =	vpop (erf)  }
0x1ec: {  	v20 =	vld [tilespmem:s0+$0xFFFFFF20];
	v7 =	vsel vm11, v7, v13;
	v14 =	vmul.f32 $2.000000030e-01, v1;
	v6 =	vmul.f32 v3, v10  }
0x1ed: {  	v23 =	vld [tilespmem:s0+$0x160];
	v12 =	vmul.f32 $2.000000030e-01, v4;
	vm13 =	vge.f32 v1, $0.0e+00;
	(erf) = vpow2.f32 v8;
	[tilespmem:s0+$0x1C0] =	vst v3  }
0x1ee: {  	vm12 =	vge.f32 v4, $0.0e+00;
	v2 =	vld [tilespmem:s0+$0x1D0];
	v1 =	vsel vm13, v1, v14;
	[tilespmem:s0+$0x180] =	vst v6;
	v6 =	vmul.f32 $1.442695020e+00, v7  }
0x1ef: {  	v13 =	vmul.f32 $2.000000030e-01, v5;
	v4 =	vsel vm12, v4, v12;
	v1 =	vmul.f32 $1.442695020e+00, v1;
	v7 =	vld [tilespmem:s23+$0x190]  }
0x1f0: {  	v9 =	vld [tilespmem:s0+$0xFFFFFE80];
	v4 =	vmul.f32 $1.442695020e+00, v4;
	(erf) = vpow2.f32 v6  }
0x1f1: {  	v10 =	vld [tilespmem:s0+$0xFFFFFF00];
	(erf) = vpow2.f32 v1  }
0x1f2: {  	v3 =	vld [tilespmem:s0+$0xFFFFFF80];
	(erf) = vpow2.f32 v4  }
0x1f3: {  	v11 =	vld [tilespmem:s0+$0xFFFFFE00];
	vm14 =	vge.f32 v5, $0.0e+00  }
0x1f4: {  	v8 =	vld [tilespmem:s0+$0x0];
	v1 =	vsel vm14, v5, v13;
	v13 =	vpop (erf);
	v2 =	vadd.f32 v7, v2  }
0x1f5: {  	v12 =	vld [tilespmem:s0+$0xFFFFFED0];
	v1 =	vmul.f32 $1.442695020e+00, v1;
	[tilespmem:s0+$0xFFFFFEC0] =	vst v13;
	v14 =	vpop (erf);
	v7 =	vmul.f32 v13, v9  }
0x1f6: {  	v6 =	vld [tilespmem:s0+$0x80];
	[tilespmem:s0+$0xFFFFFF40] =	vst v14;
	v10 =	vmul.f32 v14, v10;
	v14 =	vpop (erf);
	v13 =	vmul.f32 $2.000000030e-01, v2  }
0x1f7: {  	v9 =	vld [tilespmem:s0+$0xFFFFFF50];
	(erf) = vpow2.f32 v1;
	v3 =	vmul.f32 v14, v3;
	[tilespmem:s0+$0xFFFFFE80] =	vst v7;
	vm15 =	vge.f32 v2, $0.0e+00  }
0x1f8: {  	[tilespmem:s0+$0xFFFFFF00] =	vst v10;
	v15 =	vld [tilespmem:s23+$0xFFFFFE90];
	v2 =	vsel vm15, v2, v13  }
0x1f9: {  	[tilespmem:s0+$0xFFFFFFC0] =	vst v14;
	v17 =	vld [tilespmem:s23+$0xFFFFFF10];
	v14 =	vpop (erf);
	v2 =	vmul.f32 $1.442695020e+00, v2  }
0x1fa: {  	v1 =	vld [tilespmem:s0+$0xFFFFFFD0];
	[tilespmem:s0+$0xFFFFFF80] =	vst v3;
	v10 =	vpop (erf)  }
0x1fb: {  	v3 =	vpop (erf);
	(erf) = vpow2.f32 v2;
	v2 =	vld [tilespmem:s23+$0xFFFFFF90]  }
0x1fc: {  	v5 =	vld [tilespmem:s0+$0x100];
	v8 =	vmul.f32 v14, v8;
	[tilespmem:s0+$0x40] =	vst v14;
	v6 =	vmul.f32 v3, v6  }
0x1fd: {  	v4 =	vld [tilespmem:s0+$0xFFFFFE50];
	[tilespmem:s0+$0xFFFFFE40] =	vst v10  }
0x1fe: {  	v7 =	vld [tilespmem:s0+$0x50];
	v11 =	vmul.f32 v10, v11;
	v9 =	vadd.f32 v17, v9;
	[tilespmem:s0+$0x80] =	vst v6;
	v6 =	vadd.f32 v15, v12  }
0x1ff: {  	v13 =	vld [tilespmem:s0+$0xD0];
	[tilespmem:s0+$0x0] =	vst v8  }
0x200: {  	v10 =	vld [tilespmem:s0+$0x190];
	[tilespmem:s0+$0xFFFFFE00] =	vst v11;
	v8 =	vpop (erf);
	v14 =	vmul.f32 $2.000000030e-01, v9;
	v12 =	vmul.f32 $2.000000030e-01, v6;
	v1 =	vadd.f32 v2, v1  }
0x201: {  	[tilespmem:s0+$0xC0] =	vst v3;
	v5 =	vmul.f32 v8, v5;
	v2 =	vld [tilespmem:s23+$0xFFFFFE10];
	vm4 =	vge.f32 v6, $0.0e+00  }
0x202: {  	vm5 =	vge.f32 v9, $0.0e+00;
	[tilespmem:s0+$0x140] =	vst v8;
	v6 =	vsel vm4, v6, v12;
	v3 =	vmul.f32 $2.000000030e-01, v1;
	v12 =	vld [tilespmem:s23+$0x10]  }
0x203: {  	v8 =	vsel vm5, v9, v14;
	v9 =	vld [tilespmem:s23+$0x90];
	[tilespmem:s0+$0x100] =	vst v5;
	vm6 =	vge.f32 v1, $0.0e+00  }
0x204: {  	v6 =	vmul.f32 $1.442695020e+00, v6;
	v14 =	vpop (erf);
	v1 =	vsel vm6, v1, v3;
	v3 =	vld [tilespmem:s23+$0x110]  }
0x205: {  	s18 =	simm.s32 $0x2800;
	v24 =	vld [tilespmem:s0+$0xFFFFFF70];
	v8 =	vmul.f32 $1.442695020e+00, v8;
	v10 =	vmul.f32 v14, v10  }
0x206: {  	s19 =	simm.s32 $0x6800;
	v40 =	vld [tilespmem:s18+$0xC0];
	(erf) = vpow2.f32 v6;
	v1 =	vmul.f32 $1.442695020e+00, v1  }
0x207: {  	v29 =	vld [tilespmem:s19+$0x80];
	v2 =	vadd.f32 v2, v4;
	[tilespmem:s0+$0x1D0] =	vst v14;
	(erf) = vpow2.f32 v8;
	v6 =	vadd.f32 v12, v7  }
0x208: {  	v8 =	vadd.f32 v9, v13;
	[tilespmem:s0+$0x190] =	vst v10;
	v7 =	vld [tilespmem:s0+$0x1E0];
	(erf) = vpow2.f32 v1  }
0x209: {  	v1 =	vmul.f32 $2.000000030e-01, v2;
	v9 =	vld [tilespmem:s23+$0x1A0];
	v12 =	vmul.f32 $2.000000030e-01, v6;
	v3 =	vadd.f32 v3, v16  }
0x20a: {  	v30 =	vld [tilespmem:s18+$0x140];
	vm7 =	vge.f32 v2, $0.0e+00;
	vm8 =	vge.f32 v6, $0.0e+00  }
0x20b: {  	v32 =	vld [tilespmem:s18+$0x180];
	v1 =	vsel vm7, v2, v1;
	v6 =	vsel vm8, v6, v12;
	v12 =	vmul.f32 $2.000000030e-01, v3  }
0x20c: {  	v4 =	vld [tilespmem:s0+$0xFFFFFE90];
	v1 =	vmul.f32 $1.442695020e+00, v1  }
0x20d: {  	v10 =	vld [tilespmem:s0+$0xFFFFFF10];
	vm9 =	vge.f32 v8, $0.0e+00;
	v14 =	vmul.f32 $2.000000030e-01, v8  }
0x20e: {  	v2 =	vld [tilespmem:s0+$0xFFFFFF90];
	vm10 =	vge.f32 v3, $0.0e+00;
	(erf) = vpow2.f32 v1;
	v7 =	vadd.f32 v9, v7  }
0x20f: {  	v33 =	vld [tilespmem:s18+$0xFFFFFE40];
	v8 =	vsel vm9, v8, v14;
	v6 =	vmul.f32 $1.442695020e+00, v6;
	v3 =	vsel vm10, v3, v12;
	v12 =	vpop (erf)  }
0x210: {  	v36 =	vld [tilespmem:s18+$0xFFFFFE80];
	v8 =	vmul.f32 $1.442695020e+00, v8;
	v16 =	vmul.f32 $2.000000030e-01, v7;
	[tilespmem:s0+$0xFFFFFED0] =	vst v12;
	v17 =	vpop (erf)  }
0x211: {  	v15 =	vld [tilespmem:s0+$0xFFFFFEE0];
	(erf) = vpow2.f32 v6;
	vm11 =	vge.f32 v7, $0.0e+00;
	v4 =	vmul.f32 v12, v4;
	[tilespmem:s0+$0xFFFFFF50] =	vst v17;
	v12 =	vpop (erf)  }
0x212: {  	v1 =	vld [tilespmem:s0+$0xFFFFFF60];
	(erf) = vpow2.f32 v8;
	v8 =	vmul.f32 v17, v10;
	v7 =	vsel vm11, v7, v16;
	[tilespmem:s0+$0xFFFFFFD0] =	vst v12  }
0x213: {  	v9 =	vld [tilespmem:s0+$0xFFFFFFE0];
	[tilespmem:s0+$0xFFFFFE90] =	vst v4;
	v2 =	vmul.f32 v12, v2;
	v4 =	vmul.f32 $1.442695020e+00, v7  }
0x214: {  	v3 =	vmul.f32 $1.442695020e+00, v3;
	v7 =	vld [tilespmem:s23+$0xFFFFFEA0];
	[tilespmem:s0+$0xFFFFFF10] =	vst v8  }
0x215: {  	v8 =	vld [tilespmem:s23+$0xFFFFFF20];
	[tilespmem:s0+$0xFFFFFF90] =	vst v2  }
0x216: {  	(erf) = vpow2.f32 v3;
	v2 =	vld [tilespmem:s23+$0xFFFFFFA0]  }
0x217: {  	v42 =	vld [tilespmem:s18+$0xFFFFFF00];
	(erf) = vpow2.f32 v4;
	v4 =	vpop (erf)  }
0x218: {  	v43 =	vld [tilespmem:s18+$0xFFFFFF80];
	v10 =	vmul.f32 v4, v18  }
0x219: {  	v44 =	vld [tilespmem:s18+$0x0];
	[tilespmem:s0+$0xFFFFFE50] =	vst v4;
	v4 =	vadd.f32 v7, v15  }
0x21a: {  	v13 =	vld [tilespmem:s0+$0xFFFFFE60];
	v7 =	vpop (erf);
	[tilespmem:s0+$0xFFFFFE10] =	vst v10;
	v1 =	vadd.f32 v8, v1  }
0x21b: {  	v8 =	vmul.f32 v7, v19;
	v19 =	vld [tilespmem:s23+$0xFFFFFE20];
	v21 =	vmul.f32 $2.000000030e-01, v4;
	v2 =	vadd.f32 v2, v9  }
0x21c: {  	v46 =	vld [tilespmem:s18+$0x80];
	[tilespmem:s0+$0x50] =	vst v7;
	vm12 =	vge.f32 v4, $0.0e+00;
	v7 =	vmul.f32 $2.000000030e-01, v1  }
0x21d: {  	v50 =	vld [tilespmem:s18+$0x100];
	[tilespmem:s0+$0x10] =	vst v8;
	vm13 =	vge.f32 v1, $0.0e+00;
	v8 =	vmul.f32 $2.000000030e-01, v2;
	v4 =	vsel vm12, v4, v21  }
0x21e: {  	v51 =	vld [tilespmem:s18+$0xFFFFFE50];
	vm14 =	vge.f32 v2, $0.0e+00;
	v1 =	vsel vm13, v1, v7;
	v4 =	vmul.f32 $1.442695020e+00, v4  }
0x21f: {  	v11 =	vld [tilespmem:s0+$0x90];
	v2 =	vsel vm14, v2, v8;
	v1 =	vmul.f32 $1.442695020e+00, v1  }
0x220: {  	v5 =	vld [tilespmem:s0+$0x110];
	v13 =	vadd.f32 v19, v13;
	v2 =	vmul.f32 $1.442695020e+00, v2;
	(erf) = vpow2.f32 v4  }
0x221: {  	v14 =	vld [tilespmem:s0+$0x60];
	(erf) = vpow2.f32 v1  }
0x222: {  	v15 =	vld [tilespmem:s0+$0x1A0];
	v4 =	vmul.f32 $2.000000030e-01, v13;
	(erf) = vpow2.f32 v2  }
0x223: {  	v6 =	vld [tilespmem:s0+$0xFFFFFEA0];
	v18 =	vpop (erf);
	vm15 =	vge.f32 v13, $0.0e+00  }
0x224: {  	v3 =	vld [tilespmem:s0+$0xFFFFFFA0];
	v9 =	vmul.f32 v18, v11;
	v22 =	vpop (erf);
	[tilespmem:s0+$0xD0] =	vst v18;
	v2 =	vsel vm15, v13, v4  }
0x225: {  	v17 =	vld [tilespmem:s0+$0xE0];
	v5 =	vmul.f32 v22, v5;
	[tilespmem:s0+$0x150] =	vst v22;
	v2 =	vmul.f32 $1.442695020e+00, v2  }
0x226: {  	[tilespmem:s0+$0x90] =	vst v9;
	v9 =	vld [tilespmem:s23+$0x20];
	v7 =	vpop (erf)  }
0x227: {  	v18 =	vld [tilespmem:s23+$0xA0];
	[tilespmem:s0+$0x110] =	vst v5;
	v8 =	vmul.f32 v7, v15;
	(erf) = vpow2.f32 v2  }
0x228: {  	v21 =	vld [tilespmem:s23+$0x120];
	[tilespmem:s0+$0x1E0] =	vst v7  }
0x229: {  	v19 =	vld [tilespmem:s0+$0x1F0];
	[tilespmem:s0+$0x1A0] =	vst v8;
	v25 =	vpop (erf)  }
0x22a: {  	v1 =	vld [tilespmem:s23+$0x1B0];
	v26 =	vpop (erf)  }
0x22b: {  	v53 =	vld [tilespmem:s18+$0xFFFFFF50];
	v14 =	vadd.f32 v9, v14;
	[tilespmem:s0+$0xFFFFFEE0] =	vst v25;
	v25 =	vmul.f32 v25, v6;
	v27 =	vpop (erf)  }
0x22c: {  	v16 =	vld [tilespmem:s0+$0xFFFFFE20];
	v17 =	vadd.f32 v18, v17;
	v20 =	vmul.f32 v26, v20;
	[tilespmem:s0+$0xFFFFFFE0] =	vst v27  }
0x22d: {  	v22 =	vld [tilespmem:s0+$0xFFFFFEF0];
	v28 =	vmul.f32 $2.000000030e-01, v14;
	[tilespmem:s0+$0xFFFFFEA0] =	vst v25;
	v3 =	vmul.f32 v27, v3  }
0x22e: {  	vm4 =	vge.f32 v14, $0.0e+00;
	v21 =	vadd.f32 v21, v23;
	v2 =	vld [tilespmem:s0+$0xFFFFFFF0];
	[tilespmem:s0+$0xFFFFFF20] =	vst v20;
	v20 =	vmul.f32 $2.000000030e-01, v17  }
0x22f: {  	vm5 =	vge.f32 v17, $0.0e+00;
	v14 =	vsel vm4, v14, v28;
	v18 =	vadd.f32 v1, v19;
	v19 =	vld [tilespmem:s23+$0xFFFFFEB0];
	[tilespmem:s0+$0xFFFFFFA0] =	vst v3  }
0x230: {  	v14 =	vmul.f32 $1.442695020e+00, v14;
	[tilespmem:s0+$0xFFFFFF60] =	vst v26;
	v25 =	vld [tilespmem:s23+$0xFFFFFFB0];
	v17 =	vsel vm5, v17, v20;
	v20 =	vmul.f32 $2.000000030e-01, v21;
	v1 =	vpop (erf)  }
0x231: {  	v23 =	vld [tilespmem:s23+$0xFFFFFF30];
	v3 =	vmul.f32 v1, v16;
	v16 =	vmul.f32 $2.000000030e-01, v18  }
0x232: {  	v15 =	vld [tilespmem:s0+$0xFFFFFE70];
	vm7 =	vge.f32 v21, $0.0e+00;
	(erf) = vpow2.f32 v14;
	vm6 =	vge.f32 v18, $0.0e+00;
	[tilespmem:s0+$0xFFFFFE60] =	vst v1  }
0x233: {  	v14 =	vsel vm7, v21, v20;
	v20 =	vld [tilespmem:s19+$0x180];
	[tilespmem:s0+$0xFFFFFE20] =	vst v3;
	v3 =	vmul.f32 $1.442695020e+00, v17;
	v16 =	vsel vm6, v18, v16  }
0x234: {  	v17 =	vld [tilespmem:s23+$0xFFFFFE30];
	v16 =	vmul.f32 $1.442695020e+00, v16  }
0x235: {  	v19 =	vadd.f32 v19, v22;
	v18 =	vld [tilespmem:s18+$0x1C0];
	v21 =	vadd.f32 v25, v2;
	(erf) = vpow2.f32 v3  }
0x236: {  	v54 =	vld [tilespmem:s18+$0xFFFFFFD0];
	v14 =	vmul.f32 $1.442695020e+00, v14;
	(erf) = vpow2.f32 v16;
	v16 =	vadd.f32 v23, v24  }
0x237: {  	v56 =	vld [tilespmem:s18+$0xD0];
	vm8 =	vge.f32 v19, $0.0e+00;
	v22 =	vmul.f32 $2.000000030e-01, v19;
	v25 =	vmul.f32 $2.000000030e-01, v21  }
0x238: {  	v39 =	vld [tilespmem:s18+$0x150];
	vm10 =	vge.f32 v21, $0.0e+00;
	(erf) = vpow2.f32 v14;
	vm9 =	vge.f32 v16, $0.0e+00  }
0x239: {  	v62 =	vld [tilespmem:s18+$0x190];
	v23 =	vmul.f32 $2.000000030e-01, v16;
	v21 =	vsel vm10, v21, v25;
	v15 =	vadd.f32 v17, v15  }
0x23a: {  	v12 =	vld [tilespmem:s0+$0x20];
	v18 =	vadd.f32 v20, v18;
	v17 =	vsel vm8, v19, v22;
	v21 =	vmul.f32 $1.442695020e+00, v21  }
0x23b: {  	v20 =	vld [tilespmem:s19+$0xFFFFFE80];
	v16 =	vsel vm9, v16, v23;
	v17 =	vmul.f32 $1.442695020e+00, v17;
	v22 =	vmul.f32 $2.000000030e-01, v15  }
0x23c: {  	v19 =	vld [tilespmem:s18+$0xFFFFFEC0];
	v25 =	vmul.f32 $2.000000030e-01, v18;
	v16 =	vmul.f32 $1.442695020e+00, v16;
	vm11 =	vge.f32 v15, $0.0e+00  }
0x23d: {  	v26 =	vld [tilespmem:s19+$0xFFFFFF00];
	vm12 =	vge.f32 v18, $0.0e+00;
	(erf) = vpow2.f32 v17;
	v15 =	vsel vm11, v15, v22  }
0x23e: {  	v23 =	vld [tilespmem:s18+$0xFFFFFF40];
	(erf) = vpow2.f32 v16;
	v16 =	vsel vm12, v18, v25;
	v15 =	vmul.f32 $1.442695020e+00, v15  }
0x23f: {  	v17 =	vld [tilespmem:s18+$0xFFFFFFC0];
	(erf) = vpow2.f32 v21;
	v16 =	vmul.f32 $1.442695020e+00, v16  }
0x240: {  	v18 =	vld [tilespmem:s19+$0xFFFFFF80];
	(erf) = vpow2.f32 v15  }
0x241: {  	v10 =	vld [tilespmem:s0+$0xA0];
	(erf) = vpow2.f32 v16;
	v16 =	vadd.f32 v20, v19  }
0x242: {  	v24 =	vld [tilespmem:s19+$0xFFFFFE00]  }
0x243: {  	v11 =	vld [tilespmem:s0+$0x120];
	v22 =	vpop (erf);
	v19 =	vmul.f32 $2.000000030e-01, v16  }
0x244: {  	v27 =	vld [tilespmem:s19+$0x0];
	v23 =	vadd.f32 v26, v23;
	v21 =	vpop (erf);
	vm13 =	vge.f32 v16, $0.0e+00  }
0x245: {  	v25 =	vld [tilespmem:s18+$0x40];
	v15 =	vpop (erf);
	v31 =	vadd.f32 v18, v17;
	v17 =	vsel vm13, v16, v19  }
0x246: {  	v5 =	vld [tilespmem:s0+$0x70];
	v28 =	vadd.f32 v29, v40;
	v20 =	vpop (erf);
	v19 =	vmul.f32 $2.000000030e-01, v23  }
0x247: {  	v7 =	vld [tilespmem:s0+$0x170];
	v24 =	vadd.f32 v24, v33;
	v16 =	vpop (erf)  }
0x248: {  	v9 =	vld [tilespmem:s0+$0xFFFFFF30];
	v38 =	vmul.f32 $2.000000030e-01, v28;
	vm5 =	vge.f32 v28, $0.0e+00;
	v34 =	vmul.f32 $1.442695020e+00, v17;
	v17 =	vpop (erf)  }
0x249: {  	v8 =	vld [tilespmem:s0+$0xFFFFFEB0];
	v47 =	vmul.f32 $2.000000030e-01, v24;
	vm6 =	vge.f32 v24, $0.0e+00;
	vm14 =	vge.f32 v23, $0.0e+00;
	v18 =	vpop (erf)  }
0x24a: {  	v26 =	vld [tilespmem:s19+$0x100];
	v25 =	vadd.f32 v27, v25;
	v35 =	vmul.f32 $2.000000030e-01, v31;
	v23 =	vsel vm14, v23, v19;
	v19 =	vpop (erf)  }
0x24b: {  	v4 =	vld [tilespmem:s0+$0xF0];
	vm15 =	vge.f32 v31, $0.0e+00;
	v23 =	vmul.f32 $1.442695020e+00, v23;
	(erf) = vpow2.f32 v34;
	v37 =	vpop (erf)  }
0x24c: {  	v13 =	vld [tilespmem:s0+$0xFFFFFE30];
	v41 =	vmul.f32 $2.000000030e-01, v25;
	v31 =	vsel vm15, v31, v35;
	v32 =	vmul.f32 v37, v32  }
0x24d: {  	v6 =	vld [tilespmem:s0+$0xFFFFFFB0];
	vm4 =	vge.f32 v25, $0.0e+00;
	v45 =	vmul.f32 $1.442695020e+00, v31;
	(erf) = vpow2.f32 v23;
	[tilespmem:s18+$0x1C0] =	vst v37  }
0x24e: {  	v28 =	vsel vm5, v28, v38;
	v24 =	vsel vm6, v24, v47;
	v25 =	vsel vm4, v25, v41;
	v23 =	vld [tilespmem:s18+$0x1D0];
	[tilespmem:s18+$0x180] =	vst v32  }
0x24f: {  	v26 =	vadd.f32 v26, v30;
	v25 =	vmul.f32 $1.442695020e+00, v25;
	(erf) = vpow2.f32 v45;
	v49 =	vld [tilespmem:s19+$0x190]  }
0x250: {  	v38 =	vld [tilespmem:s18+$0xFFFFFE90];
	v28 =	vmul.f32 $1.442695020e+00, v28;
	v24 =	vmul.f32 $1.442695020e+00, v24  }
0x251: {  	v1 =	vld [tilespmem:s0+$0x30];
	v48 =	vmul.f32 $2.000000030e-01, v26;
	(erf) = vpow2.f32 v25  }
0x252: {  	v2 =	vld [tilespmem:s0+$0x130];
	vm7 =	vge.f32 v26, $0.0e+00;
	(erf) = vpow2.f32 v24  }
0x253: {  	v3 =	vld [tilespmem:s0+$0xB0];
	v10 =	vmul.f32 v21, v10;
	v26 =	vsel vm7, v26, v48;
	(erf) = vpow2.f32 v28  }
0x254: {  	v14 =	vld [tilespmem:s0+$0x1B0];
	[tilespmem:s0+$0xE0] =	vst v21;
	v26 =	vmul.f32 $1.442695020e+00, v26;
	v52 =	vpop (erf);
	v23 =	vadd.f32 v49, v23  }
0x255: {  	v21 =	vld [tilespmem:s18+$0x20];
	[tilespmem:s0+$0xA0] =	vst v10;
	v24 =	vmul.f32 v52, v36  }
0x256: {  	v27 =	vld [tilespmem:s18+$0xFFFFFE00];
	(erf) = vpow2.f32 v26;
	[tilespmem:s18+$0xFFFFFEC0] =	vst v52;
	v57 =	vpop (erf);
	v26 =	vmul.f32 $2.000000030e-01, v23  }
0x257: {  	v25 =	vld [tilespmem:s18+$0xFFFFFED0];
	v29 =	vmul.f32 v57, v42;
	[tilespmem:s18+$0xFFFFFE80] =	vst v24;
	vm8 =	vge.f32 v23, $0.0e+00  }
0x258: {  	[tilespmem:s18+$0xFFFFFF40] =	vst v57;
	v58 =	vpop (erf);
	v55 =	vld [tilespmem:s19+$0xFFFFFE90];
	v23 =	vsel vm8, v23, v26  }
0x259: {  	v10 =	vld [tilespmem:s18+$0x120];
	v35 =	vmul.f32 v58, v43;
	[tilespmem:s18+$0xFFFFFF00] =	vst v29;
	v23 =	vmul.f32 $1.442695020e+00, v23  }
0x25a: {  	[tilespmem:s18+$0xFFFFFFC0] =	vst v58;
	v59 =	vpop (erf);
	v40 =	vld [tilespmem:s19+$0xFFFFFF10]  }
0x25b: {  	v30 =	vld [tilespmem:s18+$0x10];
	v60 =	vpop (erf);
	[tilespmem:s18+$0xFFFFFF80] =	vst v35;
	(erf) = vpow2.f32 v23;
	v23 =	vmul.f32 v59, v44  }
0x25c: {  	[tilespmem:s18+$0x40] =	vst v59;
	v42 =	vpop (erf);
	v35 =	vld [tilespmem:s19+$0xFFFFFF90]  }
0x25d: {  	v41 =	vld [tilespmem:s18+$0xFFFFFF10];
	v25 =	vadd.f32 v55, v25;
	[tilespmem:s18+$0x0] =	vst v23;
	v23 =	vmul.f32 v42, v46  }
0x25e: {  	v37 =	vld [tilespmem:s18+$0x160];
	v27 =	vmul.f32 v60, v27;
	[tilespmem:s18+$0xFFFFFE40] =	vst v60  }
0x25f: {  	v24 =	vld [tilespmem:s18+$0x50];
	v61 =	vpop (erf);
	v63 =	vmul.f32 $2.000000030e-01, v25;
	[tilespmem:s18+$0x80] =	vst v23;
	v23 =	vadd.f32 v40, v53  }
0x260: {  	[tilespmem:s18+$0xFFFFFE00] =	vst v27;
	v27 =	vmul.f32 v61, v50;
	vm9 =	vge.f32 v25, $0.0e+00;
	v46 =	vld [tilespmem:s19+$0x10]  }
0x261: {  	[tilespmem:s18+$0xC0] =	vst v42;
	v45 =	vld [tilespmem:s19+$0xFFFFFE10];
	v28 =	vadd.f32 v35, v54;
	v25 =	vsel vm9, v25, v63;
	v44 =	vmul.f32 $2.000000030e-01, v23  }
0x262: {  	v36 =	vld [tilespmem:s18+$0xFFFFFE60];
	[tilespmem:s18+$0x140] =	vst v61;
	v25 =	vmul.f32 $1.442695020e+00, v25;
	vm10 =	vge.f32 v23, $0.0e+00  }
0x263: {  	v12 =	vmul.f32 v22, v12;
	[tilespmem:s18+$0x100] =	vst v27;
	v35 =	vmul.f32 $2.000000030e-01, v28;
	v48 =	vld [tilespmem:s19+$0x90];
	v23 =	vsel vm10, v23, v44  }
0x264: {  	vm11 =	vge.f32 v28, $0.0e+00;
	(erf) = vpow2.f32 v25;
	v25 =	vld [tilespmem:s19+$0x110];
	v47 =	vpop (erf);
	v23 =	vmul.f32 $1.442695020e+00, v23  }
0x265: {  	v52 =	vld [tilespmem:s18+$0xFFFFFEE0];
	v28 =	vsel vm11, v28, v35;
	v24 =	vadd.f32 v46, v24;
	v49 =	vmul.f32 v47, v62  }
0x266: {  	v43 =	vld [tilespmem:s18+$0xFFFFFF90];
	v28 =	vmul.f32 $1.442695020e+00, v28;
	[tilespmem:s18+$0x1D0] =	vst v47;
	(erf) = vpow2.f32 v23;
	v23 =	vadd.f32 v45, v51  }
0x267: {  	v11 =	vmul.f32 v20, v11;
	v50 =	vld [tilespmem:s18+$0x1E0];
	v55 =	vmul.f32 $2.000000030e-01, v24;
	[tilespmem:s18+$0x190] =	vst v49  }
0x268: {  	v31 =	vadd.f32 v48, v56;
	(erf) = vpow2.f32 v28;
	v51 =	vld [tilespmem:s19+$0x1A0];
	v53 =	vmul.f32 $2.000000030e-01, v23  }
0x269: {  	v58 =	vld [tilespmem:s18+$0x60];
	vm13 =	vge.f32 v24, $0.0e+00;
	v25 =	vadd.f32 v25, v39;
	vm12 =	vge.f32 v23, $0.0e+00  }
0x26a: {  	v26 =	vld [tilespmem:s18+$0xFFFFFE10];
	v57 =	vmul.f32 $2.000000030e-01, v31;
	v24 =	vsel vm13, v24, v55;
	v23 =	vsel vm12, v23, v53  }
0x26b: {  	[tilespmem:s0+$0x60] =	vst v22;
	v54 =	vld [tilespmem:s18+$0xFFFFFF60];
	vm14 =	vge.f32 v31, $0.0e+00;
	v24 =	vmul.f32 $1.442695020e+00, v24;
	v23 =	vmul.f32 $1.442695020e+00, v23  }
0x26c: {  	[tilespmem:s0+$0x20] =	vst v12;
	v27 =	vld [tilespmem:s18+$0x110];
	v39 =	vmul.f32 $2.000000030e-01, v25;
	v22 =	vsel vm14, v31, v57;
	vm15 =	vge.f32 v25, $0.0e+00  }
0x26d: {  	[tilespmem:s0+$0x160] =	vst v20;
	v40 =	vld [tilespmem:s18+$0x90];
	v59 =	vmul.f32 $1.442695020e+00, v22;
	v12 =	vpop (erf);
	v28 =	vadd.f32 v51, v50;
	(erf) = vpow2.f32 v23  }
0x26e: {  	v46 =	vld [tilespmem:s18+$0x1A0];
	[tilespmem:s18+$0xFFFFFED0] =	vst v12;
	v12 =	vmul.f32 v12, v38;
	v23 =	vsel vm15, v25, v39;
	(erf) = vpow2.f32 v24  }
0x26f: {  	[tilespmem:s0+$0x120] =	vst v11;
	v56 =	vld [tilespmem:s18+$0xFFFFFFE0];
	v63 =	vmul.f32 $1.442695020e+00, v23;
	v60 =	vmul.f32 $2.000000030e-01, v28;
	v24 =	vpop (erf)  }
0x270: {  	v47 =	vld [tilespmem:s23+$0x30];
	[tilespmem:s18+$0xFFFFFE90] =	vst v12;
	vm4 =	vge.f32 v28, $0.0e+00;
	(erf) = vpow2.f32 v59;
	v62 =	vmul.f32 v24, v41  }
0x271: {  	v55 =	vld [tilespmem:s23+$0x130];
	[tilespmem:s18+$0xFFFFFF50] =	vst v24;
	v61 =	vpop (erf);
	(erf) = vpow2.f32 v63;
	v28 =	vsel vm4, v28, v60  }
0x272: {  	v12 =	vmul.f32 v61, v43;
	v43 =	vld [tilespmem:s19+$0xFFFFFEA0];
	v28 =	vmul.f32 $1.442695020e+00, v28;
	[tilespmem:s18+$0xFFFFFF10] =	vst v62  }
0x273: {  	[tilespmem:s18+$0xFFFFFFD0] =	vst v61;
	v38 =	vld [tilespmem:s19+$0xFFFFFF20]  }
0x274: {  	v14 =	vmul.f32 v15, v14;
	v31 =	vld [tilespmem:s18+$0xE0];
	[tilespmem:s18+$0xFFFFFF90] =	vst v12;
	(erf) = vpow2.f32 v28  }
0x275: {  	[tilespmem:s0+$0x1F0] =	vst v15;
	v44 =	vld [tilespmem:s19+$0xFFFFFFA0]  }
0x276: {  	[tilespmem:s0+$0x1B0] =	vst v14;
	v22 =	vld [tilespmem:s18+$0xFFFFFE20];
	v11 =	vpop (erf)  }
0x277: {  	v25 =	vld [tilespmem:s18+$0xFFFFFEA0];
	v20 =	vadd.f32 v43, v52;
	[tilespmem:s18+$0xFFFFFE50] =	vst v11;
	v11 =	vmul.f32 v11, v26;
	v26 =	vpop (erf)  }
0x278: {  	v53 =	vmul.f32 v19, v13;
	v50 =	vld [tilespmem:s23+$0xB0];
	v45 =	vadd.f32 v38, v54;
	[tilespmem:s18+$0x50] =	vst v26;
	v26 =	vmul.f32 v26, v30  }
0x279: {  	v57 =	vadd.f32 v47, v5;
	v23 =	vld [tilespmem:s18+$0xFFFFFFA0];
	v48 =	vpop (erf);
	v49 =	vmul.f32 $2.000000030e-01, v20;
	vm5 =	vge.f32 v20, $0.0e+00;
	[tilespmem:s18+$0xFFFFFE10] =	vst v11  }
0x27a: {  	v59 =	vld [tilespmem:s18+$0xFFFFFEF0];
	v28 =	vadd.f32 v44, v56;
	v11 =	vmul.f32 v48, v40;
	v52 =	vpop (erf);
	v51 =	vmul.f32 $2.000000030e-01, v45;
	[tilespmem:s18+$0x10] =	vst v26  }
0x27b: {  	v26 =	vld [tilespmem:s19+$0xFFFFFE20];
	v20 =	vsel vm5, v20, v49;
	vm6 =	vge.f32 v45, $0.0e+00;
	v27 =	vmul.f32 v52, v27;
	[tilespmem:s18+$0x150] =	vst v52  }
0x27c: {  	v13 =	vmul.f32 $2.000000030e-01, v28;
	[tilespmem:s18+$0x90] =	vst v11;
	v11 =	vld [tilespmem:s19+$0x20];
	v20 =	vmul.f32 $1.442695020e+00, v20;
	v29 =	vsel vm6, v45, v51  }
0x27d: {  	v15 =	vmul.f32 $2.000000030e-01, v57;
	v24 =	vld [tilespmem:s18+$0xFFFFFF20];
	vm7 =	vge.f32 v28, $0.0e+00;
	[tilespmem:s18+$0x110] =	vst v27;
	v54 =	vpop (erf);
	v29 =	vmul.f32 $1.442695020e+00, v29  }
0x27e: {  	[tilespmem:s18+$0xD0] =	vst v48;
	v28 =	vsel vm7, v28, v13;
	(erf) = vpow2.f32 v20;
	v14 =	vld [tilespmem:s19+$0x120];
	v32 =	vmul.f32 v54, v46  }
0x27f: {  	v33 =	vadd.f32 v50, v4;
	v56 =	vld [tilespmem:s19+$0xA0];
	v27 =	vmul.f32 v17, v9;
	[tilespmem:s18+$0x1E0] =	vst v54;
	v28 =	vmul.f32 $1.442695020e+00, v28  }
0x280: {  	v20 =	vadd.f32 v26, v36;
	v26 =	vmul.f32 v16, v8;
	(erf) = vpow2.f32 v29;
	v8 =	vld [tilespmem:s18+$0x1F0];
	[tilespmem:s18+$0x1A0] =	vst v32  }
0x281: {  	(erf) = vpow2.f32 v28;
	v5 =	vadd.f32 v11, v58;
	v58 =	vmul.f32 v18, v6;
	v9 =	vld [tilespmem:s19+$0x1B0]  }
0x282: {  	[tilespmem:s0+$0xFFFFFFF0] =	vst v18;
	v12 =	vld [tilespmem:s18+$0xA0];
	v30 =	vadd.f32 v55, v7;
	v18 =	vmul.f32 $2.000000030e-01, v33;
	v11 =	vmul.f32 $2.000000030e-01, v20  }
0x283: {  	v7 =	vld [tilespmem:s18+$0xFFFFFE30];
	vm8 =	vge.f32 v20, $0.0e+00;
	v4 =	vmul.f32 $2.000000030e-01, v5;
	v14 =	vadd.f32 v14, v37  }
0x284: {  	[tilespmem:s0+$0xFFFFFF70] =	vst v17;
	v17 =	vld [tilespmem:s18+$0xFFFFFFF0];
	vm9 =	vge.f32 v5, $0.0e+00;
	v6 =	vsel vm8, v20, v11;
	v11 =	vadd.f32 v56, v31  }
0x285: {  	[tilespmem:s0+$0xFFFFFEF0] =	vst v16;
	v13 =	vld [tilespmem:s18+$0xFFFFFE70];
	v16 =	vmul.f32 $1.442695020e+00, v6;
	v4 =	vsel vm9, v5, v4;
	v62 =	vmul.f32 $2.000000030e-01, v14  }
0x286: {  	v20 =	vld [tilespmem:s18+$0xFFFFFF70];
	vm12 =	vge.f32 v14, $0.0e+00;
	v9 =	vadd.f32 v9, v8;
	v8 =	vmul.f32 $2.000000030e-01, v11  }
0x287: {  	[tilespmem:s0+$0xFFFFFE70] =	vst v19;
	v6 =	vld [tilespmem:s18+$0x70];
	vm10 =	vge.f32 v11, $0.0e+00;
	(erf) = vpow2.f32 v16;
	v16 =	vmul.f32 $1.442695020e+00, v4;
	v60 =	vpop (erf)  }
0x288: {  	[tilespmem:s0+$0xFFFFFE30] =	vst v53;
	v5 =	vld [tilespmem:s18+$0xF0];
	v14 =	vsel vm12, v14, v62;
	v25 =	vmul.f32 v60, v25;
	v19 =	vmul.f32 $2.000000030e-01, v9  }
0x289: {  	[tilespmem:s0+$0xFFFFFEB0] =	vst v26;
	v4 =	vld [tilespmem:s18+$0x170];
	v11 =	vsel vm10, v11, v8;
	vm11 =	vge.f32 v9, $0.0e+00;
	(erf) = vpow2.f32 v16  }
0x28a: {  	v61 =	vpop (erf);
	v8 =	vld [tilespmem:s18+$0xFFFFFEB0];
	v26 =	vmul.f32 $1.442695020e+00, v11;
	[tilespmem:s18+$0xFFFFFEA0] =	vst v25;
	v25 =	vmul.f32 $1.442695020e+00, v14;
	v19 =	vsel vm11, v9, v19  }
0x28b: {  	vm13 =	vge.f32 v57, $0.0e+00;
	[tilespmem:s18+$0xFFFFFEE0] =	vst v60;
	v11 =	vld [tilespmem:s18+$0xFFFFFFB0];
	v24 =	vmul.f32 v61, v24;
	v16 =	vpop (erf);
	v19 =	vmul.f32 $1.442695020e+00, v19  }
0x28c: {  	vm14 =	vge.f32 v33, $0.0e+00;
	v14 =	vld [tilespmem:s18+$0x30];
	[tilespmem:s18+$0xFFFFFFE0] =	vst v16;
	(erf) = vpow2.f32 v26;
	v16 =	vmul.f32 v16, v23  }
0x28d: {  	v63 =	vmul.f32 $2.000000030e-01, v30;
	vm15 =	vge.f32 v30, $0.0e+00;
	[tilespmem:s18+$0xFFFFFF60] =	vst v61;
	v9 =	vld [tilespmem:s18+$0xFFFFFF30];
	(erf) = vpow2.f32 v19  }
0x28e: {  	v18 =	vsel vm14, v33, v18;
	v26 =	vld [tilespmem:s19+$0xFFFFFEB0];
	[tilespmem:s18+$0xFFFFFF20] =	vst v24;
	v19 =	vsel vm13, v57, v15;
	(erf) = vpow2.f32 v25  }
0x28f: {  	[tilespmem:s0+$0xFFFFFF30] =	vst v27;
	v18 =	vmul.f32 $1.442695020e+00, v18;
	v23 =	vsel vm15, v30, v63;
	v24 =	vld [tilespmem:s19+$0xFFFFFF30];
	v19 =	vmul.f32 $1.442695020e+00, v19  }
0x290: {  	v23 =	vmul.f32 $1.442695020e+00, v23;
	v15 =	vld [tilespmem:s18+$0xB0];
	[tilespmem:s18+$0xFFFFFFA0] =	vst v16;
	v16 =	vpop (erf)  }
0x291: {  	[tilespmem:s0+$0xFFFFFFB0] =	vst v58;
	v25 =	vld [tilespmem:s19+$0xFFFFFFB0];
	v27 =	vmul.f32 v16, v22;
	(erf) = vpow2.f32 v19  }
0x292: {  	[tilespmem:s18+$0xFFFFFE60] =	vst v16;
	v22 =	vld [tilespmem:s18+$0x1B0];
	(erf) = vpow2.f32 v18  }
0x293: {  	v16 =	vld [tilespmem:s18+$0x130];
	v19 =	vadd.f32 v26, v59;
	v18 =	vpop (erf);
	[tilespmem:s18+$0xFFFFFE20] =	vst v27;
	(erf) = vpow2.f32 v23  }
0x294: {  	s22 =	simm.s32 $0x2C00;
	s21 =	simm.s32 $0x8;
	s20 =	simm.s32 $0x6800;
	[tilespmem:s18+$0x60] =	vst v18;
	v18 =	vmul.f32 v18, v21;
	v23 =	vld [tilespmem:s19+$0xFFFFFE30]  }
.LBB2_7:
0x295: {  	v21 =	vld [tilespmem:s22+$0x1C0];
	vm0 =	vge.f32 v19, $0.0e+00;
	v26 =	vmul.f32 $2.000000030e-01, v19;
	v20 =	vadd.f32 v24, v20;
	s19 =	sadd.s32 $0x400, s19;
	v24 =	vpop (erf)  }
0x296: {  	s21 =	sadd.s32 $0x8, s21;
	v27 =	vld [tilespmem:s19+$0x180];
	v17 =	vadd.f32 v25, v17;
	[tilespmem:s18+$0x20] =	vst v18;
	v12 =	vmul.f32 v24, v12;
	v18 =	vpop (erf)  }
0x297: {  	p0 =	slt.u32 s21, $0x38;
	v25 =	vld [tilespmem:s19+$0xFFFFFE00];
	vm1 =	vge.f32 v20, $0.0e+00;
	v28 =	vmul.f32 $2.000000030e-01, v20;
	[tilespmem:s18+$0xE0] =	vst v24;
	v22 =	vmul.f32 v18, v22;
	v24 =	vpop (erf)  }
0x298: {  	v29 =	vld [tilespmem:s22+$0xFFFFFEC0];
	vm2 =	vge.f32 v17, $0.0e+00;
	v30 =	vmul.f32 $2.000000030e-01, v17;
	[tilespmem:s18+$0xA0] =	vst v12;
	v31 =	vmul.f32 v24, v10  }
0x299: {  	v19 =	vsel vm0, v19, v26;
	v12 =	vld [tilespmem:s19+$0xFFFFFE80];
	v13 =	vadd.f32 v23, v13;
	v20 =	vsel vm1, v20, v28;
	[tilespmem:s18+$0x1B0] =	vst v22  }
0x29a: {  	v28 =	vmul.f32 $1.442695020e+00, v19;
	v22 =	vld [tilespmem:s22+$0xFFFFFF40];
	v20 =	vmul.f32 $1.442695020e+00, v20;
	v17 =	vsel vm2, v17, v30;
	[tilespmem:s18+$0x120] =	vst v31;
	v10 =	vpop (erf)  }
0x29b: {  	v23 =	vld [tilespmem:s19+$0xFFFFFF00];
	v21 =	vadd.f32 v27, v21;
	vm0 =	vge.f32 v13, $0.0e+00;
	v26 =	vmul.f32 $2.000000030e-01, v13;
	[tilespmem:s18+$0x160] =	vst v24;
	v24 =	vpop (erf)  }
0x29c: {  	v17 =	vmul.f32 $1.442695020e+00, v17;
	v27 =	vld [tilespmem:s22+$0xFFFFFFC0];
	(erf) = vpow2.f32 v28;
	[tilespmem:s0+$0x70] =	vst v10;
	v19 =	vpop (erf)  }
0x29d: {  	v28 =	vld [tilespmem:s19+$0xFFFFFF80];
	v30 =	vmul.f32 $2.000000030e-01, v21;
	v13 =	vsel vm0, v13, v26;
	(erf) = vpow2.f32 v20;
	[tilespmem:s0+$0xF0] =	vst v24  }
0x29e: {  	vm0 =	vge.f32 v21, $0.0e+00;
	v12 =	vadd.f32 v12, v29;
	v20 =	vld [tilespmem:s22+$0x40];
	v13 =	vmul.f32 $1.442695020e+00, v13;
	[tilespmem:s0+$0x170] =	vst v19  }
0x29f: {  	v10 =	vmul.f32 v10, v1;
	v1 =	vmovc v14;
	v26 =	vld [tilespmem:s19+$0x0];
	v21 =	vsel vm0, v21, v30;
	[tilespmem:s18+$0x1F0] =	vst v18;
	(erf) = vpow2.f32 v17  }
0x2a0: {  	v14 =	vmul.f32 $2.000000030e-01, v12;
	v17 =	vadd.f32 v23, v22;
	v18 =	vld [tilespmem:s22+$0xC0];
	v21 =	vmul.f32 $1.442695020e+00, v21  }
0x2a1: {  	vm0 =	vge.f32 v12, $0.0e+00;
	v22 =	vld [tilespmem:s19+$0x80];
	(erf) = vpow2.f32 v13;
	[tilespmem:s0+$0x30] =	vst v10;
	v10 =	vmul.f32 v24, v3;
	v3 =	vmovc v15  }
0x2a2: {  	v13 =	vmul.f32 $2.000000030e-01, v17;
	v15 =	vadd.f32 v28, v27;
	v23 =	vld [tilespmem:s22+$0x140];
	(erf) = vpow2.f32 v21  }
0x2a3: {  	v12 =	vsel vm0, v12, v14;
	vm0 =	vge.f32 v17, $0.0e+00;
	v14 =	vld [tilespmem:s19+$0x100];
	[tilespmem:s0+$0xB0] =	vst v10;
	v10 =	vmul.f32 v19, v2;
	v2 =	vmovc v16  }
0x2a4: {  	v16 =	vld [tilespmem:s22+$0xFFFFFE40];
	vm1 =	vge.f32 v15, $0.0e+00;
	v19 =	vmul.f32 $2.000000030e-01, v15;
	v20 =	vadd.f32 v26, v20  }
0x2a5: {  	v12 =	vmul.f32 $1.442695020e+00, v12;
	v13 =	vsel vm0, v17, v13;
	v21 =	vld [tilespmem:s22+$0xFFFFFE00];
	v17 =	vpop (erf);
	[tilespmem:s0+$0x130] =	vst v10;
	s0 =	smov.u32 s18;
	s18 =	smov.u32 s22  }
0x2a6: {  	v10 =	vld [tilespmem:s22+$0xFFFFFE80];
	vm0 =	vge.f32 v20, $0.0e+00;
	v24 =	vmul.f32 $2.000000030e-01, v20;
	v18 =	vadd.f32 v22, v18;
	[tilespmem:s0+$0xFFFFFEF0] =	vst v17;
	v22 =	vpop (erf)  }
0x2a7: {  	v13 =	vmul.f32 $1.442695020e+00, v13;
	v15 =	vsel vm1, v15, v19;
	v19 =	vld [tilespmem:s22+$0x180];
	(erf) = vpow2.f32 v12;
	[tilespmem:s0+$0xFFFFFF70] =	vst v22  }
0x2a8: {  	v12 =	vld [tilespmem:s22+$0xFFFFFF00];
	vm1 =	vge.f32 v18, $0.0e+00;
	v26 =	vmul.f32 $2.000000030e-01, v18;
	v14 =	vadd.f32 v14, v23;
	v23 =	vpop (erf)  }
0x2a9: {  	v15 =	vmul.f32 $1.442695020e+00, v15;
	v20 =	vsel vm0, v20, v24;
	v16 =	vadd.f32 v25, v16;
	v25 =	vld [tilespmem:s22+$0xFFFFFF80];
	[tilespmem:s0+$0xFFFFFFF0] =	vst v23  }
0x2aa: {  	v24 =	vld [tilespmem:s22+$0x0];
	v18 =	vsel vm1, v18, v26;
	vm0 =	vge.f32 v14, $0.0e+00;
	v26 =	vmul.f32 $2.000000030e-01, v14;
	v27 =	vpop (erf)  }
0x2ab: {  	v20 =	vmul.f32 $1.442695020e+00, v20;
	vm1 =	vge.f32 v16, $0.0e+00;
	v28 =	vmul.f32 $2.000000030e-01, v16;
	v29 =	vld [tilespmem:s22+$0x80];
	v30 =	vpop (erf);
	[tilespmem:s0+$0xFFFFFE70] =	vst v27  }
0x2ac: {  	v18 =	vmul.f32 $1.442695020e+00, v18;
	v14 =	vsel vm0, v14, v26;
	v26 =	vld [tilespmem:s22+$0x100];
	v19 =	vmul.f32 v30, v19  }
0x2ad: {  	v16 =	vsel vm1, v16, v28;
	v28 =	vld [tilespmem:s22+$0xFFFFFE50];
	v14 =	vmul.f32 $1.442695020e+00, v14;
	[tilespmem:s22+$0x1C0] =	vst v30;
	(erf) = vpow2.f32 v13  }
0x2ae: {  	v30 =	vmul.f32 $1.442695020e+00, v16;
	[tilespmem:s22+$0x180] =	vst v19;
	v16 =	vld [tilespmem:s22+$0x1D0];
	(erf) = vpow2.f32 v15  }
0x2af: {  	v7 =	vmul.f32 v27, v7;
	v15 =	vld [tilespmem:s19+$0x190];
	(erf) = vpow2.f32 v20  }
0x2b0: {  	v8 =	vmul.f32 v17, v8;
	v19 =	vld [tilespmem:s22+$0xFFFFFED0];
	(erf) = vpow2.f32 v30;
	v13 =	vpop (erf)  }
0x2b1: {  	[tilespmem:s22+$0xFFFFFEC0] =	vst v13;
	v10 =	vmul.f32 v13, v10;
	v20 =	vld [tilespmem:s22+$0xFFFFFF50];
	(erf) = vpow2.f32 v18  }
0x2b2: {  	v18 =	vld [tilespmem:s22+$0xFFFFFFD0];
	(erf) = vpow2.f32 v14;
	[tilespmem:s0+$0xFFFFFE30] =	vst v7;
	v7 =	vmul.f32 v22, v9  }
0x2b3: {  	[tilespmem:s22+$0xFFFFFE80] =	vst v10;
	v9 =	vld [tilespmem:s22+$0x50];
	v10 =	vmul.f32 v23, v11  }
0x2b4: {  	v11 =	vld [tilespmem:s19+$0xFFFFFE90];
	v13 =	vadd.f32 v15, v16;
	[tilespmem:s0+$0xFFFFFEB0] =	vst v8  }
0x2b5: {  	v14 =	vld [tilespmem:s22+$0xD0];
	[tilespmem:s0+$0xFFFFFF30] =	vst v7  }
0x2b6: {  	v15 =	vld [tilespmem:s22+$0x150];
	v8 =	vmul.f32 $2.000000030e-01, v13;
	v16 =	vpop (erf);
	[tilespmem:s0+$0xFFFFFFB0] =	vst v10  }
0x2b7: {  	vm0 =	vge.f32 v13, $0.0e+00;
	v7 =	vld [tilespmem:s22+$0xFFFFFE10];
	[tilespmem:s22+$0xFFFFFF40] =	vst v16;
	v10 =	vmul.f32 v16, v12;
	v12 =	vpop (erf)  }
0x2b8: {  	v22 =	vld [tilespmem:s22+$0xFFFFFE90];
	[tilespmem:s22+$0xFFFFFFC0] =	vst v12;
	v23 =	vmul.f32 v12, v25;
	v8 =	vsel vm0, v13, v8;
	v16 =	vpop (erf)  }
0x2b9: {  	v11 =	vadd.f32 v11, v19;
	[tilespmem:s22+$0xFFFFFF00] =	vst v10;
	v10 =	vld [tilespmem:s22+$0xFFFFFF10];
	v13 =	vmul.f32 v16, v24;
	v8 =	vmul.f32 $1.442695020e+00, v8;
	v19 =	vpop (erf)  }
0x2ba: {  	v17 =	vmul.f32 v19, v21;
	v21 =	vld [tilespmem:s19+$0xFFFFFF10];
	[tilespmem:s22+$0xFFFFFF80] =	vst v23;
	v12 =	vpop (erf)  }
0x2bb: {  	vm0 =	vge.f32 v11, $0.0e+00;
	v23 =	vld [tilespmem:s19+$0xFFFFFF90];
	[tilespmem:s22+$0x0] =	vst v13;
	v13 =	vmul.f32 v12, v29;
	v24 =	vpop (erf);
	(erf) = vpow2.f32 v8  }
0x2bc: {  	v8 =	vmul.f32 $2.000000030e-01, v11;
	[tilespmem:s22+$0xFFFFFE00] =	vst v17;
	v25 =	vld [tilespmem:s22+$0xFFFFFF90];
	v26 =	vmul.f32 v24, v26  }
0x2bd: {  	v17 =	vld [tilespmem:s22+$0x10];
	[tilespmem:s22+$0x80] =	vst v13  }
0x2be: {  	v8 =	vsel vm0, v11, v8;
	v13 =	vld [tilespmem:s22+$0x90];
	[tilespmem:s22+$0x100] =	vst v26  }
0x2bf: {  	v8 =	vmul.f32 $1.442695020e+00, v8;
	[tilespmem:s22+$0xFFFFFE40] =	vst v19;
	v19 =	vadd.f32 v21, v20;
	v11 =	vld [tilespmem:s22+$0x110]  }
0x2c0: {  	v18 =	vadd.f32 v23, v18;
	[tilespmem:s22+$0x40] =	vst v16;
	v16 =	vld [tilespmem:s22+$0x190]  }
0x2c1: {  	v20 =	vld [tilespmem:s19+$0xFFFFFE10];
	vm0 =	vge.f32 v19, $0.0e+00;
	v21 =	vmul.f32 $2.000000030e-01, v19;
	[tilespmem:s22+$0xC0] =	vst v12;
	(erf) = vpow2.f32 v8  }
0x2c2: {  	vm1 =	vge.f32 v18, $0.0e+00;
	v8 =	vmul.f32 $2.000000030e-01, v18;
	v12 =	vld [tilespmem:s19+$0x10];
	[tilespmem:s22+$0x140] =	vst v24  }
0x2c3: {  	v19 =	vsel vm0, v19, v21;
	v21 =	vld [tilespmem:s19+$0x90]  }
0x2c4: {  	v19 =	vmul.f32 $1.442695020e+00, v19;
	v18 =	vsel vm1, v18, v8;
	v23 =	vld [tilespmem:s19+$0x110];
	v24 =	vpop (erf)  }
0x2c5: {  	v8 =	vld [tilespmem:s22+$0xFFFFFE60];
	v18 =	vmul.f32 $1.442695020e+00, v18;
	v16 =	vmul.f32 v24, v16  }
0x2c6: {  	v20 =	vadd.f32 v20, v28;
	v26 =	vld [tilespmem:s22+$0xFFFFFEE0];
	[tilespmem:s22+$0x1D0] =	vst v24;
	(erf) = vpow2.f32 v19  }
0x2c7: {  	v9 =	vadd.f32 v12, v9;
	[tilespmem:s22+$0x190] =	vst v16;
	v12 =	vld [tilespmem:s22+$0x1E0];
	(erf) = vpow2.f32 v18  }
0x2c8: {  	vm0 =	vge.f32 v20, $0.0e+00;
	v16 =	vmul.f32 $2.000000030e-01, v20;
	v14 =	vadd.f32 v21, v14;
	v18 =	vld [tilespmem:s19+$0x1A0]  }
0x2c9: {  	v21 =	vld [tilespmem:s22+$0xFFFFFF60];
	vm1 =	vge.f32 v9, $0.0e+00;
	v19 =	vmul.f32 $2.000000030e-01, v9;
	v15 =	vadd.f32 v23, v15  }
0x2ca: {  	v16 =	vsel vm0, v20, v16;
	v20 =	vld [tilespmem:s22+$0xFFFFFFE0];
	vm0 =	vge.f32 v14, $0.0e+00;
	v23 =	vmul.f32 $2.000000030e-01, v14;
	v24 =	vpop (erf)  }
0x2cb: {  	[tilespmem:s22+$0xFFFFFED0] =	vst v24;
	v9 =	vsel vm1, v9, v19;
	v27 =	vld [tilespmem:s22+$0x60];
	vm1 =	vge.f32 v15, $0.0e+00;
	v19 =	vmul.f32 $2.000000030e-01, v15  }
0x2cc: {  	v28 =	vmul.f32 $1.442695020e+00, v16;
	v29 =	vmul.f32 $1.442695020e+00, v9;
	v9 =	vsel vm0, v14, v23;
	v23 =	vld [tilespmem:s22+$0xE0]  }
0x2cd: {  	v30 =	vmul.f32 $1.442695020e+00, v9;
	v9 =	vsel vm1, v15, v19;
	v19 =	vld [tilespmem:s22+$0x160];
	v12 =	vadd.f32 v18, v12  }
0x2ce: {  	v16 =	vld [tilespmem:s22+$0xFFFFFE20];
	v18 =	vmul.f32 $1.442695020e+00, v9;
	(erf) = vpow2.f32 v28  }
0x2cf: {  	v9 =	vld [tilespmem:s22+$0xFFFFFEA0];
	v28 =	vmul.f32 $2.000000030e-01, v12;
	v15 =	vpop (erf);
	(erf) = vpow2.f32 v29  }
0x2d0: {  	v22 =	vmul.f32 v24, v22;
	vm0 =	vge.f32 v12, $0.0e+00;
	[tilespmem:s22+$0xFFFFFF50] =	vst v15;
	v14 =	vld [tilespmem:s22+$0xFFFFFF20];
	v24 =	vpop (erf);
	(erf) = vpow2.f32 v30  }
0x2d1: {  	v10 =	vmul.f32 v15, v10;
	[tilespmem:s22+$0xFFFFFFD0] =	vst v24;
	v15 =	vld [tilespmem:s22+$0xFFFFFFA0];
	v12 =	vsel vm0, v12, v28;
	(erf) = vpow2.f32 v18  }
0x2d2: {  	[tilespmem:s22+$0xFFFFFE90] =	vst v22;
	v22 =	vmul.f32 v24, v25;
	v18 =	vld [tilespmem:s22+$0x20];
	v12 =	vmul.f32 $1.442695020e+00, v12  }
0x2d3: {  	v24 =	vld [tilespmem:s19+$0xFFFFFEA0];
	[tilespmem:s22+$0xFFFFFF10] =	vst v10  }
0x2d4: {  	v25 =	vld [tilespmem:s19+$0xFFFFFF20];
	[tilespmem:s22+$0xFFFFFF90] =	vst v22;
	(erf) = vpow2.f32 v12  }
0x2d5: {  	v22 =	vld [tilespmem:s19+$0xFFFFFFA0]  }
0x2d6: {  	v12 =	vld [tilespmem:s22+$0xA0]  }
0x2d7: {  	v10 =	vld [tilespmem:s22+$0x120];
	v28 =	vpop (erf)  }
0x2d8: {  	[tilespmem:s22+$0xFFFFFE50] =	vst v28;
	v7 =	vmul.f32 v28, v7;
	v24 =	vadd.f32 v24, v26;
	v26 =	vpop (erf);
	v28 =	vld [tilespmem:s20+$0x30]  }
0x2d9: {  	v21 =	vadd.f32 v25, v21;
	[tilespmem:s22+$0x50] =	vst v26;
	v17 =	vmul.f32 v26, v17;
	v25 =	vld [tilespmem:s22+$0x1A0];
	v26 =	vpop (erf)  }
0x2da: {  	[tilespmem:s22+$0xFFFFFE10] =	vst v7;
	v7 =	vmul.f32 $2.000000030e-01, v24;
	v20 =	vadd.f32 v22, v20;
	v13 =	vmul.f32 v26, v13;
	v22 =	vpop (erf);
	v29 =	vld [tilespmem:s20+$0xB0]  }
0x2db: {  	vm0 =	vge.f32 v24, $0.0e+00;
	v30 =	vld [tilespmem:s19+$0xFFFFFE20];
	v31 =	vmul.f32 $2.000000030e-01, v21;
	[tilespmem:s22+$0x10] =	vst v17;
	v33 =	vmul.f32 v22, v11  }
0x2dc: {  	vm1 =	vge.f32 v21, $0.0e+00;
	vm2 =	vge.f32 v20, $0.0e+00;
	v17 =	vmul.f32 $2.000000030e-01, v20;
	v32 =	vld [tilespmem:s19+$0x20];
	[tilespmem:s22+$0x90] =	vst v13  }
0x2dd: {  	v7 =	vsel vm0, v24, v7;
	v21 =	vsel vm1, v21, v31;
	[tilespmem:s22+$0x110] =	vst v33;
	v11 =	vpop (erf);
	v24 =	vadd.f32 v28, v6;
	v6 =	vld [tilespmem:s20+$0x130];
	s20 =	smov.u32 s19  }
0x2de: {  	v7 =	vmul.f32 $1.442695020e+00, v7;
	v13 =	vld [tilespmem:s22+$0xFFFFFE70];
	v17 =	vsel vm2, v20, v17;
	[tilespmem:s22+$0xD0] =	vst v26;
	v20 =	vmul.f32 v11, v25  }
0x2df: {  	v21 =	vmul.f32 $1.442695020e+00, v21;
	v17 =	vmul.f32 $1.442695020e+00, v17;
	v25 =	vld [tilespmem:s19+$0xA0];
	[tilespmem:s22+$0x1E0] =	vst v11;
	v26 =	vadd.f32 v29, v5  }
0x2e0: {  	v28 =	vmul.f32 $2.000000030e-01, v24;
	v5 =	vadd.f32 v30, v8;
	[tilespmem:s22+$0x1A0] =	vst v20;
	v8 =	vld [tilespmem:s22+$0x1F0];
	(erf) = vpow2.f32 v7  }
0x2e1: {  	v7 =	vadd.f32 v32, v27;
	[tilespmem:s22+$0x150] =	vst v22;
	v11 =	vld [tilespmem:s19+$0x1B0];
	(erf) = vpow2.f32 v21;
	v21 =	vmul.f32 $2.000000030e-01, v26  }
0x2e2: {  	vm0 =	vge.f32 v5, $0.0e+00;
	v20 =	vmul.f32 $2.000000030e-01, v5;
	v22 =	vld [tilespmem:s19+$0x120];
	(erf) = vpow2.f32 v17  }
0x2e3: {  	v30 =	vadd.f32 v6, v4;
	v27 =	vld [tilespmem:s22+$0xFFFFFEF0];
	vm1 =	vge.f32 v7, $0.0e+00;
	v29 =	vmul.f32 $2.000000030e-01, v7  }
0x2e4: {  	v4 =	vsel vm0, v5, v20;
	v20 =	vld [tilespmem:s22+$0xFFFFFF70];
	v23 =	vadd.f32 v25, v23;
	vm0 =	vge.f32 v24, $0.0e+00  }
0x2e5: {  	v25 =	vmul.f32 $2.000000030e-01, v30;
	v4 =	vmul.f32 $1.442695020e+00, v4;
	v17 =	vld [tilespmem:s22+$0xFFFFFFF0];
	v5 =	vsel vm1, v7, v29  }
0x2e6: {  	v6 =	vld [tilespmem:s22+$0x70];
	vm1 =	vge.f32 v23, $0.0e+00;
	v7 =	vmul.f32 $2.000000030e-01, v23;
	v11 =	vadd.f32 v11, v8  }
0x2e7: {  	v29 =	vmul.f32 $1.442695020e+00, v5;
	v5 =	vld [tilespmem:s22+$0xF0];
	v19 =	vadd.f32 v22, v19;
	(erf) = vpow2.f32 v4  }
0x2e8: {  	v22 =	vsel vm1, v23, v7;
	v4 =	vld [tilespmem:s22+$0x170];
	v33 =	vmul.f32 $2.000000030e-01, v11;
	vm1 =	vge.f32 v26, $0.0e+00  }
0x2e9: {  	vm3 =	vge.f32 v11, $0.0e+00;
	v7 =	vld [tilespmem:s22+$0xFFFFFE30];
	vm2 =	vge.f32 v19, $0.0e+00;
	v31 =	vmul.f32 $2.000000030e-01, v19;
	v32 =	vpop (erf)  }
0x2ea: {  	v22 =	vmul.f32 $1.442695020e+00, v22;
	[tilespmem:s22+$0xFFFFFEE0] =	vst v32;
	v8 =	vld [tilespmem:s22+$0xFFFFFEB0];
	v11 =	vsel vm3, v11, v33;
	v23 =	vpop (erf);
	(erf) = vpow2.f32 v29  }
0x2eb: {  	v29 =	vmul.f32 v32, v9;
	[tilespmem:s22+$0xFFFFFF60] =	vst v23;
	v9 =	vld [tilespmem:s22+$0xFFFFFF30];
	v19 =	vsel vm2, v19, v31;
	v31 =	vmul.f32 $1.442695020e+00, v11;
	v32 =	vpop (erf)  }
0x2ec: {  	vm2 =	vge.f32 v30, $0.0e+00;
	[tilespmem:s22+$0xFFFFFFE0] =	vst v32;
	v11 =	vld [tilespmem:s22+$0xFFFFFFB0];
	v19 =	vmul.f32 $1.442695020e+00, v19;
	(erf) = vpow2.f32 v22  }
0x2ed: {  	v22 =	vmul.f32 v23, v14;
	v23 =	vsel vm0, v24, v28;
	[tilespmem:s22+$0xFFFFFEA0] =	vst v29;
	v14 =	vld [tilespmem:s22+$0x30];
	(erf) = vpow2.f32 v31  }
0x2ee: {  	v29 =	vmul.f32 v32, v15;
	v28 =	vld [tilespmem:s19+$0xFFFFFEB0];
	(erf) = vpow2.f32 v19;
	v19 =	vsel vm1, v26, v21  }
0x2ef: {  	v21 =	vmul.f32 $1.442695020e+00, v23;
	[tilespmem:s22+$0xFFFFFF20] =	vst v22;
	v15 =	vld [tilespmem:s22+$0xB0];
	v19 =	vmul.f32 $1.442695020e+00, v19;
	v22 =	vsel vm2, v30, v25  }
.Ltmp2:
0x2f0: {  	v24 =	vld [tilespmem:s19+$0xFFFFFF30];
	[tilespmem:s22+$0xFFFFFFA0] =	vst v29;
	v23 =	vpop (erf);
	v26 =	vmul.f32 $1.442695020e+00, v22;
	(pc) =	sbr.rel @p0 .LBB2_7-.Ltmp2, $4  }
0x2f1: {  	[tilespmem:s22+$0xFFFFFE60] =	vst v23;
	v16 =	vmul.f32 v23, v16;
	v25 =	vld [tilespmem:s19+$0xFFFFFFB0];
	(erf) = vpow2.f32 v21  }
0x2f2: {  	v22 =	vld [tilespmem:s22+$0x1B0];
	(erf) = vpow2.f32 v19  }
0x2f3: {  	[tilespmem:s22+$0xFFFFFE20] =	vst v16;
	v19 =	vadd.f32 v28, v27;
	v16 =	vld [tilespmem:s22+$0x130];
	v21 =	vpop (erf);
	(erf) = vpow2.f32 v26  }
0x2f4: {  	s22 =	sadd.s32 $0x400, s22;
	v23 =	vld [tilespmem:s19+$0xFFFFFE30];
	[tilespmem:s18+$0x60] =	vst v21;
	v18 =	vmul.f32 v21, v18  }
0x2f5: {  	v21 =	vpop (erf);
	v20 =	vadd.f32 v24, v20  }
0x2f6: {  	vm0 =	vge.f32 v19, $0.0e+00;
	v26 =	vmul.f32 $2.000000030e-01, v19;
	v48 =	vpop (erf)  }
0x2f7: {  	[tilespmem:s18+$0x20] =	vst v18;
	v12 =	vmul.f32 v21, v12;
	v17 =	vadd.f32 v25, v17;
	v49 =	vpop (erf);
	v50 =	vmul.f32 $2.000000030e-01, v20  }
0x2f8: {  	[tilespmem:s18+$0xE0] =	vst v21;
	v22 =	vmul.f32 v48, v22;
	v19 =	vsel vm0, v19, v26;
	v10 =	vmul.f32 v49, v10  }
0x2f9: {  	vm1 =	vge.f32 v20, $0.0e+00;
	v53 =	vld [tilespmem:s20+$0x30];
	[tilespmem:s18+$0xA0] =	vst v12;
	v52 =	vmul.f32 $2.000000030e-01, v17;
	v19 =	vmul.f32 $1.442695020e+00, v19  }
0x2fa: {  	vm2 =	vge.f32 v17, $0.0e+00;
	[tilespmem:s18+$0x160] =	vst v49;
	v51 =	vadd.f32 v23, v13;
	v20 =	vsel vm1, v20, v50;
	v55 =	vld [tilespmem:s20+$0xB0]  }
0x2fb: {  	[tilespmem:s18+$0x120] =	vst v10;
	v20 =	vmul.f32 $1.442695020e+00, v20;
	v13 =	vsel vm2, v17, v52;
	(erf) = vpow2.f32 v19  }
0x2fc: {  	v57 =	vpop (erf);
	v54 =	vmul.f32 $2.000000030e-01, v51;
	v56 =	vld [tilespmem:s20+$0x130];
	v13 =	vmul.f32 $1.442695020e+00, v13  }
0x2fd: {  	vm12 =	vge.f32 v51, $0.0e+00;
	v58 =	vpop (erf);
	v1 =	vmul.f32 v57, v1;
	(erf) = vpow2.f32 v20  }
0x2fe: {  	v6 =	vadd.f32 v53, v6;
	v60 =	vpop (erf);
	v3 =	vmul.f32 v58, v3;
	v12 =	vsel vm12, v51, v54  }
0x2ff: {  	(erf) = vpow2.f32 v13;
	[tilespmem:s0+$0x30] =	vst v1;
	v1 =	vmul.f32 v60, v2;
	v5 =	vadd.f32 v55, v5  }
0x300: {  	[tilespmem:s18+$0x1F0] =	vst v48;
	v12 =	vmul.f32 $1.442695020e+00, v12;
	v59 =	vmul.f32 $2.000000030e-01, v6  }
0x301: {  	[tilespmem:s18+$0x1B0] =	vst v22;
	vm13 =	vge.f32 v6, $0.0e+00;
	v4 =	vadd.f32 v56, v4;
	v61 =	vmul.f32 $2.000000030e-01, v5  }
0x302: {  	[tilespmem:s0+$0x70] =	vst v57;
	(erf) = vpow2.f32 v12;
	vm14 =	vge.f32 v5, $0.0e+00;
	v6 =	vsel vm13, v6, v59  }
0x303: {  	[tilespmem:s0+$0xF0] =	vst v58;
	v6 =	vmul.f32 $1.442695020e+00, v6;
	v17 =	vmul.f32 $2.000000030e-01, v4;
	v5 =	vsel vm14, v5, v61  }
0x304: {  	[tilespmem:s0+$0x170] =	vst v60;
	vm15 =	vge.f32 v4, $0.0e+00;
	v2 =	vmul.f32 $1.442695020e+00, v5  }
0x305: {  	[tilespmem:s0+$0xB0] =	vst v3;
	(erf) = vpow2.f32 v6;
	v4 =	vsel vm15, v4, v17  }
0x306: {  	[tilespmem:s0+$0x130] =	vst v1;
	v3 =	vpop (erf);
	v4 =	vmul.f32 $1.442695020e+00, v4;
	(erf) = vpow2.f32 v2  }
0x307: {  	[tilespmem:s18+$0xFFFFFEF0] =	vst v3;
	v3 =	vmul.f32 v3, v8;
	v1 =	vpop (erf)  }
0x308: {  	[tilespmem:s18+$0xFFFFFF70] =	vst v1;
	(erf) = vpow2.f32 v4  }
0x309: {  	v1 =	vmul.f32 v1, v9;
	[tilespmem:s18+$0xFFFFFEB0] =	vst v3;
	v2 =	vpop (erf)  }
0x30a: {  	[tilespmem:s18+$0xFFFFFFF0] =	vst v2  }
0x30b: {  	v2 =	vmul.f32 v2, v11;
	[tilespmem:s18+$0xFFFFFF30] =	vst v1;
	v62 =	vpop (erf)  }
0x30c: {  	v63 =	vmul.f32 v62, v7;
	[tilespmem:s18+$0xFFFFFE70] =	vst v62  }
0x30d: {  	[tilespmem:s18+$0xFFFFFFB0] =	vst v2  }
0x30e: {  	[tilespmem:s18+$0xFFFFFE30] =	vst v63;
	v1 =	vpop (erf)  }
0x30f: {  	[tilespmem:s18+$0x70] =	vst v1;
	v1 =	vmul.f32 v1, v14;
	v2 =	vpop (erf)  }
0x310: {  	[tilespmem:s18+$0xF0] =	vst v2  }
0x311: {  	v2 =	vmul.f32 v2, v15;
	[tilespmem:s18+$0x30] =	vst v1;
	v3 =	vpop (erf)  }
0x312: {  	s30 =	sadd.s32 $0x1, s30;
	[tilespmem:s18+$0x170] =	vst v3;
	v1 =	vmul.f32 v3, v16  }
0x313: {  	p0 =	sne.s32 s30, $0x2A;
	[tilespmem:s18+$0xB0] =	vst v2  }
.Ltmp3:
0x314: {  	[tilespmem:s18+$0x130] =	vst v1;
	(pc) =	sbr.rel @p0 .LBB2_4-.Ltmp3, $4  }
0x315: {  	[spmem:s1] =	stream.indirect.scatter.add.f32 [tilespmem:s9], [sflag:$0x3], $0x80, s8, s6, $0xb8;
	[tilespmem:$0x1C200] =	vst v63  }
0x316: {  	_ =	swait.ge [sflag:s4], $0x2000  }
0x317: {  	[sflag:s4] =	ssyncset.done $0x0  }
0x318: {  	[sflag:s4] =	ssyncadd.s32 $0xFFFFE000  }
0x319: {  	[bflag:$0x0] =	sbarrier.arrive $0xFFFF  }
0x31a: {  	[tilespmem:s3], [sflag:$0x3] =	stream.linear.gather [spmem:s24], $0x2000, $0x38;
	[tilespmem:$0x1C200] =	vst v63  }
0x31b: {  	_ =	swait.ge [sflag:s4], $0x2000  }
0x31c: {  	[sflag:s4] =	ssyncset.done $0x0  }
0x31d: {  	s0 =	rddreg [dreg:$0x3];
	[sflag:s4] =	ssyncadd.s32 $0xFFFFE000  }
0x31e: {  	[hbm4b:s0+s2] =	stream.linear.scatter [tilespmem:s3], [sflag:$0x3], $0x2000, $0x38;
	[tilespmem:$0x1C200] =	vst v63  }
0x31f: {  	_ =	swait.ge [sflag:s4], $0x2000  }
0x320: {  	[sflag:s4] =	ssyncset.done $0x0  }
0x321: {  	[sflag:s4] =	ssyncadd.s32 $0xFFFFE000  }
0x322: {  	[tilespmem:s3], [sflag:$0x3] =	stream.linear.gather [spmem:s25], $0x2000, $0x38;
	[tilespmem:$0x1C200] =	vst v63  }
0x323: {  	_ =	swait.ge [sflag:s4], $0x2000  }
0x324: {  	[sflag:s4] =	ssyncset.done $0x0  }
0x325: {  	s21 =	smov.u32 s25;
	s25 =	rddreg [dreg:$0x4];
	[sflag:s4] =	ssyncadd.s32 $0xFFFFE000  }
0x326: {  	[hbm4b:s25+s2] =	stream.linear.scatter [tilespmem:s3], [sflag:$0x3], $0x2000, $0x38;
	[tilespmem:$0x1C200] =	vst v63  }
0x327: {  	_ =	swait.ge [sflag:s4], $0x2000  }
0x328: {  	[sflag:s4] =	ssyncset.done $0x0  }
0x329: {  	[sflag:s4] =	ssyncadd.s32 $0xFFFFE000  }
0x32a: {  	[tilespmem:s3], [sflag:$0x3] =	stream.linear.gather [spmem:s26], $0x2000, $0x38;
	[tilespmem:$0x1C200] =	vst v63  }
0x32b: {  	_ =	swait.ge [sflag:s4], $0x2000  }
0x32c: {  	[sflag:s4] =	ssyncset.done $0x0  }
0x32d: {  	s22 =	smov.u32 s26;
	s26 =	rddreg [dreg:$0x5];
	[sflag:s4] =	ssyncadd.s32 $0xFFFFE000  }
0x32e: {  	[hbm4b:s26+s2] =	stream.linear.scatter [tilespmem:s3], [sflag:$0x3], $0x2000, $0x38;
	[tilespmem:$0x1C200] =	vst v63  }
0x32f: {  	_ =	swait.ge [sflag:s4], $0x2000  }
0x330: {  	[sflag:s4] =	ssyncset.done $0x0  }
0x331: {  	[sflag:s4] =	ssyncadd.s32 $0xFFFFE000  }
0x332: {  	[tilespmem:s3], [sflag:$0x3] =	stream.linear.gather [spmem:s28], $0x2000, $0x38;
	[tilespmem:$0x1C200] =	vst v63  }
0x333: {  	_ =	swait.ge [sflag:s4], $0x2000  }
0x334: {  	[sflag:s4] =	ssyncset.done $0x0  }
0x335: {  	s18 =	rddreg [dreg:$0x6];
	[sflag:s4] =	ssyncadd.s32 $0xFFFFE000  }
0x336: {  	[hbm4b:s18+s2] =	stream.linear.scatter [tilespmem:s3], [sflag:$0x3], $0x2000, $0x38;
	[tilespmem:$0x1C200] =	vst v63  }
0x337: {  	_ =	swait.ge [sflag:s4], $0x2000  }
0x338: {  	[sflag:s4] =	ssyncset.done $0x0  }
0x339: {  	s30 =	rddreg [dreg:$0xd];
	[sflag:s4] =	ssyncadd.s32 $0xFFFFE000  }
0x33a: {  	[tilespmem:s3], [sflag:$0x3] =	stream.linear.gather [spmem:s30], $0x2000, $0x38;
	[tilespmem:$0x1C200] =	vst v63  }
0x33b: {  	_ =	swait.ge [sflag:s4], $0x2000  }
0x33c: {  	[sflag:s4] =	ssyncset.done $0x0  }
0x33d: {  	s19 =	rddreg [dreg:$0x7];
	[sflag:s4] =	ssyncadd.s32 $0xFFFFE000  }
0x33e: {  	[hbm4b:s19+s2] =	stream.linear.scatter [tilespmem:s3], [sflag:$0x3], $0x2000, $0x38;
	[tilespmem:$0x1C200] =	vst v63  }
0x33f: {  	_ =	swait.ge [sflag:s4], $0x2000  }
0x340: {  	[sflag:s4] =	ssyncset.done $0x0  }
0x341: {  	s20 =	smov.u32 s24;
	s24 =	rddreg [dreg:$0xe];
	[sflag:s4] =	ssyncadd.s32 $0xFFFFE000  }
0x342: {  	[tilespmem:s3], [sflag:$0x3] =	stream.linear.gather [spmem:s24], $0x2000, $0x38;
	[tilespmem:$0x1C200] =	vst v63  }
0x343: {  	_ =	swait.ge [sflag:s4], $0x2000  }
0x344: {  	[sflag:s4] =	ssyncset.done $0x0  }
0x345: {  	s25 =	rddreg [dreg:$0x8];
	[sflag:s4] =	ssyncadd.s32 $0xFFFFE000  }
0x346: {  	[hbm4b:s25+s2] =	stream.linear.scatter [tilespmem:s3], [sflag:$0x3], $0x2000, $0x38;
	[tilespmem:$0x1C200] =	vst v63  }
0x347: {  	_ =	swait.ge [sflag:s4], $0x2000  }
0x348: {  	[sflag:s4] =	ssyncset.done $0x0  }
0x349: {  	s26 =	rddreg [dreg:$0xf];
	[sflag:s4] =	ssyncadd.s32 $0xFFFFE000  }
0x34a: {  	[tilespmem:s3], [sflag:$0x3] =	stream.linear.gather [spmem:s26], $0x2000, $0x38;
	[tilespmem:$0x1C200] =	vst v63  }
0x34b: {  	_ =	swait.ge [sflag:s4], $0x2000  }
0x34c: {  	[sflag:s4] =	ssyncset.done $0x0  }
0x34d: {  	s23 =	smov.u32 s28;
	s28 =	rddreg [dreg:$0x9];
	[sflag:s4] =	ssyncadd.s32 $0xFFFFE000  }
0x34e: {  	[hbm4b:s28+s2] =	stream.linear.scatter [tilespmem:s3], [sflag:$0x3], $0x2000, $0x38;
	[tilespmem:$0x1C200] =	vst v63  }
0x34f: {  	_ =	swait.ge [sflag:s4], $0x2000  }
0x350: {  	[sflag:s4] =	ssyncset.done $0x0  }
0x351: {  	s18 =	rddreg [dreg:$0x10];
	[sflag:s4] =	ssyncadd.s32 $0xFFFFE000  }
0x352: {  	[tilespmem:s3], [sflag:$0x3] =	stream.linear.gather [spmem:s18], $0x2000, $0x38;
	[tilespmem:$0x1C200] =	vst v63  }
0x353: {  	_ =	swait.ge [sflag:s4], $0x2000  }
0x354: {  	[sflag:s4] =	ssyncset.done $0x0  }
0x355: {  	s19 =	rddreg [dreg:$0xa];
	[sflag:s4] =	ssyncadd.s32 $0xFFFFE000  }
0x356: {  	[hbm4b:s19+s2] =	stream.linear.scatter [tilespmem:s3], [sflag:$0x3], $0x2000, $0x38;
	[tilespmem:$0x1C200] =	vst v63  }
0x357: {  	_ =	swait.ge [sflag:s4], $0x2000  }
0x358: {  	[sflag:s4] =	ssyncset.done $0x0  }
0x359: {  	s19 =	rddreg [dreg:$0x11];
	[sflag:s4] =	ssyncadd.s32 $0xFFFFE000  }
0x35a: {  	[tilespmem:s3], [sflag:$0x3] =	stream.linear.gather [spmem:s19], $0x2000, $0x38;
	[tilespmem:$0x1C200] =	vst v63  }
0x35b: {  	_ =	swait.ge [sflag:s4], $0x2000  }
0x35c: {  	[sflag:s4] =	ssyncset.done $0x0  }
0x35d: {  	s24 =	rddreg [dreg:$0xb];
	[sflag:s4] =	ssyncadd.s32 $0xFFFFE000  }
0x35e: {  	[hbm4b:s24+s2] =	stream.linear.scatter [tilespmem:s3], [sflag:$0x3], $0x2000, $0x38;
	[tilespmem:$0x1C200] =	vst v63  }
0x35f: {  	_ =	swait.ge [sflag:s4], $0x2000  }
0x360: {  	[sflag:s4] =	ssyncset.done $0x0  }
0x361: {  	s25 =	rddreg [dreg:$0x12];
	[sflag:s4] =	ssyncadd.s32 $0xFFFFE000  }
0x362: {  	[tilespmem:s3], [sflag:$0x3] =	stream.linear.gather [spmem:s25], $0x2000, $0x38;
	[tilespmem:$0x1C200] =	vst v63  }
0x363: {  	_ =	swait.ge [sflag:s4], $0x2000  }
0x364: {  	[sflag:s4] =	ssyncset.done $0x0  }
0x365: {  	s26 =	rddreg [dreg:$0xc];
	[sflag:s4] =	ssyncadd.s32 $0xFFFFE000  }
0x366: {  	[hbm4b:s26+s2] =	stream.linear.scatter [tilespmem:s3], [sflag:$0x3], $0x2000, $0x38;
	[tilespmem:$0x1C200] =	vst v63  }
0x367: {  	_ =	swait.ge [sflag:s4], $0x2000  }
0x368: {  	s29 =	sadd.s32 $0x1, s29;
	s28 =	rddreg [dreg:$0x15]  }
0x369: {  	p0 =	sne.s32 s29, s28  }
.Ltmp4:
0x36a: {  	_ = 	snop;
	(pc) =	sbr.rel @p0 .LBB2_1-.Ltmp4, $3  }
0x36b: {  	_ =	sdelay $0x1  }
0x36c: {  	[sflag:s4] =	ssyncset.done $0x0  }
0x36d: {  	[sflag:s4] =	ssyncadd.s32 $0xFFFFE000  }
0x36e: {  	_ =	sfence.sel $0x180000  }
0x36f: {  	[bflag:$0x0] =	sbarrier.arrive $0xFFFF  }
0x370: {  	_ =	strace $0x90000047  }
0x371: {  	s0 =	stileid.u32;
	[bflag:$0x2] =	sbarrier.arrive $0xFFFF  }
0x372: {  	p0 =	sne.s32 s0, $0x0;
	s0 =	rddreg [dreg:$0x2]  }
0x373: {  	s0 =	sadd.s32 @!p0 $0x100000, s0  }
0x374: {  	[sflag:s0] =	ssyncadd.tile.s32 @!p0 $0x1;
	_ =	shalt  }
.Lfunc_end2:
_tile_overlayer_lowered:
.L_overlay_start_2:
0x375: {  	(tag) =	ssettag $0x2  }
0x376: {  	s0 =	rddreg [dreg:$0x0];
	s2 =	stileid.u32  }
0x377: {  	s1 =	rddreg [dreg:$0x1];
	p0 =	sne.s32 s2, $0x0  }
0x378: {  	s3 =	rddreg [dreg:$0x2];
	[bflag:$0x3] =	sbarrier.arrive $0xFFFF;
	s2 =	simm.s32 @!p0 $0x1C03  }
0x379: {  	[timem:s3], [sflag:s2] =	dma.local @!p0 [hbm:s0], s1  }
0x37a: {  	s0 =	simm.s32 @!p0 $0x3  }
0x37b: {  	_ =	swait.ge @!p0 [sflag:s0], s1  }
0x37c: {  	s1 =	ssub.s32 @!p0 $0x0, s1;
	[sflag:s0] =	ssyncset.done @!p0 $0x0  }
0x37d: {  	[sflag:s0] =	ssyncadd.s32 @!p0 s1  }
0x37e: {  	[bflag:$0x3] =	sbarrier.arrive $0xFFFF  }
0x37f: {  	_ =	shalt  }

</sc_bundles>
